<compile_context>
chip_gen: v7x
topology: tpu7x:2x2x1
jax: 0.10.2.dev20260603
libtpu: 0.0.44.dev20260713+nightly
codegen_flags: <defaults>
</compile_context>

<pallas_src>
import functools
import math

import jax
import jax.numpy as jnp
from jax import lax
from jax.experimental import pallas as pl
from jax.experimental.pallas import tpu as pltpu
from jax.experimental.pallas import tpu_sc as plsc

HID = 128
LANES = 16
VPR = HID // LANES

_info = plsc.get_sparse_core_info()
NC, NS = _info.num_cores, _info.num_subcores
NW = NC * NS

SCALE = math.sqrt(float(HID))
NBUF = 8


def _make_kernel(b: int, s: int):
    assert s % NW == 0 and b % 2 == 0
    spw = s // NW
    ch = min(64, spw)
    cpb = spw // ch
    n_pair = (b // 2) * cpb

    mesh = plsc.VectorSubcoreMesh(core_axis_name="c", subcore_axis_name="s")

    @functools.partial(
        pl.kernel,
        out_type=jax.ShapeDtypeStruct((b, s, HID), jnp.float32),
        mesh=mesh,
        scratch_types=[
            pltpu.VMEM((b, spw), jnp.int32),
            pltpu.VMEM((spw, HID), jnp.float32),
            [pltpu.VMEM((ch, HID), jnp.float32)] * NBUF,
            [pltpu.SemaphoreType.DMA] * NBUF,
            [pltpu.SemaphoreType.DMA] * NBUF,
            pltpu.SemaphoreType.DMA,
            pltpu.SemaphoreType.DMA,
        ],
    )
    def body(tok_hbm, idx_hbm, pos_hbm, out_hbm, idx_v, pos_v, bufs,
             gsems, osems, isem, psem):
        wid = lax.axis_index("s") * NC + lax.axis_index("c")
        s_base = wid * spw

        icp = pltpu.async_copy(idx_hbm.at[:, pl.ds(s_base, spw)], idx_v, isem)
        pcp = pltpu.async_copy(pos_hbm.at[pl.ds(s_base, spw)], pos_v, psem)

        scale = jnp.full((LANES,), SCALE, dtype=jnp.float32)

        def slots(k):
            return (2 * k) % NBUF, (2 * k + 1) % NBUF

        def start_gathers(k):
            bp, h = k // cpb, k % cpb
            sl2 = slots(k)
            return [
                pltpu.async_copy(
                    tok_hbm.at[idx_v.at[2 * bp + i, pl.ds(h * ch, ch)]],
                    bufs[sl2[i]], gsems[sl2[i]])
                for i in range(2)
            ]

        depth = min(NBUF // 2 - 1, n_pair)
        icp.wait()
        copies = {k: start_gathers(k) for k in range(depth)}
        out_copies = {}
        pcp.wait()
        for k in range(n_pair):
            if k + depth < n_pair:
                prev = k + depth - NBUF // 2
                if prev >= 0:
                    for c in out_copies[prev]:
                        c.wait()
                copies[k + depth] = start_gathers(k + depth)
            for c in copies[k]:
                c.wait()
            sa, sb = slots(k)
            buf_a, buf_b = bufs[sa], bufs[sb]
            bp, h = k // cpb, k % cpb
            pbase = h * ch

            @plsc.parallel_loop(0, ch, unroll=1)
            def row(r):
                for j in range(VPR):
                    sl = pl.ds(j * LANES, LANES)
                    pv = pos_v[pbase + r, sl]
                    buf_a[r, sl] = buf_a[r, sl] * scale + pv
                    buf_b[r, sl] = buf_b[r, sl] * scale + pv

            out_copies[k] = [
                pltpu.async_copy(
                    bufs[(sa, sb)[i]],
                    out_hbm.at[2 * bp + i, pl.ds(s_base + h * ch, ch)],
                    osems[(sa, sb)[i]])
                for i in range(2)
            ]
        for k in range(max(0, n_pair - NBUF // 2), n_pair):
            for c in out_copies[k]:
                c.wait()

    return body


@jax.jit
def kernel(x, token_table, pos_table):
    b, s = x.shape
    out = _make_kernel(b, s)(token_table, x.astype(jnp.int32), pos_table)
    return out

# --- scband reference (transcript-rebuilt; emitter-appended) ---
"""Pipeline reference for scband-transformer-embedding-87299505258929 (READ-ONLY COPY).

The authoritative reference and input builder live on the scoring server;
editing this copy changes nothing except your own understanding.
"""

import jax, jax.numpy as jnp
import numpy as np

VOCAB = 1000000
HID = 128
MAXLEN = 8192
B = 4
S = 8192

def setup_inputs(seed: int = 0) -> dict:
    key = jax.random.key(seed)
    k1, k2, k3 = jax.random.split(key, 3)
    x = jax.random.randint(k1, (B, S), 0, VOCAB, dtype=jnp.int64) if jax.config.jax_enable_x64 else jax.random.randint(k1, (B, S), 0, VOCAB, dtype=jnp.int32)
    token_table = jax.random.normal(k2, (VOCAB, HID), dtype=jnp.float32) * 0.02
    pos_table = jax.random.normal(k3, (MAXLEN, HID), dtype=jnp.float32) * 0.02
    return {"x": x, "token_table": token_table, "pos_table": pos_table}

def reference(x, token_table, pos_table):
    # TransformerEmbedding.forward (dropout in eval mode = identity)
    batch_size, seq_len = x.shape
    scale = jnp.sqrt(jnp.array([HID], dtype=jnp.float32))
    pos = jnp.arange(0, seq_len)  # [S]
    token_emb = jnp.take(token_table, x, axis=0) * scale  # [B, S, H]
    pos_emb = jnp.take(pos_table, pos, axis=0)[None, :, :]  # [1, S, H] broadcast over batch
    transformer_emb = token_emb + pos_emb
    return transformer_emb

if __name__ == "__main__":
    import jax
    _d = setup_inputs()
    print(jax.jit(kernel)(*tuple(_d.values())))

</pallas_src>

<mosaic_0001>
#map = affine_map<(d0, d1) -> (0, 0)>
#map1 = affine_map<(d0, d1) -> (0, 0, 0)>
module attributes {stable_mosaic.version = 14 : i64} {
  func.func @body(%arg0: i32, %arg1: i32, %arg2: memref<1000000x128xf32, #tpu.memory_space<hbm>>, %arg3: memref<4x8192xi32, #tpu.memory_space<hbm>>, %arg4: memref<8192x128xf32, #tpu.memory_space<hbm>>, %arg5: memref<4x8192x128xf32, #tpu.memory_space<hbm>>, %arg6: memref<4x256xi32, #tpu.memory_space<vmem>>, %arg7: memref<256x128xf32, #tpu.memory_space<vmem>>, %arg8: memref<64x128xf32, #tpu.memory_space<vmem>>, %arg9: memref<64x128xf32, #tpu.memory_space<vmem>>, %arg10: memref<64x128xf32, #tpu.memory_space<vmem>>, %arg11: memref<64x128xf32, #tpu.memory_space<vmem>>, %arg12: memref<64x128xf32, #tpu.memory_space<vmem>>, %arg13: memref<64x128xf32, #tpu.memory_space<vmem>>, %arg14: memref<64x128xf32, #tpu.memory_space<vmem>>, %arg15: memref<64x128xf32, #tpu.memory_space<vmem>>, %arg16: memref<!tpu.dma_semaphore, #tpu.memory_space<semaphore_mem>>, %arg17: memref<!tpu.dma_semaphore, #tpu.memory_space<semaphore_mem>>, %arg18: memref<!tpu.dma_semaphore, #tpu.memory_space<semaphore_mem>>, %arg19: memref<!tpu.dma_semaphore, #tpu.memory_space<semaphore_mem>>, %arg20: memref<!tpu.dma_semaphore, #tpu.memory_space<semaphore_mem>>, %arg21: memref<!tpu.dma_semaphore, #tpu.memory_space<semaphore_mem>>, %arg22: memref<!tpu.dma_semaphore, #tpu.memory_space<semaphore_mem>>, %arg23: memref<!tpu.dma_semaphore, #tpu.memory_space<semaphore_mem>>, %arg24: memref<!tpu.dma_semaphore, #tpu.memory_space<semaphore_mem>>, %arg25: memref<!tpu.dma_semaphore, #tpu.memory_space<semaphore_mem>>, %arg26: memref<!tpu.dma_semaphore, #tpu.memory_space<semaphore_mem>>, %arg27: memref<!tpu.dma_semaphore, #tpu.memory_space<semaphore_mem>>, %arg28: memref<!tpu.dma_semaphore, #tpu.memory_space<semaphore_mem>>, %arg29: memref<!tpu.dma_semaphore, #tpu.memory_space<semaphore_mem>>, %arg30: memref<!tpu.dma_semaphore, #tpu.memory_space<semaphore_mem>>, %arg31: memref<!tpu.dma_semaphore, #tpu.memory_space<semaphore_mem>>, %arg32: memref<!tpu.dma_semaphore, #tpu.memory_space<semaphore_mem>>, %arg33: memref<!tpu.dma_semaphore, #tpu.memory_space<semaphore_mem>>) attributes {dimension_semantics = [#tpu.dimension_semantics<core_parallel>, #tpu.dimension_semantics<subcore_parallel>], iteration_bounds = array<i64: 2, 16>, scalar_prefetch = 0 : i64, scratch_operands = 28 : i64, tpu.core_type = #tpu.core_type<sc_vector_subcore>, window_params = [{transform_indices = #map}, {transform_indices = #map}, {transform_indices = #map}, {transform_indices = #map1}]} {
    %mul3A = arith.constant 2 : i32
    %mul3A_0 = arith.muli %arg1, %mul3A : i32
    %add3A = arith.addi %mul3A_0, %arg0 : i32
    %mul3A_1 = arith.constant 256 : i32
    %mul3A_2 = arith.muli %add3A, %mul3A_1 : i32
    %dma_start3A = arith.constant 0 : i32
    %dma_start3A_3 = tpu.memref_slice %arg3[%dma_start3A, %mul3A_2] : memref<4x8192xi32, #tpu.memory_space<hbm>> -> memref<4x256xi32, #tpu.memory_space<hbm>>
    %dma_start3A_4 = arith.constant 0 : i32
    %dma_start3A_5 = tpu.memref_slice %arg3[%dma_start3A_4, %mul3A_2] : memref<4x8192xi32, #tpu.memory_space<hbm>> -> memref<4x256xi32, #tpu.memory_space<hbm>>
    tpu.enqueue_dma source(%dma_start3A_5 : memref<4x256xi32, #tpu.memory_space<hbm>>) target(%arg6 : memref<4x256xi32, #tpu.memory_space<vmem>>) target_semaphore(%arg32 : memref<!tpu.dma_semaphore, #tpu.memory_space<semaphore_mem>>)
    %dma_start3A_6 = arith.constant 0 : i32
    %dma_start3A_7 = tpu.memref_slice %arg4[%mul3A_2, %dma_start3A_6] : memref<8192x128xf32, #tpu.memory_space<hbm>> -> memref<256x128xf32, #tpu.memory_space<hbm>>
    %dma_start3A_8 = arith.constant 0 : i32
    %dma_start3A_9 = tpu.memref_slice %arg4[%mul3A_2, %dma_start3A_8] : memref<8192x128xf32, #tpu.memory_space<hbm>> -> memref<256x128xf32, #tpu.memory_space<hbm>>
    tpu.enqueue_dma source(%dma_start3A_9 : memref<256x128xf32, #tpu.memory_space<hbm>>) target(%arg7 : memref<256x128xf32, #tpu.memory_space<vmem>>) target_semaphore(%arg33 : memref<!tpu.dma_semaphore, #tpu.memory_space<semaphore_mem>>)
    %broadcast_in_dim3A = arith.constant 11.3137083 : f32
    %broadcast_in_dim3A_10 = vector.broadcast %broadcast_in_dim3A : f32 to vector<16xf32>
    %dma_wait3A = arith.constant 0 : i32
    %dma_wait3A_11 = tpu.memref_slice %arg3[%dma_wait3A, %mul3A_2] : memref<4x8192xi32, #tpu.memory_space<hbm>> -> memref<4x256xi32, #tpu.memory_space<hbm>>
    %dma_wait3A_12 = arith.constant 0 : i32
    %dma_wait3A_13 = tpu.memref_slice %arg3[%dma_wait3A_12, %mul3A_2] : memref<4x8192xi32, #tpu.memory_space<hbm>> -> memref<4x256xi32, #tpu.memory_space<hbm>>
    tpu.wait_dma2 semaphore(%arg32 : memref<!tpu.dma_semaphore, #tpu.memory_space<semaphore_mem>>) src(%dma_wait3A_13 : memref<4x256xi32, #tpu.memory_space<hbm>>) dst(%arg6 : memref<4x256xi32, #tpu.memory_space<vmem>>)
    %dma_start3A_14 = arith.constant 0 : i32
    %dma_start3A_15 = arith.constant 0 : i32
    %dma_start3A_16 = tpu.memref_slice %arg6[%dma_start3A_14, %dma_start3A_15] : memref<4x256xi32, #tpu.memory_space<vmem>> -> memref<1x64xi32, #tpu.memory_space<vmem>>
    %dma_start3A_17 = tpu.memref_squeeze %dma_start3A_16 : memref<1x64xi32, #tpu.memory_space<vmem>> -> memref<64xi32, #tpu.memory_space<vmem>>
    %dma_start3A_18 = arith.constant 0 : i32
    %dma_start3A_19 = arith.constant 0 : i32
    %dma_start3A_20 = tpu.memref_slice %arg2[%dma_start3A_18, %dma_start3A_19] : memref<1000000x128xf32, #tpu.memory_space<hbm>> -> memref<1000000x128xf32, #tpu.memory_space<hbm>>
    tpu.enqueue_indirect_dma source(%dma_start3A_20 : memref<1000000x128xf32, #tpu.memory_space<hbm>>) target(%arg8 : memref<64x128xf32, #tpu.memory_space<vmem>>) offsets(%dma_start3A_17 : memref<64xi32, #tpu.memory_space<vmem>>) semaphore(%arg16 : memref<!tpu.dma_semaphore, #tpu.memory_space<semaphore_mem>>)
    %dma_start3A_21 = arith.constant 1 : i32
    %dma_start3A_22 = arith.constant 0 : i32
    %dma_start3A_23 = tpu.memref_slice %arg6[%dma_start3A_21, %dma_start3A_22] : memref<4x256xi32, #tpu.memory_space<vmem>> -> memref<1x64xi32, #tpu.memory_space<vmem>>
    %dma_start3A_24 = tpu.memref_squeeze %dma_start3A_23 : memref<1x64xi32, #tpu.memory_space<vmem>> -> memref<64xi32, #tpu.memory_space<vmem>>
    %dma_start3A_25 = arith.constant 0 : i32
    %dma_start3A_26 = arith.constant 0 : i32
    %dma_start3A_27 = tpu.memref_slice %arg2[%dma_start3A_25, %dma_start3A_26] : memref<1000000x128xf32, #tpu.memory_space<hbm>> -> memref<1000000x128xf32, #tpu.memory_space<hbm>>
    tpu.enqueue_indirect_dma source(%dma_start3A_27 : memref<1000000x128xf32, #tpu.memory_space<hbm>>) target(%arg9 : memref<64x128xf32, #tpu.memory_space<vmem>>) offsets(%dma_start3A_24 : memref<64xi32, #tpu.memory_space<vmem>>) semaphore(%arg17 : memref<!tpu.dma_semaphore, #tpu.memory_space<semaphore_mem>>)
    %dma_start3A_28 = arith.constant 0 : i32
    %dma_start3A_29 = arith.constant 64 : i32
    %dma_start3A_30 = tpu.memref_slice %arg6[%dma_start3A_28, %dma_start3A_29] : memref<4x256xi32, #tpu.memory_space<vmem>> -> memref<1x64xi32, #tpu.memory_space<vmem>>
    %dma_start3A_31 = tpu.memref_squeeze %dma_start3A_30 : memref<1x64xi32, #tpu.memory_space<vmem>> -> memref<64xi32, #tpu.memory_space<vmem>>
    %dma_start3A_32 = arith.constant 0 : i32
    %dma_start3A_33 = arith.constant 0 : i32
    %dma_start3A_34 = tpu.memref_slice %arg2[%dma_start3A_32, %dma_start3A_33] : memref<1000000x128xf32, #tpu.memory_space<hbm>> -> memref<1000000x128xf32, #tpu.memory_space<hbm>>
    tpu.enqueue_indirect_dma source(%dma_start3A_34 : memref<1000000x128xf32, #tpu.memory_space<hbm>>) target(%arg10 : memref<64x128xf32, #tpu.memory_space<vmem>>) offsets(%dma_start3A_31 : memref<64xi32, #tpu.memory_space<vmem>>) semaphore(%arg18 : memref<!tpu.dma_semaphore, #tpu.memory_space<semaphore_mem>>)
    %dma_start3A_35 = arith.constant 1 : i32
    %dma_start3A_36 = arith.constant 64 : i32
    %dma_start3A_37 = tpu.memref_slice %arg6[%dma_start3A_35, %dma_start3A_36] : memref<4x256xi32, #tpu.memory_space<vmem>> -> memref<1x64xi32, #tpu.memory_space<vmem>>
    %dma_start3A_38 = tpu.memref_squeeze %dma_start3A_37 : memref<1x64xi32, #tpu.memory_space<vmem>> -> memref<64xi32, #tpu.memory_space<vmem>>
    %dma_start3A_39 = arith.constant 0 : i32
    %dma_start3A_40 = arith.constant 0 : i32
    %dma_start3A_41 = tpu.memref_slice %arg2[%dma_start3A_39, %dma_start3A_40] : memref<1000000x128xf32, #tpu.memory_space<hbm>> -> memref<1000000x128xf32, #tpu.memory_space<hbm>>
    tpu.enqueue_indirect_dma source(%dma_start3A_41 : memref<1000000x128xf32, #tpu.memory_space<hbm>>) target(%arg11 : memref<64x128xf32, #tpu.memory_space<vmem>>) offsets(%dma_start3A_38 : memref<64xi32, #tpu.memory_space<vmem>>) semaphore(%arg19 : memref<!tpu.dma_semaphore, #tpu.memory_space<semaphore_mem>>)
    %dma_start3A_42 = arith.constant 0 : i32
    %dma_start3A_43 = arith.constant 128 : i32
    %dma_start3A_44 = tpu.memref_slice %arg6[%dma_start3A_42, %dma_start3A_43] : memref<4x256xi32, #tpu.memory_space<vmem>> -> memref<1x64xi32, #tpu.memory_space<vmem>>
    %dma_start3A_45 = tpu.memref_squeeze %dma_start3A_44 : memref<1x64xi32, #tpu.memory_space<vmem>> -> memref<64xi32, #tpu.memory_space<vmem>>
    %dma_start3A_46 = arith.constant 0 : i32
    %dma_start3A_47 = arith.constant 0 : i32
    %dma_start3A_48 = tpu.memref_slice %arg2[%dma_start3A_46, %dma_start3A_47] : memref<1000000x128xf32, #tpu.memory_space<hbm>> -> memref<1000000x128xf32, #tpu.memory_space<hbm>>
    tpu.enqueue_indirect_dma source(%dma_start3A_48 : memref<1000000x128xf32, #tpu.memory_space<hbm>>) target(%arg12 : memref<64x128xf32, #tpu.memory_space<vmem>>) offsets(%dma_start3A_45 : memref<64xi32, #tpu.memory_space<vmem>>) semaphore(%arg20 : memref<!tpu.dma_semaphore, #tpu.memory_space<semaphore_mem>>)
    %dma_start3A_49 = arith.constant 1 : i32
    %dma_start3A_50 = arith.constant 128 : i32
    %dma_start3A_51 = tpu.memref_slice %arg6[%dma_start3A_49, %dma_start3A_50] : memref<4x256xi32, #tpu.memory_space<vmem>> -> memref<1x64xi32, #tpu.memory_space<vmem>>
    %dma_start3A_52 = tpu.memref_squeeze %dma_start3A_51 : memref<1x64xi32, #tpu.memory_space<vmem>> -> memref<64xi32, #tpu.memory_space<vmem>>
    %dma_start3A_53 = arith.constant 0 : i32
    %dma_start3A_54 = arith.constant 0 : i32
    %dma_start3A_55 = tpu.memref_slice %arg2[%dma_start3A_53, %dma_start3A_54] : memref<1000000x128xf32, #tpu.memory_space<hbm>> -> memref<1000000x128xf32, #tpu.memory_space<hbm>>
    tpu.enqueue_indirect_dma source(%dma_start3A_55 : memref<1000000x128xf32, #tpu.memory_space<hbm>>) target(%arg13 : memref<64x128xf32, #tpu.memory_space<vmem>>) offsets(%dma_start3A_52 : memref<64xi32, #tpu.memory_space<vmem>>) semaphore(%arg21 : memref<!tpu.dma_semaphore, #tpu.memory_space<semaphore_mem>>)
    %dma_wait3A_56 = arith.constant 0 : i32
    %dma_wait3A_57 = tpu.memref_slice %arg4[%mul3A_2, %dma_wait3A_56] : memref<8192x128xf32, #tpu.memory_space<hbm>> -> memref<256x128xf32, #tpu.memory_space<hbm>>
    %dma_wait3A_58 = arith.constant 0 : i32
    %dma_wait3A_59 = tpu.memref_slice %arg4[%mul3A_2, %dma_wait3A_58] : memref<8192x128xf32, #tpu.memory_space<hbm>> -> memref<256x128xf32, #tpu.memory_space<hbm>>
    tpu.wait_dma2 semaphore(%arg33 : memref<!tpu.dma_semaphore, #tpu.memory_space<semaphore_mem>>) src(%dma_wait3A_59 : memref<256x128xf32, #tpu.memory_space<hbm>>) dst(%arg7 : memref<256x128xf32, #tpu.memory_space<vmem>>)
    %dma_start3A_60 = arith.constant 0 : i32
    %dma_start3A_61 = arith.constant 192 : i32
    %dma_start3A_62 = tpu.memref_slice %arg6[%dma_start3A_60, %dma_start3A_61] : memref<4x256xi32, #tpu.memory_space<vmem>> -> memref<1x64xi32, #tpu.memory_space<vmem>>
    %dma_start3A_63 = tpu.memref_squeeze %dma_start3A_62 : memref<1x64xi32, #tpu.memory_space<vmem>> -> memref<64xi32, #tpu.memory_space<vmem>>
    %dma_start3A_64 = arith.constant 0 : i32
    %dma_start3A_65 = arith.constant 0 : i32
    %dma_start3A_66 = tpu.memref_slice %arg2[%dma_start3A_64, %dma_start3A_65] : memref<1000000x128xf32, #tpu.memory_space<hbm>> -> memref<1000000x128xf32, #tpu.memory_space<hbm>>
    tpu.enqueue_indirect_dma source(%dma_start3A_66 : memref<1000000x128xf32, #tpu.memory_space<hbm>>) target(%arg14 : memref<64x128xf32, #tpu.memory_space<vmem>>) offsets(%dma_start3A_63 : memref<64xi32, #tpu.memory_space<vmem>>) semaphore(%arg22 : memref<!tpu.dma_semaphore, #tpu.memory_space<semaphore_mem>>)
    %dma_start3A_67 = arith.constant 1 : i32
    %dma_start3A_68 = arith.constant 192 : i32
    %dma_start3A_69 = tpu.memref_slice %arg6[%dma_start3A_67, %dma_start3A_68] : memref<4x256xi32, #tpu.memory_space<vmem>> -> memref<1x64xi32, #tpu.memory_space<vmem>>
    %dma_start3A_70 = tpu.memref_squeeze %dma_start3A_69 : memref<1x64xi32, #tpu.memory_space<vmem>> -> memref<64xi32, #tpu.memory_space<vmem>>
    %dma_start3A_71 = arith.constant 0 : i32
    %dma_start3A_72 = arith.constant 0 : i32
    %dma_start3A_73 = tpu.memref_slice %arg2[%dma_start3A_71, %dma_start3A_72] : memref<1000000x128xf32, #tpu.memory_space<hbm>> -> memref<1000000x128xf32, #tpu.memory_space<hbm>>
    tpu.enqueue_indirect_dma source(%dma_start3A_73 : memref<1000000x128xf32, #tpu.memory_space<hbm>>) target(%arg15 : memref<64x128xf32, #tpu.memory_space<vmem>>) offsets(%dma_start3A_70 : memref<64xi32, #tpu.memory_space<vmem>>) semaphore(%arg23 : memref<!tpu.dma_semaphore, #tpu.memory_space<semaphore_mem>>)
    %dma_wait3A_74 = arith.constant 0 : i32
    %dma_wait3A_75 = arith.constant 0 : i32
    %dma_wait3A_76 = tpu.memref_slice %arg6[%dma_wait3A_74, %dma_wait3A_75] : memref<4x256xi32, #tpu.memory_space<vmem>> -> memref<1x64xi32, #tpu.memory_space<vmem>>
    %dma_wait3A_77 = tpu.memref_squeeze %dma_wait3A_76 : memref<1x64xi32, #tpu.memory_space<vmem>> -> memref<64xi32, #tpu.memory_space<vmem>>
    %dma_wait3A_78 = arith.constant 0 : i32
    %dma_wait3A_79 = arith.constant 0 : i32
    %dma_wait3A_80 = tpu.memref_slice %arg2[%dma_wait3A_78, %dma_wait3A_79] : memref<1000000x128xf32, #tpu.memory_space<hbm>> -> memref<1000000x128xf32, #tpu.memory_space<hbm>>
    tpu.wait_indirect_dma semaphore(%arg16 : memref<!tpu.dma_semaphore, #tpu.memory_space<semaphore_mem>>) src(%dma_wait3A_80 : memref<1000000x128xf32, #tpu.memory_space<hbm>>) dst(%arg8 : memref<64x128xf32, #tpu.memory_space<vmem>>)
    %dma_wait3A_81 = arith.constant 1 : i32
    %dma_wait3A_82 = arith.constant 0 : i32
    %dma_wait3A_83 = tpu.memref_slice %arg6[%dma_wait3A_81, %dma_wait3A_82] : memref<4x256xi32, #tpu.memory_space<vmem>> -> memref<1x64xi32, #tpu.memory_space<vmem>>
    %dma_wait3A_84 = tpu.memref_squeeze %dma_wait3A_83 : memref<1x64xi32, #tpu.memory_space<vmem>> -> memref<64xi32, #tpu.memory_space<vmem>>
    %dma_wait3A_85 = arith.constant 0 : i32
    %dma_wait3A_86 = arith.constant 0 : i32
    %dma_wait3A_87 = tpu.memref_slice %arg2[%dma_wait3A_85, %dma_wait3A_86] : memref<1000000x128xf32, #tpu.memory_space<hbm>> -> memref<1000000x128xf32, #tpu.memory_space<hbm>>
    tpu.wait_indirect_dma semaphore(%arg17 : memref<!tpu.dma_semaphore, #tpu.memory_space<semaphore_mem>>) src(%dma_wait3A_87 : memref<1000000x128xf32, #tpu.memory_space<hbm>>) dst(%arg9 : memref<64x128xf32, #tpu.memory_space<vmem>>)
    %parallel_loop3A = arith.constant 0 : i32
    %parallel_loop3A_88 = arith.constant 64 : i32
    %parallel_loop3A_89 = arith.constant 1 : i32
    scf.for %parallel_loop3A_521 = %parallel_loop3A to %parallel_loop3A_88 step %parallel_loop3A_89  : i32 {
      %parallel_loop3A_522 = arith.constant 0 : i32
      %parallel_loop3A_523 = arith.addi %parallel_loop3A_522, %parallel_loop3A_521 : i32
      %parallel_loop3A_524 = arith.index_cast %parallel_loop3A_523 : i32 to index
      %parallel_loop3A_525 = arith.constant 0 : index
      %parallel_loop3A_526 = tpu.vector_load %arg7[%parallel_loop3A_524, %parallel_loop3A_525] {strides = array<i32>} : memref<256x128xf32, #tpu.memory_space<vmem>>, vector<1x16xf32>,
      %parallel_loop3A_527 = vector.shape_cast %parallel_loop3A_526 : vector<1x16xf32> to vector<16xf32>
      %parallel_loop3A_528 = arith.index_cast %parallel_loop3A_521 : i32 to index
      %parallel_loop3A_529 = arith.constant 0 : index
      %parallel_loop3A_530 = tpu.vector_load %arg8[%parallel_loop3A_528, %parallel_loop3A_529] {strides = array<i32>} : memref<64x128xf32, #tpu.memory_space<vmem>>, vector<1x16xf32>,
      %parallel_loop3A_531 = vector.shape_cast %parallel_loop3A_530 : vector<1x16xf32> to vector<16xf32>
      %parallel_loop3A_532 = arith.mulf %parallel_loop3A_531, %broadcast_in_dim3A_10 : vector<16xf32>
      %parallel_loop3A_533 = arith.addf %parallel_loop3A_532, %parallel_loop3A_527 : vector<16xf32>
      %parallel_loop3A_534 = arith.index_cast %parallel_loop3A_521 : i32 to index
      %parallel_loop3A_535 = arith.constant 0 : index
      %parallel_loop3A_536 = tpu.vector_load %arg8[%parallel_loop3A_534, %parallel_loop3A_535] {strides = array<i32>} : memref<64x128xf32, #tpu.memory_space<vmem>>, vector<1x16xf32>,
      %parallel_loop3A_537 = vector.shape_cast %parallel_loop3A_536 : vector<1x16xf32> to vector<16xf32>
      %parallel_loop3A_538 = vector.shape_cast %parallel_loop3A_533 : vector<16xf32> to vector<1x16xf32>
      tpu.vector_store %arg8[%parallel_loop3A_534, %parallel_loop3A_535], %parallel_loop3A_538 {strides = array<i32>} : memref<64x128xf32, #tpu.memory_space<vmem>>, vector<1x16xf32>,
      %parallel_loop3A_539 = arith.index_cast %parallel_loop3A_521 : i32 to index
      %parallel_loop3A_540 = arith.constant 0 : index
      %parallel_loop3A_541 = tpu.vector_load %arg9[%parallel_loop3A_539, %parallel_loop3A_540] {strides = array<i32>} : memref<64x128xf32, #tpu.memory_space<vmem>>, vector<1x16xf32>,
      %parallel_loop3A_542 = vector.shape_cast %parallel_loop3A_541 : vector<1x16xf32> to vector<16xf32>
      %parallel_loop3A_543 = arith.mulf %parallel_loop3A_542, %broadcast_in_dim3A_10 : vector<16xf32>
      %parallel_loop3A_544 = arith.addf %parallel_loop3A_543, %parallel_loop3A_527 : vector<16xf32>
      %parallel_loop3A_545 = arith.index_cast %parallel_loop3A_521 : i32 to index
      %parallel_loop3A_546 = arith.constant 0 : index
      %parallel_loop3A_547 = tpu.vector_load %arg9[%parallel_loop3A_545, %parallel_loop3A_546] {strides = array<i32>} : memref<64x128xf32, #tpu.memory_space<vmem>>, vector<1x16xf32>,
      %parallel_loop3A_548 = vector.shape_cast %parallel_loop3A_547 : vector<1x16xf32> to vector<16xf32>
      %parallel_loop3A_549 = vector.shape_cast %parallel_loop3A_544 : vector<16xf32> to vector<1x16xf32>
      tpu.vector_store %arg9[%parallel_loop3A_545, %parallel_loop3A_546], %parallel_loop3A_549 {strides = array<i32>} : memref<64x128xf32, #tpu.memory_space<vmem>>, vector<1x16xf32>,
      %parallel_loop3A_550 = arith.constant 0 : i32
      %parallel_loop3A_551 = arith.addi %parallel_loop3A_550, %parallel_loop3A_521 : i32
      %parallel_loop3A_552 = arith.index_cast %parallel_loop3A_551 : i32 to index
      %parallel_loop3A_553 = arith.constant 16 : index
      %parallel_loop3A_554 = tpu.vector_load %arg7[%parallel_loop3A_552, %parallel_loop3A_553] {strides = array<i32>} : memref<256x128xf32, #tpu.memory_space<vmem>>, vector<1x16xf32>,
      %parallel_loop3A_555 = vector.shape_cast %parallel_loop3A_554 : vector<1x16xf32> to vector<16xf32>
      %parallel_loop3A_556 = arith.index_cast %parallel_loop3A_521 : i32 to index
      %parallel_loop3A_557 = arith.constant 16 : index
      %parallel_loop3A_558 = tpu.vector_load %arg8[%parallel_loop3A_556, %parallel_loop3A_557] {strides = array<i32>} : memref<64x128xf32, #tpu.memory_space<vmem>>, vector<1x16xf32>,
      %parallel_loop3A_559 = vector.shape_cast %parallel_loop3A_558 : vector<1x16xf32> to vector<16xf32>
      %parallel_loop3A_560 = arith.mulf %parallel_loop3A_559, %broadcast_in_dim3A_10 : vector<16xf32>
      %parallel_loop3A_561 = arith.addf %parallel_loop3A_560, %parallel_loop3A_555 : vector<16xf32>
      %parallel_loop3A_562 = arith.index_cast %parallel_loop3A_521 : i32 to index
      %parallel_loop3A_563 = arith.constant 16 : index
      %parallel_loop3A_564 = tpu.vector_load %arg8[%parallel_loop3A_562, %parallel_loop3A_563] {strides = array<i32>} : memref<64x128xf32, #tpu.memory_space<vmem>>, vector<1x16xf32>,
      %parallel_loop3A_565 = vector.shape_cast %parallel_loop3A_564 : vector<1x16xf32> to vector<16xf32>
      %parallel_loop3A_566 = vector.shape_cast %parallel_loop3A_561 : vector<16xf32> to vector<1x16xf32>
      tpu.vector_store %arg8[%parallel_loop3A_562, %parallel_loop3A_563], %parallel_loop3A_566 {strides = array<i32>} : memref<64x128xf32, #tpu.memory_space<vmem>>, vector<1x16xf32>,
      %parallel_loop3A_567 = arith.index_cast %parallel_loop3A_521 : i32 to index
      %parallel_loop3A_568 = arith.constant 16 : index
      %parallel_loop3A_569 = tpu.vector_load %arg9[%parallel_loop3A_567, %parallel_loop3A_568] {strides = array<i32>} : memref<64x128xf32, #tpu.memory_space<vmem>>, vector<1x16xf32>,
      %parallel_loop3A_570 = vector.shape_cast %parallel_loop3A_569 : vector<1x16xf32> to vector<16xf32>
      %parallel_loop3A_571 = arith.mulf %parallel_loop3A_570, %broadcast_in_dim3A_10 : vector<16xf32>
      %parallel_loop3A_572 = arith.addf %parallel_loop3A_571, %parallel_loop3A_555 : vector<16xf32>
      %parallel_loop3A_573 = arith.index_cast %parallel_loop3A_521 : i32 to index
      %parallel_loop3A_574 = arith.constant 16 : index
      %parallel_loop3A_575 = tpu.vector_load %arg9[%parallel_loop3A_573, %parallel_loop3A_574] {strides = array<i32>} : memref<64x128xf32, #tpu.memory_space<vmem>>, vector<1x16xf32>,
      %parallel_loop3A_576 = vector.shape_cast %parallel_loop3A_575 : vector<1x16xf32> to vector<16xf32>
      %parallel_loop3A_577 = vector.shape_cast %parallel_loop3A_572 : vector<16xf32> to vector<1x16xf32>
      tpu.vector_store %arg9[%parallel_loop3A_573, %parallel_loop3A_574], %parallel_loop3A_577 {strides = array<i32>} : memref<64x128xf32, #tpu.memory_space<vmem>>, vector<1x16xf32>,
      %parallel_loop3A_578 = arith.constant 0 : i32
      %parallel_loop3A_579 = arith.addi %parallel_loop3A_578, %parallel_loop3A_521 : i32
      %parallel_loop3A_580 = arith.index_cast %parallel_loop3A_579 : i32 to index
      %parallel_loop3A_581 = arith.constant 32 : index
      %parallel_loop3A_582 = tpu.vector_load %arg7[%parallel_loop3A_580, %parallel_loop3A_581] {strides = array<i32>} : memref<256x128xf32, #tpu.memory_space<vmem>>, vector<1x16xf32>,
      %parallel_loop3A_583 = vector.shape_cast %parallel_loop3A_582 : vector<1x16xf32> to vector<16xf32>
      %parallel_loop3A_584 = arith.index_cast %parallel_loop3A_521 : i32 to index
      %parallel_loop3A_585 = arith.constant 32 : index
      %parallel_loop3A_586 = tpu.vector_load %arg8[%parallel_loop3A_584, %parallel_loop3A_585] {strides = array<i32>} : memref<64x128xf32, #tpu.memory_space<vmem>>, vector<1x16xf32>,
      %parallel_loop3A_587 = vector.shape_cast %parallel_loop3A_586 : vector<1x16xf32> to vector<16xf32>
      %parallel_loop3A_588 = arith.mulf %parallel_loop3A_587, %broadcast_in_dim3A_10 : vector<16xf32>
      %parallel_loop3A_589 = arith.addf %parallel_loop3A_588, %parallel_loop3A_583 : vector<16xf32>
      %parallel_loop3A_590 = arith.index_cast %parallel_loop3A_521 : i32 to index
      %parallel_loop3A_591 = arith.constant 32 : index
      %parallel_loop3A_592 = tpu.vector_load %arg8[%parallel_loop3A_590, %parallel_loop3A_591] {strides = array<i32>} : memref<64x128xf32, #tpu.memory_space<vmem>>, vector<1x16xf32>,
      %parallel_loop3A_593 = vector.shape_cast %parallel_loop3A_592 : vector<1x16xf32> to vector<16xf32>
      %parallel_loop3A_594 = vector.shape_cast %parallel_loop3A_589 : vector<16xf32> to vector<1x16xf32>
      tpu.vector_store %arg8[%parallel_loop3A_590, %parallel_loop3A_591], %parallel_loop3A_594 {strides = array<i32>} : memref<64x128xf32, #tpu.memory_space<vmem>>, vector<1x16xf32>,
      %parallel_loop3A_595 = arith.index_cast %parallel_loop3A_521 : i32 to index
      %parallel_loop3A_596 = arith.constant 32 : index
      %parallel_loop3A_597 = tpu.vector_load %arg9[%parallel_loop3A_595, %parallel_loop3A_596] {strides = array<i32>} : memref<64x128xf32, #tpu.memory_space<vmem>>, vector<1x16xf32>,
      %parallel_loop3A_598 = vector.shape_cast %parallel_loop3A_597 : vector<1x16xf32> to vector<16xf32>
      %parallel_loop3A_599 = arith.mulf %parallel_loop3A_598, %broadcast_in_dim3A_10 : vector<16xf32>
      %parallel_loop3A_600 = arith.addf %parallel_loop3A_599, %parallel_loop3A_583 : vector<16xf32>
      %parallel_loop3A_601 = arith.index_cast %parallel_loop3A_521 : i32 to index
      %parallel_loop3A_602 = arith.constant 32 : index
      %parallel_loop3A_603 = tpu.vector_load %arg9[%parallel_loop3A_601, %parallel_loop3A_602] {strides = array<i32>} : memref<64x128xf32, #tpu.memory_space<vmem>>, vector<1x16xf32>,
      %parallel_loop3A_604 = vector.shape_cast %parallel_loop3A_603 : vector<1x16xf32> to vector<16xf32>
      %parallel_loop3A_605 = vector.shape_cast %parallel_loop3A_600 : vector<16xf32> to vector<1x16xf32>
      tpu.vector_store %arg9[%parallel_loop3A_601, %parallel_loop3A_602], %parallel_loop3A_605 {strides = array<i32>} : memref<64x128xf32, #tpu.memory_space<vmem>>, vector<1x16xf32>,
      %parallel_loop3A_606 = arith.constant 0 : i32
      %parallel_loop3A_607 = arith.addi %parallel_loop3A_606, %parallel_loop3A_521 : i32
      %parallel_loop3A_608 = arith.index_cast %parallel_loop3A_607 : i32 to index
      %parallel_loop3A_609 = arith.constant 48 : index
      %parallel_loop3A_610 = tpu.vector_load %arg7[%parallel_loop3A_608, %parallel_loop3A_609] {strides = array<i32>} : memref<256x128xf32, #tpu.memory_space<vmem>>, vector<1x16xf32>,
      %parallel_loop3A_611 = vector.shape_cast %parallel_loop3A_610 : vector<1x16xf32> to vector<16xf32>
      %parallel_loop3A_612 = arith.index_cast %parallel_loop3A_521 : i32 to index
      %parallel_loop3A_613 = arith.constant 48 : index
      %parallel_loop3A_614 = tpu.vector_load %arg8[%parallel_loop3A_612, %parallel_loop3A_613] {strides = array<i32>} : memref<64x128xf32, #tpu.memory_space<vmem>>, vector<1x16xf32>,
      %parallel_loop3A_615 = vector.shape_cast %parallel_loop3A_614 : vector<1x16xf32> to vector<16xf32>
      %parallel_loop3A_616 = arith.mulf %parallel_loop3A_615, %broadcast_in_dim3A_10 : vector<16xf32>
      %parallel_loop3A_617 = arith.addf %parallel_loop3A_616, %parallel_loop3A_611 : vector<16xf32>
      %parallel_loop3A_618 = arith.index_cast %parallel_loop3A_521 : i32 to index
      %parallel_loop3A_619 = arith.constant 48 : index
      %parallel_loop3A_620 = tpu.vector_load %arg8[%parallel_loop3A_618, %parallel_loop3A_619] {strides = array<i32>} : memref<64x128xf32, #tpu.memory_space<vmem>>, vector<1x16xf32>,
      %parallel_loop3A_621 = vector.shape_cast %parallel_loop3A_620 : vector<1x16xf32> to vector<16xf32>
      %parallel_loop3A_622 = vector.shape_cast %parallel_loop3A_617 : vector<16xf32> to vector<1x16xf32>
      tpu.vector_store %arg8[%parallel_loop3A_618, %parallel_loop3A_619], %parallel_loop3A_622 {strides = array<i32>} : memref<64x128xf32, #tpu.memory_space<vmem>>, vector<1x16xf32>,
      %parallel_loop3A_623 = arith.index_cast %parallel_loop3A_521 : i32 to index
      %parallel_loop3A_624 = arith.constant 48 : index
      %parallel_loop3A_625 = tpu.vector_load %arg9[%parallel_loop3A_623, %parallel_loop3A_624] {strides = array<i32>} : memref<64x128xf32, #tpu.memory_space<vmem>>, vector<1x16xf32>,
      %parallel_loop3A_626 = vector.shape_cast %parallel_loop3A_625 : vector<1x16xf32> to vector<16xf32>
      %parallel_loop3A_627 = arith.mulf %parallel_loop3A_626, %broadcast_in_dim3A_10 : vector<16xf32>
      %parallel_loop3A_628 = arith.addf %parallel_loop3A_627, %parallel_loop3A_611 : vector<16xf32>
      %parallel_loop3A_629 = arith.index_cast %parallel_loop3A_521 : i32 to index
      %parallel_loop3A_630 = arith.constant 48 : index
      %parallel_loop3A_631 = tpu.vector_load %arg9[%parallel_loop3A_629, %parallel_loop3A_630] {strides = array<i32>} : memref<64x128xf32, #tpu.memory_space<vmem>>, vector<1x16xf32>,
      %parallel_loop3A_632 = vector.shape_cast %parallel_loop3A_631 : vector<1x16xf32> to vector<16xf32>
      %parallel_loop3A_633 = vector.shape_cast %parallel_loop3A_628 : vector<16xf32> to vector<1x16xf32>
      tpu.vector_store %arg9[%parallel_loop3A_629, %parallel_loop3A_630], %parallel_loop3A_633 {strides = array<i32>} : memref<64x128xf32, #tpu.memory_space<vmem>>, vector<1x16xf32>,
      %parallel_loop3A_634 = arith.constant 0 : i32
      %parallel_loop3A_635 = arith.addi %parallel_loop3A_634, %parallel_loop3A_521 : i32
      %parallel_loop3A_636 = arith.index_cast %parallel_loop3A_635 : i32 to index
      %parallel_loop3A_637 = arith.constant 64 : index
      %parallel_loop3A_638 = tpu.vector_load %arg7[%parallel_loop3A_636, %parallel_loop3A_637] {strides = array<i32>} : memref<256x128xf32, #tpu.memory_space<vmem>>, vector<1x16xf32>,
      %parallel_loop3A_639 = vector.shape_cast %parallel_loop3A_638 : vector<1x16xf32> to vector<16xf32>
      %parallel_loop3A_640 = arith.index_cast %parallel_loop3A_521 : i32 to index
      %parallel_loop3A_641 = arith.constant 64 : index
      %parallel_loop3A_642 = tpu.vector_load %arg8[%parallel_loop3A_640, %parallel_loop3A_641] {strides = array<i32>} : memref<64x128xf32, #tpu.memory_space<vmem>>, vector<1x16xf32>,
      %parallel_loop3A_643 = vector.shape_cast %parallel_loop3A_642 : vector<1x16xf32> to vector<16xf32>
      %parallel_loop3A_644 = arith.mulf %parallel_loop3A_643, %broadcast_in_dim3A_10 : vector<16xf32>
      %parallel_loop3A_645 = arith.addf %parallel_loop3A_644, %parallel_loop3A_639 : vector<16xf32>
      %parallel_loop3A_646 = arith.index_cast %parallel_loop3A_521 : i32 to index
      %parallel_loop3A_647 = arith.constant 64 : index
      %parallel_loop3A_648 = tpu.vector_load %arg8[%parallel_loop3A_646, %parallel_loop3A_647] {strides = array<i32>} : memref<64x128xf32, #tpu.memory_space<vmem>>, vector<1x16xf32>,
      %parallel_loop3A_649 = vector.shape_cast %parallel_loop3A_648 : vector<1x16xf32> to vector<16xf32>
      %parallel_loop3A_650 = vector.shape_cast %parallel_loop3A_645 : vector<16xf32> to vector<1x16xf32>
      tpu.vector_store %arg8[%parallel_loop3A_646, %parallel_loop3A_647], %parallel_loop3A_650 {strides = array<i32>} : memref<64x128xf32, #tpu.memory_space<vmem>>, vector<1x16xf32>,
      %parallel_loop3A_651 = arith.index_cast %parallel_loop3A_521 : i32 to index
      %parallel_loop3A_652 = arith.constant 64 : index
      %parallel_loop3A_653 = tpu.vector_load %arg9[%parallel_loop3A_651, %parallel_loop3A_652] {strides = array<i32>} : memref<64x128xf32, #tpu.memory_space<vmem>>, vector<1x16xf32>,
      %parallel_loop3A_654 = vector.shape_cast %parallel_loop3A_653 : vector<1x16xf32> to vector<16xf32>
      %parallel_loop3A_655 = arith.mulf %parallel_loop3A_654, %broadcast_in_dim3A_10 : vector<16xf32>
      %parallel_loop3A_656 = arith.addf %parallel_loop3A_655, %parallel_loop3A_639 : vector<16xf32>
      %parallel_loop3A_657 = arith.index_cast %parallel_loop3A_521 : i32 to index
      %parallel_loop3A_658 = arith.constant 64 : index
      %parallel_loop3A_659 = tpu.vector_load %arg9[%parallel_loop3A_657, %parallel_loop3A_658] {strides = array<i32>} : memref<64x128xf32, #tpu.memory_space<vmem>>, vector<1x16xf32>,
      %parallel_loop3A_660 = vector.shape_cast %parallel_loop3A_659 : vector<1x16xf32> to vector<16xf32>
      %parallel_loop3A_661 = vector.shape_cast %parallel_loop3A_656 : vector<16xf32> to vector<1x16xf32>
      tpu.vector_store %arg9[%parallel_loop3A_657, %parallel_loop3A_658], %parallel_loop3A_661 {strides = array<i32>} : memref<64x128xf32, #tpu.memory_space<vmem>>, vector<1x16xf32>,
      %parallel_loop3A_662 = arith.constant 0 : i32
      %parallel_loop3A_663 = arith.addi %parallel_loop3A_662, %parallel_loop3A_521 : i32
      %parallel_loop3A_664 = arith.index_cast %parallel_loop3A_663 : i32 to index
      %parallel_loop3A_665 = arith.constant 80 : index
      %parallel_loop3A_666 = tpu.vector_load %arg7[%parallel_loop3A_664, %parallel_loop3A_665] {strides = array<i32>} : memref<256x128xf32, #tpu.memory_space<vmem>>, vector<1x16xf32>,
      %parallel_loop3A_667 = vector.shape_cast %parallel_loop3A_666 : vector<1x16xf32> to vector<16xf32>
      %parallel_loop3A_668 = arith.index_cast %parallel_loop3A_521 : i32 to index
      %parallel_loop3A_669 = arith.constant 80 : index
      %parallel_loop3A_670 = tpu.vector_load %arg8[%parallel_loop3A_668, %parallel_loop3A_669] {strides = array<i32>} : memref<64x128xf32, #tpu.memory_space<vmem>>, vector<1x16xf32>,
      %parallel_loop3A_671 = vector.shape_cast %parallel_loop3A_670 : vector<1x16xf32> to vector<16xf32>
      %parallel_loop3A_672 = arith.mulf %parallel_loop3A_671, %broadcast_in_dim3A_10 : vector<16xf32>
      %parallel_loop3A_673 = arith.addf %parallel_loop3A_672, %parallel_loop3A_667 : vector<16xf32>
      %parallel_loop3A_674 = arith.index_cast %parallel_loop3A_521 : i32 to index
      %parallel_loop3A_675 = arith.constant 80 : index
      %parallel_loop3A_676 = tpu.vector_load %arg8[%parallel_loop3A_674, %parallel_loop3A_675] {strides = array<i32>} : memref<64x128xf32, #tpu.memory_space<vmem>>, vector<1x16xf32>,
      %parallel_loop3A_677 = vector.shape_cast %parallel_loop3A_676 : vector<1x16xf32> to vector<16xf32>
      %parallel_loop3A_678 = vector.shape_cast %parallel_loop3A_673 : vector<16xf32> to vector<1x16xf32>
      tpu.vector_store %arg8[%parallel_loop3A_674, %parallel_loop3A_675], %parallel_loop3A_678 {strides = array<i32>} : memref<64x128xf32, #tpu.memory_space<vmem>>, vector<1x16xf32>,
      %parallel_loop3A_679 = arith.index_cast %parallel_loop3A_521 : i32 to index
      %parallel_loop3A_680 = arith.constant 80 : index
      %parallel_loop3A_681 = tpu.vector_load %arg9[%parallel_loop3A_679, %parallel_loop3A_680] {strides = array<i32>} : memref<64x128xf32, #tpu.memory_space<vmem>>, vector<1x16xf32>,
      %parallel_loop3A_682 = vector.shape_cast %parallel_loop3A_681 : vector<1x16xf32> to vector<16xf32>
      %parallel_loop3A_683 = arith.mulf %parallel_loop3A_682, %broadcast_in_dim3A_10 : vector<16xf32>
      %parallel_loop3A_684 = arith.addf %parallel_loop3A_683, %parallel_loop3A_667 : vector<16xf32>
      %parallel_loop3A_685 = arith.index_cast %parallel_loop3A_521 : i32 to index
      %parallel_loop3A_686 = arith.constant 80 : index
      %parallel_loop3A_687 = tpu.vector_load %arg9[%parallel_loop3A_685, %parallel_loop3A_686] {strides = array<i32>} : memref<64x128xf32, #tpu.memory_space<vmem>>, vector<1x16xf32>,
      %parallel_loop3A_688 = vector.shape_cast %parallel_loop3A_687 : vector<1x16xf32> to vector<16xf32>
      %parallel_loop3A_689 = vector.shape_cast %parallel_loop3A_684 : vector<16xf32> to vector<1x16xf32>
      tpu.vector_store %arg9[%parallel_loop3A_685, %parallel_loop3A_686], %parallel_loop3A_689 {strides = array<i32>} : memref<64x128xf32, #tpu.memory_space<vmem>>, vector<1x16xf32>,
      %parallel_loop3A_690 = arith.constant 0 : i32
      %parallel_loop3A_691 = arith.addi %parallel_loop3A_690, %parallel_loop3A_521 : i32
      %parallel_loop3A_692 = arith.index_cast %parallel_loop3A_691 : i32 to index
      %parallel_loop3A_693 = arith.constant 96 : index
      %parallel_loop3A_694 = tpu.vector_load %arg7[%parallel_loop3A_692, %parallel_loop3A_693] {strides = array<i32>} : memref<256x128xf32, #tpu.memory_space<vmem>>, vector<1x16xf32>,
      %parallel_loop3A_695 = vector.shape_cast %parallel_loop3A_694 : vector<1x16xf32> to vector<16xf32>
      %parallel_loop3A_696 = arith.index_cast %parallel_loop3A_521 : i32 to index
      %parallel_loop3A_697 = arith.constant 96 : index
      %parallel_loop3A_698 = tpu.vector_load %arg8[%parallel_loop3A_696, %parallel_loop3A_697] {strides = array<i32>} : memref<64x128xf32, #tpu.memory_space<vmem>>, vector<1x16xf32>,
      %parallel_loop3A_699 = vector.shape_cast %parallel_loop3A_698 : vector<1x16xf32> to vector<16xf32>
      %parallel_loop3A_700 = arith.mulf %parallel_loop3A_699, %broadcast_in_dim3A_10 : vector<16xf32>
      %parallel_loop3A_701 = arith.addf %parallel_loop3A_700, %parallel_loop3A_695 : vector<16xf32>
      %parallel_loop3A_702 = arith.index_cast %parallel_loop3A_521 : i32 to index
      %parallel_loop3A_703 = arith.constant 96 : index
      %parallel_loop3A_704 = tpu.vector_load %arg8[%parallel_loop3A_702, %parallel_loop3A_703] {strides = array<i32>} : memref<64x128xf32, #tpu.memory_space<vmem>>, vector<1x16xf32>,
      %parallel_loop3A_705 = vector.shape_cast %parallel_loop3A_704 : vector<1x16xf32> to vector<16xf32>
      %parallel_loop3A_706 = vector.shape_cast %parallel_loop3A_701 : vector<16xf32> to vector<1x16xf32>
      tpu.vector_store %arg8[%parallel_loop3A_702, %parallel_loop3A_703], %parallel_loop3A_706 {strides = array<i32>} : memref<64x128xf32, #tpu.memory_space<vmem>>, vector<1x16xf32>,
      %parallel_loop3A_707 = arith.index_cast %parallel_loop3A_521 : i32 to index
      %parallel_loop3A_708 = arith.constant 96 : index
      %parallel_loop3A_709 = tpu.vector_load %arg9[%parallel_loop3A_707, %parallel_loop3A_708] {strides = array<i32>} : memref<64x128xf32, #tpu.memory_space<vmem>>, vector<1x16xf32>,
      %parallel_loop3A_710 = vector.shape_cast %parallel_loop3A_709 : vector<1x16xf32> to vector<16xf32>
      %parallel_loop3A_711 = arith.mulf %parallel_loop3A_710, %broadcast_in_dim3A_10 : vector<16xf32>
      %parallel_loop3A_712 = arith.addf %parallel_loop3A_711, %parallel_loop3A_695 : vector<16xf32>
      %parallel_loop3A_713 = arith.index_cast %parallel_loop3A_521 : i32 to index
      %parallel_loop3A_714 = arith.constant 96 : index
      %parallel_loop3A_715 = tpu.vector_load %arg9[%parallel_loop3A_713, %parallel_loop3A_714] {strides = array<i32>} : memref<64x128xf32, #tpu.memory_space<vmem>>, vector<1x16xf32>,
      %parallel_loop3A_716 = vector.shape_cast %parallel_loop3A_715 : vector<1x16xf32> to vector<16xf32>
      %parallel_loop3A_717 = vector.shape_cast %parallel_loop3A_712 : vector<16xf32> to vector<1x16xf32>
      tpu.vector_store %arg9[%parallel_loop3A_713, %parallel_loop3A_714], %parallel_loop3A_717 {strides = array<i32>} : memref<64x128xf32, #tpu.memory_space<vmem>>, vector<1x16xf32>,
      %parallel_loop3A_718 = arith.constant 0 : i32
      %parallel_loop3A_719 = arith.addi %parallel_loop3A_718, %parallel_loop3A_521 : i32
      %parallel_loop3A_720 = arith.index_cast %parallel_loop3A_719 : i32 to index
      %parallel_loop3A_721 = arith.constant 112 : index
      %parallel_loop3A_722 = tpu.vector_load %arg7[%parallel_loop3A_720, %parallel_loop3A_721] {strides = array<i32>} : memref<256x128xf32, #tpu.memory_space<vmem>>, vector<1x16xf32>,
      %parallel_loop3A_723 = vector.shape_cast %parallel_loop3A_722 : vector<1x16xf32> to vector<16xf32>
      %parallel_loop3A_724 = arith.index_cast %parallel_loop3A_521 : i32 to index
      %parallel_loop3A_725 = arith.constant 112 : index
      %parallel_loop3A_726 = tpu.vector_load %arg8[%parallel_loop3A_724, %parallel_loop3A_725] {strides = array<i32>} : memref<64x128xf32, #tpu.memory_space<vmem>>, vector<1x16xf32>,
      %parallel_loop3A_727 = vector.shape_cast %parallel_loop3A_726 : vector<1x16xf32> to vector<16xf32>
      %parallel_loop3A_728 = arith.mulf %parallel_loop3A_727, %broadcast_in_dim3A_10 : vector<16xf32>
      %parallel_loop3A_729 = arith.addf %parallel_loop3A_728, %parallel_loop3A_723 : vector<16xf32>
      %parallel_loop3A_730 = arith.index_cast %parallel_loop3A_521 : i32 to index
      %parallel_loop3A_731 = arith.constant 112 : index
      %parallel_loop3A_732 = tpu.vector_load %arg8[%parallel_loop3A_730, %parallel_loop3A_731] {strides = array<i32>} : memref<64x128xf32, #tpu.memory_space<vmem>>, vector<1x16xf32>,
      %parallel_loop3A_733 = vector.shape_cast %parallel_loop3A_732 : vector<1x16xf32> to vector<16xf32>
      %parallel_loop3A_734 = vector.shape_cast %parallel_loop3A_729 : vector<16xf32> to vector<1x16xf32>
      tpu.vector_store %arg8[%parallel_loop3A_730, %parallel_loop3A_731], %parallel_loop3A_734 {strides = array<i32>} : memref<64x128xf32, #tpu.memory_space<vmem>>, vector<1x16xf32>,
      %parallel_loop3A_735 = arith.index_cast %parallel_loop3A_521 : i32 to index
      %parallel_loop3A_736 = arith.constant 112 : index
      %parallel_loop3A_737 = tpu.vector_load %arg9[%parallel_loop3A_735, %parallel_loop3A_736] {strides = array<i32>} : memref<64x128xf32, #tpu.memory_space<vmem>>, vector<1x16xf32>,
      %parallel_loop3A_738 = vector.shape_cast %parallel_loop3A_737 : vector<1x16xf32> to vector<16xf32>
      %parallel_loop3A_739 = arith.mulf %parallel_loop3A_738, %broadcast_in_dim3A_10 : vector<16xf32>
      %parallel_loop3A_740 = arith.addf %parallel_loop3A_739, %parallel_loop3A_723 : vector<16xf32>
      %parallel_loop3A_741 = arith.index_cast %parallel_loop3A_521 : i32 to index
      %parallel_loop3A_742 = arith.constant 112 : index
      %parallel_loop3A_743 = tpu.vector_load %arg9[%parallel_loop3A_741, %parallel_loop3A_742] {strides = array<i32>} : memref<64x128xf32, #tpu.memory_space<vmem>>, vector<1x16xf32>,
      %parallel_loop3A_744 = vector.shape_cast %parallel_loop3A_743 : vector<1x16xf32> to vector<16xf32>
      %parallel_loop3A_745 = vector.shape_cast %parallel_loop3A_740 : vector<16xf32> to vector<1x16xf32>
      tpu.vector_store %arg9[%parallel_loop3A_741, %parallel_loop3A_742], %parallel_loop3A_745 {strides = array<i32>} : memref<64x128xf32, #tpu.memory_space<vmem>>, vector<1x16xf32>,
    } {sc.loop_unroll_factor = 1 : i64, sc.parallel_access}
    %add3A_90 = arith.constant 0 : i32
    %add3A_91 = arith.addi %mul3A_2, %add3A_90 : i32
    %dma_start3A_92 = arith.constant 0 : i32
    %dma_start3A_93 = arith.constant 0 : i32
    %dma_start3A_94 = tpu.memref_slice %arg5[%dma_start3A_92, %add3A_91, %dma_start3A_93] : memref<4x8192x128xf32, #tpu.memory_space<hbm>> -> memref<1x64x128xf32, #tpu.memory_space<hbm>>
    %dma_start3A_95 = tpu.memref_squeeze %dma_start3A_94 : memref<1x64x128xf32, #tpu.memory_space<hbm>> -> memref<64x128xf32, #tpu.memory_space<hbm>>
    %dma_start3A_96 = arith.constant 0 : i32
    %dma_start3A_97 = tpu.memref_slice %arg5[%dma_start3A_92, %add3A_91, %dma_start3A_96] : memref<4x8192x128xf32, #tpu.memory_space<hbm>> -> memref<1x64x128xf32, #tpu.memory_space<hbm>>
    %dma_start3A_98 = tpu.memref_squeeze %dma_start3A_97 : memref<1x64x128xf32, #tpu.memory_space<hbm>> -> memref<64x128xf32, #tpu.memory_space<hbm>>
    tpu.enqueue_dma source(%arg8 : memref<64x128xf32, #tpu.memory_space<vmem>>) target(%dma_start3A_98 : memref<64x128xf32, #tpu.memory_space<hbm>>) target_semaphore(%arg24 : memref<!tpu.dma_semaphore, #tpu.memory_space<semaphore_mem>>)
    %add3A_99 = arith.constant 0 : i32
    %add3A_100 = arith.addi %mul3A_2, %add3A_99 : i32
    %dma_start3A_101 = arith.constant 1 : i32
    %dma_start3A_102 = arith.constant 0 : i32
    %dma_start3A_103 = tpu.memref_slice %arg5[%dma_start3A_101, %add3A_100, %dma_start3A_102] : memref<4x8192x128xf32, #tpu.memory_space<hbm>> -> memref<1x64x128xf32, #tpu.memory_space<hbm>>
    %dma_start3A_104 = tpu.memref_squeeze %dma_start3A_103 : memref<1x64x128xf32, #tpu.memory_space<hbm>> -> memref<64x128xf32, #tpu.memory_space<hbm>>
    %dma_start3A_105 = arith.constant 0 : i32
    %dma_start3A_106 = tpu.memref_slice %arg5[%dma_start3A_101, %add3A_100, %dma_start3A_105] : memref<4x8192x128xf32, #tpu.memory_space<hbm>> -> memref<1x64x128xf32, #tpu.memory_space<hbm>>
    %dma_start3A_107 = tpu.memref_squeeze %dma_start3A_106 : memref<1x64x128xf32, #tpu.memory_space<hbm>> -> memref<64x128xf32, #tpu.memory_space<hbm>>
    tpu.enqueue_dma source(%arg9 : memref<64x128xf32, #tpu.memory_space<vmem>>) target(%dma_start3A_107 : memref<64x128xf32, #tpu.memory_space<hbm>>) target_semaphore(%arg25 : memref<!tpu.dma_semaphore, #tpu.memory_space<semaphore_mem>>)
    %dma_wait3A_108 = arith.constant 0 : i32
    %dma_wait3A_109 = arith.constant 0 : i32
    %dma_wait3A_110 = tpu.memref_slice %arg5[%dma_wait3A_108, %add3A_91, %dma_wait3A_109] : memref<4x8192x128xf32, #tpu.memory_space<hbm>> -> memref<1x64x128xf32, #tpu.memory_space<hbm>>
    %dma_wait3A_111 = tpu.memref_squeeze %dma_wait3A_110 : memref<1x64x128xf32, #tpu.memory_space<hbm>> -> memref<64x128xf32, #tpu.memory_space<hbm>>
    %dma_wait3A_112 = arith.constant 0 : i32
    %dma_wait3A_113 = tpu.memref_slice %arg5[%dma_wait3A_108, %add3A_91, %dma_wait3A_112] : memref<4x8192x128xf32, #tpu.memory_space<hbm>> -> memref<1x64x128xf32, #tpu.memory_space<hbm>>
    %dma_wait3A_114 = tpu.memref_squeeze %dma_wait3A_113 : memref<1x64x128xf32, #tpu.memory_space<hbm>> -> memref<64x128xf32, #tpu.memory_space<hbm>>
    tpu.wait_dma2 semaphore(%arg24 : memref<!tpu.dma_semaphore, #tpu.memory_space<semaphore_mem>>) src(%arg8 : memref<64x128xf32, #tpu.memory_space<vmem>>) dst(%dma_wait3A_114 : memref<64x128xf32, #tpu.memory_space<hbm>>)
    %dma_wait3A_115 = arith.constant 1 : i32
    %dma_wait3A_116 = arith.constant 0 : i32
    %dma_wait3A_117 = tpu.memref_slice %arg5[%dma_wait3A_115, %add3A_100, %dma_wait3A_116] : memref<4x8192x128xf32, #tpu.memory_space<hbm>> -> memref<1x64x128xf32, #tpu.memory_space<hbm>>
    %dma_wait3A_118 = tpu.memref_squeeze %dma_wait3A_117 : memref<1x64x128xf32, #tpu.memory_space<hbm>> -> memref<64x128xf32, #tpu.memory_space<hbm>>
    %dma_wait3A_119 = arith.constant 0 : i32
    %dma_wait3A_120 = tpu.memref_slice %arg5[%dma_wait3A_115, %add3A_100, %dma_wait3A_119] : memref<4x8192x128xf32, #tpu.memory_space<hbm>> -> memref<1x64x128xf32, #tpu.memory_space<hbm>>
    %dma_wait3A_121 = tpu.memref_squeeze %dma_wait3A_120 : memref<1x64x128xf32, #tpu.memory_space<hbm>> -> memref<64x128xf32, #tpu.memory_space<hbm>>
    tpu.wait_dma2 semaphore(%arg25 : memref<!tpu.dma_semaphore, #tpu.memory_space<semaphore_mem>>) src(%arg9 : memref<64x128xf32, #tpu.memory_space<vmem>>) dst(%dma_wait3A_121 : memref<64x128xf32, #tpu.memory_space<hbm>>)
    %dma_start3A_122 = arith.constant 2 : i32
    %dma_start3A_123 = arith.constant 0 : i32
    %dma_start3A_124 = tpu.memref_slice %arg6[%dma_start3A_122, %dma_start3A_123] : memref<4x256xi32, #tpu.memory_space<vmem>> -> memref<1x64xi32, #tpu.memory_space<vmem>>
    %dma_start3A_125 = tpu.memref_squeeze %dma_start3A_124 : memref<1x64xi32, #tpu.memory_space<vmem>> -> memref<64xi32, #tpu.memory_space<vmem>>
    %dma_start3A_126 = arith.constant 0 : i32
    %dma_start3A_127 = arith.constant 0 : i32
    %dma_start3A_128 = tpu.memref_slice %arg2[%dma_start3A_126, %dma_start3A_127] : memref<1000000x128xf32, #tpu.memory_space<hbm>> -> memref<1000000x128xf32, #tpu.memory_space<hbm>>
    tpu.enqueue_indirect_dma source(%dma_start3A_128 : memref<1000000x128xf32, #tpu.memory_space<hbm>>) target(%arg8 : memref<64x128xf32, #tpu.memory_space<vmem>>) offsets(%dma_start3A_125 : memref<64xi32, #tpu.memory_space<vmem>>) semaphore(%arg16 : memref<!tpu.dma_semaphore, #tpu.memory_space<semaphore_mem>>)
    %dma_start3A_129 = arith.constant 3 : i32
    %dma_start3A_130 = arith.constant 0 : i32
    %dma_start3A_131 = tpu.memref_slice %arg6[%dma_start3A_129, %dma_start3A_130] : memref<4x256xi32, #tpu.memory_space<vmem>> -> memref<1x64xi32, #tpu.memory_space<vmem>>
    %dma_start3A_132 = tpu.memref_squeeze %dma_start3A_131 : memref<1x64xi32, #tpu.memory_space<vmem>> -> memref<64xi32, #tpu.memory_space<vmem>>
    %dma_start3A_133 = arith.constant 0 : i32
    %dma_start3A_134 = arith.constant 0 : i32
    %dma_start3A_135 = tpu.memref_slice %arg2[%dma_start3A_133, %dma_start3A_134] : memref<1000000x128xf32, #tpu.memory_space<hbm>> -> memref<1000000x128xf32, #tpu.memory_space<hbm>>
    tpu.enqueue_indirect_dma source(%dma_start3A_135 : memref<1000000x128xf32, #tpu.memory_space<hbm>>) target(%arg9 : memref<64x128xf32, #tpu.memory_space<vmem>>) offsets(%dma_start3A_132 : memref<64xi32, #tpu.memory_space<vmem>>) semaphore(%arg17 : memref<!tpu.dma_semaphore, #tpu.memory_space<semaphore_mem>>)
    %dma_wait3A_136 = arith.constant 0 : i32
    %dma_wait3A_137 = arith.constant 64 : i32
    %dma_wait3A_138 = tpu.memref_slice %arg6[%dma_wait3A_136, %dma_wait3A_137] : memref<4x256xi32, #tpu.memory_space<vmem>> -> memref<1x64xi32, #tpu.memory_space<vmem>>
    %dma_wait3A_139 = tpu.memref_squeeze %dma_wait3A_138 : memref<1x64xi32, #tpu.memory_space<vmem>> -> memref<64xi32, #tpu.memory_space<vmem>>
    %dma_wait3A_140 = arith.constant 0 : i32
    %dma_wait3A_141 = arith.constant 0 : i32
    %dma_wait3A_142 = tpu.memref_slice %arg2[%dma_wait3A_140, %dma_wait3A_141] : memref<1000000x128xf32, #tpu.memory_space<hbm>> -> memref<1000000x128xf32, #tpu.memory_space<hbm>>
    tpu.wait_indirect_dma semaphore(%arg18 : memref<!tpu.dma_semaphore, #tpu.memory_space<semaphore_mem>>) src(%dma_wait3A_142 : memref<1000000x128xf32, #tpu.memory_space<hbm>>) dst(%arg10 : memref<64x128xf32, #tpu.memory_space<vmem>>)
    %dma_wait3A_143 = arith.constant 1 : i32
    %dma_wait3A_144 = arith.constant 64 : i32
    %dma_wait3A_145 = tpu.memref_slice %arg6[%dma_wait3A_143, %dma_wait3A_144] : memref<4x256xi32, #tpu.memory_space<vmem>> -> memref<1x64xi32, #tpu.memory_space<vmem>>
    %dma_wait3A_146 = tpu.memref_squeeze %dma_wait3A_145 : memref<1x64xi32, #tpu.memory_space<vmem>> -> memref<64xi32, #tpu.memory_space<vmem>>
    %dma_wait3A_147 = arith.constant 0 : i32
    %dma_wait3A_148 = arith.constant 0 : i32
    %dma_wait3A_149 = tpu.memref_slice %arg2[%dma_wait3A_147, %dma_wait3A_148] : memref<1000000x128xf32, #tpu.memory_space<hbm>> -> memref<1000000x128xf32, #tpu.memory_space<hbm>>
    tpu.wait_indirect_dma semaphore(%arg19 : memref<!tpu.dma_semaphore, #tpu.memory_space<semaphore_mem>>) src(%dma_wait3A_149 : memref<1000000x128xf32, #tpu.memory_space<hbm>>) dst(%arg11 : memref<64x128xf32, #tpu.memory_space<vmem>>)
    %parallel_loop3A_150 = arith.constant 0 : i32
    %parallel_loop3A_151 = arith.constant 64 : i32
    %parallel_loop3A_152 = arith.constant 1 : i32
    scf.for %parallel_loop3A_521 = %parallel_loop3A_150 to %parallel_loop3A_151 step %parallel_loop3A_152  : i32 {
      %parallel_loop3A_522 = arith.constant 64 : i32
      %parallel_loop3A_523 = arith.addi %parallel_loop3A_522, %parallel_loop3A_521 : i32
      %parallel_loop3A_524 = arith.index_cast %parallel_loop3A_523 : i32 to index
      %parallel_loop3A_525 = arith.constant 0 : index
      %parallel_loop3A_526 = tpu.vector_load %arg7[%parallel_loop3A_524, %parallel_loop3A_525] {strides = array<i32>} : memref<256x128xf32, #tpu.memory_space<vmem>>, vector<1x16xf32>,
      %parallel_loop3A_527 = vector.shape_cast %parallel_loop3A_526 : vector<1x16xf32> to vector<16xf32>
      %parallel_loop3A_528 = arith.index_cast %parallel_loop3A_521 : i32 to index
      %parallel_loop3A_529 = arith.constant 0 : index
      %parallel_loop3A_530 = tpu.vector_load %arg10[%parallel_loop3A_528, %parallel_loop3A_529] {strides = array<i32>} : memref<64x128xf32, #tpu.memory_space<vmem>>, vector<1x16xf32>,
      %parallel_loop3A_531 = vector.shape_cast %parallel_loop3A_530 : vector<1x16xf32> to vector<16xf32>
      %parallel_loop3A_532 = arith.mulf %parallel_loop3A_531, %broadcast_in_dim3A_10 : vector<16xf32>
      %parallel_loop3A_533 = arith.addf %parallel_loop3A_532, %parallel_loop3A_527 : vector<16xf32>
      %parallel_loop3A_534 = arith.index_cast %parallel_loop3A_521 : i32 to index
      %parallel_loop3A_535 = arith.constant 0 : index
      %parallel_loop3A_536 = tpu.vector_load %arg10[%parallel_loop3A_534, %parallel_loop3A_535] {strides = array<i32>} : memref<64x128xf32, #tpu.memory_space<vmem>>, vector<1x16xf32>,
      %parallel_loop3A_537 = vector.shape_cast %parallel_loop3A_536 : vector<1x16xf32> to vector<16xf32>
      %parallel_loop3A_538 = vector.shape_cast %parallel_loop3A_533 : vector<16xf32> to vector<1x16xf32>
      tpu.vector_store %arg10[%parallel_loop3A_534, %parallel_loop3A_535], %parallel_loop3A_538 {strides = array<i32>} : memref<64x128xf32, #tpu.memory_space<vmem>>, vector<1x16xf32>,
      %parallel_loop3A_539 = arith.index_cast %parallel_loop3A_521 : i32 to index
      %parallel_loop3A_540 = arith.constant 0 : index
      %parallel_loop3A_541 = tpu.vector_load %arg11[%parallel_loop3A_539, %parallel_loop3A_540] {strides = array<i32>} : memref<64x128xf32, #tpu.memory_space<vmem>>, vector<1x16xf32>,
      %parallel_loop3A_542 = vector.shape_cast %parallel_loop3A_541 : vector<1x16xf32> to vector<16xf32>
      %parallel_loop3A_543 = arith.mulf %parallel_loop3A_542, %broadcast_in_dim3A_10 : vector<16xf32>
      %parallel_loop3A_544 = arith.addf %parallel_loop3A_543, %parallel_loop3A_527 : vector<16xf32>
      %parallel_loop3A_545 = arith.index_cast %parallel_loop3A_521 : i32 to index
      %parallel_loop3A_546 = arith.constant 0 : index
      %parallel_loop3A_547 = tpu.vector_load %arg11[%parallel_loop3A_545, %parallel_loop3A_546] {strides = array<i32>} : memref<64x128xf32, #tpu.memory_space<vmem>>, vector<1x16xf32>,
      %parallel_loop3A_548 = vector.shape_cast %parallel_loop3A_547 : vector<1x16xf32> to vector<16xf32>
      %parallel_loop3A_549 = vector.shape_cast %parallel_loop3A_544 : vector<16xf32> to vector<1x16xf32>
      tpu.vector_store %arg11[%parallel_loop3A_545, %parallel_loop3A_546], %parallel_loop3A_549 {strides = array<i32>} : memref<64x128xf32, #tpu.memory_space<vmem>>, vector<1x16xf32>,
      %parallel_loop3A_550 = arith.constant 64 : i32
      %parallel_loop3A_551 = arith.addi %parallel_loop3A_550, %parallel_loop3A_521 : i32
      %parallel_loop3A_552 = arith.index_cast %parallel_loop3A_551 : i32 to index
      %parallel_loop3A_553 = arith.constant 16 : index
      %parallel_loop3A_554 = tpu.vector_load %arg7[%parallel_loop3A_552, %parallel_loop3A_553] {strides = array<i32>} : memref<256x128xf32, #tpu.memory_space<vmem>>, vector<1x16xf32>,
      %parallel_loop3A_555 = vector.shape_cast %parallel_loop3A_554 : vector<1x16xf32> to vector<16xf32>
      %parallel_loop3A_556 = arith.index_cast %parallel_loop3A_521 : i32 to index
      %parallel_loop3A_557 = arith.constant 16 : index
      %parallel_loop3A_558 = tpu.vector_load %arg10[%parallel_loop3A_556, %parallel_loop3A_557] {strides = array<i32>} : memref<64x128xf32, #tpu.memory_space<vmem>>, vector<1x16xf32>,
      %parallel_loop3A_559 = vector.shape_cast %parallel_loop3A_558 : vector<1x16xf32> to vector<16xf32>
      %parallel_loop3A_560 = arith.mulf %parallel_loop3A_559, %broadcast_in_dim3A_10 : vector<16xf32>
      %parallel_loop3A_561 = arith.addf %parallel_loop3A_560, %parallel_loop3A_555 : vector<16xf32>
      %parallel_loop3A_562 = arith.index_cast %parallel_loop3A_521 : i32 to index
      %parallel_loop3A_563 = arith.constant 16 : index
      %parallel_loop3A_564 = tpu.vector_load %arg10[%parallel_loop3A_562, %parallel_loop3A_563] {strides = array<i32>} : memref<64x128xf32, #tpu.memory_space<vmem>>, vector<1x16xf32>,
      %parallel_loop3A_565 = vector.shape_cast %parallel_loop3A_564 : vector<1x16xf32> to vector<16xf32>
      %parallel_loop3A_566 = vector.shape_cast %parallel_loop3A_561 : vector<16xf32> to vector<1x16xf32>
      tpu.vector_store %arg10[%parallel_loop3A_562, %parallel_loop3A_563], %parallel_loop3A_566 {strides = array<i32>} : memref<64x128xf32, #tpu.memory_space<vmem>>, vector<1x16xf32>,
      %parallel_loop3A_567 = arith.index_cast %parallel_loop3A_521 : i32 to index
      %parallel_loop3A_568 = arith.constant 16 : index
      %parallel_loop3A_569 = tpu.vector_load %arg11[%parallel_loop3A_567, %parallel_loop3A_568] {strides = array<i32>} : memref<64x128xf32, #tpu.memory_space<vmem>>, vector<1x16xf32>,
      %parallel_loop3A_570 = vector.shape_cast %parallel_loop3A_569 : vector<1x16xf32> to vector<16xf32>
      %parallel_loop3A_571 = arith.mulf %parallel_loop3A_570, %broadcast_in_dim3A_10 : vector<16xf32>
      %parallel_loop3A_572 = arith.addf %parallel_loop3A_571, %parallel_loop3A_555 : vector<16xf32>
      %parallel_loop3A_573 = arith.index_cast %parallel_loop3A_521 : i32 to index
      %parallel_loop3A_574 = arith.constant 16 : index
      %parallel_loop3A_575 = tpu.vector_load %arg11[%parallel_loop3A_573, %parallel_loop3A_574] {strides = array<i32>} : memref<64x128xf32, #tpu.memory_space<vmem>>, vector<1x16xf32>,
      %parallel_loop3A_576 = vector.shape_cast %parallel_loop3A_575 : vector<1x16xf32> to vector<16xf32>
      %parallel_loop3A_577 = vector.shape_cast %parallel_loop3A_572 : vector<16xf32> to vector<1x16xf32>
      tpu.vector_store %arg11[%parallel_loop3A_573, %parallel_loop3A_574], %parallel_loop3A_577 {strides = array<i32>} : memref<64x128xf32, #tpu.memory_space<vmem>>, vector<1x16xf32>,
      %parallel_loop3A_578 = arith.constant 64 : i32
      %parallel_loop3A_579 = arith.addi %parallel_loop3A_578, %parallel_loop3A_521 : i32
      %parallel_loop3A_580 = arith.index_cast %parallel_loop3A_579 : i32 to index
      %parallel_loop3A_581 = arith.constant 32 : index
      %parallel_loop3A_582 = tpu.vector_load %arg7[%parallel_loop3A_580, %parallel_loop3A_581] {strides = array<i32>} : memref<256x128xf32, #tpu.memory_space<vmem>>, vector<1x16xf32>,
      %parallel_loop3A_583 = vector.shape_cast %parallel_loop3A_582 : vector<1x16xf32> to vector<16xf32>
      %parallel_loop3A_584 = arith.index_cast %parallel_loop3A_521 : i32 to index
      %parallel_loop3A_585 = arith.constant 32 : index
      %parallel_loop3A_586 = tpu.vector_load %arg10[%parallel_loop3A_584, %parallel_loop3A_585] {strides = array<i32>} : memref<64x128xf32, #tpu.memory_space<vmem>>, vector<1x16xf32>,
      %parallel_loop3A_587 = vector.shape_cast %parallel_loop3A_586 : vector<1x16xf32> to vector<16xf32>
      %parallel_loop3A_588 = arith.mulf %parallel_loop3A_587, %broadcast_in_dim3A_10 : vector<16xf32>
      %parallel_loop3A_589 = arith.addf %parallel_loop3A_588, %parallel_loop3A_583 : vector<16xf32>
      %parallel_loop3A_590 = arith.index_cast %parallel_loop3A_521 : i32 to index
      %parallel_loop3A_591 = arith.constant 32 : index
      %parallel_loop3A_592 = tpu.vector_load %arg10[%parallel_loop3A_590, %parallel_loop3A_591] {strides = array<i32>} : memref<64x128xf32, #tpu.memory_space<vmem>>, vector<1x16xf32>,
      %parallel_loop3A_593 = vector.shape_cast %parallel_loop3A_592 : vector<1x16xf32> to vector<16xf32>
      %parallel_loop3A_594 = vector.shape_cast %parallel_loop3A_589 : vector<16xf32> to vector<1x16xf32>
      tpu.vector_store %arg10[%parallel_loop3A_590, %parallel_loop3A_591], %parallel_loop3A_594 {strides = array<i32>} : memref<64x128xf32, #tpu.memory_space<vmem>>, vector<1x16xf32>,
      %parallel_loop3A_595 = arith.index_cast %parallel_loop3A_521 : i32 to index
      %parallel_loop3A_596 = arith.constant 32 : index
      %parallel_loop3A_597 = tpu.vector_load %arg11[%parallel_loop3A_595, %parallel_loop3A_596] {strides = array<i32>} : memref<64x128xf32, #tpu.memory_space<vmem>>, vector<1x16xf32>,
      %parallel_loop3A_598 = vector.shape_cast %parallel_loop3A_597 : vector<1x16xf32> to vector<16xf32>
      %parallel_loop3A_599 = arith.mulf %parallel_loop3A_598, %broadcast_in_dim3A_10 : vector<16xf32>
      %parallel_loop3A_600 = arith.addf %parallel_loop3A_599, %parallel_loop3A_583 : vector<16xf32>
      %parallel_loop3A_601 = arith.index_cast %parallel_loop3A_521 : i32 to index
      %parallel_loop3A_602 = arith.constant 32 : index
      %parallel_loop3A_603 = tpu.vector_load %arg11[%parallel_loop3A_601, %parallel_loop3A_602] {strides = array<i32>} : memref<64x128xf32, #tpu.memory_space<vmem>>, vector<1x16xf32>,
      %parallel_loop3A_604 = vector.shape_cast %parallel_loop3A_603 : vector<1x16xf32> to vector<16xf32>
      %parallel_loop3A_605 = vector.shape_cast %parallel_loop3A_600 : vector<16xf32> to vector<1x16xf32>
      tpu.vector_store %arg11[%parallel_loop3A_601, %parallel_loop3A_602], %parallel_loop3A_605 {strides = array<i32>} : memref<64x128xf32, #tpu.memory_space<vmem>>, vector<1x16xf32>,
      %parallel_loop3A_606 = arith.constant 64 : i32
      %parallel_loop3A_607 = arith.addi %parallel_loop3A_606, %parallel_loop3A_521 : i32
      %parallel_loop3A_608 = arith.index_cast %parallel_loop3A_607 : i32 to index
      %parallel_loop3A_609 = arith.constant 48 : index
      %parallel_loop3A_610 = tpu.vector_load %arg7[%parallel_loop3A_608, %parallel_loop3A_609] {strides = array<i32>} : memref<256x128xf32, #tpu.memory_space<vmem>>, vector<1x16xf32>,
      %parallel_loop3A_611 = vector.shape_cast %parallel_loop3A_610 : vector<1x16xf32> to vector<16xf32>
      %parallel_loop3A_612 = arith.index_cast %parallel_loop3A_521 : i32 to index
      %parallel_loop3A_613 = arith.constant 48 : index
      %parallel_loop3A_614 = tpu.vector_load %arg10[%parallel_loop3A_612, %parallel_loop3A_613] {strides = array<i32>} : memref<64x128xf32, #tpu.memory_space<vmem>>, vector<1x16xf32>,
      %parallel_loop3A_615 = vector.shape_cast %parallel_loop3A_614 : vector<1x16xf32> to vector<16xf32>
      %parallel_loop3A_616 = arith.mulf %parallel_loop3A_615, %broadcast_in_dim3A_10 : vector<16xf32>
      %parallel_loop3A_617 = arith.addf %parallel_loop3A_616, %parallel_loop3A_611 : vector<16xf32>
      %parallel_loop3A_618 = arith.index_cast %parallel_loop3A_521 : i32 to index
      %parallel_loop3A_619 = arith.constant 48 : index
      %parallel_loop3A_620 = tpu.vector_load %arg10[%parallel_loop3A_618, %parallel_loop3A_619] {strides = array<i32>} : memref<64x128xf32, #tpu.memory_space<vmem>>, vector<1x16xf32>,
      %parallel_loop3A_621 = vector.shape_cast %parallel_loop3A_620 : vector<1x16xf32> to vector<16xf32>
      %parallel_loop3A_622 = vector.shape_cast %parallel_loop3A_617 : vector<16xf32> to vector<1x16xf32>
      tpu.vector_store %arg10[%parallel_loop3A_618, %parallel_loop3A_619], %parallel_loop3A_622 {strides = array<i32>} : memref<64x128xf32, #tpu.memory_space<vmem>>, vector<1x16xf32>,
      %parallel_loop3A_623 = arith.index_cast %parallel_loop3A_521 : i32 to index
      %parallel_loop3A_624 = arith.constant 48 : index
      %parallel_loop3A_625 = tpu.vector_load %arg11[%parallel_loop3A_623, %parallel_loop3A_624] {strides = array<i32>} : memref<64x128xf32, #tpu.memory_space<vmem>>, vector<1x16xf32>,
      %parallel_loop3A_626 = vector.shape_cast %parallel_loop3A_625 : vector<1x16xf32> to vector<16xf32>
      %parallel_loop3A_627 = arith.mulf %parallel_loop3A_626, %broadcast_in_dim3A_10 : vector<16xf32>
      %parallel_loop3A_628 = arith.addf %parallel_loop3A_627, %parallel_loop3A_611 : vector<16xf32>
      %parallel_loop3A_629 = arith.index_cast %parallel_loop3A_521 : i32 to index
      %parallel_loop3A_630 = arith.constant 48 : index
      %parallel_loop3A_631 = tpu.vector_load %arg11[%parallel_loop3A_629, %parallel_loop3A_630] {strides = array<i32>} : memref<64x128xf32, #tpu.memory_space<vmem>>, vector<1x16xf32>,
      %parallel_loop3A_632 = vector.shape_cast %parallel_loop3A_631 : vector<1x16xf32> to vector<16xf32>
      %parallel_loop3A_633 = vector.shape_cast %parallel_loop3A_628 : vector<16xf32> to vector<1x16xf32>
      tpu.vector_store %arg11[%parallel_loop3A_629, %parallel_loop3A_630], %parallel_loop3A_633 {strides = array<i32>} : memref<64x128xf32, #tpu.memory_space<vmem>>, vector<1x16xf32>,
      %parallel_loop3A_634 = arith.constant 64 : i32
      %parallel_loop3A_635 = arith.addi %parallel_loop3A_634, %parallel_loop3A_521 : i32
      %parallel_loop3A_636 = arith.index_cast %parallel_loop3A_635 : i32 to index
      %parallel_loop3A_637 = arith.constant 64 : index
      %parallel_loop3A_638 = tpu.vector_load %arg7[%parallel_loop3A_636, %parallel_loop3A_637] {strides = array<i32>} : memref<256x128xf32, #tpu.memory_space<vmem>>, vector<1x16xf32>,
      %parallel_loop3A_639 = vector.shape_cast %parallel_loop3A_638 : vector<1x16xf32> to vector<16xf32>
      %parallel_loop3A_640 = arith.index_cast %parallel_loop3A_521 : i32 to index
      %parallel_loop3A_641 = arith.constant 64 : index
      %parallel_loop3A_642 = tpu.vector_load %arg10[%parallel_loop3A_640, %parallel_loop3A_641] {strides = array<i32>} : memref<64x128xf32, #tpu.memory_space<vmem>>, vector<1x16xf32>,
      %parallel_loop3A_643 = vector.shape_cast %parallel_loop3A_642 : vector<1x16xf32> to vector<16xf32>
      %parallel_loop3A_644 = arith.mulf %parallel_loop3A_643, %broadcast_in_dim3A_10 : vector<16xf32>
      %parallel_loop3A_645 = arith.addf %parallel_loop3A_644, %parallel_loop3A_639 : vector<16xf32>
      %parallel_loop3A_646 = arith.index_cast %parallel_loop3A_521 : i32 to index
      %parallel_loop3A_647 = arith.constant 64 : index
      %parallel_loop3A_648 = tpu.vector_load %arg10[%parallel_loop3A_646, %parallel_loop3A_647] {strides = array<i32>} : memref<64x128xf32, #tpu.memory_space<vmem>>, vector<1x16xf32>,
      %parallel_loop3A_649 = vector.shape_cast %parallel_loop3A_648 : vector<1x16xf32> to vector<16xf32>
      %parallel_loop3A_650 = vector.shape_cast %parallel_loop3A_645 : vector<16xf32> to vector<1x16xf32>
      tpu.vector_store %arg10[%parallel_loop3A_646, %parallel_loop3A_647], %parallel_loop3A_650 {strides = array<i32>} : memref<64x128xf32, #tpu.memory_space<vmem>>, vector<1x16xf32>,
      %parallel_loop3A_651 = arith.index_cast %parallel_loop3A_521 : i32 to index
      %parallel_loop3A_652 = arith.constant 64 : index
      %parallel_loop3A_653 = tpu.vector_load %arg11[%parallel_loop3A_651, %parallel_loop3A_652] {strides = array<i32>} : memref<64x128xf32, #tpu.memory_space<vmem>>, vector<1x16xf32>,
      %parallel_loop3A_654 = vector.shape_cast %parallel_loop3A_653 : vector<1x16xf32> to vector<16xf32>
      %parallel_loop3A_655 = arith.mulf %parallel_loop3A_654, %broadcast_in_dim3A_10 : vector<16xf32>
      %parallel_loop3A_656 = arith.addf %parallel_loop3A_655, %parallel_loop3A_639 : vector<16xf32>
      %parallel_loop3A_657 = arith.index_cast %parallel_loop3A_521 : i32 to index
      %parallel_loop3A_658 = arith.constant 64 : index
      %parallel_loop3A_659 = tpu.vector_load %arg11[%parallel_loop3A_657, %parallel_loop3A_658] {strides = array<i32>} : memref<64x128xf32, #tpu.memory_space<vmem>>, vector<1x16xf32>,
      %parallel_loop3A_660 = vector.shape_cast %parallel_loop3A_659 : vector<1x16xf32> to vector<16xf32>
      %parallel_loop3A_661 = vector.shape_cast %parallel_loop3A_656 : vector<16xf32> to vector<1x16xf32>
      tpu.vector_store %arg11[%parallel_loop3A_657, %parallel_loop3A_658], %parallel_loop3A_661 {strides = array<i32>} : memref<64x128xf32, #tpu.memory_space<vmem>>, vector<1x16xf32>,
      %parallel_loop3A_662 = arith.constant 64 : i32
      %parallel_loop3A_663 = arith.addi %parallel_loop3A_662, %parallel_loop3A_521 : i32
      %parallel_loop3A_664 = arith.index_cast %parallel_loop3A_663 : i32 to index
      %parallel_loop3A_665 = arith.constant 80 : index
      %parallel_loop3A_666 = tpu.vector_load %arg7[%parallel_loop3A_664, %parallel_loop3A_665] {strides = array<i32>} : memref<256x128xf32, #tpu.memory_space<vmem>>, vector<1x16xf32>,
      %parallel_loop3A_667 = vector.shape_cast %parallel_loop3A_666 : vector<1x16xf32> to vector<16xf32>
      %parallel_loop3A_668 = arith.index_cast %parallel_loop3A_521 : i32 to index
      %parallel_loop3A_669 = arith.constant 80 : index
      %parallel_loop3A_670 = tpu.vector_load %arg10[%parallel_loop3A_668, %parallel_loop3A_669] {strides = array<i32>} : memref<64x128xf32, #tpu.memory_space<vmem>>, vector<1x16xf32>,
      %parallel_loop3A_671 = vector.shape_cast %parallel_loop3A_670 : vector<1x16xf32> to vector<16xf32>
      %parallel_loop3A_672 = arith.mulf %parallel_loop3A_671, %broadcast_in_dim3A_10 : vector<16xf32>
      %parallel_loop3A_673 = arith.addf %parallel_loop3A_672, %parallel_loop3A_667 : vector<16xf32>
      %parallel_loop3A_674 = arith.index_cast %parallel_loop3A_521 : i32 to index
      %parallel_loop3A_675 = arith.constant 80 : index
      %parallel_loop3A_676 = tpu.vector_load %arg10[%parallel_loop3A_674, %parallel_loop3A_675] {strides = array<i32>} : memref<64x128xf32, #tpu.memory_space<vmem>>, vector<1x16xf32>,
      %parallel_loop3A_677 = vector.shape_cast %parallel_loop3A_676 : vector<1x16xf32> to vector<16xf32>
      %parallel_loop3A_678 = vector.shape_cast %parallel_loop3A_673 : vector<16xf32> to vector<1x16xf32>
      tpu.vector_store %arg10[%parallel_loop3A_674, %parallel_loop3A_675], %parallel_loop3A_678 {strides = array<i32>} : memref<64x128xf32, #tpu.memory_space<vmem>>, vector<1x16xf32>,
      %parallel_loop3A_679 = arith.index_cast %parallel_loop3A_521 : i32 to index
      %parallel_loop3A_680 = arith.constant 80 : index
      %parallel_loop3A_681 = tpu.vector_load %arg11[%parallel_loop3A_679, %parallel_loop3A_680] {strides = array<i32>} : memref<64x128xf32, #tpu.memory_space<vmem>>, vector<1x16xf32>,
      %parallel_loop3A_682 = vector.shape_cast %parallel_loop3A_681 : vector<1x16xf32> to vector<16xf32>
      %parallel_loop3A_683 = arith.mulf %parallel_loop3A_682, %broadcast_in_dim3A_10 : vector<16xf32>
      %parallel_loop3A_684 = arith.addf %parallel_loop3A_683, %parallel_loop3A_667 : vector<16xf32>
      %parallel_loop3A_685 = arith.index_cast %parallel_loop3A_521 : i32 to index
      %parallel_loop3A_686 = arith.constant 80 : index
      %parallel_loop3A_687 = tpu.vector_load %arg11[%parallel_loop3A_685, %parallel_loop3A_686] {strides = array<i32>} : memref<64x128xf32, #tpu.memory_space<vmem>>, vector<1x16xf32>,
      %parallel_loop3A_688 = vector.shape_cast %parallel_loop3A_687 : vector<1x16xf32> to vector<16xf32>
      %parallel_loop3A_689 = vector.shape_cast %parallel_loop3A_684 : vector<16xf32> to vector<1x16xf32>
      tpu.vector_store %arg11[%parallel_loop3A_685, %parallel_loop3A_686], %parallel_loop3A_689 {strides = array<i32>} : memref<64x128xf32, #tpu.memory_space<vmem>>, vector<1x16xf32>,
      %parallel_loop3A_690 = arith.constant 64 : i32
      %parallel_loop3A_691 = arith.addi %parallel_loop3A_690, %parallel_loop3A_521 : i32
      %parallel_loop3A_692 = arith.index_cast %parallel_loop3A_691 : i32 to index
      %parallel_loop3A_693 = arith.constant 96 : index
      %parallel_loop3A_694 = tpu.vector_load %arg7[%parallel_loop3A_692, %parallel_loop3A_693] {strides = array<i32>} : memref<256x128xf32, #tpu.memory_space<vmem>>, vector<1x16xf32>,
      %parallel_loop3A_695 = vector.shape_cast %parallel_loop3A_694 : vector<1x16xf32> to vector<16xf32>
      %parallel_loop3A_696 = arith.index_cast %parallel_loop3A_521 : i32 to index
      %parallel_loop3A_697 = arith.constant 96 : index
      %parallel_loop3A_698 = tpu.vector_load %arg10[%parallel_loop3A_696, %parallel_loop3A_697] {strides = array<i32>} : memref<64x128xf32, #tpu.memory_space<vmem>>, vector<1x16xf32>,
      %parallel_loop3A_699 = vector.shape_cast %parallel_loop3A_698 : vector<1x16xf32> to vector<16xf32>
      %parallel_loop3A_700 = arith.mulf %parallel_loop3A_699, %broadcast_in_dim3A_10 : vector<16xf32>
      %parallel_loop3A_701 = arith.addf %parallel_loop3A_700, %parallel_loop3A_695 : vector<16xf32>
      %parallel_loop3A_702 = arith.index_cast %parallel_loop3A_521 : i32 to index
      %parallel_loop3A_703 = arith.constant 96 : index
      %parallel_loop3A_704 = tpu.vector_load %arg10[%parallel_loop3A_702, %parallel_loop3A_703] {strides = array<i32>} : memref<64x128xf32, #tpu.memory_space<vmem>>, vector<1x16xf32>,
      %parallel_loop3A_705 = vector.shape_cast %parallel_loop3A_704 : vector<1x16xf32> to vector<16xf32>
      %parallel_loop3A_706 = vector.shape_cast %parallel_loop3A_701 : vector<16xf32> to vector<1x16xf32>
      tpu.vector_store %arg10[%parallel_loop3A_702, %parallel_loop3A_703], %parallel_loop3A_706 {strides = array<i32>} : memref<64x128xf32, #tpu.memory_space<vmem>>, vector<1x16xf32>,
      %parallel_loop3A_707 = arith.index_cast %parallel_loop3A_521 : i32 to index
      %parallel_loop3A_708 = arith.constant 96 : index
      %parallel_loop3A_709 = tpu.vector_load %arg11[%parallel_loop3A_707, %parallel_loop3A_708] {strides = array<i32>} : memref<64x128xf32, #tpu.memory_space<vmem>>, vector<1x16xf32>,
      %parallel_loop3A_710 = vector.shape_cast %parallel_loop3A_709 : vector<1x16xf32> to vector<16xf32>
      %parallel_loop3A_711 = arith.mulf %parallel_loop3A_710, %broadcast_in_dim3A_10 : vector<16xf32>
      %parallel_loop3A_712 = arith.addf %parallel_loop3A_711, %parallel_loop3A_695 : vector<16xf32>
      %parallel_loop3A_713 = arith.index_cast %parallel_loop3A_521 : i32 to index
      %parallel_loop3A_714 = arith.constant 96 : index
      %parallel_loop3A_715 = tpu.vector_load %arg11[%parallel_loop3A_713, %parallel_loop3A_714] {strides = array<i32>} : memref<64x128xf32, #tpu.memory_space<vmem>>, vector<1x16xf32>,
      %parallel_loop3A_716 = vector.shape_cast %parallel_loop3A_715 : vector<1x16xf32> to vector<16xf32>
      %parallel_loop3A_717 = vector.shape_cast %parallel_loop3A_712 : vector<16xf32> to vector<1x16xf32>
      tpu.vector_store %arg11[%parallel_loop3A_713, %parallel_loop3A_714], %parallel_loop3A_717 {strides = array<i32>} : memref<64x128xf32, #tpu.memory_space<vmem>>, vector<1x16xf32>,
      %parallel_loop3A_718 = arith.constant 64 : i32
      %parallel_loop3A_719 = arith.addi %parallel_loop3A_718, %parallel_loop3A_521 : i32
      %parallel_loop3A_720 = arith.index_cast %parallel_loop3A_719 : i32 to index
      %parallel_loop3A_721 = arith.constant 112 : index
      %parallel_loop3A_722 = tpu.vector_load %arg7[%parallel_loop3A_720, %parallel_loop3A_721] {strides = array<i32>} : memref<256x128xf32, #tpu.memory_space<vmem>>, vector<1x16xf32>,
      %parallel_loop3A_723 = vector.shape_cast %parallel_loop3A_722 : vector<1x16xf32> to vector<16xf32>
      %parallel_loop3A_724 = arith.index_cast %parallel_loop3A_521 : i32 to index
      %parallel_loop3A_725 = arith.constant 112 : index
      %parallel_loop3A_726 = tpu.vector_load %arg10[%parallel_loop3A_724, %parallel_loop3A_725] {strides = array<i32>} : memref<64x128xf32, #tpu.memory_space<vmem>>, vector<1x16xf32>,
      %parallel_loop3A_727 = vector.shape_cast %parallel_loop3A_726 : vector<1x16xf32> to vector<16xf32>
      %parallel_loop3A_728 = arith.mulf %parallel_loop3A_727, %broadcast_in_dim3A_10 : vector<16xf32>
      %parallel_loop3A_729 = arith.addf %parallel_loop3A_728, %parallel_loop3A_723 : vector<16xf32>
      %parallel_loop3A_730 = arith.index_cast %parallel_loop3A_521 : i32 to index
      %parallel_loop3A_731 = arith.constant 112 : index
      %parallel_loop3A_732 = tpu.vector_load %arg10[%parallel_loop3A_730, %parallel_loop3A_731] {strides = array<i32>} : memref<64x128xf32, #tpu.memory_space<vmem>>, vector<1x16xf32>,
      %parallel_loop3A_733 = vector.shape_cast %parallel_loop3A_732 : vector<1x16xf32> to vector<16xf32>
      %parallel_loop3A_734 = vector.shape_cast %parallel_loop3A_729 : vector<16xf32> to vector<1x16xf32>
      tpu.vector_store %arg10[%parallel_loop3A_730, %parallel_loop3A_731], %parallel_loop3A_734 {strides = array<i32>} : memref<64x128xf32, #tpu.memory_space<vmem>>, vector<1x16xf32>,
      %parallel_loop3A_735 = arith.index_cast %parallel_loop3A_521 : i32 to index
      %parallel_loop3A_736 = arith.constant 112 : index
      %parallel_loop3A_737 = tpu.vector_load %arg11[%parallel_loop3A_735, %parallel_loop3A_736] {strides = array<i32>} : memref<64x128xf32, #tpu.memory_space<vmem>>, vector<1x16xf32>,
      %parallel_loop3A_738 = vector.shape_cast %parallel_loop3A_737 : vector<1x16xf32> to vector<16xf32>
      %parallel_loop3A_739 = arith.mulf %parallel_loop3A_738, %broadcast_in_dim3A_10 : vector<16xf32>
      %parallel_loop3A_740 = arith.addf %parallel_loop3A_739, %parallel_loop3A_723 : vector<16xf32>
      %parallel_loop3A_741 = arith.index_cast %parallel_loop3A_521 : i32 to index
      %parallel_loop3A_742 = arith.constant 112 : index
      %parallel_loop3A_743 = tpu.vector_load %arg11[%parallel_loop3A_741, %parallel_loop3A_742] {strides = array<i32>} : memref<64x128xf32, #tpu.memory_space<vmem>>, vector<1x16xf32>,
      %parallel_loop3A_744 = vector.shape_cast %parallel_loop3A_743 : vector<1x16xf32> to vector<16xf32>
      %parallel_loop3A_745 = vector.shape_cast %parallel_loop3A_740 : vector<16xf32> to vector<1x16xf32>
      tpu.vector_store %arg11[%parallel_loop3A_741, %parallel_loop3A_742], %parallel_loop3A_745 {strides = array<i32>} : memref<64x128xf32, #tpu.memory_space<vmem>>, vector<1x16xf32>,
    } {sc.loop_unroll_factor = 1 : i64, sc.parallel_access}
    %add3A_153 = arith.constant 64 : i32
    %add3A_154 = arith.addi %mul3A_2, %add3A_153 : i32
    %dma_start3A_155 = arith.constant 0 : i32
    %dma_start3A_156 = arith.constant 0 : i32
    %dma_start3A_157 = tpu.memref_slice %arg5[%dma_start3A_155, %add3A_154, %dma_start3A_156] : memref<4x8192x128xf32, #tpu.memory_space<hbm>> -> memref<1x64x128xf32, #tpu.memory_space<hbm>>
    %dma_start3A_158 = tpu.memref_squeeze %dma_start3A_157 : memref<1x64x128xf32, #tpu.memory_space<hbm>> -> memref<64x128xf32, #tpu.memory_space<hbm>>
    %dma_start3A_159 = arith.constant 0 : i32
    %dma_start3A_160 = tpu.memref_slice %arg5[%dma_start3A_155, %add3A_154, %dma_start3A_159] : memref<4x8192x128xf32, #tpu.memory_space<hbm>> -> memref<1x64x128xf32, #tpu.memory_space<hbm>>
    %dma_start3A_161 = tpu.memref_squeeze %dma_start3A_160 : memref<1x64x128xf32, #tpu.memory_space<hbm>> -> memref<64x128xf32, #tpu.memory_space<hbm>>
    tpu.enqueue_dma source(%arg10 : memref<64x128xf32, #tpu.memory_space<vmem>>) target(%dma_start3A_161 : memref<64x128xf32, #tpu.memory_space<hbm>>) target_semaphore(%arg26 : memref<!tpu.dma_semaphore, #tpu.memory_space<semaphore_mem>>)
    %add3A_162 = arith.constant 64 : i32
    %add3A_163 = arith.addi %mul3A_2, %add3A_162 : i32
    %dma_start3A_164 = arith.constant 1 : i32
    %dma_start3A_165 = arith.constant 0 : i32
    %dma_start3A_166 = tpu.memref_slice %arg5[%dma_start3A_164, %add3A_163, %dma_start3A_165] : memref<4x8192x128xf32, #tpu.memory_space<hbm>> -> memref<1x64x128xf32, #tpu.memory_space<hbm>>
    %dma_start3A_167 = tpu.memref_squeeze %dma_start3A_166 : memref<1x64x128xf32, #tpu.memory_space<hbm>> -> memref<64x128xf32, #tpu.memory_space<hbm>>
    %dma_start3A_168 = arith.constant 0 : i32
    %dma_start3A_169 = tpu.memref_slice %arg5[%dma_start3A_164, %add3A_163, %dma_start3A_168] : memref<4x8192x128xf32, #tpu.memory_space<hbm>> -> memref<1x64x128xf32, #tpu.memory_space<hbm>>
    %dma_start3A_170 = tpu.memref_squeeze %dma_start3A_169 : memref<1x64x128xf32, #tpu.memory_space<hbm>> -> memref<64x128xf32, #tpu.memory_space<hbm>>
    tpu.enqueue_dma source(%arg11 : memref<64x128xf32, #tpu.memory_space<vmem>>) target(%dma_start3A_170 : memref<64x128xf32, #tpu.memory_space<hbm>>) target_semaphore(%arg27 : memref<!tpu.dma_semaphore, #tpu.memory_space<semaphore_mem>>)
    %dma_wait3A_171 = arith.constant 0 : i32
    %dma_wait3A_172 = arith.constant 0 : i32
    %dma_wait3A_173 = tpu.memref_slice %arg5[%dma_wait3A_171, %add3A_154, %dma_wait3A_172] : memref<4x8192x128xf32, #tpu.memory_space<hbm>> -> memref<1x64x128xf32, #tpu.memory_space<hbm>>
    %dma_wait3A_174 = tpu.memref_squeeze %dma_wait3A_173 : memref<1x64x128xf32, #tpu.memory_space<hbm>> -> memref<64x128xf32, #tpu.memory_space<hbm>>
    %dma_wait3A_175 = arith.constant 0 : i32
    %dma_wait3A_176 = tpu.memref_slice %arg5[%dma_wait3A_171, %add3A_154, %dma_wait3A_175] : memref<4x8192x128xf32, #tpu.memory_space<hbm>> -> memref<1x64x128xf32, #tpu.memory_space<hbm>>
    %dma_wait3A_177 = tpu.memref_squeeze %dma_wait3A_176 : memref<1x64x128xf32, #tpu.memory_space<hbm>> -> memref<64x128xf32, #tpu.memory_space<hbm>>
    tpu.wait_dma2 semaphore(%arg26 : memref<!tpu.dma_semaphore, #tpu.memory_space<semaphore_mem>>) src(%arg10 : memref<64x128xf32, #tpu.memory_space<vmem>>) dst(%dma_wait3A_177 : memref<64x128xf32, #tpu.memory_space<hbm>>)
    %dma_wait3A_178 = arith.constant 1 : i32
    %dma_wait3A_179 = arith.constant 0 : i32
    %dma_wait3A_180 = tpu.memref_slice %arg5[%dma_wait3A_178, %add3A_163, %dma_wait3A_179] : memref<4x8192x128xf32, #tpu.memory_space<hbm>> -> memref<1x64x128xf32, #tpu.memory_space<hbm>>
    %dma_wait3A_181 = tpu.memref_squeeze %dma_wait3A_180 : memref<1x64x128xf32, #tpu.memory_space<hbm>> -> memref<64x128xf32, #tpu.memory_space<hbm>>
    %dma_wait3A_182 = arith.constant 0 : i32
    %dma_wait3A_183 = tpu.memref_slice %arg5[%dma_wait3A_178, %add3A_163, %dma_wait3A_182] : memref<4x8192x128xf32, #tpu.memory_space<hbm>> -> memref<1x64x128xf32, #tpu.memory_space<hbm>>
    %dma_wait3A_184 = tpu.memref_squeeze %dma_wait3A_183 : memref<1x64x128xf32, #tpu.memory_space<hbm>> -> memref<64x128xf32, #tpu.memory_space<hbm>>
    tpu.wait_dma2 semaphore(%arg27 : memref<!tpu.dma_semaphore, #tpu.memory_space<semaphore_mem>>) src(%arg11 : memref<64x128xf32, #tpu.memory_space<vmem>>) dst(%dma_wait3A_184 : memref<64x128xf32, #tpu.memory_space<hbm>>)
    %dma_start3A_185 = arith.constant 2 : i32
    %dma_start3A_186 = arith.constant 64 : i32
    %dma_start3A_187 = tpu.memref_slice %arg6[%dma_start3A_185, %dma_start3A_186] : memref<4x256xi32, #tpu.memory_space<vmem>> -> memref<1x64xi32, #tpu.memory_space<vmem>>
    %dma_start3A_188 = tpu.memref_squeeze %dma_start3A_187 : memref<1x64xi32, #tpu.memory_space<vmem>> -> memref<64xi32, #tpu.memory_space<vmem>>
    %dma_start3A_189 = arith.constant 0 : i32
    %dma_start3A_190 = arith.constant 0 : i32
    %dma_start3A_191 = tpu.memref_slice %arg2[%dma_start3A_189, %dma_start3A_190] : memref<1000000x128xf32, #tpu.memory_space<hbm>> -> memref<1000000x128xf32, #tpu.memory_space<hbm>>
    tpu.enqueue_indirect_dma source(%dma_start3A_191 : memref<1000000x128xf32, #tpu.memory_space<hbm>>) target(%arg10 : memref<64x128xf32, #tpu.memory_space<vmem>>) offsets(%dma_start3A_188 : memref<64xi32, #tpu.memory_space<vmem>>) semaphore(%arg18 : memref<!tpu.dma_semaphore, #tpu.memory_space<semaphore_mem>>)
    %dma_start3A_192 = arith.constant 3 : i32
    %dma_start3A_193 = arith.constant 64 : i32
    %dma_start3A_194 = tpu.memref_slice %arg6[%dma_start3A_192, %dma_start3A_193] : memref<4x256xi32, #tpu.memory_space<vmem>> -> memref<1x64xi32, #tpu.memory_space<vmem>>
    %dma_start3A_195 = tpu.memref_squeeze %dma_start3A_194 : memref<1x64xi32, #tpu.memory_space<vmem>> -> memref<64xi32, #tpu.memory_space<vmem>>
    %dma_start3A_196 = arith.constant 0 : i32
    %dma_start3A_197 = arith.constant 0 : i32
    %dma_start3A_198 = tpu.memref_slice %arg2[%dma_start3A_196, %dma_start3A_197] : memref<1000000x128xf32, #tpu.memory_space<hbm>> -> memref<1000000x128xf32, #tpu.memory_space<hbm>>
    tpu.enqueue_indirect_dma source(%dma_start3A_198 : memref<1000000x128xf32, #tpu.memory_space<hbm>>) target(%arg11 : memref<64x128xf32, #tpu.memory_space<vmem>>) offsets(%dma_start3A_195 : memref<64xi32, #tpu.memory_space<vmem>>) semaphore(%arg19 : memref<!tpu.dma_semaphore, #tpu.memory_space<semaphore_mem>>)
    %dma_wait3A_199 = arith.constant 0 : i32
    %dma_wait3A_200 = arith.constant 128 : i32
    %dma_wait3A_201 = tpu.memref_slice %arg6[%dma_wait3A_199, %dma_wait3A_200] : memref<4x256xi32, #tpu.memory_space<vmem>> -> memref<1x64xi32, #tpu.memory_space<vmem>>
    %dma_wait3A_202 = tpu.memref_squeeze %dma_wait3A_201 : memref<1x64xi32, #tpu.memory_space<vmem>> -> memref<64xi32, #tpu.memory_space<vmem>>
    %dma_wait3A_203 = arith.constant 0 : i32
    %dma_wait3A_204 = arith.constant 0 : i32
    %dma_wait3A_205 = tpu.memref_slice %arg2[%dma_wait3A_203, %dma_wait3A_204] : memref<1000000x128xf32, #tpu.memory_space<hbm>> -> memref<1000000x128xf32, #tpu.memory_space<hbm>>
    tpu.wait_indirect_dma semaphore(%arg20 : memref<!tpu.dma_semaphore, #tpu.memory_space<semaphore_mem>>) src(%dma_wait3A_205 : memref<1000000x128xf32, #tpu.memory_space<hbm>>) dst(%arg12 : memref<64x128xf32, #tpu.memory_space<vmem>>)
    %dma_wait3A_206 = arith.constant 1 : i32
    %dma_wait3A_207 = arith.constant 128 : i32
    %dma_wait3A_208 = tpu.memref_slice %arg6[%dma_wait3A_206, %dma_wait3A_207] : memref<4x256xi32, #tpu.memory_space<vmem>> -> memref<1x64xi32, #tpu.memory_space<vmem>>
    %dma_wait3A_209 = tpu.memref_squeeze %dma_wait3A_208 : memref<1x64xi32, #tpu.memory_space<vmem>> -> memref<64xi32, #tpu.memory_space<vmem>>
    %dma_wait3A_210 = arith.constant 0 : i32
    %dma_wait3A_211 = arith.constant 0 : i32
    %dma_wait3A_212 = tpu.memref_slice %arg2[%dma_wait3A_210, %dma_wait3A_211] : memref<1000000x128xf32, #tpu.memory_space<hbm>> -> memref<1000000x128xf32, #tpu.memory_space<hbm>>
    tpu.wait_indirect_dma semaphore(%arg21 : memref<!tpu.dma_semaphore, #tpu.memory_space<semaphore_mem>>) src(%dma_wait3A_212 : memref<1000000x128xf32, #tpu.memory_space<hbm>>) dst(%arg13 : memref<64x128xf32, #tpu.memory_space<vmem>>)
    %parallel_loop3A_213 = arith.constant 0 : i32
    %parallel_loop3A_214 = arith.constant 64 : i32
    %parallel_loop3A_215 = arith.constant 1 : i32
    scf.for %parallel_loop3A_521 = %parallel_loop3A_213 to %parallel_loop3A_214 step %parallel_loop3A_215  : i32 {
      %parallel_loop3A_522 = arith.constant 128 : i32
      %parallel_loop3A_523 = arith.addi %parallel_loop3A_522, %parallel_loop3A_521 : i32
      %parallel_loop3A_524 = arith.index_cast %parallel_loop3A_523 : i32 to index
      %parallel_loop3A_525 = arith.constant 0 : index
      %parallel_loop3A_526 = tpu.vector_load %arg7[%parallel_loop3A_524, %parallel_loop3A_525] {strides = array<i32>} : memref<256x128xf32, #tpu.memory_space<vmem>>, vector<1x16xf32>,
      %parallel_loop3A_527 = vector.shape_cast %parallel_loop3A_526 : vector<1x16xf32> to vector<16xf32>
      %parallel_loop3A_528 = arith.index_cast %parallel_loop3A_521 : i32 to index
      %parallel_loop3A_529 = arith.constant 0 : index
      %parallel_loop3A_530 = tpu.vector_load %arg12[%parallel_loop3A_528, %parallel_loop3A_529] {strides = array<i32>} : memref<64x128xf32, #tpu.memory_space<vmem>>, vector<1x16xf32>,
      %parallel_loop3A_531 = vector.shape_cast %parallel_loop3A_530 : vector<1x16xf32> to vector<16xf32>
      %parallel_loop3A_532 = arith.mulf %parallel_loop3A_531, %broadcast_in_dim3A_10 : vector<16xf32>
      %parallel_loop3A_533 = arith.addf %parallel_loop3A_532, %parallel_loop3A_527 : vector<16xf32>
      %parallel_loop3A_534 = arith.index_cast %parallel_loop3A_521 : i32 to index
      %parallel_loop3A_535 = arith.constant 0 : index
      %parallel_loop3A_536 = tpu.vector_load %arg12[%parallel_loop3A_534, %parallel_loop3A_535] {strides = array<i32>} : memref<64x128xf32, #tpu.memory_space<vmem>>, vector<1x16xf32>,
      %parallel_loop3A_537 = vector.shape_cast %parallel_loop3A_536 : vector<1x16xf32> to vector<16xf32>
      %parallel_loop3A_538 = vector.shape_cast %parallel_loop3A_533 : vector<16xf32> to vector<1x16xf32>
      tpu.vector_store %arg12[%parallel_loop3A_534, %parallel_loop3A_535], %parallel_loop3A_538 {strides = array<i32>} : memref<64x128xf32, #tpu.memory_space<vmem>>, vector<1x16xf32>,
      %parallel_loop3A_539 = arith.index_cast %parallel_loop3A_521 : i32 to index
      %parallel_loop3A_540 = arith.constant 0 : index
      %parallel_loop3A_541 = tpu.vector_load %arg13[%parallel_loop3A_539, %parallel_loop3A_540] {strides = array<i32>} : memref<64x128xf32, #tpu.memory_space<vmem>>, vector<1x16xf32>,
      %parallel_loop3A_542 = vector.shape_cast %parallel_loop3A_541 : vector<1x16xf32> to vector<16xf32>
      %parallel_loop3A_543 = arith.mulf %parallel_loop3A_542, %broadcast_in_dim3A_10 : vector<16xf32>
      %parallel_loop3A_544 = arith.addf %parallel_loop3A_543, %parallel_loop3A_527 : vector<16xf32>
      %parallel_loop3A_545 = arith.index_cast %parallel_loop3A_521 : i32 to index
      %parallel_loop3A_546 = arith.constant 0 : index
      %parallel_loop3A_547 = tpu.vector_load %arg13[%parallel_loop3A_545, %parallel_loop3A_546] {strides = array<i32>} : memref<64x128xf32, #tpu.memory_space<vmem>>, vector<1x16xf32>,
      %parallel_loop3A_548 = vector.shape_cast %parallel_loop3A_547 : vector<1x16xf32> to vector<16xf32>
      %parallel_loop3A_549 = vector.shape_cast %parallel_loop3A_544 : vector<16xf32> to vector<1x16xf32>
      tpu.vector_store %arg13[%parallel_loop3A_545, %parallel_loop3A_546], %parallel_loop3A_549 {strides = array<i32>} : memref<64x128xf32, #tpu.memory_space<vmem>>, vector<1x16xf32>,
      %parallel_loop3A_550 = arith.constant 128 : i32
      %parallel_loop3A_551 = arith.addi %parallel_loop3A_550, %parallel_loop3A_521 : i32
      %parallel_loop3A_552 = arith.index_cast %parallel_loop3A_551 : i32 to index
      %parallel_loop3A_553 = arith.constant 16 : index
      %parallel_loop3A_554 = tpu.vector_load %arg7[%parallel_loop3A_552, %parallel_loop3A_553] {strides = array<i32>} : memref<256x128xf32, #tpu.memory_space<vmem>>, vector<1x16xf32>,
      %parallel_loop3A_555 = vector.shape_cast %parallel_loop3A_554 : vector<1x16xf32> to vector<16xf32>
      %parallel_loop3A_556 = arith.index_cast %parallel_loop3A_521 : i32 to index
      %parallel_loop3A_557 = arith.constant 16 : index
      %parallel_loop3A_558 = tpu.vector_load %arg12[%parallel_loop3A_556, %parallel_loop3A_557] {strides = array<i32>} : memref<64x128xf32, #tpu.memory_space<vmem>>, vector<1x16xf32>,
      %parallel_loop3A_559 = vector.shape_cast %parallel_loop3A_558 : vector<1x16xf32> to vector<16xf32>
      %parallel_loop3A_560 = arith.mulf %parallel_loop3A_559, %broadcast_in_dim3A_10 : vector<16xf32>
      %parallel_loop3A_561 = arith.addf %parallel_loop3A_560, %parallel_loop3A_555 : vector<16xf32>
      %parallel_loop3A_562 = arith.index_cast %parallel_loop3A_521 : i32 to index
      %parallel_loop3A_563 = arith.constant 16 : index
      %parallel_loop3A_564 = tpu.vector_load %arg12[%parallel_loop3A_562, %parallel_loop3A_563] {strides = array<i32>} : memref<64x128xf32, #tpu.memory_space<vmem>>, vector<1x16xf32>,
      %parallel_loop3A_565 = vector.shape_cast %parallel_loop3A_564 : vector<1x16xf32> to vector<16xf32>
      %parallel_loop3A_566 = vector.shape_cast %parallel_loop3A_561 : vector<16xf32> to vector<1x16xf32>
      tpu.vector_store %arg12[%parallel_loop3A_562, %parallel_loop3A_563], %parallel_loop3A_566 {strides = array<i32>} : memref<64x128xf32, #tpu.memory_space<vmem>>, vector<1x16xf32>,
      %parallel_loop3A_567 = arith.index_cast %parallel_loop3A_521 : i32 to index
      %parallel_loop3A_568 = arith.constant 16 : index
      %parallel_loop3A_569 = tpu.vector_load %arg13[%parallel_loop3A_567, %parallel_loop3A_568] {strides = array<i32>} : memref<64x128xf32, #tpu.memory_space<vmem>>, vector<1x16xf32>,
      %parallel_loop3A_570 = vector.shape_cast %parallel_loop3A_569 : vector<1x16xf32> to vector<16xf32>
      %parallel_loop3A_571 = arith.mulf %parallel_loop3A_570, %broadcast_in_dim3A_10 : vector<16xf32>
      %parallel_loop3A_572 = arith.addf %parallel_loop3A_571, %parallel_loop3A_555 : vector<16xf32>
      %parallel_loop3A_573 = arith.index_cast %parallel_loop3A_521 : i32 to index
      %parallel_loop3A_574 = arith.constant 16 : index
      %parallel_loop3A_575 = tpu.vector_load %arg13[%parallel_loop3A_573, %parallel_loop3A_574] {strides = array<i32>} : memref<64x128xf32, #tpu.memory_space<vmem>>, vector<1x16xf32>,
      %parallel_loop3A_576 = vector.shape_cast %parallel_loop3A_575 : vector<1x16xf32> to vector<16xf32>
      %parallel_loop3A_577 = vector.shape_cast %parallel_loop3A_572 : vector<16xf32> to vector<1x16xf32>
      tpu.vector_store %arg13[%parallel_loop3A_573, %parallel_loop3A_574], %parallel_loop3A_577 {strides = array<i32>} : memref<64x128xf32, #tpu.memory_space<vmem>>, vector<1x16xf32>,
      %parallel_loop3A_578 = arith.constant 128 : i32
      %parallel_loop3A_579 = arith.addi %parallel_loop3A_578, %parallel_loop3A_521 : i32
      %parallel_loop3A_580 = arith.index_cast %parallel_loop3A_579 : i32 to index
      %parallel_loop3A_581 = arith.constant 32 : index
      %parallel_loop3A_582 = tpu.vector_load %arg7[%parallel_loop3A_580, %parallel_loop3A_581] {strides = array<i32>} : memref<256x128xf32, #tpu.memory_space<vmem>>, vector<1x16xf32>,
      %parallel_loop3A_583 = vector.shape_cast %parallel_loop3A_582 : vector<1x16xf32> to vector<16xf32>
      %parallel_loop3A_584 = arith.index_cast %parallel_loop3A_521 : i32 to index
      %parallel_loop3A_585 = arith.constant 32 : index
      %parallel_loop3A_586 = tpu.vector_load %arg12[%parallel_loop3A_584, %parallel_loop3A_585] {strides = array<i32>} : memref<64x128xf32, #tpu.memory_space<vmem>>, vector<1x16xf32>,
      %parallel_loop3A_587 = vector.shape_cast %parallel_loop3A_586 : vector<1x16xf32> to vector<16xf32>
      %parallel_loop3A_588 = arith.mulf %parallel_loop3A_587, %broadcast_in_dim3A_10 : vector<16xf32>
      %parallel_loop3A_589 = arith.addf %parallel_loop3A_588, %parallel_loop3A_583 : vector<16xf32>
      %parallel_loop3A_590 = arith.index_cast %parallel_loop3A_521 : i32 to index
      %parallel_loop3A_591 = arith.constant 32 : index
      %parallel_loop3A_592 = tpu.vector_load %arg12[%parallel_loop3A_590, %parallel_loop3A_591] {strides = array<i32>} : memref<64x128xf32, #tpu.memory_space<vmem>>, vector<1x16xf32>,
      %parallel_loop3A_593 = vector.shape_cast %parallel_loop3A_592 : vector<1x16xf32> to vector<16xf32>
      %parallel_loop3A_594 = vector.shape_cast %parallel_loop3A_589 : vector<16xf32> to vector<1x16xf32>
      tpu.vector_store %arg12[%parallel_loop3A_590, %parallel_loop3A_591], %parallel_loop3A_594 {strides = array<i32>} : memref<64x128xf32, #tpu.memory_space<vmem>>, vector<1x16xf32>,
      %parallel_loop3A_595 = arith.index_cast %parallel_loop3A_521 : i32 to index
      %parallel_loop3A_596 = arith.constant 32 : index
      %parallel_loop3A_597 = tpu.vector_load %arg13[%parallel_loop3A_595, %parallel_loop3A_596] {strides = array<i32>} : memref<64x128xf32, #tpu.memory_space<vmem>>, vector<1x16xf32>,
      %parallel_loop3A_598 = vector.shape_cast %parallel_loop3A_597 : vector<1x16xf32> to vector<16xf32>
      %parallel_loop3A_599 = arith.mulf %parallel_loop3A_598, %broadcast_in_dim3A_10 : vector<16xf32>
      %parallel_loop3A_600 = arith.addf %parallel_loop3A_599, %parallel_loop3A_583 : vector<16xf32>
      %parallel_loop3A_601 = arith.index_cast %parallel_loop3A_521 : i32 to index
      %parallel_loop3A_602 = arith.constant 32 : index
      %parallel_loop3A_603 = tpu.vector_load %arg13[%parallel_loop3A_601, %parallel_loop3A_602] {strides = array<i32>} : memref<64x128xf32, #tpu.memory_space<vmem>>, vector<1x16xf32>,
      %parallel_loop3A_604 = vector.shape_cast %parallel_loop3A_603 : vector<1x16xf32> to vector<16xf32>
      %parallel_loop3A_605 = vector.shape_cast %parallel_loop3A_600 : vector<16xf32> to vector<1x16xf32>
      tpu.vector_store %arg13[%parallel_loop3A_601, %parallel_loop3A_602], %parallel_loop3A_605 {strides = array<i32>} : memref<64x128xf32, #tpu.memory_space<vmem>>, vector<1x16xf32>,
      %parallel_loop3A_606 = arith.constant 128 : i32
      %parallel_loop3A_607 = arith.addi %parallel_loop3A_606, %parallel_loop3A_521 : i32
      %parallel_loop3A_608 = arith.index_cast %parallel_loop3A_607 : i32 to index
      %parallel_loop3A_609 = arith.constant 48 : index
      %parallel_loop3A_610 = tpu.vector_load %arg7[%parallel_loop3A_608, %parallel_loop3A_609] {strides = array<i32>} : memref<256x128xf32, #tpu.memory_space<vmem>>, vector<1x16xf32>,
      %parallel_loop3A_611 = vector.shape_cast %parallel_loop3A_610 : vector<1x16xf32> to vector<16xf32>
      %parallel_loop3A_612 = arith.index_cast %parallel_loop3A_521 : i32 to index
      %parallel_loop3A_613 = arith.constant 48 : index
      %parallel_loop3A_614 = tpu.vector_load %arg12[%parallel_loop3A_612, %parallel_loop3A_613] {strides = array<i32>} : memref<64x128xf32, #tpu.memory_space<vmem>>, vector<1x16xf32>,
      %parallel_loop3A_615 = vector.shape_cast %parallel_loop3A_614 : vector<1x16xf32> to vector<16xf32>
      %parallel_loop3A_616 = arith.mulf %parallel_loop3A_615, %broadcast_in_dim3A_10 : vector<16xf32>
      %parallel_loop3A_617 = arith.addf %parallel_loop3A_616, %parallel_loop3A_611 : vector<16xf32>
      %parallel_loop3A_618 = arith.index_cast %parallel_loop3A_521 : i32 to index
      %parallel_loop3A_619 = arith.constant 48 : index
      %parallel_loop3A_620 = tpu.vector_load %arg12[%parallel_loop3A_618, %parallel_loop3A_619] {strides = array<i32>} : memref<64x128xf32, #tpu.memory_space<vmem>>, vector<1x16xf32>,
      %parallel_loop3A_621 = vector.shape_cast %parallel_loop3A_620 : vector<1x16xf32> to vector<16xf32>
      %parallel_loop3A_622 = vector.shape_cast %parallel_loop3A_617 : vector<16xf32> to vector<1x16xf32>
      tpu.vector_store %arg12[%parallel_loop3A_618, %parallel_loop3A_619], %parallel_loop3A_622 {strides = array<i32>} : memref<64x128xf32, #tpu.memory_space<vmem>>, vector<1x16xf32>,
      %parallel_loop3A_623 = arith.index_cast %parallel_loop3A_521 : i32 to index
      %parallel_loop3A_624 = arith.constant 48 : index
      %parallel_loop3A_625 = tpu.vector_load %arg13[%parallel_loop3A_623, %parallel_loop3A_624] {strides = array<i32>} : memref<64x128xf32, #tpu.memory_space<vmem>>, vector<1x16xf32>,
      %parallel_loop3A_626 = vector.shape_cast %parallel_loop3A_625 : vector<1x16xf32> to vector<16xf32>
      %parallel_loop3A_627 = arith.mulf %parallel_loop3A_626, %broadcast_in_dim3A_10 : vector<16xf32>
      %parallel_loop3A_628 = arith.addf %parallel_loop3A_627, %parallel_loop3A_611 : vector<16xf32>
      %parallel_loop3A_629 = arith.index_cast %parallel_loop3A_521 : i32 to index
      %parallel_loop3A_630 = arith.constant 48 : index
      %parallel_loop3A_631 = tpu.vector_load %arg13[%parallel_loop3A_629, %parallel_loop3A_630] {strides = array<i32>} : memref<64x128xf32, #tpu.memory_space<vmem>>, vector<1x16xf32>,
      %parallel_loop3A_632 = vector.shape_cast %parallel_loop3A_631 : vector<1x16xf32> to vector<16xf32>
      %parallel_loop3A_633 = vector.shape_cast %parallel_loop3A_628 : vector<16xf32> to vector<1x16xf32>
      tpu.vector_store %arg13[%parallel_loop3A_629, %parallel_loop3A_630], %parallel_loop3A_633 {strides = array<i32>} : memref<64x128xf32, #tpu.memory_space<vmem>>, vector<1x16xf32>,
      %parallel_loop3A_634 = arith.constant 128 : i32
      %parallel_loop3A_635 = arith.addi %parallel_loop3A_634, %parallel_loop3A_521 : i32
      %parallel_loop3A_636 = arith.index_cast %parallel_loop3A_635 : i32 to index
      %parallel_loop3A_637 = arith.constant 64 : index
      %parallel_loop3A_638 = tpu.vector_load %arg7[%parallel_loop3A_636, %parallel_loop3A_637] {strides = array<i32>} : memref<256x128xf32, #tpu.memory_space<vmem>>, vector<1x16xf32>,
      %parallel_loop3A_639 = vector.shape_cast %parallel_loop3A_638 : vector<1x16xf32> to vector<16xf32>
      %parallel_loop3A_640 = arith.index_cast %parallel_loop3A_521 : i32 to index
      %parallel_loop3A_641 = arith.constant 64 : index
      %parallel_loop3A_642 = tpu.vector_load %arg12[%parallel_loop3A_640, %parallel_loop3A_641] {strides = array<i32>} : memref<64x128xf32, #tpu.memory_space<vmem>>, vector<1x16xf32>,
      %parallel_loop3A_643 = vector.shape_cast %parallel_loop3A_642 : vector<1x16xf32> to vector<16xf32>
      %parallel_loop3A_644 = arith.mulf %parallel_loop3A_643, %broadcast_in_dim3A_10 : vector<16xf32>
      %parallel_loop3A_645 = arith.addf %parallel_loop3A_644, %parallel_loop3A_639 : vector<16xf32>
      %parallel_loop3A_646 = arith.index_cast %parallel_loop3A_521 : i32 to index
      %parallel_loop3A_647 = arith.constant 64 : index
      %parallel_loop3A_648 = tpu.vector_load %arg12[%parallel_loop3A_646, %parallel_loop3A_647] {strides = array<i32>} : memref<64x128xf32, #tpu.memory_space<vmem>>, vector<1x16xf32>,
      %parallel_loop3A_649 = vector.shape_cast %parallel_loop3A_648 : vector<1x16xf32> to vector<16xf32>
      %parallel_loop3A_650 = vector.shape_cast %parallel_loop3A_645 : vector<16xf32> to vector<1x16xf32>
      tpu.vector_store %arg12[%parallel_loop3A_646, %parallel_loop3A_647], %parallel_loop3A_650 {strides = array<i32>} : memref<64x128xf32, #tpu.memory_space<vmem>>, vector<1x16xf32>,
      %parallel_loop3A_651 = arith.index_cast %parallel_loop3A_521 : i32 to index
      %parallel_loop3A_652 = arith.constant 64 : index
      %parallel_loop3A_653 = tpu.vector_load %arg13[%parallel_loop3A_651, %parallel_loop3A_652] {strides = array<i32>} : memref<64x128xf32, #tpu.memory_space<vmem>>, vector<1x16xf32>,
      %parallel_loop3A_654 = vector.shape_cast %parallel_loop3A_653 : vector<1x16xf32> to vector<16xf32>
      %parallel_loop3A_655 = arith.mulf %parallel_loop3A_654, %broadcast_in_dim3A_10 : vector<16xf32>
      %parallel_loop3A_656 = arith.addf %parallel_loop3A_655, %parallel_loop3A_639 : vector<16xf32>
      %parallel_loop3A_657 = arith.index_cast %parallel_loop3A_521 : i32 to index
      %parallel_loop3A_658 = arith.constant 64 : index
      %parallel_loop3A_659 = tpu.vector_load %arg13[%parallel_loop3A_657, %parallel_loop3A_658] {strides = array<i32>} : memref<64x128xf32, #tpu.memory_space<vmem>>, vector<1x16xf32>,
      %parallel_loop3A_660 = vector.shape_cast %parallel_loop3A_659 : vector<1x16xf32> to vector<16xf32>
      %parallel_loop3A_661 = vector.shape_cast %parallel_loop3A_656 : vector<16xf32> to vector<1x16xf32>
      tpu.vector_store %arg13[%parallel_loop3A_657, %parallel_loop3A_658], %parallel_loop3A_661 {strides = array<i32>} : memref<64x128xf32, #tpu.memory_space<vmem>>, vector<1x16xf32>,
      %parallel_loop3A_662 = arith.constant 128 : i32
      %parallel_loop3A_663 = arith.addi %parallel_loop3A_662, %parallel_loop3A_521 : i32
      %parallel_loop3A_664 = arith.index_cast %parallel_loop3A_663 : i32 to index
      %parallel_loop3A_665 = arith.constant 80 : index
      %parallel_loop3A_666 = tpu.vector_load %arg7[%parallel_loop3A_664, %parallel_loop3A_665] {strides = array<i32>} : memref<256x128xf32, #tpu.memory_space<vmem>>, vector<1x16xf32>,
      %parallel_loop3A_667 = vector.shape_cast %parallel_loop3A_666 : vector<1x16xf32> to vector<16xf32>
      %parallel_loop3A_668 = arith.index_cast %parallel_loop3A_521 : i32 to index
      %parallel_loop3A_669 = arith.constant 80 : index
      %parallel_loop3A_670 = tpu.vector_load %arg12[%parallel_loop3A_668, %parallel_loop3A_669] {strides = array<i32>} : memref<64x128xf32, #tpu.memory_space<vmem>>, vector<1x16xf32>,
      %parallel_loop3A_671 = vector.shape_cast %parallel_loop3A_670 : vector<1x16xf32> to vector<16xf32>
      %parallel_loop3A_672 = arith.mulf %parallel_loop3A_671, %broadcast_in_dim3A_10 : vector<16xf32>
      %parallel_loop3A_673 = arith.addf %parallel_loop3A_672, %parallel_loop3A_667 : vector<16xf32>
      %parallel_loop3A_674 = arith.index_cast %parallel_loop3A_521 : i32 to index
      %parallel_loop3A_675 = arith.constant 80 : index
      %parallel_loop3A_676 = tpu.vector_load %arg12[%parallel_loop3A_674, %parallel_loop3A_675] {strides = array<i32>} : memref<64x128xf32, #tpu.memory_space<vmem>>, vector<1x16xf32>,
      %parallel_loop3A_677 = vector.shape_cast %parallel_loop3A_676 : vector<1x16xf32> to vector<16xf32>
      %parallel_loop3A_678 = vector.shape_cast %parallel_loop3A_673 : vector<16xf32> to vector<1x16xf32>
      tpu.vector_store %arg12[%parallel_loop3A_674, %parallel_loop3A_675], %parallel_loop3A_678 {strides = array<i32>} : memref<64x128xf32, #tpu.memory_space<vmem>>, vector<1x16xf32>,
      %parallel_loop3A_679 = arith.index_cast %parallel_loop3A_521 : i32 to index
      %parallel_loop3A_680 = arith.constant 80 : index
      %parallel_loop3A_681 = tpu.vector_load %arg13[%parallel_loop3A_679, %parallel_loop3A_680] {strides = array<i32>} : memref<64x128xf32, #tpu.memory_space<vmem>>, vector<1x16xf32>,
      %parallel_loop3A_682 = vector.shape_cast %parallel_loop3A_681 : vector<1x16xf32> to vector<16xf32>
      %parallel_loop3A_683 = arith.mulf %parallel_loop3A_682, %broadcast_in_dim3A_10 : vector<16xf32>
      %parallel_loop3A_684 = arith.addf %parallel_loop3A_683, %parallel_loop3A_667 : vector<16xf32>
      %parallel_loop3A_685 = arith.index_cast %parallel_loop3A_521 : i32 to index
      %parallel_loop3A_686 = arith.constant 80 : index
      %parallel_loop3A_687 = tpu.vector_load %arg13[%parallel_loop3A_685, %parallel_loop3A_686] {strides = array<i32>} : memref<64x128xf32, #tpu.memory_space<vmem>>, vector<1x16xf32>,
      %parallel_loop3A_688 = vector.shape_cast %parallel_loop3A_687 : vector<1x16xf32> to vector<16xf32>
      %parallel_loop3A_689 = vector.shape_cast %parallel_loop3A_684 : vector<16xf32> to vector<1x16xf32>
      tpu.vector_store %arg13[%parallel_loop3A_685, %parallel_loop3A_686], %parallel_loop3A_689 {strides = array<i32>} : memref<64x128xf32, #tpu.memory_space<vmem>>, vector<1x16xf32>,
      %parallel_loop3A_690 = arith.constant 128 : i32
      %parallel_loop3A_691 = arith.addi %parallel_loop3A_690, %parallel_loop3A_521 : i32
      %parallel_loop3A_692 = arith.index_cast %parallel_loop3A_691 : i32 to index
      %parallel_loop3A_693 = arith.constant 96 : index
      %parallel_loop3A_694 = tpu.vector_load %arg7[%parallel_loop3A_692, %parallel_loop3A_693] {strides = array<i32>} : memref<256x128xf32, #tpu.memory_space<vmem>>, vector<1x16xf32>,
      %parallel_loop3A_695 = vector.shape_cast %parallel_loop3A_694 : vector<1x16xf32> to vector<16xf32>
      %parallel_loop3A_696 = arith.index_cast %parallel_loop3A_521 : i32 to index
      %parallel_loop3A_697 = arith.constant 96 : index
      %parallel_loop3A_698 = tpu.vector_load %arg12[%parallel_loop3A_696, %parallel_loop3A_697] {strides = array<i32>} : memref<64x128xf32, #tpu.memory_space<vmem>>, vector<1x16xf32>,
      %parallel_loop3A_699 = vector.shape_cast %parallel_loop3A_698 : vector<1x16xf32> to vector<16xf32>
      %parallel_loop3A_700 = arith.mulf %parallel_loop3A_699, %broadcast_in_dim3A_10 : vector<16xf32>
      %parallel_loop3A_701 = arith.addf %parallel_loop3A_700, %parallel_loop3A_695 : vector<16xf32>
      %parallel_loop3A_702 = arith.index_cast %parallel_loop3A_521 : i32 to index
      %parallel_loop3A_703 = arith.constant 96 : index
      %parallel_loop3A_704 = tpu.vector_load %arg12[%parallel_loop3A_702, %parallel_loop3A_703] {strides = array<i32>} : memref<64x128xf32, #tpu.memory_space<vmem>>, vector<1x16xf32>,
      %parallel_loop3A_705 = vector.shape_cast %parallel_loop3A_704 : vector<1x16xf32> to vector<16xf32>
      %parallel_loop3A_706 = vector.shape_cast %parallel_loop3A_701 : vector<16xf32> to vector<1x16xf32>
      tpu.vector_store %arg12[%parallel_loop3A_702, %parallel_loop3A_703], %parallel_loop3A_706 {strides = array<i32>} : memref<64x128xf32, #tpu.memory_space<vmem>>, vector<1x16xf32>,
      %parallel_loop3A_707 = arith.index_cast %parallel_loop3A_521 : i32 to index
      %parallel_loop3A_708 = arith.constant 96 : index
      %parallel_loop3A_709 = tpu.vector_load %arg13[%parallel_loop3A_707, %parallel_loop3A_708] {strides = array<i32>} : memref<64x128xf32, #tpu.memory_space<vmem>>, vector<1x16xf32>,
      %parallel_loop3A_710 = vector.shape_cast %parallel_loop3A_709 : vector<1x16xf32> to vector<16xf32>
      %parallel_loop3A_711 = arith.mulf %parallel_loop3A_710, %broadcast_in_dim3A_10 : vector<16xf32>
      %parallel_loop3A_712 = arith.addf %parallel_loop3A_711, %parallel_loop3A_695 : vector<16xf32>
      %parallel_loop3A_713 = arith.index_cast %parallel_loop3A_521 : i32 to index
      %parallel_loop3A_714 = arith.constant 96 : index
      %parallel_loop3A_715 = tpu.vector_load %arg13[%parallel_loop3A_713, %parallel_loop3A_714] {strides = array<i32>} : memref<64x128xf32, #tpu.memory_space<vmem>>, vector<1x16xf32>,
      %parallel_loop3A_716 = vector.shape_cast %parallel_loop3A_715 : vector<1x16xf32> to vector<16xf32>
      %parallel_loop3A_717 = vector.shape_cast %parallel_loop3A_712 : vector<16xf32> to vector<1x16xf32>
      tpu.vector_store %arg13[%parallel_loop3A_713, %parallel_loop3A_714], %parallel_loop3A_717 {strides = array<i32>} : memref<64x128xf32, #tpu.memory_space<vmem>>, vector<1x16xf32>,
      %parallel_loop3A_718 = arith.constant 128 : i32
      %parallel_loop3A_719 = arith.addi %parallel_loop3A_718, %parallel_loop3A_521 : i32
      %parallel_loop3A_720 = arith.index_cast %parallel_loop3A_719 : i32 to index
      %parallel_loop3A_721 = arith.constant 112 : index
      %parallel_loop3A_722 = tpu.vector_load %arg7[%parallel_loop3A_720, %parallel_loop3A_721] {strides = array<i32>} : memref<256x128xf32, #tpu.memory_space<vmem>>, vector<1x16xf32>,
      %parallel_loop3A_723 = vector.shape_cast %parallel_loop3A_722 : vector<1x16xf32> to vector<16xf32>
      %parallel_loop3A_724 = arith.index_cast %parallel_loop3A_521 : i32 to index
      %parallel_loop3A_725 = arith.constant 112 : index
      %parallel_loop3A_726 = tpu.vector_load %arg12[%parallel_loop3A_724, %parallel_loop3A_725] {strides = array<i32>} : memref<64x128xf32, #tpu.memory_space<vmem>>, vector<1x16xf32>,
      %parallel_loop3A_727 = vector.shape_cast %parallel_loop3A_726 : vector<1x16xf32> to vector<16xf32>
      %parallel_loop3A_728 = arith.mulf %parallel_loop3A_727, %broadcast_in_dim3A_10 : vector<16xf32>
      %parallel_loop3A_729 = arith.addf %parallel_loop3A_728, %parallel_loop3A_723 : vector<16xf32>
      %parallel_loop3A_730 = arith.index_cast %parallel_loop3A_521 : i32 to index
      %parallel_loop3A_731 = arith.constant 112 : index
      %parallel_loop3A_732 = tpu.vector_load %arg12[%parallel_loop3A_730, %parallel_loop3A_731] {strides = array<i32>} : memref<64x128xf32, #tpu.memory_space<vmem>>, vector<1x16xf32>,
      %parallel_loop3A_733 = vector.shape_cast %parallel_loop3A_732 : vector<1x16xf32> to vector<16xf32>
      %parallel_loop3A_734 = vector.shape_cast %parallel_loop3A_729 : vector<16xf32> to vector<1x16xf32>
      tpu.vector_store %arg12[%parallel_loop3A_730, %parallel_loop3A_731], %parallel_loop3A_734 {strides = array<i32>} : memref<64x128xf32, #tpu.memory_space<vmem>>, vector<1x16xf32>,
      %parallel_loop3A_735 = arith.index_cast %parallel_loop3A_521 : i32 to index
      %parallel_loop3A_736 = arith.constant 112 : index
      %parallel_loop3A_737 = tpu.vector_load %arg13[%parallel_loop3A_735, %parallel_loop3A_736] {strides = array<i32>} : memref<64x128xf32, #tpu.memory_space<vmem>>, vector<1x16xf32>,
      %parallel_loop3A_738 = vector.shape_cast %parallel_loop3A_737 : vector<1x16xf32> to vector<16xf32>
      %parallel_loop3A_739 = arith.mulf %parallel_loop3A_738, %broadcast_in_dim3A_10 : vector<16xf32>
      %parallel_loop3A_740 = arith.addf %parallel_loop3A_739, %parallel_loop3A_723 : vector<16xf32>
      %parallel_loop3A_741 = arith.index_cast %parallel_loop3A_521 : i32 to index
      %parallel_loop3A_742 = arith.constant 112 : index
      %parallel_loop3A_743 = tpu.vector_load %arg13[%parallel_loop3A_741, %parallel_loop3A_742] {strides = array<i32>} : memref<64x128xf32, #tpu.memory_space<vmem>>, vector<1x16xf32>,
      %parallel_loop3A_744 = vector.shape_cast %parallel_loop3A_743 : vector<1x16xf32> to vector<16xf32>
      %parallel_loop3A_745 = vector.shape_cast %parallel_loop3A_740 : vector<16xf32> to vector<1x16xf32>
      tpu.vector_store %arg13[%parallel_loop3A_741, %parallel_loop3A_742], %parallel_loop3A_745 {strides = array<i32>} : memref<64x128xf32, #tpu.memory_space<vmem>>, vector<1x16xf32>,
    } {sc.loop_unroll_factor = 1 : i64, sc.parallel_access}
    %add3A_216 = arith.constant 128 : i32
    %add3A_217 = arith.addi %mul3A_2, %add3A_216 : i32
    %dma_start3A_218 = arith.constant 0 : i32
    %dma_start3A_219 = arith.constant 0 : i32
    %dma_start3A_220 = tpu.memref_slice %arg5[%dma_start3A_218, %add3A_217, %dma_start3A_219] : memref<4x8192x128xf32, #tpu.memory_space<hbm>> -> memref<1x64x128xf32, #tpu.memory_space<hbm>>
    %dma_start3A_221 = tpu.memref_squeeze %dma_start3A_220 : memref<1x64x128xf32, #tpu.memory_space<hbm>> -> memref<64x128xf32, #tpu.memory_space<hbm>>
    %dma_start3A_222 = arith.constant 0 : i32
    %dma_start3A_223 = tpu.memref_slice %arg5[%dma_start3A_218, %add3A_217, %dma_start3A_222] : memref<4x8192x128xf32, #tpu.memory_space<hbm>> -> memref<1x64x128xf32, #tpu.memory_space<hbm>>
    %dma_start3A_224 = tpu.memref_squeeze %dma_start3A_223 : memref<1x64x128xf32, #tpu.memory_space<hbm>> -> memref<64x128xf32, #tpu.memory_space<hbm>>
    tpu.enqueue_dma source(%arg12 : memref<64x128xf32, #tpu.memory_space<vmem>>) target(%dma_start3A_224 : memref<64x128xf32, #tpu.memory_space<hbm>>) target_semaphore(%arg28 : memref<!tpu.dma_semaphore, #tpu.memory_space<semaphore_mem>>)
    %add3A_225 = arith.constant 128 : i32
    %add3A_226 = arith.addi %mul3A_2, %add3A_225 : i32
    %dma_start3A_227 = arith.constant 1 : i32
    %dma_start3A_228 = arith.constant 0 : i32
    %dma_start3A_229 = tpu.memref_slice %arg5[%dma_start3A_227, %add3A_226, %dma_start3A_228] : memref<4x8192x128xf32, #tpu.memory_space<hbm>> -> memref<1x64x128xf32, #tpu.memory_space<hbm>>
    %dma_start3A_230 = tpu.memref_squeeze %dma_start3A_229 : memref<1x64x128xf32, #tpu.memory_space<hbm>> -> memref<64x128xf32, #tpu.memory_space<hbm>>
    %dma_start3A_231 = arith.constant 0 : i32
    %dma_start3A_232 = tpu.memref_slice %arg5[%dma_start3A_227, %add3A_226, %dma_start3A_231] : memref<4x8192x128xf32, #tpu.memory_space<hbm>> -> memref<1x64x128xf32, #tpu.memory_space<hbm>>
    %dma_start3A_233 = tpu.memref_squeeze %dma_start3A_232 : memref<1x64x128xf32, #tpu.memory_space<hbm>> -> memref<64x128xf32, #tpu.memory_space<hbm>>
    tpu.enqueue_dma source(%arg13 : memref<64x128xf32, #tpu.memory_space<vmem>>) target(%dma_start3A_233 : memref<64x128xf32, #tpu.memory_space<hbm>>) target_semaphore(%arg29 : memref<!tpu.dma_semaphore, #tpu.memory_space<semaphore_mem>>)
    %dma_wait3A_234 = arith.constant 0 : i32
    %dma_wait3A_235 = arith.constant 0 : i32
    %dma_wait3A_236 = tpu.memref_slice %arg5[%dma_wait3A_234, %add3A_217, %dma_wait3A_235] : memref<4x8192x128xf32, #tpu.memory_space<hbm>> -> memref<1x64x128xf32, #tpu.memory_space<hbm>>
    %dma_wait3A_237 = tpu.memref_squeeze %dma_wait3A_236 : memref<1x64x128xf32, #tpu.memory_space<hbm>> -> memref<64x128xf32, #tpu.memory_space<hbm>>
    %dma_wait3A_238 = arith.constant 0 : i32
    %dma_wait3A_239 = tpu.memref_slice %arg5[%dma_wait3A_234, %add3A_217, %dma_wait3A_238] : memref<4x8192x128xf32, #tpu.memory_space<hbm>> -> memref<1x64x128xf32, #tpu.memory_space<hbm>>
    %dma_wait3A_240 = tpu.memref_squeeze %dma_wait3A_239 : memref<1x64x128xf32, #tpu.memory_space<hbm>> -> memref<64x128xf32, #tpu.memory_space<hbm>>
    tpu.wait_dma2 semaphore(%arg28 : memref<!tpu.dma_semaphore, #tpu.memory_space<semaphore_mem>>) src(%arg12 : memref<64x128xf32, #tpu.memory_space<vmem>>) dst(%dma_wait3A_240 : memref<64x128xf32, #tpu.memory_space<hbm>>)
    %dma_wait3A_241 = arith.constant 1 : i32
    %dma_wait3A_242 = arith.constant 0 : i32
    %dma_wait3A_243 = tpu.memref_slice %arg5[%dma_wait3A_241, %add3A_226, %dma_wait3A_242] : memref<4x8192x128xf32, #tpu.memory_space<hbm>> -> memref<1x64x128xf32, #tpu.memory_space<hbm>>
    %dma_wait3A_244 = tpu.memref_squeeze %dma_wait3A_243 : memref<1x64x128xf32, #tpu.memory_space<hbm>> -> memref<64x128xf32, #tpu.memory_space<hbm>>
    %dma_wait3A_245 = arith.constant 0 : i32
    %dma_wait3A_246 = tpu.memref_slice %arg5[%dma_wait3A_241, %add3A_226, %dma_wait3A_245] : memref<4x8192x128xf32, #tpu.memory_space<hbm>> -> memref<1x64x128xf32, #tpu.memory_space<hbm>>
    %dma_wait3A_247 = tpu.memref_squeeze %dma_wait3A_246 : memref<1x64x128xf32, #tpu.memory_space<hbm>> -> memref<64x128xf32, #tpu.memory_space<hbm>>
    tpu.wait_dma2 semaphore(%arg29 : memref<!tpu.dma_semaphore, #tpu.memory_space<semaphore_mem>>) src(%arg13 : memref<64x128xf32, #tpu.memory_space<vmem>>) dst(%dma_wait3A_247 : memref<64x128xf32, #tpu.memory_space<hbm>>)
    %dma_start3A_248 = arith.constant 2 : i32
    %dma_start3A_249 = arith.constant 128 : i32
    %dma_start3A_250 = tpu.memref_slice %arg6[%dma_start3A_248, %dma_start3A_249] : memref<4x256xi32, #tpu.memory_space<vmem>> -> memref<1x64xi32, #tpu.memory_space<vmem>>
    %dma_start3A_251 = tpu.memref_squeeze %dma_start3A_250 : memref<1x64xi32, #tpu.memory_space<vmem>> -> memref<64xi32, #tpu.memory_space<vmem>>
    %dma_start3A_252 = arith.constant 0 : i32
    %dma_start3A_253 = arith.constant 0 : i32
    %dma_start3A_254 = tpu.memref_slice %arg2[%dma_start3A_252, %dma_start3A_253] : memref<1000000x128xf32, #tpu.memory_space<hbm>> -> memref<1000000x128xf32, #tpu.memory_space<hbm>>
    tpu.enqueue_indirect_dma source(%dma_start3A_254 : memref<1000000x128xf32, #tpu.memory_space<hbm>>) target(%arg12 : memref<64x128xf32, #tpu.memory_space<vmem>>) offsets(%dma_start3A_251 : memref<64xi32, #tpu.memory_space<vmem>>) semaphore(%arg20 : memref<!tpu.dma_semaphore, #tpu.memory_space<semaphore_mem>>)
    %dma_start3A_255 = arith.constant 3 : i32
    %dma_start3A_256 = arith.constant 128 : i32
    %dma_start3A_257 = tpu.memref_slice %arg6[%dma_start3A_255, %dma_start3A_256] : memref<4x256xi32, #tpu.memory_space<vmem>> -> memref<1x64xi32, #tpu.memory_space<vmem>>
    %dma_start3A_258 = tpu.memref_squeeze %dma_start3A_257 : memref<1x64xi32, #tpu.memory_space<vmem>> -> memref<64xi32, #tpu.memory_space<vmem>>
    %dma_start3A_259 = arith.constant 0 : i32
    %dma_start3A_260 = arith.constant 0 : i32
    %dma_start3A_261 = tpu.memref_slice %arg2[%dma_start3A_259, %dma_start3A_260] : memref<1000000x128xf32, #tpu.memory_space<hbm>> -> memref<1000000x128xf32, #tpu.memory_space<hbm>>
    tpu.enqueue_indirect_dma source(%dma_start3A_261 : memref<1000000x128xf32, #tpu.memory_space<hbm>>) target(%arg13 : memref<64x128xf32, #tpu.memory_space<vmem>>) offsets(%dma_start3A_258 : memref<64xi32, #tpu.memory_space<vmem>>) semaphore(%arg21 : memref<!tpu.dma_semaphore, #tpu.memory_space<semaphore_mem>>)
    %dma_wait3A_262 = arith.constant 0 : i32
    %dma_wait3A_263 = arith.constant 192 : i32
    %dma_wait3A_264 = tpu.memref_slice %arg6[%dma_wait3A_262, %dma_wait3A_263] : memref<4x256xi32, #tpu.memory_space<vmem>> -> memref<1x64xi32, #tpu.memory_space<vmem>>
    %dma_wait3A_265 = tpu.memref_squeeze %dma_wait3A_264 : memref<1x64xi32, #tpu.memory_space<vmem>> -> memref<64xi32, #tpu.memory_space<vmem>>
    %dma_wait3A_266 = arith.constant 0 : i32
    %dma_wait3A_267 = arith.constant 0 : i32
    %dma_wait3A_268 = tpu.memref_slice %arg2[%dma_wait3A_266, %dma_wait3A_267] : memref<1000000x128xf32, #tpu.memory_space<hbm>> -> memref<1000000x128xf32, #tpu.memory_space<hbm>>
    tpu.wait_indirect_dma semaphore(%arg22 : memref<!tpu.dma_semaphore, #tpu.memory_space<semaphore_mem>>) src(%dma_wait3A_268 : memref<1000000x128xf32, #tpu.memory_space<hbm>>) dst(%arg14 : memref<64x128xf32, #tpu.memory_space<vmem>>)
    %dma_wait3A_269 = arith.constant 1 : i32
    %dma_wait3A_270 = arith.constant 192 : i32
    %dma_wait3A_271 = tpu.memref_slice %arg6[%dma_wait3A_269, %dma_wait3A_270] : memref<4x256xi32, #tpu.memory_space<vmem>> -> memref<1x64xi32, #tpu.memory_space<vmem>>
    %dma_wait3A_272 = tpu.memref_squeeze %dma_wait3A_271 : memref<1x64xi32, #tpu.memory_space<vmem>> -> memref<64xi32, #tpu.memory_space<vmem>>
    %dma_wait3A_273 = arith.constant 0 : i32
    %dma_wait3A_274 = arith.constant 0 : i32
    %dma_wait3A_275 = tpu.memref_slice %arg2[%dma_wait3A_273, %dma_wait3A_274] : memref<1000000x128xf32, #tpu.memory_space<hbm>> -> memref<1000000x128xf32, #tpu.memory_space<hbm>>
    tpu.wait_indirect_dma semaphore(%arg23 : memref<!tpu.dma_semaphore, #tpu.memory_space<semaphore_mem>>) src(%dma_wait3A_275 : memref<1000000x128xf32, #tpu.memory_space<hbm>>) dst(%arg15 : memref<64x128xf32, #tpu.memory_space<vmem>>)
    %parallel_loop3A_276 = arith.constant 0 : i32
    %parallel_loop3A_277 = arith.constant 64 : i32
    %parallel_loop3A_278 = arith.constant 1 : i32
    scf.for %parallel_loop3A_521 = %parallel_loop3A_276 to %parallel_loop3A_277 step %parallel_loop3A_278  : i32 {
      %parallel_loop3A_522 = arith.constant 192 : i32
      %parallel_loop3A_523 = arith.addi %parallel_loop3A_522, %parallel_loop3A_521 : i32
      %parallel_loop3A_524 = arith.index_cast %parallel_loop3A_523 : i32 to index
      %parallel_loop3A_525 = arith.constant 0 : index
      %parallel_loop3A_526 = tpu.vector_load %arg7[%parallel_loop3A_524, %parallel_loop3A_525] {strides = array<i32>} : memref<256x128xf32, #tpu.memory_space<vmem>>, vector<1x16xf32>,
      %parallel_loop3A_527 = vector.shape_cast %parallel_loop3A_526 : vector<1x16xf32> to vector<16xf32>
      %parallel_loop3A_528 = arith.index_cast %parallel_loop3A_521 : i32 to index
      %parallel_loop3A_529 = arith.constant 0 : index
      %parallel_loop3A_530 = tpu.vector_load %arg14[%parallel_loop3A_528, %parallel_loop3A_529] {strides = array<i32>} : memref<64x128xf32, #tpu.memory_space<vmem>>, vector<1x16xf32>,
      %parallel_loop3A_531 = vector.shape_cast %parallel_loop3A_530 : vector<1x16xf32> to vector<16xf32>
      %parallel_loop3A_532 = arith.mulf %parallel_loop3A_531, %broadcast_in_dim3A_10 : vector<16xf32>
      %parallel_loop3A_533 = arith.addf %parallel_loop3A_532, %parallel_loop3A_527 : vector<16xf32>
      %parallel_loop3A_534 = arith.index_cast %parallel_loop3A_521 : i32 to index
      %parallel_loop3A_535 = arith.constant 0 : index
      %parallel_loop3A_536 = tpu.vector_load %arg14[%parallel_loop3A_534, %parallel_loop3A_535] {strides = array<i32>} : memref<64x128xf32, #tpu.memory_space<vmem>>, vector<1x16xf32>,
      %parallel_loop3A_537 = vector.shape_cast %parallel_loop3A_536 : vector<1x16xf32> to vector<16xf32>
      %parallel_loop3A_538 = vector.shape_cast %parallel_loop3A_533 : vector<16xf32> to vector<1x16xf32>
      tpu.vector_store %arg14[%parallel_loop3A_534, %parallel_loop3A_535], %parallel_loop3A_538 {strides = array<i32>} : memref<64x128xf32, #tpu.memory_space<vmem>>, vector<1x16xf32>,
      %parallel_loop3A_539 = arith.index_cast %parallel_loop3A_521 : i32 to index
      %parallel_loop3A_540 = arith.constant 0 : index
      %parallel_loop3A_541 = tpu.vector_load %arg15[%parallel_loop3A_539, %parallel_loop3A_540] {strides = array<i32>} : memref<64x128xf32, #tpu.memory_space<vmem>>, vector<1x16xf32>,
      %parallel_loop3A_542 = vector.shape_cast %parallel_loop3A_541 : vector<1x16xf32> to vector<16xf32>
      %parallel_loop3A_543 = arith.mulf %parallel_loop3A_542, %broadcast_in_dim3A_10 : vector<16xf32>
      %parallel_loop3A_544 = arith.addf %parallel_loop3A_543, %parallel_loop3A_527 : vector<16xf32>
      %parallel_loop3A_545 = arith.index_cast %parallel_loop3A_521 : i32 to index
      %parallel_loop3A_546 = arith.constant 0 : index
      %parallel_loop3A_547 = tpu.vector_load %arg15[%parallel_loop3A_545, %parallel_loop3A_546] {strides = array<i32>} : memref<64x128xf32, #tpu.memory_space<vmem>>, vector<1x16xf32>,
      %parallel_loop3A_548 = vector.shape_cast %parallel_loop3A_547 : vector<1x16xf32> to vector<16xf32>
      %parallel_loop3A_549 = vector.shape_cast %parallel_loop3A_544 : vector<16xf32> to vector<1x16xf32>
      tpu.vector_store %arg15[%parallel_loop3A_545, %parallel_loop3A_546], %parallel_loop3A_549 {strides = array<i32>} : memref<64x128xf32, #tpu.memory_space<vmem>>, vector<1x16xf32>,
      %parallel_loop3A_550 = arith.constant 192 : i32
      %parallel_loop3A_551 = arith.addi %parallel_loop3A_550, %parallel_loop3A_521 : i32
      %parallel_loop3A_552 = arith.index_cast %parallel_loop3A_551 : i32 to index
      %parallel_loop3A_553 = arith.constant 16 : index
      %parallel_loop3A_554 = tpu.vector_load %arg7[%parallel_loop3A_552, %parallel_loop3A_553] {strides = array<i32>} : memref<256x128xf32, #tpu.memory_space<vmem>>, vector<1x16xf32>,
      %parallel_loop3A_555 = vector.shape_cast %parallel_loop3A_554 : vector<1x16xf32> to vector<16xf32>
      %parallel_loop3A_556 = arith.index_cast %parallel_loop3A_521 : i32 to index
      %parallel_loop3A_557 = arith.constant 16 : index
      %parallel_loop3A_558 = tpu.vector_load %arg14[%parallel_loop3A_556, %parallel_loop3A_557] {strides = array<i32>} : memref<64x128xf32, #tpu.memory_space<vmem>>, vector<1x16xf32>,
      %parallel_loop3A_559 = vector.shape_cast %parallel_loop3A_558 : vector<1x16xf32> to vector<16xf32>
      %parallel_loop3A_560 = arith.mulf %parallel_loop3A_559, %broadcast_in_dim3A_10 : vector<16xf32>
      %parallel_loop3A_561 = arith.addf %parallel_loop3A_560, %parallel_loop3A_555 : vector<16xf32>
      %parallel_loop3A_562 = arith.index_cast %parallel_loop3A_521 : i32 to index
      %parallel_loop3A_563 = arith.constant 16 : index
      %parallel_loop3A_564 = tpu.vector_load %arg14[%parallel_loop3A_562, %parallel_loop3A_563] {strides = array<i32>} : memref<64x128xf32, #tpu.memory_space<vmem>>, vector<1x16xf32>,
      %parallel_loop3A_565 = vector.shape_cast %parallel_loop3A_564 : vector<1x16xf32> to vector<16xf32>
      %parallel_loop3A_566 = vector.shape_cast %parallel_loop3A_561 : vector<16xf32> to vector<1x16xf32>
      tpu.vector_store %arg14[%parallel_loop3A_562, %parallel_loop3A_563], %parallel_loop3A_566 {strides = array<i32>} : memref<64x128xf32, #tpu.memory_space<vmem>>, vector<1x16xf32>,
      %parallel_loop3A_567 = arith.index_cast %parallel_loop3A_521 : i32 to index
      %parallel_loop3A_568 = arith.constant 16 : index
      %parallel_loop3A_569 = tpu.vector_load %arg15[%parallel_loop3A_567, %parallel_loop3A_568] {strides = array<i32>} : memref<64x128xf32, #tpu.memory_space<vmem>>, vector<1x16xf32>,
      %parallel_loop3A_570 = vector.shape_cast %parallel_loop3A_569 : vector<1x16xf32> to vector<16xf32>
      %parallel_loop3A_571 = arith.mulf %parallel_loop3A_570, %broadcast_in_dim3A_10 : vector<16xf32>
      %parallel_loop3A_572 = arith.addf %parallel_loop3A_571, %parallel_loop3A_555 : vector<16xf32>
      %parallel_loop3A_573 = arith.index_cast %parallel_loop3A_521 : i32 to index
      %parallel_loop3A_574 = arith.constant 16 : index
      %parallel_loop3A_575 = tpu.vector_load %arg15[%parallel_loop3A_573, %parallel_loop3A_574] {strides = array<i32>} : memref<64x128xf32, #tpu.memory_space<vmem>>, vector<1x16xf32>,
      %parallel_loop3A_576 = vector.shape_cast %parallel_loop3A_575 : vector<1x16xf32> to vector<16xf32>
      %parallel_loop3A_577 = vector.shape_cast %parallel_loop3A_572 : vector<16xf32> to vector<1x16xf32>
      tpu.vector_store %arg15[%parallel_loop3A_573, %parallel_loop3A_574], %parallel_loop3A_577 {strides = array<i32>} : memref<64x128xf32, #tpu.memory_space<vmem>>, vector<1x16xf32>,
      %parallel_loop3A_578 = arith.constant 192 : i32
      %parallel_loop3A_579 = arith.addi %parallel_loop3A_578, %parallel_loop3A_521 : i32
      %parallel_loop3A_580 = arith.index_cast %parallel_loop3A_579 : i32 to index
      %parallel_loop3A_581 = arith.constant 32 : index
      %parallel_loop3A_582 = tpu.vector_load %arg7[%parallel_loop3A_580, %parallel_loop3A_581] {strides = array<i32>} : memref<256x128xf32, #tpu.memory_space<vmem>>, vector<1x16xf32>,
      %parallel_loop3A_583 = vector.shape_cast %parallel_loop3A_582 : vector<1x16xf32> to vector<16xf32>
      %parallel_loop3A_584 = arith.index_cast %parallel_loop3A_521 : i32 to index
      %parallel_loop3A_585 = arith.constant 32 : index
      %parallel_loop3A_586 = tpu.vector_load %arg14[%parallel_loop3A_584, %parallel_loop3A_585] {strides = array<i32>} : memref<64x128xf32, #tpu.memory_space<vmem>>, vector<1x16xf32>,
      %parallel_loop3A_587 = vector.shape_cast %parallel_loop3A_586 : vector<1x16xf32> to vector<16xf32>
      %parallel_loop3A_588 = arith.mulf %parallel_loop3A_587, %broadcast_in_dim3A_10 : vector<16xf32>
      %parallel_loop3A_589 = arith.addf %parallel_loop3A_588, %parallel_loop3A_583 : vector<16xf32>
      %parallel_loop3A_590 = arith.index_cast %parallel_loop3A_521 : i32 to index
      %parallel_loop3A_591 = arith.constant 32 : index
      %parallel_loop3A_592 = tpu.vector_load %arg14[%parallel_loop3A_590, %parallel_loop3A_591] {strides = array<i32>} : memref<64x128xf32, #tpu.memory_space<vmem>>, vector<1x16xf32>,
      %parallel_loop3A_593 = vector.shape_cast %parallel_loop3A_592 : vector<1x16xf32> to vector<16xf32>
      %parallel_loop3A_594 = vector.shape_cast %parallel_loop3A_589 : vector<16xf32> to vector<1x16xf32>
      tpu.vector_store %arg14[%parallel_loop3A_590, %parallel_loop3A_591], %parallel_loop3A_594 {strides = array<i32>} : memref<64x128xf32, #tpu.memory_space<vmem>>, vector<1x16xf32>,
      %parallel_loop3A_595 = arith.index_cast %parallel_loop3A_521 : i32 to index
      %parallel_loop3A_596 = arith.constant 32 : index
      %parallel_loop3A_597 = tpu.vector_load %arg15[%parallel_loop3A_595, %parallel_loop3A_596] {strides = array<i32>} : memref<64x128xf32, #tpu.memory_space<vmem>>, vector<1x16xf32>,
      %parallel_loop3A_598 = vector.shape_cast %parallel_loop3A_597 : vector<1x16xf32> to vector<16xf32>
      %parallel_loop3A_599 = arith.mulf %parallel_loop3A_598, %broadcast_in_dim3A_10 : vector<16xf32>
      %parallel_loop3A_600 = arith.addf %parallel_loop3A_599, %parallel_loop3A_583 : vector<16xf32>
      %parallel_loop3A_601 = arith.index_cast %parallel_loop3A_521 : i32 to index
      %parallel_loop3A_602 = arith.constant 32 : index
      %parallel_loop3A_603 = tpu.vector_load %arg15[%parallel_loop3A_601, %parallel_loop3A_602] {strides = array<i32>} : memref<64x128xf32, #tpu.memory_space<vmem>>, vector<1x16xf32>,
      %parallel_loop3A_604 = vector.shape_cast %parallel_loop3A_603 : vector<1x16xf32> to vector<16xf32>
      %parallel_loop3A_605 = vector.shape_cast %parallel_loop3A_600 : vector<16xf32> to vector<1x16xf32>
      tpu.vector_store %arg15[%parallel_loop3A_601, %parallel_loop3A_602], %parallel_loop3A_605 {strides = array<i32>} : memref<64x128xf32, #tpu.memory_space<vmem>>, vector<1x16xf32>,
      %parallel_loop3A_606 = arith.constant 192 : i32
      %parallel_loop3A_607 = arith.addi %parallel_loop3A_606, %parallel_loop3A_521 : i32
      %parallel_loop3A_608 = arith.index_cast %parallel_loop3A_607 : i32 to index
      %parallel_loop3A_609 = arith.constant 48 : index
      %parallel_loop3A_610 = tpu.vector_load %arg7[%parallel_loop3A_608, %parallel_loop3A_609] {strides = array<i32>} : memref<256x128xf32, #tpu.memory_space<vmem>>, vector<1x16xf32>,
      %parallel_loop3A_611 = vector.shape_cast %parallel_loop3A_610 : vector<1x16xf32> to vector<16xf32>
      %parallel_loop3A_612 = arith.index_cast %parallel_loop3A_521 : i32 to index
      %parallel_loop3A_613 = arith.constant 48 : index
      %parallel_loop3A_614 = tpu.vector_load %arg14[%parallel_loop3A_612, %parallel_loop3A_613] {strides = array<i32>} : memref<64x128xf32, #tpu.memory_space<vmem>>, vector<1x16xf32>,
      %parallel_loop3A_615 = vector.shape_cast %parallel_loop3A_614 : vector<1x16xf32> to vector<16xf32>
      %parallel_loop3A_616 = arith.mulf %parallel_loop3A_615, %broadcast_in_dim3A_10 : vector<16xf32>
      %parallel_loop3A_617 = arith.addf %parallel_loop3A_616, %parallel_loop3A_611 : vector<16xf32>
      %parallel_loop3A_618 = arith.index_cast %parallel_loop3A_521 : i32 to index
      %parallel_loop3A_619 = arith.constant 48 : index
      %parallel_loop3A_620 = tpu.vector_load %arg14[%parallel_loop3A_618, %parallel_loop3A_619] {strides = array<i32>} : memref<64x128xf32, #tpu.memory_space<vmem>>, vector<1x16xf32>,
      %parallel_loop3A_621 = vector.shape_cast %parallel_loop3A_620 : vector<1x16xf32> to vector<16xf32>
      %parallel_loop3A_622 = vector.shape_cast %parallel_loop3A_617 : vector<16xf32> to vector<1x16xf32>
      tpu.vector_store %arg14[%parallel_loop3A_618, %parallel_loop3A_619], %parallel_loop3A_622 {strides = array<i32>} : memref<64x128xf32, #tpu.memory_space<vmem>>, vector<1x16xf32>,
      %parallel_loop3A_623 = arith.index_cast %parallel_loop3A_521 : i32 to index
      %parallel_loop3A_624 = arith.constant 48 : index
      %parallel_loop3A_625 = tpu.vector_load %arg15[%parallel_loop3A_623, %parallel_loop3A_624] {strides = array<i32>} : memref<64x128xf32, #tpu.memory_space<vmem>>, vector<1x16xf32>,
      %parallel_loop3A_626 = vector.shape_cast %parallel_loop3A_625 : vector<1x16xf32> to vector<16xf32>
      %parallel_loop3A_627 = arith.mulf %parallel_loop3A_626, %broadcast_in_dim3A_10 : vector<16xf32>
      %parallel_loop3A_628 = arith.addf %parallel_loop3A_627, %parallel_loop3A_611 : vector<16xf32>
      %parallel_loop3A_629 = arith.index_cast %parallel_loop3A_521 : i32 to index
      %parallel_loop3A_630 = arith.constant 48 : index
      %parallel_loop3A_631 = tpu.vector_load %arg15[%parallel_loop3A_629, %parallel_loop3A_630] {strides = array<i32>} : memref<64x128xf32, #tpu.memory_space<vmem>>, vector<1x16xf32>,
      %parallel_loop3A_632 = vector.shape_cast %parallel_loop3A_631 : vector<1x16xf32> to vector<16xf32>
      %parallel_loop3A_633 = vector.shape_cast %parallel_loop3A_628 : vector<16xf32> to vector<1x16xf32>
      tpu.vector_store %arg15[%parallel_loop3A_629, %parallel_loop3A_630], %parallel_loop3A_633 {strides = array<i32>} : memref<64x128xf32, #tpu.memory_space<vmem>>, vector<1x16xf32>,
      %parallel_loop3A_634 = arith.constant 192 : i32
      %parallel_loop3A_635 = arith.addi %parallel_loop3A_634, %parallel_loop3A_521 : i32
      %parallel_loop3A_636 = arith.index_cast %parallel_loop3A_635 : i32 to index
      %parallel_loop3A_637 = arith.constant 64 : index
      %parallel_loop3A_638 = tpu.vector_load %arg7[%parallel_loop3A_636, %parallel_loop3A_637] {strides = array<i32>} : memref<256x128xf32, #tpu.memory_space<vmem>>, vector<1x16xf32>,
      %parallel_loop3A_639 = vector.shape_cast %parallel_loop3A_638 : vector<1x16xf32> to vector<16xf32>
      %parallel_loop3A_640 = arith.index_cast %parallel_loop3A_521 : i32 to index
      %parallel_loop3A_641 = arith.constant 64 : index
      %parallel_loop3A_642 = tpu.vector_load %arg14[%parallel_loop3A_640, %parallel_loop3A_641] {strides = array<i32>} : memref<64x128xf32, #tpu.memory_space<vmem>>, vector<1x16xf32>,
      %parallel_loop3A_643 = vector.shape_cast %parallel_loop3A_642 : vector<1x16xf32> to vector<16xf32>
      %parallel_loop3A_644 = arith.mulf %parallel_loop3A_643, %broadcast_in_dim3A_10 : vector<16xf32>
      %parallel_loop3A_645 = arith.addf %parallel_loop3A_644, %parallel_loop3A_639 : vector<16xf32>
      %parallel_loop3A_646 = arith.index_cast %parallel_loop3A_521 : i32 to index
      %parallel_loop3A_647 = arith.constant 64 : index
      %parallel_loop3A_648 = tpu.vector_load %arg14[%parallel_loop3A_646, %parallel_loop3A_647] {strides = array<i32>} : memref<64x128xf32, #tpu.memory_space<vmem>>, vector<1x16xf32>,
      %parallel_loop3A_649 = vector.shape_cast %parallel_loop3A_648 : vector<1x16xf32> to vector<16xf32>
      %parallel_loop3A_650 = vector.shape_cast %parallel_loop3A_645 : vector<16xf32> to vector<1x16xf32>
      tpu.vector_store %arg14[%parallel_loop3A_646, %parallel_loop3A_647], %parallel_loop3A_650 {strides = array<i32>} : memref<64x128xf32, #tpu.memory_space<vmem>>, vector<1x16xf32>,
      %parallel_loop3A_651 = arith.index_cast %parallel_loop3A_521 : i32 to index
      %parallel_loop3A_652 = arith.constant 64 : index
      %parallel_loop3A_653 = tpu.vector_load %arg15[%parallel_loop3A_651, %parallel_loop3A_652] {strides = array<i32>} : memref<64x128xf32, #tpu.memory_space<vmem>>, vector<1x16xf32>,
      %parallel_loop3A_654 = vector.shape_cast %parallel_loop3A_653 : vector<1x16xf32> to vector<16xf32>
      %parallel_loop3A_655 = arith.mulf %parallel_loop3A_654, %broadcast_in_dim3A_10 : vector<16xf32>
      %parallel_loop3A_656 = arith.addf %parallel_loop3A_655, %parallel_loop3A_639 : vector<16xf32>
      %parallel_loop3A_657 = arith.index_cast %parallel_loop3A_521 : i32 to index
      %parallel_loop3A_658 = arith.constant 64 : index
      %parallel_loop3A_659 = tpu.vector_load %arg15[%parallel_loop3A_657, %parallel_loop3A_658] {strides = array<i32>} : memref<64x128xf32, #tpu.memory_space<vmem>>, vector<1x16xf32>,
      %parallel_loop3A_660 = vector.shape_cast %parallel_loop3A_659 : vector<1x16xf32> to vector<16xf32>
      %parallel_loop3A_661 = vector.shape_cast %parallel_loop3A_656 : vector<16xf32> to vector<1x16xf32>
      tpu.vector_store %arg15[%parallel_loop3A_657, %parallel_loop3A_658], %parallel_loop3A_661 {strides = array<i32>} : memref<64x128xf32, #tpu.memory_space<vmem>>, vector<1x16xf32>,
      %parallel_loop3A_662 = arith.constant 192 : i32
      %parallel_loop3A_663 = arith.addi %parallel_loop3A_662, %parallel_loop3A_521 : i32
      %parallel_loop3A_664 = arith.index_cast %parallel_loop3A_663 : i32 to index
      %parallel_loop3A_665 = arith.constant 80 : index
      %parallel_loop3A_666 = tpu.vector_load %arg7[%parallel_loop3A_664, %parallel_loop3A_665] {strides = array<i32>} : memref<256x128xf32, #tpu.memory_space<vmem>>, vector<1x16xf32>,
      %parallel_loop3A_667 = vector.shape_cast %parallel_loop3A_666 : vector<1x16xf32> to vector<16xf32>
      %parallel_loop3A_668 = arith.index_cast %parallel_loop3A_521 : i32 to index
      %parallel_loop3A_669 = arith.constant 80 : index
      %parallel_loop3A_670 = tpu.vector_load %arg14[%parallel_loop3A_668, %parallel_loop3A_669] {strides = array<i32>} : memref<64x128xf32, #tpu.memory_space<vmem>>, vector<1x16xf32>,
      %parallel_loop3A_671 = vector.shape_cast %parallel_loop3A_670 : vector<1x16xf32> to vector<16xf32>
      %parallel_loop3A_672 = arith.mulf %parallel_loop3A_671, %broadcast_in_dim3A_10 : vector<16xf32>
      %parallel_loop3A_673 = arith.addf %parallel_loop3A_672, %parallel_loop3A_667 : vector<16xf32>
      %parallel_loop3A_674 = arith.index_cast %parallel_loop3A_521 : i32 to index
      %parallel_loop3A_675 = arith.constant 80 : index
      %parallel_loop3A_676 = tpu.vector_load %arg14[%parallel_loop3A_674, %parallel_loop3A_675] {strides = array<i32>} : memref<64x128xf32, #tpu.memory_space<vmem>>, vector<1x16xf32>,
      %parallel_loop3A_677 = vector.shape_cast %parallel_loop3A_676 : vector<1x16xf32> to vector<16xf32>
      %parallel_loop3A_678 = vector.shape_cast %parallel_loop3A_673 : vector<16xf32> to vector<1x16xf32>
      tpu.vector_store %arg14[%parallel_loop3A_674, %parallel_loop3A_675], %parallel_loop3A_678 {strides = array<i32>} : memref<64x128xf32, #tpu.memory_space<vmem>>, vector<1x16xf32>,
      %parallel_loop3A_679 = arith.index_cast %parallel_loop3A_521 : i32 to index
      %parallel_loop3A_680 = arith.constant 80 : index
      %parallel_loop3A_681 = tpu.vector_load %arg15[%parallel_loop3A_679, %parallel_loop3A_680] {strides = array<i32>} : memref<64x128xf32, #tpu.memory_space<vmem>>, vector<1x16xf32>,
      %parallel_loop3A_682 = vector.shape_cast %parallel_loop3A_681 : vector<1x16xf32> to vector<16xf32>
      %parallel_loop3A_683 = arith.mulf %parallel_loop3A_682, %broadcast_in_dim3A_10 : vector<16xf32>
      %parallel_loop3A_684 = arith.addf %parallel_loop3A_683, %parallel_loop3A_667 : vector<16xf32>
      %parallel_loop3A_685 = arith.index_cast %parallel_loop3A_521 : i32 to index
      %parallel_loop3A_686 = arith.constant 80 : index
      %parallel_loop3A_687 = tpu.vector_load %arg15[%parallel_loop3A_685, %parallel_loop3A_686] {strides = array<i32>} : memref<64x128xf32, #tpu.memory_space<vmem>>, vector<1x16xf32>,
      %parallel_loop3A_688 = vector.shape_cast %parallel_loop3A_687 : vector<1x16xf32> to vector<16xf32>
      %parallel_loop3A_689 = vector.shape_cast %parallel_loop3A_684 : vector<16xf32> to vector<1x16xf32>
      tpu.vector_store %arg15[%parallel_loop3A_685, %parallel_loop3A_686], %parallel_loop3A_689 {strides = array<i32>} : memref<64x128xf32, #tpu.memory_space<vmem>>, vector<1x16xf32>,
      %parallel_loop3A_690 = arith.constant 192 : i32
      %parallel_loop3A_691 = arith.addi %parallel_loop3A_690, %parallel_loop3A_521 : i32
      %parallel_loop3A_692 = arith.index_cast %parallel_loop3A_691 : i32 to index
      %parallel_loop3A_693 = arith.constant 96 : index
      %parallel_loop3A_694 = tpu.vector_load %arg7[%parallel_loop3A_692, %parallel_loop3A_693] {strides = array<i32>} : memref<256x128xf32, #tpu.memory_space<vmem>>, vector<1x16xf32>,
      %parallel_loop3A_695 = vector.shape_cast %parallel_loop3A_694 : vector<1x16xf32> to vector<16xf32>
      %parallel_loop3A_696 = arith.index_cast %parallel_loop3A_521 : i32 to index
      %parallel_loop3A_697 = arith.constant 96 : index
      %parallel_loop3A_698 = tpu.vector_load %arg14[%parallel_loop3A_696, %parallel_loop3A_697] {strides = array<i32>} : memref<64x128xf32, #tpu.memory_space<vmem>>, vector<1x16xf32>,
      %parallel_loop3A_699 = vector.shape_cast %parallel_loop3A_698 : vector<1x16xf32> to vector<16xf32>
      %parallel_loop3A_700 = arith.mulf %parallel_loop3A_699, %broadcast_in_dim3A_10 : vector<16xf32>
      %parallel_loop3A_701 = arith.addf %parallel_loop3A_700, %parallel_loop3A_695 : vector<16xf32>
      %parallel_loop3A_702 = arith.index_cast %parallel_loop3A_521 : i32 to index
      %parallel_loop3A_703 = arith.constant 96 : index
      %parallel_loop3A_704 = tpu.vector_load %arg14[%parallel_loop3A_702, %parallel_loop3A_703] {strides = array<i32>} : memref<64x128xf32, #tpu.memory_space<vmem>>, vector<1x16xf32>,
      %parallel_loop3A_705 = vector.shape_cast %parallel_loop3A_704 : vector<1x16xf32> to vector<16xf32>
      %parallel_loop3A_706 = vector.shape_cast %parallel_loop3A_701 : vector<16xf32> to vector<1x16xf32>
      tpu.vector_store %arg14[%parallel_loop3A_702, %parallel_loop3A_703], %parallel_loop3A_706 {strides = array<i32>} : memref<64x128xf32, #tpu.memory_space<vmem>>, vector<1x16xf32>,
      %parallel_loop3A_707 = arith.index_cast %parallel_loop3A_521 : i32 to index
      %parallel_loop3A_708 = arith.constant 96 : index
      %parallel_loop3A_709 = tpu.vector_load %arg15[%parallel_loop3A_707, %parallel_loop3A_708] {strides = array<i32>} : memref<64x128xf32, #tpu.memory_space<vmem>>, vector<1x16xf32>,
      %parallel_loop3A_710 = vector.shape_cast %parallel_loop3A_709 : vector<1x16xf32> to vector<16xf32>
      %parallel_loop3A_711 = arith.mulf %parallel_loop3A_710, %broadcast_in_dim3A_10 : vector<16xf32>
      %parallel_loop3A_712 = arith.addf %parallel_loop3A_711, %parallel_loop3A_695 : vector<16xf32>
      %parallel_loop3A_713 = arith.index_cast %parallel_loop3A_521 : i32 to index
      %parallel_loop3A_714 = arith.constant 96 : index
      %parallel_loop3A_715 = tpu.vector_load %arg15[%parallel_loop3A_713, %parallel_loop3A_714] {strides = array<i32>} : memref<64x128xf32, #tpu.memory_space<vmem>>, vector<1x16xf32>,
      %parallel_loop3A_716 = vector.shape_cast %parallel_loop3A_715 : vector<1x16xf32> to vector<16xf32>
      %parallel_loop3A_717 = vector.shape_cast %parallel_loop3A_712 : vector<16xf32> to vector<1x16xf32>
      tpu.vector_store %arg15[%parallel_loop3A_713, %parallel_loop3A_714], %parallel_loop3A_717 {strides = array<i32>} : memref<64x128xf32, #tpu.memory_space<vmem>>, vector<1x16xf32>,
      %parallel_loop3A_718 = arith.constant 192 : i32
      %parallel_loop3A_719 = arith.addi %parallel_loop3A_718, %parallel_loop3A_521 : i32
      %parallel_loop3A_720 = arith.index_cast %parallel_loop3A_719 : i32 to index
      %parallel_loop3A_721 = arith.constant 112 : index
      %parallel_loop3A_722 = tpu.vector_load %arg7[%parallel_loop3A_720, %parallel_loop3A_721] {strides = array<i32>} : memref<256x128xf32, #tpu.memory_space<vmem>>, vector<1x16xf32>,
      %parallel_loop3A_723 = vector.shape_cast %parallel_loop3A_722 : vector<1x16xf32> to vector<16xf32>
      %parallel_loop3A_724 = arith.index_cast %parallel_loop3A_521 : i32 to index
      %parallel_loop3A_725 = arith.constant 112 : index
      %parallel_loop3A_726 = tpu.vector_load %arg14[%parallel_loop3A_724, %parallel_loop3A_725] {strides = array<i32>} : memref<64x128xf32, #tpu.memory_space<vmem>>, vector<1x16xf32>,
      %parallel_loop3A_727 = vector.shape_cast %parallel_loop3A_726 : vector<1x16xf32> to vector<16xf32>
      %parallel_loop3A_728 = arith.mulf %parallel_loop3A_727, %broadcast_in_dim3A_10 : vector<16xf32>
      %parallel_loop3A_729 = arith.addf %parallel_loop3A_728, %parallel_loop3A_723 : vector<16xf32>
      %parallel_loop3A_730 = arith.index_cast %parallel_loop3A_521 : i32 to index
      %parallel_loop3A_731 = arith.constant 112 : index
      %parallel_loop3A_732 = tpu.vector_load %arg14[%parallel_loop3A_730, %parallel_loop3A_731] {strides = array<i32>} : memref<64x128xf32, #tpu.memory_space<vmem>>, vector<1x16xf32>,
      %parallel_loop3A_733 = vector.shape_cast %parallel_loop3A_732 : vector<1x16xf32> to vector<16xf32>
      %parallel_loop3A_734 = vector.shape_cast %parallel_loop3A_729 : vector<16xf32> to vector<1x16xf32>
      tpu.vector_store %arg14[%parallel_loop3A_730, %parallel_loop3A_731], %parallel_loop3A_734 {strides = array<i32>} : memref<64x128xf32, #tpu.memory_space<vmem>>, vector<1x16xf32>,
      %parallel_loop3A_735 = arith.index_cast %parallel_loop3A_521 : i32 to index
      %parallel_loop3A_736 = arith.constant 112 : index
      %parallel_loop3A_737 = tpu.vector_load %arg15[%parallel_loop3A_735, %parallel_loop3A_736] {strides = array<i32>} : memref<64x128xf32, #tpu.memory_space<vmem>>, vector<1x16xf32>,
      %parallel_loop3A_738 = vector.shape_cast %parallel_loop3A_737 : vector<1x16xf32> to vector<16xf32>
      %parallel_loop3A_739 = arith.mulf %parallel_loop3A_738, %broadcast_in_dim3A_10 : vector<16xf32>
      %parallel_loop3A_740 = arith.addf %parallel_loop3A_739, %parallel_loop3A_723 : vector<16xf32>
      %parallel_loop3A_741 = arith.index_cast %parallel_loop3A_521 : i32 to index
      %parallel_loop3A_742 = arith.constant 112 : index
      %parallel_loop3A_743 = tpu.vector_load %arg15[%parallel_loop3A_741, %parallel_loop3A_742] {strides = array<i32>} : memref<64x128xf32, #tpu.memory_space<vmem>>, vector<1x16xf32>,
      %parallel_loop3A_744 = vector.shape_cast %parallel_loop3A_743 : vector<1x16xf32> to vector<16xf32>
      %parallel_loop3A_745 = vector.shape_cast %parallel_loop3A_740 : vector<16xf32> to vector<1x16xf32>
      tpu.vector_store %arg15[%parallel_loop3A_741, %parallel_loop3A_742], %parallel_loop3A_745 {strides = array<i32>} : memref<64x128xf32, #tpu.memory_space<vmem>>, vector<1x16xf32>,
    } {sc.loop_unroll_factor = 1 : i64, sc.parallel_access}
    %add3A_279 = arith.constant 192 : i32
    %add3A_280 = arith.addi %mul3A_2, %add3A_279 : i32
    %dma_start3A_281 = arith.constant 0 : i32
    %dma_start3A_282 = arith.constant 0 : i32
    %dma_start3A_283 = tpu.memref_slice %arg5[%dma_start3A_281, %add3A_280, %dma_start3A_282] : memref<4x8192x128xf32, #tpu.memory_space<hbm>> -> memref<1x64x128xf32, #tpu.memory_space<hbm>>
    %dma_start3A_284 = tpu.memref_squeeze %dma_start3A_283 : memref<1x64x128xf32, #tpu.memory_space<hbm>> -> memref<64x128xf32, #tpu.memory_space<hbm>>
    %dma_start3A_285 = arith.constant 0 : i32
    %dma_start3A_286 = tpu.memref_slice %arg5[%dma_start3A_281, %add3A_280, %dma_start3A_285] : memref<4x8192x128xf32, #tpu.memory_space<hbm>> -> memref<1x64x128xf32, #tpu.memory_space<hbm>>
    %dma_start3A_287 = tpu.memref_squeeze %dma_start3A_286 : memref<1x64x128xf32, #tpu.memory_space<hbm>> -> memref<64x128xf32, #tpu.memory_space<hbm>>
    tpu.enqueue_dma source(%arg14 : memref<64x128xf32, #tpu.memory_space<vmem>>) target(%dma_start3A_287 : memref<64x128xf32, #tpu.memory_space<hbm>>) target_semaphore(%arg30 : memref<!tpu.dma_semaphore, #tpu.memory_space<semaphore_mem>>)
    %add3A_288 = arith.constant 192 : i32
    %add3A_289 = arith.addi %mul3A_2, %add3A_288 : i32
    %dma_start3A_290 = arith.constant 1 : i32
    %dma_start3A_291 = arith.constant 0 : i32
    %dma_start3A_292 = tpu.memref_slice %arg5[%dma_start3A_290, %add3A_289, %dma_start3A_291] : memref<4x8192x128xf32, #tpu.memory_space<hbm>> -> memref<1x64x128xf32, #tpu.memory_space<hbm>>
    %dma_start3A_293 = tpu.memref_squeeze %dma_start3A_292 : memref<1x64x128xf32, #tpu.memory_space<hbm>> -> memref<64x128xf32, #tpu.memory_space<hbm>>
    %dma_start3A_294 = arith.constant 0 : i32
    %dma_start3A_295 = tpu.memref_slice %arg5[%dma_start3A_290, %add3A_289, %dma_start3A_294] : memref<4x8192x128xf32, #tpu.memory_space<hbm>> -> memref<1x64x128xf32, #tpu.memory_space<hbm>>
    %dma_start3A_296 = tpu.memref_squeeze %dma_start3A_295 : memref<1x64x128xf32, #tpu.memory_space<hbm>> -> memref<64x128xf32, #tpu.memory_space<hbm>>
    tpu.enqueue_dma source(%arg15 : memref<64x128xf32, #tpu.memory_space<vmem>>) target(%dma_start3A_296 : memref<64x128xf32, #tpu.memory_space<hbm>>) target_semaphore(%arg31 : memref<!tpu.dma_semaphore, #tpu.memory_space<semaphore_mem>>)
    %dma_wait3A_297 = arith.constant 0 : i32
    %dma_wait3A_298 = arith.constant 0 : i32
    %dma_wait3A_299 = tpu.memref_slice %arg5[%dma_wait3A_297, %add3A_280, %dma_wait3A_298] : memref<4x8192x128xf32, #tpu.memory_space<hbm>> -> memref<1x64x128xf32, #tpu.memory_space<hbm>>
    %dma_wait3A_300 = tpu.memref_squeeze %dma_wait3A_299 : memref<1x64x128xf32, #tpu.memory_space<hbm>> -> memref<64x128xf32, #tpu.memory_space<hbm>>
    %dma_wait3A_301 = arith.constant 0 : i32
    %dma_wait3A_302 = tpu.memref_slice %arg5[%dma_wait3A_297, %add3A_280, %dma_wait3A_301] : memref<4x8192x128xf32, #tpu.memory_space<hbm>> -> memref<1x64x128xf32, #tpu.memory_space<hbm>>
    %dma_wait3A_303 = tpu.memref_squeeze %dma_wait3A_302 : memref<1x64x128xf32, #tpu.memory_space<hbm>> -> memref<64x128xf32, #tpu.memory_space<hbm>>
    tpu.wait_dma2 semaphore(%arg30 : memref<!tpu.dma_semaphore, #tpu.memory_space<semaphore_mem>>) src(%arg14 : memref<64x128xf32, #tpu.memory_space<vmem>>) dst(%dma_wait3A_303 : memref<64x128xf32, #tpu.memory_space<hbm>>)
    %dma_wait3A_304 = arith.constant 1 : i32
    %dma_wait3A_305 = arith.constant 0 : i32
    %dma_wait3A_306 = tpu.memref_slice %arg5[%dma_wait3A_304, %add3A_289, %dma_wait3A_305] : memref<4x8192x128xf32, #tpu.memory_space<hbm>> -> memref<1x64x128xf32, #tpu.memory_space<hbm>>
    %dma_wait3A_307 = tpu.memref_squeeze %dma_wait3A_306 : memref<1x64x128xf32, #tpu.memory_space<hbm>> -> memref<64x128xf32, #tpu.memory_space<hbm>>
    %dma_wait3A_308 = arith.constant 0 : i32
    %dma_wait3A_309 = tpu.memref_slice %arg5[%dma_wait3A_304, %add3A_289, %dma_wait3A_308] : memref<4x8192x128xf32, #tpu.memory_space<hbm>> -> memref<1x64x128xf32, #tpu.memory_space<hbm>>
    %dma_wait3A_310 = tpu.memref_squeeze %dma_wait3A_309 : memref<1x64x128xf32, #tpu.memory_space<hbm>> -> memref<64x128xf32, #tpu.memory_space<hbm>>
    tpu.wait_dma2 semaphore(%arg31 : memref<!tpu.dma_semaphore, #tpu.memory_space<semaphore_mem>>) src(%arg15 : memref<64x128xf32, #tpu.memory_space<vmem>>) dst(%dma_wait3A_310 : memref<64x128xf32, #tpu.memory_space<hbm>>)
    %dma_start3A_311 = arith.constant 2 : i32
    %dma_start3A_312 = arith.constant 192 : i32
    %dma_start3A_313 = tpu.memref_slice %arg6[%dma_start3A_311, %dma_start3A_312] : memref<4x256xi32, #tpu.memory_space<vmem>> -> memref<1x64xi32, #tpu.memory_space<vmem>>
    %dma_start3A_314 = tpu.memref_squeeze %dma_start3A_313 : memref<1x64xi32, #tpu.memory_space<vmem>> -> memref<64xi32, #tpu.memory_space<vmem>>
    %dma_start3A_315 = arith.constant 0 : i32
    %dma_start3A_316 = arith.constant 0 : i32
    %dma_start3A_317 = tpu.memref_slice %arg2[%dma_start3A_315, %dma_start3A_316] : memref<1000000x128xf32, #tpu.memory_space<hbm>> -> memref<1000000x128xf32, #tpu.memory_space<hbm>>
    tpu.enqueue_indirect_dma source(%dma_start3A_317 : memref<1000000x128xf32, #tpu.memory_space<hbm>>) target(%arg14 : memref<64x128xf32, #tpu.memory_space<vmem>>) offsets(%dma_start3A_314 : memref<64xi32, #tpu.memory_space<vmem>>) semaphore(%arg22 : memref<!tpu.dma_semaphore, #tpu.memory_space<semaphore_mem>>)
    %dma_start3A_318 = arith.constant 3 : i32
    %dma_start3A_319 = arith.constant 192 : i32
    %dma_start3A_320 = tpu.memref_slice %arg6[%dma_start3A_318, %dma_start3A_319] : memref<4x256xi32, #tpu.memory_space<vmem>> -> memref<1x64xi32, #tpu.memory_space<vmem>>
    %dma_start3A_321 = tpu.memref_squeeze %dma_start3A_320 : memref<1x64xi32, #tpu.memory_space<vmem>> -> memref<64xi32, #tpu.memory_space<vmem>>
    %dma_start3A_322 = arith.constant 0 : i32
    %dma_start3A_323 = arith.constant 0 : i32
    %dma_start3A_324 = tpu.memref_slice %arg2[%dma_start3A_322, %dma_start3A_323] : memref<1000000x128xf32, #tpu.memory_space<hbm>> -> memref<1000000x128xf32, #tpu.memory_space<hbm>>
    tpu.enqueue_indirect_dma source(%dma_start3A_324 : memref<1000000x128xf32, #tpu.memory_space<hbm>>) target(%arg15 : memref<64x128xf32, #tpu.memory_space<vmem>>) offsets(%dma_start3A_321 : memref<64xi32, #tpu.memory_space<vmem>>) semaphore(%arg23 : memref<!tpu.dma_semaphore, #tpu.memory_space<semaphore_mem>>)
    %dma_wait3A_325 = arith.constant 2 : i32
    %dma_wait3A_326 = arith.constant 0 : i32
    %dma_wait3A_327 = tpu.memref_slice %arg6[%dma_wait3A_325, %dma_wait3A_326] : memref<4x256xi32, #tpu.memory_space<vmem>> -> memref<1x64xi32, #tpu.memory_space<vmem>>
    %dma_wait3A_328 = tpu.memref_squeeze %dma_wait3A_327 : memref<1x64xi32, #tpu.memory_space<vmem>> -> memref<64xi32, #tpu.memory_space<vmem>>
    %dma_wait3A_329 = arith.constant 0 : i32
    %dma_wait3A_330 = arith.constant 0 : i32
    %dma_wait3A_331 = tpu.memref_slice %arg2[%dma_wait3A_329, %dma_wait3A_330] : memref<1000000x128xf32, #tpu.memory_space<hbm>> -> memref<1000000x128xf32, #tpu.memory_space<hbm>>
    tpu.wait_indirect_dma semaphore(%arg16 : memref<!tpu.dma_semaphore, #tpu.memory_space<semaphore_mem>>) src(%dma_wait3A_331 : memref<1000000x128xf32, #tpu.memory_space<hbm>>) dst(%arg8 : memref<64x128xf32, #tpu.memory_space<vmem>>)
    %dma_wait3A_332 = arith.constant 3 : i32
    %dma_wait3A_333 = arith.constant 0 : i32
    %dma_wait3A_334 = tpu.memref_slice %arg6[%dma_wait3A_332, %dma_wait3A_333] : memref<4x256xi32, #tpu.memory_space<vmem>> -> memref<1x64xi32, #tpu.memory_space<vmem>>
    %dma_wait3A_335 = tpu.memref_squeeze %dma_wait3A_334 : memref<1x64xi32, #tpu.memory_space<vmem>> -> memref<64xi32, #tpu.memory_space<vmem>>
    %dma_wait3A_336 = arith.constant 0 : i32
    %dma_wait3A_337 = arith.constant 0 : i32
    %dma_wait3A_338 = tpu.memref_slice %arg2[%dma_wait3A_336, %dma_wait3A_337] : memref<1000000x128xf32, #tpu.memory_space<hbm>> -> memref<1000000x128xf32, #tpu.memory_space<hbm>>
    tpu.wait_indirect_dma semaphore(%arg17 : memref<!tpu.dma_semaphore, #tpu.memory_space<semaphore_mem>>) src(%dma_wait3A_338 : memref<1000000x128xf32, #tpu.memory_space<hbm>>) dst(%arg9 : memref<64x128xf32, #tpu.memory_space<vmem>>)
    %parallel_loop3A_339 = arith.constant 0 : i32
    %parallel_loop3A_340 = arith.constant 64 : i32
    %parallel_loop3A_341 = arith.constant 1 : i32
    scf.for %parallel_loop3A_521 = %parallel_loop3A_339 to %parallel_loop3A_340 step %parallel_loop3A_341  : i32 {
      %parallel_loop3A_522 = arith.constant 0 : i32
      %parallel_loop3A_523 = arith.addi %parallel_loop3A_522, %parallel_loop3A_521 : i32
      %parallel_loop3A_524 = arith.index_cast %parallel_loop3A_523 : i32 to index
      %parallel_loop3A_525 = arith.constant 0 : index
      %parallel_loop3A_526 = tpu.vector_load %arg7[%parallel_loop3A_524, %parallel_loop3A_525] {strides = array<i32>} : memref<256x128xf32, #tpu.memory_space<vmem>>, vector<1x16xf32>,
      %parallel_loop3A_527 = vector.shape_cast %parallel_loop3A_526 : vector<1x16xf32> to vector<16xf32>
      %parallel_loop3A_528 = arith.index_cast %parallel_loop3A_521 : i32 to index
      %parallel_loop3A_529 = arith.constant 0 : index
      %parallel_loop3A_530 = tpu.vector_load %arg8[%parallel_loop3A_528, %parallel_loop3A_529] {strides = array<i32>} : memref<64x128xf32, #tpu.memory_space<vmem>>, vector<1x16xf32>,
      %parallel_loop3A_531 = vector.shape_cast %parallel_loop3A_530 : vector<1x16xf32> to vector<16xf32>
      %parallel_loop3A_532 = arith.mulf %parallel_loop3A_531, %broadcast_in_dim3A_10 : vector<16xf32>
      %parallel_loop3A_533 = arith.addf %parallel_loop3A_532, %parallel_loop3A_527 : vector<16xf32>
      %parallel_loop3A_534 = arith.index_cast %parallel_loop3A_521 : i32 to index
      %parallel_loop3A_535 = arith.constant 0 : index
      %parallel_loop3A_536 = tpu.vector_load %arg8[%parallel_loop3A_534, %parallel_loop3A_535] {strides = array<i32>} : memref<64x128xf32, #tpu.memory_space<vmem>>, vector<1x16xf32>,
      %parallel_loop3A_537 = vector.shape_cast %parallel_loop3A_536 : vector<1x16xf32> to vector<16xf32>
      %parallel_loop3A_538 = vector.shape_cast %parallel_loop3A_533 : vector<16xf32> to vector<1x16xf32>
      tpu.vector_store %arg8[%parallel_loop3A_534, %parallel_loop3A_535], %parallel_loop3A_538 {strides = array<i32>} : memref<64x128xf32, #tpu.memory_space<vmem>>, vector<1x16xf32>,
      %parallel_loop3A_539 = arith.index_cast %parallel_loop3A_521 : i32 to index
      %parallel_loop3A_540 = arith.constant 0 : index
      %parallel_loop3A_541 = tpu.vector_load %arg9[%parallel_loop3A_539, %parallel_loop3A_540] {strides = array<i32>} : memref<64x128xf32, #tpu.memory_space<vmem>>, vector<1x16xf32>,
      %parallel_loop3A_542 = vector.shape_cast %parallel_loop3A_541 : vector<1x16xf32> to vector<16xf32>
      %parallel_loop3A_543 = arith.mulf %parallel_loop3A_542, %broadcast_in_dim3A_10 : vector<16xf32>
      %parallel_loop3A_544 = arith.addf %parallel_loop3A_543, %parallel_loop3A_527 : vector<16xf32>
      %parallel_loop3A_545 = arith.index_cast %parallel_loop3A_521 : i32 to index
      %parallel_loop3A_546 = arith.constant 0 : index
      %parallel_loop3A_547 = tpu.vector_load %arg9[%parallel_loop3A_545, %parallel_loop3A_546] {strides = array<i32>} : memref<64x128xf32, #tpu.memory_space<vmem>>, vector<1x16xf32>,
      %parallel_loop3A_548 = vector.shape_cast %parallel_loop3A_547 : vector<1x16xf32> to vector<16xf32>
      %parallel_loop3A_549 = vector.shape_cast %parallel_loop3A_544 : vector<16xf32> to vector<1x16xf32>
      tpu.vector_store %arg9[%parallel_loop3A_545, %parallel_loop3A_546], %parallel_loop3A_549 {strides = array<i32>} : memref<64x128xf32, #tpu.memory_space<vmem>>, vector<1x16xf32>,
      %parallel_loop3A_550 = arith.constant 0 : i32
      %parallel_loop3A_551 = arith.addi %parallel_loop3A_550, %parallel_loop3A_521 : i32
      %parallel_loop3A_552 = arith.index_cast %parallel_loop3A_551 : i32 to index
      %parallel_loop3A_553 = arith.constant 16 : index
      %parallel_loop3A_554 = tpu.vector_load %arg7[%parallel_loop3A_552, %parallel_loop3A_553] {strides = array<i32>} : memref<256x128xf32, #tpu.memory_space<vmem>>, vector<1x16xf32>,
      %parallel_loop3A_555 = vector.shape_cast %parallel_loop3A_554 : vector<1x16xf32> to vector<16xf32>
      %parallel_loop3A_556 = arith.index_cast %parallel_loop3A_521 : i32 to index
      %parallel_loop3A_557 = arith.constant 16 : index
      %parallel_loop3A_558 = tpu.vector_load %arg8[%parallel_loop3A_556, %parallel_loop3A_557] {strides = array<i32>} : memref<64x128xf32, #tpu.memory_space<vmem>>, vector<1x16xf32>,
      %parallel_loop3A_559 = vector.shape_cast %parallel_loop3A_558 : vector<1x16xf32> to vector<16xf32>
      %parallel_loop3A_560 = arith.mulf %parallel_loop3A_559, %broadcast_in_dim3A_10 : vector<16xf32>
      %parallel_loop3A_561 = arith.addf %parallel_loop3A_560, %parallel_loop3A_555 : vector<16xf32>
      %parallel_loop3A_562 = arith.index_cast %parallel_loop3A_521 : i32 to index
      %parallel_loop3A_563 = arith.constant 16 : index
      %parallel_loop3A_564 = tpu.vector_load %arg8[%parallel_loop3A_562, %parallel_loop3A_563] {strides = array<i32>} : memref<64x128xf32, #tpu.memory_space<vmem>>, vector<1x16xf32>,
      %parallel_loop3A_565 = vector.shape_cast %parallel_loop3A_564 : vector<1x16xf32> to vector<16xf32>
      %parallel_loop3A_566 = vector.shape_cast %parallel_loop3A_561 : vector<16xf32> to vector<1x16xf32>
      tpu.vector_store %arg8[%parallel_loop3A_562, %parallel_loop3A_563], %parallel_loop3A_566 {strides = array<i32>} : memref<64x128xf32, #tpu.memory_space<vmem>>, vector<1x16xf32>,
      %parallel_loop3A_567 = arith.index_cast %parallel_loop3A_521 : i32 to index
      %parallel_loop3A_568 = arith.constant 16 : index
      %parallel_loop3A_569 = tpu.vector_load %arg9[%parallel_loop3A_567, %parallel_loop3A_568] {strides = array<i32>} : memref<64x128xf32, #tpu.memory_space<vmem>>, vector<1x16xf32>,
      %parallel_loop3A_570 = vector.shape_cast %parallel_loop3A_569 : vector<1x16xf32> to vector<16xf32>
      %parallel_loop3A_571 = arith.mulf %parallel_loop3A_570, %broadcast_in_dim3A_10 : vector<16xf32>
      %parallel_loop3A_572 = arith.addf %parallel_loop3A_571, %parallel_loop3A_555 : vector<16xf32>
      %parallel_loop3A_573 = arith.index_cast %parallel_loop3A_521 : i32 to index
      %parallel_loop3A_574 = arith.constant 16 : index
      %parallel_loop3A_575 = tpu.vector_load %arg9[%parallel_loop3A_573, %parallel_loop3A_574] {strides = array<i32>} : memref<64x128xf32, #tpu.memory_space<vmem>>, vector<1x16xf32>,
      %parallel_loop3A_576 = vector.shape_cast %parallel_loop3A_575 : vector<1x16xf32> to vector<16xf32>
      %parallel_loop3A_577 = vector.shape_cast %parallel_loop3A_572 : vector<16xf32> to vector<1x16xf32>
      tpu.vector_store %arg9[%parallel_loop3A_573, %parallel_loop3A_574], %parallel_loop3A_577 {strides = array<i32>} : memref<64x128xf32, #tpu.memory_space<vmem>>, vector<1x16xf32>,
      %parallel_loop3A_578 = arith.constant 0 : i32
      %parallel_loop3A_579 = arith.addi %parallel_loop3A_578, %parallel_loop3A_521 : i32
      %parallel_loop3A_580 = arith.index_cast %parallel_loop3A_579 : i32 to index
      %parallel_loop3A_581 = arith.constant 32 : index
      %parallel_loop3A_582 = tpu.vector_load %arg7[%parallel_loop3A_580, %parallel_loop3A_581] {strides = array<i32>} : memref<256x128xf32, #tpu.memory_space<vmem>>, vector<1x16xf32>,
      %parallel_loop3A_583 = vector.shape_cast %parallel_loop3A_582 : vector<1x16xf32> to vector<16xf32>
      %parallel_loop3A_584 = arith.index_cast %parallel_loop3A_521 : i32 to index
      %parallel_loop3A_585 = arith.constant 32 : index
      %parallel_loop3A_586 = tpu.vector_load %arg8[%parallel_loop3A_584, %parallel_loop3A_585] {strides = array<i32>} : memref<64x128xf32, #tpu.memory_space<vmem>>, vector<1x16xf32>,
      %parallel_loop3A_587 = vector.shape_cast %parallel_loop3A_586 : vector<1x16xf32> to vector<16xf32>
      %parallel_loop3A_588 = arith.mulf %parallel_loop3A_587, %broadcast_in_dim3A_10 : vector<16xf32>
      %parallel_loop3A_589 = arith.addf %parallel_loop3A_588, %parallel_loop3A_583 : vector<16xf32>
      %parallel_loop3A_590 = arith.index_cast %parallel_loop3A_521 : i32 to index
      %parallel_loop3A_591 = arith.constant 32 : index
      %parallel_loop3A_592 = tpu.vector_load %arg8[%parallel_loop3A_590, %parallel_loop3A_591] {strides = array<i32>} : memref<64x128xf32, #tpu.memory_space<vmem>>, vector<1x16xf32>,
      %parallel_loop3A_593 = vector.shape_cast %parallel_loop3A_592 : vector<1x16xf32> to vector<16xf32>
      %parallel_loop3A_594 = vector.shape_cast %parallel_loop3A_589 : vector<16xf32> to vector<1x16xf32>
      tpu.vector_store %arg8[%parallel_loop3A_590, %parallel_loop3A_591], %parallel_loop3A_594 {strides = array<i32>} : memref<64x128xf32, #tpu.memory_space<vmem>>, vector<1x16xf32>,
      %parallel_loop3A_595 = arith.index_cast %parallel_loop3A_521 : i32 to index
      %parallel_loop3A_596 = arith.constant 32 : index
      %parallel_loop3A_597 = tpu.vector_load %arg9[%parallel_loop3A_595, %parallel_loop3A_596] {strides = array<i32>} : memref<64x128xf32, #tpu.memory_space<vmem>>, vector<1x16xf32>,
      %parallel_loop3A_598 = vector.shape_cast %parallel_loop3A_597 : vector<1x16xf32> to vector<16xf32>
      %parallel_loop3A_599 = arith.mulf %parallel_loop3A_598, %broadcast_in_dim3A_10 : vector<16xf32>
      %parallel_loop3A_600 = arith.addf %parallel_loop3A_599, %parallel_loop3A_583 : vector<16xf32>
      %parallel_loop3A_601 = arith.index_cast %parallel_loop3A_521 : i32 to index
      %parallel_loop3A_602 = arith.constant 32 : index
      %parallel_loop3A_603 = tpu.vector_load %arg9[%parallel_loop3A_601, %parallel_loop3A_602] {strides = array<i32>} : memref<64x128xf32, #tpu.memory_space<vmem>>, vector<1x16xf32>,
      %parallel_loop3A_604 = vector.shape_cast %parallel_loop3A_603 : vector<1x16xf32> to vector<16xf32>
      %parallel_loop3A_605 = vector.shape_cast %parallel_loop3A_600 : vector<16xf32> to vector<1x16xf32>
      tpu.vector_store %arg9[%parallel_loop3A_601, %parallel_loop3A_602], %parallel_loop3A_605 {strides = array<i32>} : memref<64x128xf32, #tpu.memory_space<vmem>>, vector<1x16xf32>,
      %parallel_loop3A_606 = arith.constant 0 : i32
      %parallel_loop3A_607 = arith.addi %parallel_loop3A_606, %parallel_loop3A_521 : i32
      %parallel_loop3A_608 = arith.index_cast %parallel_loop3A_607 : i32 to index
      %parallel_loop3A_609 = arith.constant 48 : index
      %parallel_loop3A_610 = tpu.vector_load %arg7[%parallel_loop3A_608, %parallel_loop3A_609] {strides = array<i32>} : memref<256x128xf32, #tpu.memory_space<vmem>>, vector<1x16xf32>,
      %parallel_loop3A_611 = vector.shape_cast %parallel_loop3A_610 : vector<1x16xf32> to vector<16xf32>
      %parallel_loop3A_612 = arith.index_cast %parallel_loop3A_521 : i32 to index
      %parallel_loop3A_613 = arith.constant 48 : index
      %parallel_loop3A_614 = tpu.vector_load %arg8[%parallel_loop3A_612, %parallel_loop3A_613] {strides = array<i32>} : memref<64x128xf32, #tpu.memory_space<vmem>>, vector<1x16xf32>,
      %parallel_loop3A_615 = vector.shape_cast %parallel_loop3A_614 : vector<1x16xf32> to vector<16xf32>
      %parallel_loop3A_616 = arith.mulf %parallel_loop3A_615, %broadcast_in_dim3A_10 : vector<16xf32>
      %parallel_loop3A_617 = arith.addf %parallel_loop3A_616, %parallel_loop3A_611 : vector<16xf32>
      %parallel_loop3A_618 = arith.index_cast %parallel_loop3A_521 : i32 to index
      %parallel_loop3A_619 = arith.constant 48 : index
      %parallel_loop3A_620 = tpu.vector_load %arg8[%parallel_loop3A_618, %parallel_loop3A_619] {strides = array<i32>} : memref<64x128xf32, #tpu.memory_space<vmem>>, vector<1x16xf32>,
      %parallel_loop3A_621 = vector.shape_cast %parallel_loop3A_620 : vector<1x16xf32> to vector<16xf32>
      %parallel_loop3A_622 = vector.shape_cast %parallel_loop3A_617 : vector<16xf32> to vector<1x16xf32>
      tpu.vector_store %arg8[%parallel_loop3A_618, %parallel_loop3A_619], %parallel_loop3A_622 {strides = array<i32>} : memref<64x128xf32, #tpu.memory_space<vmem>>, vector<1x16xf32>,
      %parallel_loop3A_623 = arith.index_cast %parallel_loop3A_521 : i32 to index
      %parallel_loop3A_624 = arith.constant 48 : index
      %parallel_loop3A_625 = tpu.vector_load %arg9[%parallel_loop3A_623, %parallel_loop3A_624] {strides = array<i32>} : memref<64x128xf32, #tpu.memory_space<vmem>>, vector<1x16xf32>,
      %parallel_loop3A_626 = vector.shape_cast %parallel_loop3A_625 : vector<1x16xf32> to vector<16xf32>
      %parallel_loop3A_627 = arith.mulf %parallel_loop3A_626, %broadcast_in_dim3A_10 : vector<16xf32>
      %parallel_loop3A_628 = arith.addf %parallel_loop3A_627, %parallel_loop3A_611 : vector<16xf32>
      %parallel_loop3A_629 = arith.index_cast %parallel_loop3A_521 : i32 to index
      %parallel_loop3A_630 = arith.constant 48 : index
      %parallel_loop3A_631 = tpu.vector_load %arg9[%parallel_loop3A_629, %parallel_loop3A_630] {strides = array<i32>} : memref<64x128xf32, #tpu.memory_space<vmem>>, vector<1x16xf32>,
      %parallel_loop3A_632 = vector.shape_cast %parallel_loop3A_631 : vector<1x16xf32> to vector<16xf32>
      %parallel_loop3A_633 = vector.shape_cast %parallel_loop3A_628 : vector<16xf32> to vector<1x16xf32>
      tpu.vector_store %arg9[%parallel_loop3A_629, %parallel_loop3A_630], %parallel_loop3A_633 {strides = array<i32>} : memref<64x128xf32, #tpu.memory_space<vmem>>, vector<1x16xf32>,
      %parallel_loop3A_634 = arith.constant 0 : i32
      %parallel_loop3A_635 = arith.addi %parallel_loop3A_634, %parallel_loop3A_521 : i32
      %parallel_loop3A_636 = arith.index_cast %parallel_loop3A_635 : i32 to index
      %parallel_loop3A_637 = arith.constant 64 : index
      %parallel_loop3A_638 = tpu.vector_load %arg7[%parallel_loop3A_636, %parallel_loop3A_637] {strides = array<i32>} : memref<256x128xf32, #tpu.memory_space<vmem>>, vector<1x16xf32>,
      %parallel_loop3A_639 = vector.shape_cast %parallel_loop3A_638 : vector<1x16xf32> to vector<16xf32>
      %parallel_loop3A_640 = arith.index_cast %parallel_loop3A_521 : i32 to index
      %parallel_loop3A_641 = arith.constant 64 : index
      %parallel_loop3A_642 = tpu.vector_load %arg8[%parallel_loop3A_640, %parallel_loop3A_641] {strides = array<i32>} : memref<64x128xf32, #tpu.memory_space<vmem>>, vector<1x16xf32>,
      %parallel_loop3A_643 = vector.shape_cast %parallel_loop3A_642 : vector<1x16xf32> to vector<16xf32>
      %parallel_loop3A_644 = arith.mulf %parallel_loop3A_643, %broadcast_in_dim3A_10 : vector<16xf32>
      %parallel_loop3A_645 = arith.addf %parallel_loop3A_644, %parallel_loop3A_639 : vector<16xf32>
      %parallel_loop3A_646 = arith.index_cast %parallel_loop3A_521 : i32 to index
      %parallel_loop3A_647 = arith.constant 64 : index
      %parallel_loop3A_648 = tpu.vector_load %arg8[%parallel_loop3A_646, %parallel_loop3A_647] {strides = array<i32>} : memref<64x128xf32, #tpu.memory_space<vmem>>, vector<1x16xf32>,
      %parallel_loop3A_649 = vector.shape_cast %parallel_loop3A_648 : vector<1x16xf32> to vector<16xf32>
      %parallel_loop3A_650 = vector.shape_cast %parallel_loop3A_645 : vector<16xf32> to vector<1x16xf32>
      tpu.vector_store %arg8[%parallel_loop3A_646, %parallel_loop3A_647], %parallel_loop3A_650 {strides = array<i32>} : memref<64x128xf32, #tpu.memory_space<vmem>>, vector<1x16xf32>,
      %parallel_loop3A_651 = arith.index_cast %parallel_loop3A_521 : i32 to index
      %parallel_loop3A_652 = arith.constant 64 : index
      %parallel_loop3A_653 = tpu.vector_load %arg9[%parallel_loop3A_651, %parallel_loop3A_652] {strides = array<i32>} : memref<64x128xf32, #tpu.memory_space<vmem>>, vector<1x16xf32>,
      %parallel_loop3A_654 = vector.shape_cast %parallel_loop3A_653 : vector<1x16xf32> to vector<16xf32>
      %parallel_loop3A_655 = arith.mulf %parallel_loop3A_654, %broadcast_in_dim3A_10 : vector<16xf32>
      %parallel_loop3A_656 = arith.addf %parallel_loop3A_655, %parallel_loop3A_639 : vector<16xf32>
      %parallel_loop3A_657 = arith.index_cast %parallel_loop3A_521 : i32 to index
      %parallel_loop3A_658 = arith.constant 64 : index
      %parallel_loop3A_659 = tpu.vector_load %arg9[%parallel_loop3A_657, %parallel_loop3A_658] {strides = array<i32>} : memref<64x128xf32, #tpu.memory_space<vmem>>, vector<1x16xf32>,
      %parallel_loop3A_660 = vector.shape_cast %parallel_loop3A_659 : vector<1x16xf32> to vector<16xf32>
      %parallel_loop3A_661 = vector.shape_cast %parallel_loop3A_656 : vector<16xf32> to vector<1x16xf32>
      tpu.vector_store %arg9[%parallel_loop3A_657, %parallel_loop3A_658], %parallel_loop3A_661 {strides = array<i32>} : memref<64x128xf32, #tpu.memory_space<vmem>>, vector<1x16xf32>,
      %parallel_loop3A_662 = arith.constant 0 : i32
      %parallel_loop3A_663 = arith.addi %parallel_loop3A_662, %parallel_loop3A_521 : i32
      %parallel_loop3A_664 = arith.index_cast %parallel_loop3A_663 : i32 to index
      %parallel_loop3A_665 = arith.constant 80 : index
      %parallel_loop3A_666 = tpu.vector_load %arg7[%parallel_loop3A_664, %parallel_loop3A_665] {strides = array<i32>} : memref<256x128xf32, #tpu.memory_space<vmem>>, vector<1x16xf32>,
      %parallel_loop3A_667 = vector.shape_cast %parallel_loop3A_666 : vector<1x16xf32> to vector<16xf32>
      %parallel_loop3A_668 = arith.index_cast %parallel_loop3A_521 : i32 to index
      %parallel_loop3A_669 = arith.constant 80 : index
      %parallel_loop3A_670 = tpu.vector_load %arg8[%parallel_loop3A_668, %parallel_loop3A_669] {strides = array<i32>} : memref<64x128xf32, #tpu.memory_space<vmem>>, vector<1x16xf32>,
      %parallel_loop3A_671 = vector.shape_cast %parallel_loop3A_670 : vector<1x16xf32> to vector<16xf32>
      %parallel_loop3A_672 = arith.mulf %parallel_loop3A_671, %broadcast_in_dim3A_10 : vector<16xf32>
      %parallel_loop3A_673 = arith.addf %parallel_loop3A_672, %parallel_loop3A_667 : vector<16xf32>
      %parallel_loop3A_674 = arith.index_cast %parallel_loop3A_521 : i32 to index
      %parallel_loop3A_675 = arith.constant 80 : index
      %parallel_loop3A_676 = tpu.vector_load %arg8[%parallel_loop3A_674, %parallel_loop3A_675] {strides = array<i32>} : memref<64x128xf32, #tpu.memory_space<vmem>>, vector<1x16xf32>,
      %parallel_loop3A_677 = vector.shape_cast %parallel_loop3A_676 : vector<1x16xf32> to vector<16xf32>
      %parallel_loop3A_678 = vector.shape_cast %parallel_loop3A_673 : vector<16xf32> to vector<1x16xf32>
      tpu.vector_store %arg8[%parallel_loop3A_674, %parallel_loop3A_675], %parallel_loop3A_678 {strides = array<i32>} : memref<64x128xf32, #tpu.memory_space<vmem>>, vector<1x16xf32>,
      %parallel_loop3A_679 = arith.index_cast %parallel_loop3A_521 : i32 to index
      %parallel_loop3A_680 = arith.constant 80 : index
      %parallel_loop3A_681 = tpu.vector_load %arg9[%parallel_loop3A_679, %parallel_loop3A_680] {strides = array<i32>} : memref<64x128xf32, #tpu.memory_space<vmem>>, vector<1x16xf32>,
      %parallel_loop3A_682 = vector.shape_cast %parallel_loop3A_681 : vector<1x16xf32> to vector<16xf32>
      %parallel_loop3A_683 = arith.mulf %parallel_loop3A_682, %broadcast_in_dim3A_10 : vector<16xf32>
      %parallel_loop3A_684 = arith.addf %parallel_loop3A_683, %parallel_loop3A_667 : vector<16xf32>
      %parallel_loop3A_685 = arith.index_cast %parallel_loop3A_521 : i32 to index
      %parallel_loop3A_686 = arith.constant 80 : index
      %parallel_loop3A_687 = tpu.vector_load %arg9[%parallel_loop3A_685, %parallel_loop3A_686] {strides = array<i32>} : memref<64x128xf32, #tpu.memory_space<vmem>>, vector<1x16xf32>,
      %parallel_loop3A_688 = vector.shape_cast %parallel_loop3A_687 : vector<1x16xf32> to vector<16xf32>
      %parallel_loop3A_689 = vector.shape_cast %parallel_loop3A_684 : vector<16xf32> to vector<1x16xf32>
      tpu.vector_store %arg9[%parallel_loop3A_685, %parallel_loop3A_686], %parallel_loop3A_689 {strides = array<i32>} : memref<64x128xf32, #tpu.memory_space<vmem>>, vector<1x16xf32>,
      %parallel_loop3A_690 = arith.constant 0 : i32
      %parallel_loop3A_691 = arith.addi %parallel_loop3A_690, %parallel_loop3A_521 : i32
      %parallel_loop3A_692 = arith.index_cast %parallel_loop3A_691 : i32 to index
      %parallel_loop3A_693 = arith.constant 96 : index
      %parallel_loop3A_694 = tpu.vector_load %arg7[%parallel_loop3A_692, %parallel_loop3A_693] {strides = array<i32>} : memref<256x128xf32, #tpu.memory_space<vmem>>, vector<1x16xf32>,
      %parallel_loop3A_695 = vector.shape_cast %parallel_loop3A_694 : vector<1x16xf32> to vector<16xf32>
      %parallel_loop3A_696 = arith.index_cast %parallel_loop3A_521 : i32 to index
      %parallel_loop3A_697 = arith.constant 96 : index
      %parallel_loop3A_698 = tpu.vector_load %arg8[%parallel_loop3A_696, %parallel_loop3A_697] {strides = array<i32>} : memref<64x128xf32, #tpu.memory_space<vmem>>, vector<1x16xf32>,
      %parallel_loop3A_699 = vector.shape_cast %parallel_loop3A_698 : vector<1x16xf32> to vector<16xf32>
      %parallel_loop3A_700 = arith.mulf %parallel_loop3A_699, %broadcast_in_dim3A_10 : vector<16xf32>
      %parallel_loop3A_701 = arith.addf %parallel_loop3A_700, %parallel_loop3A_695 : vector<16xf32>
      %parallel_loop3A_702 = arith.index_cast %parallel_loop3A_521 : i32 to index
      %parallel_loop3A_703 = arith.constant 96 : index
      %parallel_loop3A_704 = tpu.vector_load %arg8[%parallel_loop3A_702, %parallel_loop3A_703] {strides = array<i32>} : memref<64x128xf32, #tpu.memory_space<vmem>>, vector<1x16xf32>,
      %parallel_loop3A_705 = vector.shape_cast %parallel_loop3A_704 : vector<1x16xf32> to vector<16xf32>
      %parallel_loop3A_706 = vector.shape_cast %parallel_loop3A_701 : vector<16xf32> to vector<1x16xf32>
      tpu.vector_store %arg8[%parallel_loop3A_702, %parallel_loop3A_703], %parallel_loop3A_706 {strides = array<i32>} : memref<64x128xf32, #tpu.memory_space<vmem>>, vector<1x16xf32>,
      %parallel_loop3A_707 = arith.index_cast %parallel_loop3A_521 : i32 to index
      %parallel_loop3A_708 = arith.constant 96 : index
      %parallel_loop3A_709 = tpu.vector_load %arg9[%parallel_loop3A_707, %parallel_loop3A_708] {strides = array<i32>} : memref<64x128xf32, #tpu.memory_space<vmem>>, vector<1x16xf32>,
      %parallel_loop3A_710 = vector.shape_cast %parallel_loop3A_709 : vector<1x16xf32> to vector<16xf32>
      %parallel_loop3A_711 = arith.mulf %parallel_loop3A_710, %broadcast_in_dim3A_10 : vector<16xf32>
      %parallel_loop3A_712 = arith.addf %parallel_loop3A_711, %parallel_loop3A_695 : vector<16xf32>
      %parallel_loop3A_713 = arith.index_cast %parallel_loop3A_521 : i32 to index
      %parallel_loop3A_714 = arith.constant 96 : index
      %parallel_loop3A_715 = tpu.vector_load %arg9[%parallel_loop3A_713, %parallel_loop3A_714] {strides = array<i32>} : memref<64x128xf32, #tpu.memory_space<vmem>>, vector<1x16xf32>,
      %parallel_loop3A_716 = vector.shape_cast %parallel_loop3A_715 : vector<1x16xf32> to vector<16xf32>
      %parallel_loop3A_717 = vector.shape_cast %parallel_loop3A_712 : vector<16xf32> to vector<1x16xf32>
      tpu.vector_store %arg9[%parallel_loop3A_713, %parallel_loop3A_714], %parallel_loop3A_717 {strides = array<i32>} : memref<64x128xf32, #tpu.memory_space<vmem>>, vector<1x16xf32>,
      %parallel_loop3A_718 = arith.constant 0 : i32
      %parallel_loop3A_719 = arith.addi %parallel_loop3A_718, %parallel_loop3A_521 : i32
      %parallel_loop3A_720 = arith.index_cast %parallel_loop3A_719 : i32 to index
      %parallel_loop3A_721 = arith.constant 112 : index
      %parallel_loop3A_722 = tpu.vector_load %arg7[%parallel_loop3A_720, %parallel_loop3A_721] {strides = array<i32>} : memref<256x128xf32, #tpu.memory_space<vmem>>, vector<1x16xf32>,
      %parallel_loop3A_723 = vector.shape_cast %parallel_loop3A_722 : vector<1x16xf32> to vector<16xf32>
      %parallel_loop3A_724 = arith.index_cast %parallel_loop3A_521 : i32 to index
      %parallel_loop3A_725 = arith.constant 112 : index
      %parallel_loop3A_726 = tpu.vector_load %arg8[%parallel_loop3A_724, %parallel_loop3A_725] {strides = array<i32>} : memref<64x128xf32, #tpu.memory_space<vmem>>, vector<1x16xf32>,
      %parallel_loop3A_727 = vector.shape_cast %parallel_loop3A_726 : vector<1x16xf32> to vector<16xf32>
      %parallel_loop3A_728 = arith.mulf %parallel_loop3A_727, %broadcast_in_dim3A_10 : vector<16xf32>
      %parallel_loop3A_729 = arith.addf %parallel_loop3A_728, %parallel_loop3A_723 : vector<16xf32>
      %parallel_loop3A_730 = arith.index_cast %parallel_loop3A_521 : i32 to index
      %parallel_loop3A_731 = arith.constant 112 : index
      %parallel_loop3A_732 = tpu.vector_load %arg8[%parallel_loop3A_730, %parallel_loop3A_731] {strides = array<i32>} : memref<64x128xf32, #tpu.memory_space<vmem>>, vector<1x16xf32>,
      %parallel_loop3A_733 = vector.shape_cast %parallel_loop3A_732 : vector<1x16xf32> to vector<16xf32>
      %parallel_loop3A_734 = vector.shape_cast %parallel_loop3A_729 : vector<16xf32> to vector<1x16xf32>
      tpu.vector_store %arg8[%parallel_loop3A_730, %parallel_loop3A_731], %parallel_loop3A_734 {strides = array<i32>} : memref<64x128xf32, #tpu.memory_space<vmem>>, vector<1x16xf32>,
      %parallel_loop3A_735 = arith.index_cast %parallel_loop3A_521 : i32 to index
      %parallel_loop3A_736 = arith.constant 112 : index
      %parallel_loop3A_737 = tpu.vector_load %arg9[%parallel_loop3A_735, %parallel_loop3A_736] {strides = array<i32>} : memref<64x128xf32, #tpu.memory_space<vmem>>, vector<1x16xf32>,
      %parallel_loop3A_738 = vector.shape_cast %parallel_loop3A_737 : vector<1x16xf32> to vector<16xf32>
      %parallel_loop3A_739 = arith.mulf %parallel_loop3A_738, %broadcast_in_dim3A_10 : vector<16xf32>
      %parallel_loop3A_740 = arith.addf %parallel_loop3A_739, %parallel_loop3A_723 : vector<16xf32>
      %parallel_loop3A_741 = arith.index_cast %parallel_loop3A_521 : i32 to index
      %parallel_loop3A_742 = arith.constant 112 : index
      %parallel_loop3A_743 = tpu.vector_load %arg9[%parallel_loop3A_741, %parallel_loop3A_742] {strides = array<i32>} : memref<64x128xf32, #tpu.memory_space<vmem>>, vector<1x16xf32>,
      %parallel_loop3A_744 = vector.shape_cast %parallel_loop3A_743 : vector<1x16xf32> to vector<16xf32>
      %parallel_loop3A_745 = vector.shape_cast %parallel_loop3A_740 : vector<16xf32> to vector<1x16xf32>
      tpu.vector_store %arg9[%parallel_loop3A_741, %parallel_loop3A_742], %parallel_loop3A_745 {strides = array<i32>} : memref<64x128xf32, #tpu.memory_space<vmem>>, vector<1x16xf32>,
    } {sc.loop_unroll_factor = 1 : i64, sc.parallel_access}
    %add3A_342 = arith.constant 0 : i32
    %add3A_343 = arith.addi %mul3A_2, %add3A_342 : i32
    %dma_start3A_344 = arith.constant 2 : i32
    %dma_start3A_345 = arith.constant 0 : i32
    %dma_start3A_346 = tpu.memref_slice %arg5[%dma_start3A_344, %add3A_343, %dma_start3A_345] : memref<4x8192x128xf32, #tpu.memory_space<hbm>> -> memref<1x64x128xf32, #tpu.memory_space<hbm>>
    %dma_start3A_347 = tpu.memref_squeeze %dma_start3A_346 : memref<1x64x128xf32, #tpu.memory_space<hbm>> -> memref<64x128xf32, #tpu.memory_space<hbm>>
    %dma_start3A_348 = arith.constant 0 : i32
    %dma_start3A_349 = tpu.memref_slice %arg5[%dma_start3A_344, %add3A_343, %dma_start3A_348] : memref<4x8192x128xf32, #tpu.memory_space<hbm>> -> memref<1x64x128xf32, #tpu.memory_space<hbm>>
    %dma_start3A_350 = tpu.memref_squeeze %dma_start3A_349 : memref<1x64x128xf32, #tpu.memory_space<hbm>> -> memref<64x128xf32, #tpu.memory_space<hbm>>
    tpu.enqueue_dma source(%arg8 : memref<64x128xf32, #tpu.memory_space<vmem>>) target(%dma_start3A_350 : memref<64x128xf32, #tpu.memory_space<hbm>>) target_semaphore(%arg24 : memref<!tpu.dma_semaphore, #tpu.memory_space<semaphore_mem>>)
    %add3A_351 = arith.constant 0 : i32
    %add3A_352 = arith.addi %mul3A_2, %add3A_351 : i32
    %dma_start3A_353 = arith.constant 3 : i32
    %dma_start3A_354 = arith.constant 0 : i32
    %dma_start3A_355 = tpu.memref_slice %arg5[%dma_start3A_353, %add3A_352, %dma_start3A_354] : memref<4x8192x128xf32, #tpu.memory_space<hbm>> -> memref<1x64x128xf32, #tpu.memory_space<hbm>>
    %dma_start3A_356 = tpu.memref_squeeze %dma_start3A_355 : memref<1x64x128xf32, #tpu.memory_space<hbm>> -> memref<64x128xf32, #tpu.memory_space<hbm>>
    %dma_start3A_357 = arith.constant 0 : i32
    %dma_start3A_358 = tpu.memref_slice %arg5[%dma_start3A_353, %add3A_352, %dma_start3A_357] : memref<4x8192x128xf32, #tpu.memory_space<hbm>> -> memref<1x64x128xf32, #tpu.memory_space<hbm>>
    %dma_start3A_359 = tpu.memref_squeeze %dma_start3A_358 : memref<1x64x128xf32, #tpu.memory_space<hbm>> -> memref<64x128xf32, #tpu.memory_space<hbm>>
    tpu.enqueue_dma source(%arg9 : memref<64x128xf32, #tpu.memory_space<vmem>>) target(%dma_start3A_359 : memref<64x128xf32, #tpu.memory_space<hbm>>) target_semaphore(%arg25 : memref<!tpu.dma_semaphore, #tpu.memory_space<semaphore_mem>>)
    %dma_wait3A_360 = arith.constant 2 : i32
    %dma_wait3A_361 = arith.constant 64 : i32
    %dma_wait3A_362 = tpu.memref_slice %arg6[%dma_wait3A_360, %dma_wait3A_361] : memref<4x256xi32, #tpu.memory_space<vmem>> -> memref<1x64xi32, #tpu.memory_space<vmem>>
    %dma_wait3A_363 = tpu.memref_squeeze %dma_wait3A_362 : memref<1x64xi32, #tpu.memory_space<vmem>> -> memref<64xi32, #tpu.memory_space<vmem>>
    %dma_wait3A_364 = arith.constant 0 : i32
    %dma_wait3A_365 = arith.constant 0 : i32
    %dma_wait3A_366 = tpu.memref_slice %arg2[%dma_wait3A_364, %dma_wait3A_365] : memref<1000000x128xf32, #tpu.memory_space<hbm>> -> memref<1000000x128xf32, #tpu.memory_space<hbm>>
    tpu.wait_indirect_dma semaphore(%arg18 : memref<!tpu.dma_semaphore, #tpu.memory_space<semaphore_mem>>) src(%dma_wait3A_366 : memref<1000000x128xf32, #tpu.memory_space<hbm>>) dst(%arg10 : memref<64x128xf32, #tpu.memory_space<vmem>>)
    %dma_wait3A_367 = arith.constant 3 : i32
    %dma_wait3A_368 = arith.constant 64 : i32
    %dma_wait3A_369 = tpu.memref_slice %arg6[%dma_wait3A_367, %dma_wait3A_368] : memref<4x256xi32, #tpu.memory_space<vmem>> -> memref<1x64xi32, #tpu.memory_space<vmem>>
    %dma_wait3A_370 = tpu.memref_squeeze %dma_wait3A_369 : memref<1x64xi32, #tpu.memory_space<vmem>> -> memref<64xi32, #tpu.memory_space<vmem>>
    %dma_wait3A_371 = arith.constant 0 : i32
    %dma_wait3A_372 = arith.constant 0 : i32
    %dma_wait3A_373 = tpu.memref_slice %arg2[%dma_wait3A_371, %dma_wait3A_372] : memref<1000000x128xf32, #tpu.memory_space<hbm>> -> memref<1000000x128xf32, #tpu.memory_space<hbm>>
    tpu.wait_indirect_dma semaphore(%arg19 : memref<!tpu.dma_semaphore, #tpu.memory_space<semaphore_mem>>) src(%dma_wait3A_373 : memref<1000000x128xf32, #tpu.memory_space<hbm>>) dst(%arg11 : memref<64x128xf32, #tpu.memory_space<vmem>>)
    %parallel_loop3A_374 = arith.constant 0 : i32
    %parallel_loop3A_375 = arith.constant 64 : i32
    %parallel_loop3A_376 = arith.constant 1 : i32
    scf.for %parallel_loop3A_521 = %parallel_loop3A_374 to %parallel_loop3A_375 step %parallel_loop3A_376  : i32 {
      %parallel_loop3A_522 = arith.constant 64 : i32
      %parallel_loop3A_523 = arith.addi %parallel_loop3A_522, %parallel_loop3A_521 : i32
      %parallel_loop3A_524 = arith.index_cast %parallel_loop3A_523 : i32 to index
      %parallel_loop3A_525 = arith.constant 0 : index
      %parallel_loop3A_526 = tpu.vector_load %arg7[%parallel_loop3A_524, %parallel_loop3A_525] {strides = array<i32>} : memref<256x128xf32, #tpu.memory_space<vmem>>, vector<1x16xf32>,
      %parallel_loop3A_527 = vector.shape_cast %parallel_loop3A_526 : vector<1x16xf32> to vector<16xf32>
      %parallel_loop3A_528 = arith.index_cast %parallel_loop3A_521 : i32 to index
      %parallel_loop3A_529 = arith.constant 0 : index
      %parallel_loop3A_530 = tpu.vector_load %arg10[%parallel_loop3A_528, %parallel_loop3A_529] {strides = array<i32>} : memref<64x128xf32, #tpu.memory_space<vmem>>, vector<1x16xf32>,
      %parallel_loop3A_531 = vector.shape_cast %parallel_loop3A_530 : vector<1x16xf32> to vector<16xf32>
      %parallel_loop3A_532 = arith.mulf %parallel_loop3A_531, %broadcast_in_dim3A_10 : vector<16xf32>
      %parallel_loop3A_533 = arith.addf %parallel_loop3A_532, %parallel_loop3A_527 : vector<16xf32>
      %parallel_loop3A_534 = arith.index_cast %parallel_loop3A_521 : i32 to index
      %parallel_loop3A_535 = arith.constant 0 : index
      %parallel_loop3A_536 = tpu.vector_load %arg10[%parallel_loop3A_534, %parallel_loop3A_535] {strides = array<i32>} : memref<64x128xf32, #tpu.memory_space<vmem>>, vector<1x16xf32>,
      %parallel_loop3A_537 = vector.shape_cast %parallel_loop3A_536 : vector<1x16xf32> to vector<16xf32>
      %parallel_loop3A_538 = vector.shape_cast %parallel_loop3A_533 : vector<16xf32> to vector<1x16xf32>
      tpu.vector_store %arg10[%parallel_loop3A_534, %parallel_loop3A_535], %parallel_loop3A_538 {strides = array<i32>} : memref<64x128xf32, #tpu.memory_space<vmem>>, vector<1x16xf32>,
      %parallel_loop3A_539 = arith.index_cast %parallel_loop3A_521 : i32 to index
      %parallel_loop3A_540 = arith.constant 0 : index
      %parallel_loop3A_541 = tpu.vector_load %arg11[%parallel_loop3A_539, %parallel_loop3A_540] {strides = array<i32>} : memref<64x128xf32, #tpu.memory_space<vmem>>, vector<1x16xf32>,
      %parallel_loop3A_542 = vector.shape_cast %parallel_loop3A_541 : vector<1x16xf32> to vector<16xf32>
      %parallel_loop3A_543 = arith.mulf %parallel_loop3A_542, %broadcast_in_dim3A_10 : vector<16xf32>
      %parallel_loop3A_544 = arith.addf %parallel_loop3A_543, %parallel_loop3A_527 : vector<16xf32>
      %parallel_loop3A_545 = arith.index_cast %parallel_loop3A_521 : i32 to index
      %parallel_loop3A_546 = arith.constant 0 : index
      %parallel_loop3A_547 = tpu.vector_load %arg11[%parallel_loop3A_545, %parallel_loop3A_546] {strides = array<i32>} : memref<64x128xf32, #tpu.memory_space<vmem>>, vector<1x16xf32>,
      %parallel_loop3A_548 = vector.shape_cast %parallel_loop3A_547 : vector<1x16xf32> to vector<16xf32>
      %parallel_loop3A_549 = vector.shape_cast %parallel_loop3A_544 : vector<16xf32> to vector<1x16xf32>
      tpu.vector_store %arg11[%parallel_loop3A_545, %parallel_loop3A_546], %parallel_loop3A_549 {strides = array<i32>} : memref<64x128xf32, #tpu.memory_space<vmem>>, vector<1x16xf32>,
      %parallel_loop3A_550 = arith.constant 64 : i32
      %parallel_loop3A_551 = arith.addi %parallel_loop3A_550, %parallel_loop3A_521 : i32
      %parallel_loop3A_552 = arith.index_cast %parallel_loop3A_551 : i32 to index
      %parallel_loop3A_553 = arith.constant 16 : index
      %parallel_loop3A_554 = tpu.vector_load %arg7[%parallel_loop3A_552, %parallel_loop3A_553] {strides = array<i32>} : memref<256x128xf32, #tpu.memory_space<vmem>>, vector<1x16xf32>,
      %parallel_loop3A_555 = vector.shape_cast %parallel_loop3A_554 : vector<1x16xf32> to vector<16xf32>
      %parallel_loop3A_556 = arith.index_cast %parallel_loop3A_521 : i32 to index
      %parallel_loop3A_557 = arith.constant 16 : index
      %parallel_loop3A_558 = tpu.vector_load %arg10[%parallel_loop3A_556, %parallel_loop3A_557] {strides = array<i32>} : memref<64x128xf32, #tpu.memory_space<vmem>>, vector<1x16xf32>,
      %parallel_loop3A_559 = vector.shape_cast %parallel_loop3A_558 : vector<1x16xf32> to vector<16xf32>
      %parallel_loop3A_560 = arith.mulf %parallel_loop3A_559, %broadcast_in_dim3A_10 : vector<16xf32>
      %parallel_loop3A_561 = arith.addf %parallel_loop3A_560, %parallel_loop3A_555 : vector<16xf32>
      %parallel_loop3A_562 = arith.index_cast %parallel_loop3A_521 : i32 to index
      %parallel_loop3A_563 = arith.constant 16 : index
      %parallel_loop3A_564 = tpu.vector_load %arg10[%parallel_loop3A_562, %parallel_loop3A_563] {strides = array<i32>} : memref<64x128xf32, #tpu.memory_space<vmem>>, vector<1x16xf32>,
      %parallel_loop3A_565 = vector.shape_cast %parallel_loop3A_564 : vector<1x16xf32> to vector<16xf32>
      %parallel_loop3A_566 = vector.shape_cast %parallel_loop3A_561 : vector<16xf32> to vector<1x16xf32>
      tpu.vector_store %arg10[%parallel_loop3A_562, %parallel_loop3A_563], %parallel_loop3A_566 {strides = array<i32>} : memref<64x128xf32, #tpu.memory_space<vmem>>, vector<1x16xf32>,
      %parallel_loop3A_567 = arith.index_cast %parallel_loop3A_521 : i32 to index
      %parallel_loop3A_568 = arith.constant 16 : index
      %parallel_loop3A_569 = tpu.vector_load %arg11[%parallel_loop3A_567, %parallel_loop3A_568] {strides = array<i32>} : memref<64x128xf32, #tpu.memory_space<vmem>>, vector<1x16xf32>,
      %parallel_loop3A_570 = vector.shape_cast %parallel_loop3A_569 : vector<1x16xf32> to vector<16xf32>
      %parallel_loop3A_571 = arith.mulf %parallel_loop3A_570, %broadcast_in_dim3A_10 : vector<16xf32>
      %parallel_loop3A_572 = arith.addf %parallel_loop3A_571, %parallel_loop3A_555 : vector<16xf32>
      %parallel_loop3A_573 = arith.index_cast %parallel_loop3A_521 : i32 to index
      %parallel_loop3A_574 = arith.constant 16 : index
      %parallel_loop3A_575 = tpu.vector_load %arg11[%parallel_loop3A_573, %parallel_loop3A_574] {strides = array<i32>} : memref<64x128xf32, #tpu.memory_space<vmem>>, vector<1x16xf32>,
      %parallel_loop3A_576 = vector.shape_cast %parallel_loop3A_575 : vector<1x16xf32> to vector<16xf32>
      %parallel_loop3A_577 = vector.shape_cast %parallel_loop3A_572 : vector<16xf32> to vector<1x16xf32>
      tpu.vector_store %arg11[%parallel_loop3A_573, %parallel_loop3A_574], %parallel_loop3A_577 {strides = array<i32>} : memref<64x128xf32, #tpu.memory_space<vmem>>, vector<1x16xf32>,
      %parallel_loop3A_578 = arith.constant 64 : i32
      %parallel_loop3A_579 = arith.addi %parallel_loop3A_578, %parallel_loop3A_521 : i32
      %parallel_loop3A_580 = arith.index_cast %parallel_loop3A_579 : i32 to index
      %parallel_loop3A_581 = arith.constant 32 : index
      %parallel_loop3A_582 = tpu.vector_load %arg7[%parallel_loop3A_580, %parallel_loop3A_581] {strides = array<i32>} : memref<256x128xf32, #tpu.memory_space<vmem>>, vector<1x16xf32>,
      %parallel_loop3A_583 = vector.shape_cast %parallel_loop3A_582 : vector<1x16xf32> to vector<16xf32>
      %parallel_loop3A_584 = arith.index_cast %parallel_loop3A_521 : i32 to index
      %parallel_loop3A_585 = arith.constant 32 : index
      %parallel_loop3A_586 = tpu.vector_load %arg10[%parallel_loop3A_584, %parallel_loop3A_585] {strides = array<i32>} : memref<64x128xf32, #tpu.memory_space<vmem>>, vector<1x16xf32>,
      %parallel_loop3A_587 = vector.shape_cast %parallel_loop3A_586 : vector<1x16xf32> to vector<16xf32>
      %parallel_loop3A_588 = arith.mulf %parallel_loop3A_587, %broadcast_in_dim3A_10 : vector<16xf32>
      %parallel_loop3A_589 = arith.addf %parallel_loop3A_588, %parallel_loop3A_583 : vector<16xf32>
      %parallel_loop3A_590 = arith.index_cast %parallel_loop3A_521 : i32 to index
      %parallel_loop3A_591 = arith.constant 32 : index
      %parallel_loop3A_592 = tpu.vector_load %arg10[%parallel_loop3A_590, %parallel_loop3A_591] {strides = array<i32>} : memref<64x128xf32, #tpu.memory_space<vmem>>, vector<1x16xf32>,
      %parallel_loop3A_593 = vector.shape_cast %parallel_loop3A_592 : vector<1x16xf32> to vector<16xf32>
      %parallel_loop3A_594 = vector.shape_cast %parallel_loop3A_589 : vector<16xf32> to vector<1x16xf32>
      tpu.vector_store %arg10[%parallel_loop3A_590, %parallel_loop3A_591], %parallel_loop3A_594 {strides = array<i32>} : memref<64x128xf32, #tpu.memory_space<vmem>>, vector<1x16xf32>,
      %parallel_loop3A_595 = arith.index_cast %parallel_loop3A_521 : i32 to index
      %parallel_loop3A_596 = arith.constant 32 : index
      %parallel_loop3A_597 = tpu.vector_load %arg11[%parallel_loop3A_595, %parallel_loop3A_596] {strides = array<i32>} : memref<64x128xf32, #tpu.memory_space<vmem>>, vector<1x16xf32>,
      %parallel_loop3A_598 = vector.shape_cast %parallel_loop3A_597 : vector<1x16xf32> to vector<16xf32>
      %parallel_loop3A_599 = arith.mulf %parallel_loop3A_598, %broadcast_in_dim3A_10 : vector<16xf32>
      %parallel_loop3A_600 = arith.addf %parallel_loop3A_599, %parallel_loop3A_583 : vector<16xf32>
      %parallel_loop3A_601 = arith.index_cast %parallel_loop3A_521 : i32 to index
      %parallel_loop3A_602 = arith.constant 32 : index
      %parallel_loop3A_603 = tpu.vector_load %arg11[%parallel_loop3A_601, %parallel_loop3A_602] {strides = array<i32>} : memref<64x128xf32, #tpu.memory_space<vmem>>, vector<1x16xf32>,
      %parallel_loop3A_604 = vector.shape_cast %parallel_loop3A_603 : vector<1x16xf32> to vector<16xf32>
      %parallel_loop3A_605 = vector.shape_cast %parallel_loop3A_600 : vector<16xf32> to vector<1x16xf32>
      tpu.vector_store %arg11[%parallel_loop3A_601, %parallel_loop3A_602], %parallel_loop3A_605 {strides = array<i32>} : memref<64x128xf32, #tpu.memory_space<vmem>>, vector<1x16xf32>,
      %parallel_loop3A_606 = arith.constant 64 : i32
      %parallel_loop3A_607 = arith.addi %parallel_loop3A_606, %parallel_loop3A_521 : i32
      %parallel_loop3A_608 = arith.index_cast %parallel_loop3A_607 : i32 to index
      %parallel_loop3A_609 = arith.constant 48 : index
      %parallel_loop3A_610 = tpu.vector_load %arg7[%parallel_loop3A_608, %parallel_loop3A_609] {strides = array<i32>} : memref<256x128xf32, #tpu.memory_space<vmem>>, vector<1x16xf32>,
      %parallel_loop3A_611 = vector.shape_cast %parallel_loop3A_610 : vector<1x16xf32> to vector<16xf32>
      %parallel_loop3A_612 = arith.index_cast %parallel_loop3A_521 : i32 to index
      %parallel_loop3A_613 = arith.constant 48 : index
      %parallel_loop3A_614 = tpu.vector_load %arg10[%parallel_loop3A_612, %parallel_loop3A_613] {strides = array<i32>} : memref<64x128xf32, #tpu.memory_space<vmem>>, vector<1x16xf32>,
      %parallel_loop3A_615 = vector.shape_cast %parallel_loop3A_614 : vector<1x16xf32> to vector<16xf32>
      %parallel_loop3A_616 = arith.mulf %parallel_loop3A_615, %broadcast_in_dim3A_10 : vector<16xf32>
      %parallel_loop3A_617 = arith.addf %parallel_loop3A_616, %parallel_loop3A_611 : vector<16xf32>
      %parallel_loop3A_618 = arith.index_cast %parallel_loop3A_521 : i32 to index
      %parallel_loop3A_619 = arith.constant 48 : index
      %parallel_loop3A_620 = tpu.vector_load %arg10[%parallel_loop3A_618, %parallel_loop3A_619] {strides = array<i32>} : memref<64x128xf32, #tpu.memory_space<vmem>>, vector<1x16xf32>,
      %parallel_loop3A_621 = vector.shape_cast %parallel_loop3A_620 : vector<1x16xf32> to vector<16xf32>
      %parallel_loop3A_622 = vector.shape_cast %parallel_loop3A_617 : vector<16xf32> to vector<1x16xf32>
      tpu.vector_store %arg10[%parallel_loop3A_618, %parallel_loop3A_619], %parallel_loop3A_622 {strides = array<i32>} : memref<64x128xf32, #tpu.memory_space<vmem>>, vector<1x16xf32>,
      %parallel_loop3A_623 = arith.index_cast %parallel_loop3A_521 : i32 to index
      %parallel_loop3A_624 = arith.constant 48 : index
      %parallel_loop3A_625 = tpu.vector_load %arg11[%parallel_loop3A_623, %parallel_loop3A_624] {strides = array<i32>} : memref<64x128xf32, #tpu.memory_space<vmem>>, vector<1x16xf32>,
      %parallel_loop3A_626 = vector.shape_cast %parallel_loop3A_625 : vector<1x16xf32> to vector<16xf32>
      %parallel_loop3A_627 = arith.mulf %parallel_loop3A_626, %broadcast_in_dim3A_10 : vector<16xf32>
      %parallel_loop3A_628 = arith.addf %parallel_loop3A_627, %parallel_loop3A_611 : vector<16xf32>
      %parallel_loop3A_629 = arith.index_cast %parallel_loop3A_521 : i32 to index
      %parallel_loop3A_630 = arith.constant 48 : index
      %parallel_loop3A_631 = tpu.vector_load %arg11[%parallel_loop3A_629, %parallel_loop3A_630] {strides = array<i32>} : memref<64x128xf32, #tpu.memory_space<vmem>>, vector<1x16xf32>,
      %parallel_loop3A_632 = vector.shape_cast %parallel_loop3A_631 : vector<1x16xf32> to vector<16xf32>
      %parallel_loop3A_633 = vector.shape_cast %parallel_loop3A_628 : vector<16xf32> to vector<1x16xf32>
      tpu.vector_store %arg11[%parallel_loop3A_629, %parallel_loop3A_630], %parallel_loop3A_633 {strides = array<i32>} : memref<64x128xf32, #tpu.memory_space<vmem>>, vector<1x16xf32>,
      %parallel_loop3A_634 = arith.constant 64 : i32
      %parallel_loop3A_635 = arith.addi %parallel_loop3A_634, %parallel_loop3A_521 : i32
      %parallel_loop3A_636 = arith.index_cast %parallel_loop3A_635 : i32 to index
      %parallel_loop3A_637 = arith.constant 64 : index
      %parallel_loop3A_638 = tpu.vector_load %arg7[%parallel_loop3A_636, %parallel_loop3A_637] {strides = array<i32>} : memref<256x128xf32, #tpu.memory_space<vmem>>, vector<1x16xf32>,
      %parallel_loop3A_639 = vector.shape_cast %parallel_loop3A_638 : vector<1x16xf32> to vector<16xf32>
      %parallel_loop3A_640 = arith.index_cast %parallel_loop3A_521 : i32 to index
      %parallel_loop3A_641 = arith.constant 64 : index
      %parallel_loop3A_642 = tpu.vector_load %arg10[%parallel_loop3A_640, %parallel_loop3A_641] {strides = array<i32>} : memref<64x128xf32, #tpu.memory_space<vmem>>, vector<1x16xf32>,
      %parallel_loop3A_643 = vector.shape_cast %parallel_loop3A_642 : vector<1x16xf32> to vector<16xf32>
      %parallel_loop3A_644 = arith.mulf %parallel_loop3A_643, %broadcast_in_dim3A_10 : vector<16xf32>
      %parallel_loop3A_645 = arith.addf %parallel_loop3A_644, %parallel_loop3A_639 : vector<16xf32>
      %parallel_loop3A_646 = arith.index_cast %parallel_loop3A_521 : i32 to index
      %parallel_loop3A_647 = arith.constant 64 : index
      %parallel_loop3A_648 = tpu.vector_load %arg10[%parallel_loop3A_646, %parallel_loop3A_647] {strides = array<i32>} : memref<64x128xf32, #tpu.memory_space<vmem>>, vector<1x16xf32>,
      %parallel_loop3A_649 = vector.shape_cast %parallel_loop3A_648 : vector<1x16xf32> to vector<16xf32>
      %parallel_loop3A_650 = vector.shape_cast %parallel_loop3A_645 : vector<16xf32> to vector<1x16xf32>
      tpu.vector_store %arg10[%parallel_loop3A_646, %parallel_loop3A_647], %parallel_loop3A_650 {strides = array<i32>} : memref<64x128xf32, #tpu.memory_space<vmem>>, vector<1x16xf32>,
      %parallel_loop3A_651 = arith.index_cast %parallel_loop3A_521 : i32 to index
      %parallel_loop3A_652 = arith.constant 64 : index
      %parallel_loop3A_653 = tpu.vector_load %arg11[%parallel_loop3A_651, %parallel_loop3A_652] {strides = array<i32>} : memref<64x128xf32, #tpu.memory_space<vmem>>, vector<1x16xf32>,
      %parallel_loop3A_654 = vector.shape_cast %parallel_loop3A_653 : vector<1x16xf32> to vector<16xf32>
      %parallel_loop3A_655 = arith.mulf %parallel_loop3A_654, %broadcast_in_dim3A_10 : vector<16xf32>
      %parallel_loop3A_656 = arith.addf %parallel_loop3A_655, %parallel_loop3A_639 : vector<16xf32>
      %parallel_loop3A_657 = arith.index_cast %parallel_loop3A_521 : i32 to index
      %parallel_loop3A_658 = arith.constant 64 : index
      %parallel_loop3A_659 = tpu.vector_load %arg11[%parallel_loop3A_657, %parallel_loop3A_658] {strides = array<i32>} : memref<64x128xf32, #tpu.memory_space<vmem>>, vector<1x16xf32>,
      %parallel_loop3A_660 = vector.shape_cast %parallel_loop3A_659 : vector<1x16xf32> to vector<16xf32>
      %parallel_loop3A_661 = vector.shape_cast %parallel_loop3A_656 : vector<16xf32> to vector<1x16xf32>
      tpu.vector_store %arg11[%parallel_loop3A_657, %parallel_loop3A_658], %parallel_loop3A_661 {strides = array<i32>} : memref<64x128xf32, #tpu.memory_space<vmem>>, vector<1x16xf32>,
      %parallel_loop3A_662 = arith.constant 64 : i32
      %parallel_loop3A_663 = arith.addi %parallel_loop3A_662, %parallel_loop3A_521 : i32
      %parallel_loop3A_664 = arith.index_cast %parallel_loop3A_663 : i32 to index
      %parallel_loop3A_665 = arith.constant 80 : index
      %parallel_loop3A_666 = tpu.vector_load %arg7[%parallel_loop3A_664, %parallel_loop3A_665] {strides = array<i32>} : memref<256x128xf32, #tpu.memory_space<vmem>>, vector<1x16xf32>,
      %parallel_loop3A_667 = vector.shape_cast %parallel_loop3A_666 : vector<1x16xf32> to vector<16xf32>
      %parallel_loop3A_668 = arith.index_cast %parallel_loop3A_521 : i32 to index
      %parallel_loop3A_669 = arith.constant 80 : index
      %parallel_loop3A_670 = tpu.vector_load %arg10[%parallel_loop3A_668, %parallel_loop3A_669] {strides = array<i32>} : memref<64x128xf32, #tpu.memory_space<vmem>>, vector<1x16xf32>,
      %parallel_loop3A_671 = vector.shape_cast %parallel_loop3A_670 : vector<1x16xf32> to vector<16xf32>
      %parallel_loop3A_672 = arith.mulf %parallel_loop3A_671, %broadcast_in_dim3A_10 : vector<16xf32>
      %parallel_loop3A_673 = arith.addf %parallel_loop3A_672, %parallel_loop3A_667 : vector<16xf32>
      %parallel_loop3A_674 = arith.index_cast %parallel_loop3A_521 : i32 to index
      %parallel_loop3A_675 = arith.constant 80 : index
      %parallel_loop3A_676 = tpu.vector_load %arg10[%parallel_loop3A_674, %parallel_loop3A_675] {strides = array<i32>} : memref<64x128xf32, #tpu.memory_space<vmem>>, vector<1x16xf32>,
      %parallel_loop3A_677 = vector.shape_cast %parallel_loop3A_676 : vector<1x16xf32> to vector<16xf32>
      %parallel_loop3A_678 = vector.shape_cast %parallel_loop3A_673 : vector<16xf32> to vector<1x16xf32>
      tpu.vector_store %arg10[%parallel_loop3A_674, %parallel_loop3A_675], %parallel_loop3A_678 {strides = array<i32>} : memref<64x128xf32, #tpu.memory_space<vmem>>, vector<1x16xf32>,
      %parallel_loop3A_679 = arith.index_cast %parallel_loop3A_521 : i32 to index
      %parallel_loop3A_680 = arith.constant 80 : index
      %parallel_loop3A_681 = tpu.vector_load %arg11[%parallel_loop3A_679, %parallel_loop3A_680] {strides = array<i32>} : memref<64x128xf32, #tpu.memory_space<vmem>>, vector<1x16xf32>,
      %parallel_loop3A_682 = vector.shape_cast %parallel_loop3A_681 : vector<1x16xf32> to vector<16xf32>
      %parallel_loop3A_683 = arith.mulf %parallel_loop3A_682, %broadcast_in_dim3A_10 : vector<16xf32>
      %parallel_loop3A_684 = arith.addf %parallel_loop3A_683, %parallel_loop3A_667 : vector<16xf32>
      %parallel_loop3A_685 = arith.index_cast %parallel_loop3A_521 : i32 to index
      %parallel_loop3A_686 = arith.constant 80 : index
      %parallel_loop3A_687 = tpu.vector_load %arg11[%parallel_loop3A_685, %parallel_loop3A_686] {strides = array<i32>} : memref<64x128xf32, #tpu.memory_space<vmem>>, vector<1x16xf32>,
      %parallel_loop3A_688 = vector.shape_cast %parallel_loop3A_687 : vector<1x16xf32> to vector<16xf32>
      %parallel_loop3A_689 = vector.shape_cast %parallel_loop3A_684 : vector<16xf32> to vector<1x16xf32>
      tpu.vector_store %arg11[%parallel_loop3A_685, %parallel_loop3A_686], %parallel_loop3A_689 {strides = array<i32>} : memref<64x128xf32, #tpu.memory_space<vmem>>, vector<1x16xf32>,
      %parallel_loop3A_690 = arith.constant 64 : i32
      %parallel_loop3A_691 = arith.addi %parallel_loop3A_690, %parallel_loop3A_521 : i32
      %parallel_loop3A_692 = arith.index_cast %parallel_loop3A_691 : i32 to index
      %parallel_loop3A_693 = arith.constant 96 : index
      %parallel_loop3A_694 = tpu.vector_load %arg7[%parallel_loop3A_692, %parallel_loop3A_693] {strides = array<i32>} : memref<256x128xf32, #tpu.memory_space<vmem>>, vector<1x16xf32>,
      %parallel_loop3A_695 = vector.shape_cast %parallel_loop3A_694 : vector<1x16xf32> to vector<16xf32>
      %parallel_loop3A_696 = arith.index_cast %parallel_loop3A_521 : i32 to index
      %parallel_loop3A_697 = arith.constant 96 : index
      %parallel_loop3A_698 = tpu.vector_load %arg10[%parallel_loop3A_696, %parallel_loop3A_697] {strides = array<i32>} : memref<64x128xf32, #tpu.memory_space<vmem>>, vector<1x16xf32>,
      %parallel_loop3A_699 = vector.shape_cast %parallel_loop3A_698 : vector<1x16xf32> to vector<16xf32>
      %parallel_loop3A_700 = arith.mulf %parallel_loop3A_699, %broadcast_in_dim3A_10 : vector<16xf32>
      %parallel_loop3A_701 = arith.addf %parallel_loop3A_700, %parallel_loop3A_695 : vector<16xf32>
      %parallel_loop3A_702 = arith.index_cast %parallel_loop3A_521 : i32 to index
      %parallel_loop3A_703 = arith.constant 96 : index
      %parallel_loop3A_704 = tpu.vector_load %arg10[%parallel_loop3A_702, %parallel_loop3A_703] {strides = array<i32>} : memref<64x128xf32, #tpu.memory_space<vmem>>, vector<1x16xf32>,
      %parallel_loop3A_705 = vector.shape_cast %parallel_loop3A_704 : vector<1x16xf32> to vector<16xf32>
      %parallel_loop3A_706 = vector.shape_cast %parallel_loop3A_701 : vector<16xf32> to vector<1x16xf32>
      tpu.vector_store %arg10[%parallel_loop3A_702, %parallel_loop3A_703], %parallel_loop3A_706 {strides = array<i32>} : memref<64x128xf32, #tpu.memory_space<vmem>>, vector<1x16xf32>,
      %parallel_loop3A_707 = arith.index_cast %parallel_loop3A_521 : i32 to index
      %parallel_loop3A_708 = arith.constant 96 : index
      %parallel_loop3A_709 = tpu.vector_load %arg11[%parallel_loop3A_707, %parallel_loop3A_708] {strides = array<i32>} : memref<64x128xf32, #tpu.memory_space<vmem>>, vector<1x16xf32>,
      %parallel_loop3A_710 = vector.shape_cast %parallel_loop3A_709 : vector<1x16xf32> to vector<16xf32>
      %parallel_loop3A_711 = arith.mulf %parallel_loop3A_710, %broadcast_in_dim3A_10 : vector<16xf32>
      %parallel_loop3A_712 = arith.addf %parallel_loop3A_711, %parallel_loop3A_695 : vector<16xf32>
      %parallel_loop3A_713 = arith.index_cast %parallel_loop3A_521 : i32 to index
      %parallel_loop3A_714 = arith.constant 96 : index
      %parallel_loop3A_715 = tpu.vector_load %arg11[%parallel_loop3A_713, %parallel_loop3A_714] {strides = array<i32>} : memref<64x128xf32, #tpu.memory_space<vmem>>, vector<1x16xf32>,
      %parallel_loop3A_716 = vector.shape_cast %parallel_loop3A_715 : vector<1x16xf32> to vector<16xf32>
      %parallel_loop3A_717 = vector.shape_cast %parallel_loop3A_712 : vector<16xf32> to vector<1x16xf32>
      tpu.vector_store %arg11[%parallel_loop3A_713, %parallel_loop3A_714], %parallel_loop3A_717 {strides = array<i32>} : memref<64x128xf32, #tpu.memory_space<vmem>>, vector<1x16xf32>,
      %parallel_loop3A_718 = arith.constant 64 : i32
      %parallel_loop3A_719 = arith.addi %parallel_loop3A_718, %parallel_loop3A_521 : i32
      %parallel_loop3A_720 = arith.index_cast %parallel_loop3A_719 : i32 to index
      %parallel_loop3A_721 = arith.constant 112 : index
      %parallel_loop3A_722 = tpu.vector_load %arg7[%parallel_loop3A_720, %parallel_loop3A_721] {strides = array<i32>} : memref<256x128xf32, #tpu.memory_space<vmem>>, vector<1x16xf32>,
      %parallel_loop3A_723 = vector.shape_cast %parallel_loop3A_722 : vector<1x16xf32> to vector<16xf32>
      %parallel_loop3A_724 = arith.index_cast %parallel_loop3A_521 : i32 to index
      %parallel_loop3A_725 = arith.constant 112 : index
      %parallel_loop3A_726 = tpu.vector_load %arg10[%parallel_loop3A_724, %parallel_loop3A_725] {strides = array<i32>} : memref<64x128xf32, #tpu.memory_space<vmem>>, vector<1x16xf32>,
      %parallel_loop3A_727 = vector.shape_cast %parallel_loop3A_726 : vector<1x16xf32> to vector<16xf32>
      %parallel_loop3A_728 = arith.mulf %parallel_loop3A_727, %broadcast_in_dim3A_10 : vector<16xf32>
      %parallel_loop3A_729 = arith.addf %parallel_loop3A_728, %parallel_loop3A_723 : vector<16xf32>
      %parallel_loop3A_730 = arith.index_cast %parallel_loop3A_521 : i32 to index
      %parallel_loop3A_731 = arith.constant 112 : index
      %parallel_loop3A_732 = tpu.vector_load %arg10[%parallel_loop3A_730, %parallel_loop3A_731] {strides = array<i32>} : memref<64x128xf32, #tpu.memory_space<vmem>>, vector<1x16xf32>,
      %parallel_loop3A_733 = vector.shape_cast %parallel_loop3A_732 : vector<1x16xf32> to vector<16xf32>
      %parallel_loop3A_734 = vector.shape_cast %parallel_loop3A_729 : vector<16xf32> to vector<1x16xf32>
      tpu.vector_store %arg10[%parallel_loop3A_730, %parallel_loop3A_731], %parallel_loop3A_734 {strides = array<i32>} : memref<64x128xf32, #tpu.memory_space<vmem>>, vector<1x16xf32>,
      %parallel_loop3A_735 = arith.index_cast %parallel_loop3A_521 : i32 to index
      %parallel_loop3A_736 = arith.constant 112 : index
      %parallel_loop3A_737 = tpu.vector_load %arg11[%parallel_loop3A_735, %parallel_loop3A_736] {strides = array<i32>} : memref<64x128xf32, #tpu.memory_space<vmem>>, vector<1x16xf32>,
      %parallel_loop3A_738 = vector.shape_cast %parallel_loop3A_737 : vector<1x16xf32> to vector<16xf32>
      %parallel_loop3A_739 = arith.mulf %parallel_loop3A_738, %broadcast_in_dim3A_10 : vector<16xf32>
      %parallel_loop3A_740 = arith.addf %parallel_loop3A_739, %parallel_loop3A_723 : vector<16xf32>
      %parallel_loop3A_741 = arith.index_cast %parallel_loop3A_521 : i32 to index
      %parallel_loop3A_742 = arith.constant 112 : index
      %parallel_loop3A_743 = tpu.vector_load %arg11[%parallel_loop3A_741, %parallel_loop3A_742] {strides = array<i32>} : memref<64x128xf32, #tpu.memory_space<vmem>>, vector<1x16xf32>,
      %parallel_loop3A_744 = vector.shape_cast %parallel_loop3A_743 : vector<1x16xf32> to vector<16xf32>
      %parallel_loop3A_745 = vector.shape_cast %parallel_loop3A_740 : vector<16xf32> to vector<1x16xf32>
      tpu.vector_store %arg11[%parallel_loop3A_741, %parallel_loop3A_742], %parallel_loop3A_745 {strides = array<i32>} : memref<64x128xf32, #tpu.memory_space<vmem>>, vector<1x16xf32>,
    } {sc.loop_unroll_factor = 1 : i64, sc.parallel_access}
    %add3A_377 = arith.constant 64 : i32
    %add3A_378 = arith.addi %mul3A_2, %add3A_377 : i32
    %dma_start3A_379 = arith.constant 2 : i32
    %dma_start3A_380 = arith.constant 0 : i32
    %dma_start3A_381 = tpu.memref_slice %arg5[%dma_start3A_379, %add3A_378, %dma_start3A_380] : memref<4x8192x128xf32, #tpu.memory_space<hbm>> -> memref<1x64x128xf32, #tpu.memory_space<hbm>>
    %dma_start3A_382 = tpu.memref_squeeze %dma_start3A_381 : memref<1x64x128xf32, #tpu.memory_space<hbm>> -> memref<64x128xf32, #tpu.memory_space<hbm>>
    %dma_start3A_383 = arith.constant 0 : i32
    %dma_start3A_384 = tpu.memref_slice %arg5[%dma_start3A_379, %add3A_378, %dma_start3A_383] : memref<4x8192x128xf32, #tpu.memory_space<hbm>> -> memref<1x64x128xf32, #tpu.memory_space<hbm>>
    %dma_start3A_385 = tpu.memref_squeeze %dma_start3A_384 : memref<1x64x128xf32, #tpu.memory_space<hbm>> -> memref<64x128xf32, #tpu.memory_space<hbm>>
    tpu.enqueue_dma source(%arg10 : memref<64x128xf32, #tpu.memory_space<vmem>>) target(%dma_start3A_385 : memref<64x128xf32, #tpu.memory_space<hbm>>) target_semaphore(%arg26 : memref<!tpu.dma_semaphore, #tpu.memory_space<semaphore_mem>>)
    %add3A_386 = arith.constant 64 : i32
    %add3A_387 = arith.addi %mul3A_2, %add3A_386 : i32
    %dma_start3A_388 = arith.constant 3 : i32
    %dma_start3A_389 = arith.constant 0 : i32
    %dma_start3A_390 = tpu.memref_slice %arg5[%dma_start3A_388, %add3A_387, %dma_start3A_389] : memref<4x8192x128xf32, #tpu.memory_space<hbm>> -> memref<1x64x128xf32, #tpu.memory_space<hbm>>
    %dma_start3A_391 = tpu.memref_squeeze %dma_start3A_390 : memref<1x64x128xf32, #tpu.memory_space<hbm>> -> memref<64x128xf32, #tpu.memory_space<hbm>>
    %dma_start3A_392 = arith.constant 0 : i32
    %dma_start3A_393 = tpu.memref_slice %arg5[%dma_start3A_388, %add3A_387, %dma_start3A_392] : memref<4x8192x128xf32, #tpu.memory_space<hbm>> -> memref<1x64x128xf32, #tpu.memory_space<hbm>>
    %dma_start3A_394 = tpu.memref_squeeze %dma_start3A_393 : memref<1x64x128xf32, #tpu.memory_space<hbm>> -> memref<64x128xf32, #tpu.memory_space<hbm>>
    tpu.enqueue_dma source(%arg11 : memref<64x128xf32, #tpu.memory_space<vmem>>) target(%dma_start3A_394 : memref<64x128xf32, #tpu.memory_space<hbm>>) target_semaphore(%arg27 : memref<!tpu.dma_semaphore, #tpu.memory_space<semaphore_mem>>)
    %dma_wait3A_395 = arith.constant 2 : i32
    %dma_wait3A_396 = arith.constant 128 : i32
    %dma_wait3A_397 = tpu.memref_slice %arg6[%dma_wait3A_395, %dma_wait3A_396] : memref<4x256xi32, #tpu.memory_space<vmem>> -> memref<1x64xi32, #tpu.memory_space<vmem>>
    %dma_wait3A_398 = tpu.memref_squeeze %dma_wait3A_397 : memref<1x64xi32, #tpu.memory_space<vmem>> -> memref<64xi32, #tpu.memory_space<vmem>>
    %dma_wait3A_399 = arith.constant 0 : i32
    %dma_wait3A_400 = arith.constant 0 : i32
    %dma_wait3A_401 = tpu.memref_slice %arg2[%dma_wait3A_399, %dma_wait3A_400] : memref<1000000x128xf32, #tpu.memory_space<hbm>> -> memref<1000000x128xf32, #tpu.memory_space<hbm>>
    tpu.wait_indirect_dma semaphore(%arg20 : memref<!tpu.dma_semaphore, #tpu.memory_space<semaphore_mem>>) src(%dma_wait3A_401 : memref<1000000x128xf32, #tpu.memory_space<hbm>>) dst(%arg12 : memref<64x128xf32, #tpu.memory_space<vmem>>)
    %dma_wait3A_402 = arith.constant 3 : i32
    %dma_wait3A_403 = arith.constant 128 : i32
    %dma_wait3A_404 = tpu.memref_slice %arg6[%dma_wait3A_402, %dma_wait3A_403] : memref<4x256xi32, #tpu.memory_space<vmem>> -> memref<1x64xi32, #tpu.memory_space<vmem>>
    %dma_wait3A_405 = tpu.memref_squeeze %dma_wait3A_404 : memref<1x64xi32, #tpu.memory_space<vmem>> -> memref<64xi32, #tpu.memory_space<vmem>>
    %dma_wait3A_406 = arith.constant 0 : i32
    %dma_wait3A_407 = arith.constant 0 : i32
    %dma_wait3A_408 = tpu.memref_slice %arg2[%dma_wait3A_406, %dma_wait3A_407] : memref<1000000x128xf32, #tpu.memory_space<hbm>> -> memref<1000000x128xf32, #tpu.memory_space<hbm>>
    tpu.wait_indirect_dma semaphore(%arg21 : memref<!tpu.dma_semaphore, #tpu.memory_space<semaphore_mem>>) src(%dma_wait3A_408 : memref<1000000x128xf32, #tpu.memory_space<hbm>>) dst(%arg13 : memref<64x128xf32, #tpu.memory_space<vmem>>)
    %parallel_loop3A_409 = arith.constant 0 : i32
    %parallel_loop3A_410 = arith.constant 64 : i32
    %parallel_loop3A_411 = arith.constant 1 : i32
    scf.for %parallel_loop3A_521 = %parallel_loop3A_409 to %parallel_loop3A_410 step %parallel_loop3A_411  : i32 {
      %parallel_loop3A_522 = arith.constant 128 : i32
      %parallel_loop3A_523 = arith.addi %parallel_loop3A_522, %parallel_loop3A_521 : i32
      %parallel_loop3A_524 = arith.index_cast %parallel_loop3A_523 : i32 to index
      %parallel_loop3A_525 = arith.constant 0 : index
      %parallel_loop3A_526 = tpu.vector_load %arg7[%parallel_loop3A_524, %parallel_loop3A_525] {strides = array<i32>} : memref<256x128xf32, #tpu.memory_space<vmem>>, vector<1x16xf32>,
      %parallel_loop3A_527 = vector.shape_cast %parallel_loop3A_526 : vector<1x16xf32> to vector<16xf32>
      %parallel_loop3A_528 = arith.index_cast %parallel_loop3A_521 : i32 to index
      %parallel_loop3A_529 = arith.constant 0 : index
      %parallel_loop3A_530 = tpu.vector_load %arg12[%parallel_loop3A_528, %parallel_loop3A_529] {strides = array<i32>} : memref<64x128xf32, #tpu.memory_space<vmem>>, vector<1x16xf32>,
      %parallel_loop3A_531 = vector.shape_cast %parallel_loop3A_530 : vector<1x16xf32> to vector<16xf32>
      %parallel_loop3A_532 = arith.mulf %parallel_loop3A_531, %broadcast_in_dim3A_10 : vector<16xf32>
      %parallel_loop3A_533 = arith.addf %parallel_loop3A_532, %parallel_loop3A_527 : vector<16xf32>
      %parallel_loop3A_534 = arith.index_cast %parallel_loop3A_521 : i32 to index
      %parallel_loop3A_535 = arith.constant 0 : index
      %parallel_loop3A_536 = tpu.vector_load %arg12[%parallel_loop3A_534, %parallel_loop3A_535] {strides = array<i32>} : memref<64x128xf32, #tpu.memory_space<vmem>>, vector<1x16xf32>,
      %parallel_loop3A_537 = vector.shape_cast %parallel_loop3A_536 : vector<1x16xf32> to vector<16xf32>
      %parallel_loop3A_538 = vector.shape_cast %parallel_loop3A_533 : vector<16xf32> to vector<1x16xf32>
      tpu.vector_store %arg12[%parallel_loop3A_534, %parallel_loop3A_535], %parallel_loop3A_538 {strides = array<i32>} : memref<64x128xf32, #tpu.memory_space<vmem>>, vector<1x16xf32>,
      %parallel_loop3A_539 = arith.index_cast %parallel_loop3A_521 : i32 to index
      %parallel_loop3A_540 = arith.constant 0 : index
      %parallel_loop3A_541 = tpu.vector_load %arg13[%parallel_loop3A_539, %parallel_loop3A_540] {strides = array<i32>} : memref<64x128xf32, #tpu.memory_space<vmem>>, vector<1x16xf32>,
      %parallel_loop3A_542 = vector.shape_cast %parallel_loop3A_541 : vector<1x16xf32> to vector<16xf32>
      %parallel_loop3A_543 = arith.mulf %parallel_loop3A_542, %broadcast_in_dim3A_10 : vector<16xf32>
      %parallel_loop3A_544 = arith.addf %parallel_loop3A_543, %parallel_loop3A_527 : vector<16xf32>
      %parallel_loop3A_545 = arith.index_cast %parallel_loop3A_521 : i32 to index
      %parallel_loop3A_546 = arith.constant 0 : index
      %parallel_loop3A_547 = tpu.vector_load %arg13[%parallel_loop3A_545, %parallel_loop3A_546] {strides = array<i32>} : memref<64x128xf32, #tpu.memory_space<vmem>>, vector<1x16xf32>,
      %parallel_loop3A_548 = vector.shape_cast %parallel_loop3A_547 : vector<1x16xf32> to vector<16xf32>
      %parallel_loop3A_549 = vector.shape_cast %parallel_loop3A_544 : vector<16xf32> to vector<1x16xf32>
      tpu.vector_store %arg13[%parallel_loop3A_545, %parallel_loop3A_546], %parallel_loop3A_549 {strides = array<i32>} : memref<64x128xf32, #tpu.memory_space<vmem>>, vector<1x16xf32>,
      %parallel_loop3A_550 = arith.constant 128 : i32
      %parallel_loop3A_551 = arith.addi %parallel_loop3A_550, %parallel_loop3A_521 : i32
      %parallel_loop3A_552 = arith.index_cast %parallel_loop3A_551 : i32 to index
      %parallel_loop3A_553 = arith.constant 16 : index
      %parallel_loop3A_554 = tpu.vector_load %arg7[%parallel_loop3A_552, %parallel_loop3A_553] {strides = array<i32>} : memref<256x128xf32, #tpu.memory_space<vmem>>, vector<1x16xf32>,
      %parallel_loop3A_555 = vector.shape_cast %parallel_loop3A_554 : vector<1x16xf32> to vector<16xf32>
      %parallel_loop3A_556 = arith.index_cast %parallel_loop3A_521 : i32 to index
      %parallel_loop3A_557 = arith.constant 16 : index
      %parallel_loop3A_558 = tpu.vector_load %arg12[%parallel_loop3A_556, %parallel_loop3A_557] {strides = array<i32>} : memref<64x128xf32, #tpu.memory_space<vmem>>, vector<1x16xf32>,
      %parallel_loop3A_559 = vector.shape_cast %parallel_loop3A_558 : vector<1x16xf32> to vector<16xf32>
      %parallel_loop3A_560 = arith.mulf %parallel_loop3A_559, %broadcast_in_dim3A_10 : vector<16xf32>
      %parallel_loop3A_561 = arith.addf %parallel_loop3A_560, %parallel_loop3A_555 : vector<16xf32>
      %parallel_loop3A_562 = arith.index_cast %parallel_loop3A_521 : i32 to index
      %parallel_loop3A_563 = arith.constant 16 : index
      %parallel_loop3A_564 = tpu.vector_load %arg12[%parallel_loop3A_562, %parallel_loop3A_563] {strides = array<i32>} : memref<64x128xf32, #tpu.memory_space<vmem>>, vector<1x16xf32>,
      %parallel_loop3A_565 = vector.shape_cast %parallel_loop3A_564 : vector<1x16xf32> to vector<16xf32>
      %parallel_loop3A_566 = vector.shape_cast %parallel_loop3A_561 : vector<16xf32> to vector<1x16xf32>
      tpu.vector_store %arg12[%parallel_loop3A_562, %parallel_loop3A_563], %parallel_loop3A_566 {strides = array<i32>} : memref<64x128xf32, #tpu.memory_space<vmem>>, vector<1x16xf32>,
      %parallel_loop3A_567 = arith.index_cast %parallel_loop3A_521 : i32 to index
      %parallel_loop3A_568 = arith.constant 16 : index
      %parallel_loop3A_569 = tpu.vector_load %arg13[%parallel_loop3A_567, %parallel_loop3A_568] {strides = array<i32>} : memref<64x128xf32, #tpu.memory_space<vmem>>, vector<1x16xf32>,
      %parallel_loop3A_570 = vector.shape_cast %parallel_loop3A_569 : vector<1x16xf32> to vector<16xf32>
      %parallel_loop3A_571 = arith.mulf %parallel_loop3A_570, %broadcast_in_dim3A_10 : vector<16xf32>
      %parallel_loop3A_572 = arith.addf %parallel_loop3A_571, %parallel_loop3A_555 : vector<16xf32>
      %parallel_loop3A_573 = arith.index_cast %parallel_loop3A_521 : i32 to index
      %parallel_loop3A_574 = arith.constant 16 : index
      %parallel_loop3A_575 = tpu.vector_load %arg13[%parallel_loop3A_573, %parallel_loop3A_574] {strides = array<i32>} : memref<64x128xf32, #tpu.memory_space<vmem>>, vector<1x16xf32>,
      %parallel_loop3A_576 = vector.shape_cast %parallel_loop3A_575 : vector<1x16xf32> to vector<16xf32>
      %parallel_loop3A_577 = vector.shape_cast %parallel_loop3A_572 : vector<16xf32> to vector<1x16xf32>
      tpu.vector_store %arg13[%parallel_loop3A_573, %parallel_loop3A_574], %parallel_loop3A_577 {strides = array<i32>} : memref<64x128xf32, #tpu.memory_space<vmem>>, vector<1x16xf32>,
      %parallel_loop3A_578 = arith.constant 128 : i32
      %parallel_loop3A_579 = arith.addi %parallel_loop3A_578, %parallel_loop3A_521 : i32
      %parallel_loop3A_580 = arith.index_cast %parallel_loop3A_579 : i32 to index
      %parallel_loop3A_581 = arith.constant 32 : index
      %parallel_loop3A_582 = tpu.vector_load %arg7[%parallel_loop3A_580, %parallel_loop3A_581] {strides = array<i32>} : memref<256x128xf32, #tpu.memory_space<vmem>>, vector<1x16xf32>,
      %parallel_loop3A_583 = vector.shape_cast %parallel_loop3A_582 : vector<1x16xf32> to vector<16xf32>
      %parallel_loop3A_584 = arith.index_cast %parallel_loop3A_521 : i32 to index
      %parallel_loop3A_585 = arith.constant 32 : index
      %parallel_loop3A_586 = tpu.vector_load %arg12[%parallel_loop3A_584, %parallel_loop3A_585] {strides = array<i32>} : memref<64x128xf32, #tpu.memory_space<vmem>>, vector<1x16xf32>,
      %parallel_loop3A_587 = vector.shape_cast %parallel_loop3A_586 : vector<1x16xf32> to vector<16xf32>
      %parallel_loop3A_588 = arith.mulf %parallel_loop3A_587, %broadcast_in_dim3A_10 : vector<16xf32>
      %parallel_loop3A_589 = arith.addf %parallel_loop3A_588, %parallel_loop3A_583 : vector<16xf32>
      %parallel_loop3A_590 = arith.index_cast %parallel_loop3A_521 : i32 to index
      %parallel_loop3A_591 = arith.constant 32 : index
      %parallel_loop3A_592 = tpu.vector_load %arg12[%parallel_loop3A_590, %parallel_loop3A_591] {strides = array<i32>} : memref<64x128xf32, #tpu.memory_space<vmem>>, vector<1x16xf32>,
      %parallel_loop3A_593 = vector.shape_cast %parallel_loop3A_592 : vector<1x16xf32> to vector<16xf32>
      %parallel_loop3A_594 = vector.shape_cast %parallel_loop3A_589 : vector<16xf32> to vector<1x16xf32>
      tpu.vector_store %arg12[%parallel_loop3A_590, %parallel_loop3A_591], %parallel_loop3A_594 {strides = array<i32>} : memref<64x128xf32, #tpu.memory_space<vmem>>, vector<1x16xf32>,
      %parallel_loop3A_595 = arith.index_cast %parallel_loop3A_521 : i32 to index
      %parallel_loop3A_596 = arith.constant 32 : index
      %parallel_loop3A_597 = tpu.vector_load %arg13[%parallel_loop3A_595, %parallel_loop3A_596] {strides = array<i32>} : memref<64x128xf32, #tpu.memory_space<vmem>>, vector<1x16xf32>,
      %parallel_loop3A_598 = vector.shape_cast %parallel_loop3A_597 : vector<1x16xf32> to vector<16xf32>
      %parallel_loop3A_599 = arith.mulf %parallel_loop3A_598, %broadcast_in_dim3A_10 : vector<16xf32>
      %parallel_loop3A_600 = arith.addf %parallel_loop3A_599, %parallel_loop3A_583 : vector<16xf32>
      %parallel_loop3A_601 = arith.index_cast %parallel_loop3A_521 : i32 to index
      %parallel_loop3A_602 = arith.constant 32 : index
      %parallel_loop3A_603 = tpu.vector_load %arg13[%parallel_loop3A_601, %parallel_loop3A_602] {strides = array<i32>} : memref<64x128xf32, #tpu.memory_space<vmem>>, vector<1x16xf32>,
      %parallel_loop3A_604 = vector.shape_cast %parallel_loop3A_603 : vector<1x16xf32> to vector<16xf32>
      %parallel_loop3A_605 = vector.shape_cast %parallel_loop3A_600 : vector<16xf32> to vector<1x16xf32>
      tpu.vector_store %arg13[%parallel_loop3A_601, %parallel_loop3A_602], %parallel_loop3A_605 {strides = array<i32>} : memref<64x128xf32, #tpu.memory_space<vmem>>, vector<1x16xf32>,
      %parallel_loop3A_606 = arith.constant 128 : i32
      %parallel_loop3A_607 = arith.addi %parallel_loop3A_606, %parallel_loop3A_521 : i32
      %parallel_loop3A_608 = arith.index_cast %parallel_loop3A_607 : i32 to index
      %parallel_loop3A_609 = arith.constant 48 : index
      %parallel_loop3A_610 = tpu.vector_load %arg7[%parallel_loop3A_608, %parallel_loop3A_609] {strides = array<i32>} : memref<256x128xf32, #tpu.memory_space<vmem>>, vector<1x16xf32>,
      %parallel_loop3A_611 = vector.shape_cast %parallel_loop3A_610 : vector<1x16xf32> to vector<16xf32>
      %parallel_loop3A_612 = arith.index_cast %parallel_loop3A_521 : i32 to index
      %parallel_loop3A_613 = arith.constant 48 : index
      %parallel_loop3A_614 = tpu.vector_load %arg12[%parallel_loop3A_612, %parallel_loop3A_613] {strides = array<i32>} : memref<64x128xf32, #tpu.memory_space<vmem>>, vector<1x16xf32>,
      %parallel_loop3A_615 = vector.shape_cast %parallel_loop3A_614 : vector<1x16xf32> to vector<16xf32>
      %parallel_loop3A_616 = arith.mulf %parallel_loop3A_615, %broadcast_in_dim3A_10 : vector<16xf32>
      %parallel_loop3A_617 = arith.addf %parallel_loop3A_616, %parallel_loop3A_611 : vector<16xf32>
      %parallel_loop3A_618 = arith.index_cast %parallel_loop3A_521 : i32 to index
      %parallel_loop3A_619 = arith.constant 48 : index
      %parallel_loop3A_620 = tpu.vector_load %arg12[%parallel_loop3A_618, %parallel_loop3A_619] {strides = array<i32>} : memref<64x128xf32, #tpu.memory_space<vmem>>, vector<1x16xf32>,
      %parallel_loop3A_621 = vector.shape_cast %parallel_loop3A_620 : vector<1x16xf32> to vector<16xf32>
      %parallel_loop3A_622 = vector.shape_cast %parallel_loop3A_617 : vector<16xf32> to vector<1x16xf32>
      tpu.vector_store %arg12[%parallel_loop3A_618, %parallel_loop3A_619], %parallel_loop3A_622 {strides = array<i32>} : memref<64x128xf32, #tpu.memory_space<vmem>>, vector<1x16xf32>,
      %parallel_loop3A_623 = arith.index_cast %parallel_loop3A_521 : i32 to index
      %parallel_loop3A_624 = arith.constant 48 : index
      %parallel_loop3A_625 = tpu.vector_load %arg13[%parallel_loop3A_623, %parallel_loop3A_624] {strides = array<i32>} : memref<64x128xf32, #tpu.memory_space<vmem>>, vector<1x16xf32>,
      %parallel_loop3A_626 = vector.shape_cast %parallel_loop3A_625 : vector<1x16xf32> to vector<16xf32>
      %parallel_loop3A_627 = arith.mulf %parallel_loop3A_626, %broadcast_in_dim3A_10 : vector<16xf32>
      %parallel_loop3A_628 = arith.addf %parallel_loop3A_627, %parallel_loop3A_611 : vector<16xf32>
      %parallel_loop3A_629 = arith.index_cast %parallel_loop3A_521 : i32 to index
      %parallel_loop3A_630 = arith.constant 48 : index
      %parallel_loop3A_631 = tpu.vector_load %arg13[%parallel_loop3A_629, %parallel_loop3A_630] {strides = array<i32>} : memref<64x128xf32, #tpu.memory_space<vmem>>, vector<1x16xf32>,
      %parallel_loop3A_632 = vector.shape_cast %parallel_loop3A_631 : vector<1x16xf32> to vector<16xf32>
      %parallel_loop3A_633 = vector.shape_cast %parallel_loop3A_628 : vector<16xf32> to vector<1x16xf32>
      tpu.vector_store %arg13[%parallel_loop3A_629, %parallel_loop3A_630], %parallel_loop3A_633 {strides = array<i32>} : memref<64x128xf32, #tpu.memory_space<vmem>>, vector<1x16xf32>,
      %parallel_loop3A_634 = arith.constant 128 : i32
      %parallel_loop3A_635 = arith.addi %parallel_loop3A_634, %parallel_loop3A_521 : i32
      %parallel_loop3A_636 = arith.index_cast %parallel_loop3A_635 : i32 to index
      %parallel_loop3A_637 = arith.constant 64 : index
      %parallel_loop3A_638 = tpu.vector_load %arg7[%parallel_loop3A_636, %parallel_loop3A_637] {strides = array<i32>} : memref<256x128xf32, #tpu.memory_space<vmem>>, vector<1x16xf32>,
      %parallel_loop3A_639 = vector.shape_cast %parallel_loop3A_638 : vector<1x16xf32> to vector<16xf32>
      %parallel_loop3A_640 = arith.index_cast %parallel_loop3A_521 : i32 to index
      %parallel_loop3A_641 = arith.constant 64 : index
      %parallel_loop3A_642 = tpu.vector_load %arg12[%parallel_loop3A_640, %parallel_loop3A_641] {strides = array<i32>} : memref<64x128xf32, #tpu.memory_space<vmem>>, vector<1x16xf32>,
      %parallel_loop3A_643 = vector.shape_cast %parallel_loop3A_642 : vector<1x16xf32> to vector<16xf32>
      %parallel_loop3A_644 = arith.mulf %parallel_loop3A_643, %broadcast_in_dim3A_10 : vector<16xf32>
      %parallel_loop3A_645 = arith.addf %parallel_loop3A_644, %parallel_loop3A_639 : vector<16xf32>
      %parallel_loop3A_646 = arith.index_cast %parallel_loop3A_521 : i32 to index
      %parallel_loop3A_647 = arith.constant 64 : index
      %parallel_loop3A_648 = tpu.vector_load %arg12[%parallel_loop3A_646, %parallel_loop3A_647] {strides = array<i32>} : memref<64x128xf32, #tpu.memory_space<vmem>>, vector<1x16xf32>,
      %parallel_loop3A_649 = vector.shape_cast %parallel_loop3A_648 : vector<1x16xf32> to vector<16xf32>
      %parallel_loop3A_650 = vector.shape_cast %parallel_loop3A_645 : vector<16xf32> to vector<1x16xf32>
      tpu.vector_store %arg12[%parallel_loop3A_646, %parallel_loop3A_647], %parallel_loop3A_650 {strides = array<i32>} : memref<64x128xf32, #tpu.memory_space<vmem>>, vector<1x16xf32>,
      %parallel_loop3A_651 = arith.index_cast %parallel_loop3A_521 : i32 to index
      %parallel_loop3A_652 = arith.constant 64 : index
      %parallel_loop3A_653 = tpu.vector_load %arg13[%parallel_loop3A_651, %parallel_loop3A_652] {strides = array<i32>} : memref<64x128xf32, #tpu.memory_space<vmem>>, vector<1x16xf32>,
      %parallel_loop3A_654 = vector.shape_cast %parallel_loop3A_653 : vector<1x16xf32> to vector<16xf32>
      %parallel_loop3A_655 = arith.mulf %parallel_loop3A_654, %broadcast_in_dim3A_10 : vector<16xf32>
      %parallel_loop3A_656 = arith.addf %parallel_loop3A_655, %parallel_loop3A_639 : vector<16xf32>
      %parallel_loop3A_657 = arith.index_cast %parallel_loop3A_521 : i32 to index
      %parallel_loop3A_658 = arith.constant 64 : index
      %parallel_loop3A_659 = tpu.vector_load %arg13[%parallel_loop3A_657, %parallel_loop3A_658] {strides = array<i32>} : memref<64x128xf32, #tpu.memory_space<vmem>>, vector<1x16xf32>,
      %parallel_loop3A_660 = vector.shape_cast %parallel_loop3A_659 : vector<1x16xf32> to vector<16xf32>
      %parallel_loop3A_661 = vector.shape_cast %parallel_loop3A_656 : vector<16xf32> to vector<1x16xf32>
      tpu.vector_store %arg13[%parallel_loop3A_657, %parallel_loop3A_658], %parallel_loop3A_661 {strides = array<i32>} : memref<64x128xf32, #tpu.memory_space<vmem>>, vector<1x16xf32>,
      %parallel_loop3A_662 = arith.constant 128 : i32
      %parallel_loop3A_663 = arith.addi %parallel_loop3A_662, %parallel_loop3A_521 : i32
      %parallel_loop3A_664 = arith.index_cast %parallel_loop3A_663 : i32 to index
      %parallel_loop3A_665 = arith.constant 80 : index
      %parallel_loop3A_666 = tpu.vector_load %arg7[%parallel_loop3A_664, %parallel_loop3A_665] {strides = array<i32>} : memref<256x128xf32, #tpu.memory_space<vmem>>, vector<1x16xf32>,
      %parallel_loop3A_667 = vector.shape_cast %parallel_loop3A_666 : vector<1x16xf32> to vector<16xf32>
      %parallel_loop3A_668 = arith.index_cast %parallel_loop3A_521 : i32 to index
      %parallel_loop3A_669 = arith.constant 80 : index
      %parallel_loop3A_670 = tpu.vector_load %arg12[%parallel_loop3A_668, %parallel_loop3A_669] {strides = array<i32>} : memref<64x128xf32, #tpu.memory_space<vmem>>, vector<1x16xf32>,
      %parallel_loop3A_671 = vector.shape_cast %parallel_loop3A_670 : vector<1x16xf32> to vector<16xf32>
      %parallel_loop3A_672 = arith.mulf %parallel_loop3A_671, %broadcast_in_dim3A_10 : vector<16xf32>
      %parallel_loop3A_673 = arith.addf %parallel_loop3A_672, %parallel_loop3A_667 : vector<16xf32>
      %parallel_loop3A_674 = arith.index_cast %parallel_loop3A_521 : i32 to index
      %parallel_loop3A_675 = arith.constant 80 : index
      %parallel_loop3A_676 = tpu.vector_load %arg12[%parallel_loop3A_674, %parallel_loop3A_675] {strides = array<i32>} : memref<64x128xf32, #tpu.memory_space<vmem>>, vector<1x16xf32>,
      %parallel_loop3A_677 = vector.shape_cast %parallel_loop3A_676 : vector<1x16xf32> to vector<16xf32>
      %parallel_loop3A_678 = vector.shape_cast %parallel_loop3A_673 : vector<16xf32> to vector<1x16xf32>
      tpu.vector_store %arg12[%parallel_loop3A_674, %parallel_loop3A_675], %parallel_loop3A_678 {strides = array<i32>} : memref<64x128xf32, #tpu.memory_space<vmem>>, vector<1x16xf32>,
      %parallel_loop3A_679 = arith.index_cast %parallel_loop3A_521 : i32 to index
      %parallel_loop3A_680 = arith.constant 80 : index
      %parallel_loop3A_681 = tpu.vector_load %arg13[%parallel_loop3A_679, %parallel_loop3A_680] {strides = array<i32>} : memref<64x128xf32, #tpu.memory_space<vmem>>, vector<1x16xf32>,
      %parallel_loop3A_682 = vector.shape_cast %parallel_loop3A_681 : vector<1x16xf32> to vector<16xf32>
      %parallel_loop3A_683 = arith.mulf %parallel_loop3A_682, %broadcast_in_dim3A_10 : vector<16xf32>
      %parallel_loop3A_684 = arith.addf %parallel_loop3A_683, %parallel_loop3A_667 : vector<16xf32>
      %parallel_loop3A_685 = arith.index_cast %parallel_loop3A_521 : i32 to index
      %parallel_loop3A_686 = arith.constant 80 : index
      %parallel_loop3A_687 = tpu.vector_load %arg13[%parallel_loop3A_685, %parallel_loop3A_686] {strides = array<i32>} : memref<64x128xf32, #tpu.memory_space<vmem>>, vector<1x16xf32>,
      %parallel_loop3A_688 = vector.shape_cast %parallel_loop3A_687 : vector<1x16xf32> to vector<16xf32>
      %parallel_loop3A_689 = vector.shape_cast %parallel_loop3A_684 : vector<16xf32> to vector<1x16xf32>
      tpu.vector_store %arg13[%parallel_loop3A_685, %parallel_loop3A_686], %parallel_loop3A_689 {strides = array<i32>} : memref<64x128xf32, #tpu.memory_space<vmem>>, vector<1x16xf32>,
      %parallel_loop3A_690 = arith.constant 128 : i32
      %parallel_loop3A_691 = arith.addi %parallel_loop3A_690, %parallel_loop3A_521 : i32
      %parallel_loop3A_692 = arith.index_cast %parallel_loop3A_691 : i32 to index
      %parallel_loop3A_693 = arith.constant 96 : index
      %parallel_loop3A_694 = tpu.vector_load %arg7[%parallel_loop3A_692, %parallel_loop3A_693] {strides = array<i32>} : memref<256x128xf32, #tpu.memory_space<vmem>>, vector<1x16xf32>,
      %parallel_loop3A_695 = vector.shape_cast %parallel_loop3A_694 : vector<1x16xf32> to vector<16xf32>
      %parallel_loop3A_696 = arith.index_cast %parallel_loop3A_521 : i32 to index
      %parallel_loop3A_697 = arith.constant 96 : index
      %parallel_loop3A_698 = tpu.vector_load %arg12[%parallel_loop3A_696, %parallel_loop3A_697] {strides = array<i32>} : memref<64x128xf32, #tpu.memory_space<vmem>>, vector<1x16xf32>,
      %parallel_loop3A_699 = vector.shape_cast %parallel_loop3A_698 : vector<1x16xf32> to vector<16xf32>
      %parallel_loop3A_700 = arith.mulf %parallel_loop3A_699, %broadcast_in_dim3A_10 : vector<16xf32>
      %parallel_loop3A_701 = arith.addf %parallel_loop3A_700, %parallel_loop3A_695 : vector<16xf32>
      %parallel_loop3A_702 = arith.index_cast %parallel_loop3A_521 : i32 to index
      %parallel_loop3A_703 = arith.constant 96 : index
      %parallel_loop3A_704 = tpu.vector_load %arg12[%parallel_loop3A_702, %parallel_loop3A_703] {strides = array<i32>} : memref<64x128xf32, #tpu.memory_space<vmem>>, vector<1x16xf32>,
      %parallel_loop3A_705 = vector.shape_cast %parallel_loop3A_704 : vector<1x16xf32> to vector<16xf32>
      %parallel_loop3A_706 = vector.shape_cast %parallel_loop3A_701 : vector<16xf32> to vector<1x16xf32>
      tpu.vector_store %arg12[%parallel_loop3A_702, %parallel_loop3A_703], %parallel_loop3A_706 {strides = array<i32>} : memref<64x128xf32, #tpu.memory_space<vmem>>, vector<1x16xf32>,
      %parallel_loop3A_707 = arith.index_cast %parallel_loop3A_521 : i32 to index
      %parallel_loop3A_708 = arith.constant 96 : index
      %parallel_loop3A_709 = tpu.vector_load %arg13[%parallel_loop3A_707, %parallel_loop3A_708] {strides = array<i32>} : memref<64x128xf32, #tpu.memory_space<vmem>>, vector<1x16xf32>,
      %parallel_loop3A_710 = vector.shape_cast %parallel_loop3A_709 : vector<1x16xf32> to vector<16xf32>
      %parallel_loop3A_711 = arith.mulf %parallel_loop3A_710, %broadcast_in_dim3A_10 : vector<16xf32>
      %parallel_loop3A_712 = arith.addf %parallel_loop3A_711, %parallel_loop3A_695 : vector<16xf32>
      %parallel_loop3A_713 = arith.index_cast %parallel_loop3A_521 : i32 to index
      %parallel_loop3A_714 = arith.constant 96 : index
      %parallel_loop3A_715 = tpu.vector_load %arg13[%parallel_loop3A_713, %parallel_loop3A_714] {strides = array<i32>} : memref<64x128xf32, #tpu.memory_space<vmem>>, vector<1x16xf32>,
      %parallel_loop3A_716 = vector.shape_cast %parallel_loop3A_715 : vector<1x16xf32> to vector<16xf32>
      %parallel_loop3A_717 = vector.shape_cast %parallel_loop3A_712 : vector<16xf32> to vector<1x16xf32>
      tpu.vector_store %arg13[%parallel_loop3A_713, %parallel_loop3A_714], %parallel_loop3A_717 {strides = array<i32>} : memref<64x128xf32, #tpu.memory_space<vmem>>, vector<1x16xf32>,
      %parallel_loop3A_718 = arith.constant 128 : i32
      %parallel_loop3A_719 = arith.addi %parallel_loop3A_718, %parallel_loop3A_521 : i32
      %parallel_loop3A_720 = arith.index_cast %parallel_loop3A_719 : i32 to index
      %parallel_loop3A_721 = arith.constant 112 : index
      %parallel_loop3A_722 = tpu.vector_load %arg7[%parallel_loop3A_720, %parallel_loop3A_721] {strides = array<i32>} : memref<256x128xf32, #tpu.memory_space<vmem>>, vector<1x16xf32>,
      %parallel_loop3A_723 = vector.shape_cast %parallel_loop3A_722 : vector<1x16xf32> to vector<16xf32>
      %parallel_loop3A_724 = arith.index_cast %parallel_loop3A_521 : i32 to index
      %parallel_loop3A_725 = arith.constant 112 : index
      %parallel_loop3A_726 = tpu.vector_load %arg12[%parallel_loop3A_724, %parallel_loop3A_725] {strides = array<i32>} : memref<64x128xf32, #tpu.memory_space<vmem>>, vector<1x16xf32>,
      %parallel_loop3A_727 = vector.shape_cast %parallel_loop3A_726 : vector<1x16xf32> to vector<16xf32>
      %parallel_loop3A_728 = arith.mulf %parallel_loop3A_727, %broadcast_in_dim3A_10 : vector<16xf32>
      %parallel_loop3A_729 = arith.addf %parallel_loop3A_728, %parallel_loop3A_723 : vector<16xf32>
      %parallel_loop3A_730 = arith.index_cast %parallel_loop3A_521 : i32 to index
      %parallel_loop3A_731 = arith.constant 112 : index
      %parallel_loop3A_732 = tpu.vector_load %arg12[%parallel_loop3A_730, %parallel_loop3A_731] {strides = array<i32>} : memref<64x128xf32, #tpu.memory_space<vmem>>, vector<1x16xf32>,
      %parallel_loop3A_733 = vector.shape_cast %parallel_loop3A_732 : vector<1x16xf32> to vector<16xf32>
      %parallel_loop3A_734 = vector.shape_cast %parallel_loop3A_729 : vector<16xf32> to vector<1x16xf32>
      tpu.vector_store %arg12[%parallel_loop3A_730, %parallel_loop3A_731], %parallel_loop3A_734 {strides = array<i32>} : memref<64x128xf32, #tpu.memory_space<vmem>>, vector<1x16xf32>,
      %parallel_loop3A_735 = arith.index_cast %parallel_loop3A_521 : i32 to index
      %parallel_loop3A_736 = arith.constant 112 : index
      %parallel_loop3A_737 = tpu.vector_load %arg13[%parallel_loop3A_735, %parallel_loop3A_736] {strides = array<i32>} : memref<64x128xf32, #tpu.memory_space<vmem>>, vector<1x16xf32>,
      %parallel_loop3A_738 = vector.shape_cast %parallel_loop3A_737 : vector<1x16xf32> to vector<16xf32>
      %parallel_loop3A_739 = arith.mulf %parallel_loop3A_738, %broadcast_in_dim3A_10 : vector<16xf32>
      %parallel_loop3A_740 = arith.addf %parallel_loop3A_739, %parallel_loop3A_723 : vector<16xf32>
      %parallel_loop3A_741 = arith.index_cast %parallel_loop3A_521 : i32 to index
      %parallel_loop3A_742 = arith.constant 112 : index
      %parallel_loop3A_743 = tpu.vector_load %arg13[%parallel_loop3A_741, %parallel_loop3A_742] {strides = array<i32>} : memref<64x128xf32, #tpu.memory_space<vmem>>, vector<1x16xf32>,
      %parallel_loop3A_744 = vector.shape_cast %parallel_loop3A_743 : vector<1x16xf32> to vector<16xf32>
      %parallel_loop3A_745 = vector.shape_cast %parallel_loop3A_740 : vector<16xf32> to vector<1x16xf32>
      tpu.vector_store %arg13[%parallel_loop3A_741, %parallel_loop3A_742], %parallel_loop3A_745 {strides = array<i32>} : memref<64x128xf32, #tpu.memory_space<vmem>>, vector<1x16xf32>,
    } {sc.loop_unroll_factor = 1 : i64, sc.parallel_access}
    %add3A_412 = arith.constant 128 : i32
    %add3A_413 = arith.addi %mul3A_2, %add3A_412 : i32
    %dma_start3A_414 = arith.constant 2 : i32
    %dma_start3A_415 = arith.constant 0 : i32
    %dma_start3A_416 = tpu.memref_slice %arg5[%dma_start3A_414, %add3A_413, %dma_start3A_415] : memref<4x8192x128xf32, #tpu.memory_space<hbm>> -> memref<1x64x128xf32, #tpu.memory_space<hbm>>
    %dma_start3A_417 = tpu.memref_squeeze %dma_start3A_416 : memref<1x64x128xf32, #tpu.memory_space<hbm>> -> memref<64x128xf32, #tpu.memory_space<hbm>>
    %dma_start3A_418 = arith.constant 0 : i32
    %dma_start3A_419 = tpu.memref_slice %arg5[%dma_start3A_414, %add3A_413, %dma_start3A_418] : memref<4x8192x128xf32, #tpu.memory_space<hbm>> -> memref<1x64x128xf32, #tpu.memory_space<hbm>>
    %dma_start3A_420 = tpu.memref_squeeze %dma_start3A_419 : memref<1x64x128xf32, #tpu.memory_space<hbm>> -> memref<64x128xf32, #tpu.memory_space<hbm>>
    tpu.enqueue_dma source(%arg12 : memref<64x128xf32, #tpu.memory_space<vmem>>) target(%dma_start3A_420 : memref<64x128xf32, #tpu.memory_space<hbm>>) target_semaphore(%arg28 : memref<!tpu.dma_semaphore, #tpu.memory_space<semaphore_mem>>)
    %add3A_421 = arith.constant 128 : i32
    %add3A_422 = arith.addi %mul3A_2, %add3A_421 : i32
    %dma_start3A_423 = arith.constant 3 : i32
    %dma_start3A_424 = arith.constant 0 : i32
    %dma_start3A_425 = tpu.memref_slice %arg5[%dma_start3A_423, %add3A_422, %dma_start3A_424] : memref<4x8192x128xf32, #tpu.memory_space<hbm>> -> memref<1x64x128xf32, #tpu.memory_space<hbm>>
    %dma_start3A_426 = tpu.memref_squeeze %dma_start3A_425 : memref<1x64x128xf32, #tpu.memory_space<hbm>> -> memref<64x128xf32, #tpu.memory_space<hbm>>
    %dma_start3A_427 = arith.constant 0 : i32
    %dma_start3A_428 = tpu.memref_slice %arg5[%dma_start3A_423, %add3A_422, %dma_start3A_427] : memref<4x8192x128xf32, #tpu.memory_space<hbm>> -> memref<1x64x128xf32, #tpu.memory_space<hbm>>
    %dma_start3A_429 = tpu.memref_squeeze %dma_start3A_428 : memref<1x64x128xf32, #tpu.memory_space<hbm>> -> memref<64x128xf32, #tpu.memory_space<hbm>>
    tpu.enqueue_dma source(%arg13 : memref<64x128xf32, #tpu.memory_space<vmem>>) target(%dma_start3A_429 : memref<64x128xf32, #tpu.memory_space<hbm>>) target_semaphore(%arg29 : memref<!tpu.dma_semaphore, #tpu.memory_space<semaphore_mem>>)
    %dma_wait3A_430 = arith.constant 2 : i32
    %dma_wait3A_431 = arith.constant 192 : i32
    %dma_wait3A_432 = tpu.memref_slice %arg6[%dma_wait3A_430, %dma_wait3A_431] : memref<4x256xi32, #tpu.memory_space<vmem>> -> memref<1x64xi32, #tpu.memory_space<vmem>>
    %dma_wait3A_433 = tpu.memref_squeeze %dma_wait3A_432 : memref<1x64xi32, #tpu.memory_space<vmem>> -> memref<64xi32, #tpu.memory_space<vmem>>
    %dma_wait3A_434 = arith.constant 0 : i32
    %dma_wait3A_435 = arith.constant 0 : i32
    %dma_wait3A_436 = tpu.memref_slice %arg2[%dma_wait3A_434, %dma_wait3A_435] : memref<1000000x128xf32, #tpu.memory_space<hbm>> -> memref<1000000x128xf32, #tpu.memory_space<hbm>>
    tpu.wait_indirect_dma semaphore(%arg22 : memref<!tpu.dma_semaphore, #tpu.memory_space<semaphore_mem>>) src(%dma_wait3A_436 : memref<1000000x128xf32, #tpu.memory_space<hbm>>) dst(%arg14 : memref<64x128xf32, #tpu.memory_space<vmem>>)
    %dma_wait3A_437 = arith.constant 3 : i32
    %dma_wait3A_438 = arith.constant 192 : i32
    %dma_wait3A_439 = tpu.memref_slice %arg6[%dma_wait3A_437, %dma_wait3A_438] : memref<4x256xi32, #tpu.memory_space<vmem>> -> memref<1x64xi32, #tpu.memory_space<vmem>>
    %dma_wait3A_440 = tpu.memref_squeeze %dma_wait3A_439 : memref<1x64xi32, #tpu.memory_space<vmem>> -> memref<64xi32, #tpu.memory_space<vmem>>
    %dma_wait3A_441 = arith.constant 0 : i32
    %dma_wait3A_442 = arith.constant 0 : i32
    %dma_wait3A_443 = tpu.memref_slice %arg2[%dma_wait3A_441, %dma_wait3A_442] : memref<1000000x128xf32, #tpu.memory_space<hbm>> -> memref<1000000x128xf32, #tpu.memory_space<hbm>>
    tpu.wait_indirect_dma semaphore(%arg23 : memref<!tpu.dma_semaphore, #tpu.memory_space<semaphore_mem>>) src(%dma_wait3A_443 : memref<1000000x128xf32, #tpu.memory_space<hbm>>) dst(%arg15 : memref<64x128xf32, #tpu.memory_space<vmem>>)
    %parallel_loop3A_444 = arith.constant 0 : i32
    %parallel_loop3A_445 = arith.constant 64 : i32
    %parallel_loop3A_446 = arith.constant 1 : i32
    scf.for %parallel_loop3A_521 = %parallel_loop3A_444 to %parallel_loop3A_445 step %parallel_loop3A_446  : i32 {
      %parallel_loop3A_522 = arith.constant 192 : i32
      %parallel_loop3A_523 = arith.addi %parallel_loop3A_522, %parallel_loop3A_521 : i32
      %parallel_loop3A_524 = arith.index_cast %parallel_loop3A_523 : i32 to index
      %parallel_loop3A_525 = arith.constant 0 : index
      %parallel_loop3A_526 = tpu.vector_load %arg7[%parallel_loop3A_524, %parallel_loop3A_525] {strides = array<i32>} : memref<256x128xf32, #tpu.memory_space<vmem>>, vector<1x16xf32>,
      %parallel_loop3A_527 = vector.shape_cast %parallel_loop3A_526 : vector<1x16xf32> to vector<16xf32>
      %parallel_loop3A_528 = arith.index_cast %parallel_loop3A_521 : i32 to index
      %parallel_loop3A_529 = arith.constant 0 : index
      %parallel_loop3A_530 = tpu.vector_load %arg14[%parallel_loop3A_528, %parallel_loop3A_529] {strides = array<i32>} : memref<64x128xf32, #tpu.memory_space<vmem>>, vector<1x16xf32>,
      %parallel_loop3A_531 = vector.shape_cast %parallel_loop3A_530 : vector<1x16xf32> to vector<16xf32>
      %parallel_loop3A_532 = arith.mulf %parallel_loop3A_531, %broadcast_in_dim3A_10 : vector<16xf32>
      %parallel_loop3A_533 = arith.addf %parallel_loop3A_532, %parallel_loop3A_527 : vector<16xf32>
      %parallel_loop3A_534 = arith.index_cast %parallel_loop3A_521 : i32 to index
      %parallel_loop3A_535 = arith.constant 0 : index
      %parallel_loop3A_536 = tpu.vector_load %arg14[%parallel_loop3A_534, %parallel_loop3A_535] {strides = array<i32>} : memref<64x128xf32, #tpu.memory_space<vmem>>, vector<1x16xf32>,
      %parallel_loop3A_537 = vector.shape_cast %parallel_loop3A_536 : vector<1x16xf32> to vector<16xf32>
      %parallel_loop3A_538 = vector.shape_cast %parallel_loop3A_533 : vector<16xf32> to vector<1x16xf32>
      tpu.vector_store %arg14[%parallel_loop3A_534, %parallel_loop3A_535], %parallel_loop3A_538 {strides = array<i32>} : memref<64x128xf32, #tpu.memory_space<vmem>>, vector<1x16xf32>,
      %parallel_loop3A_539 = arith.index_cast %parallel_loop3A_521 : i32 to index
      %parallel_loop3A_540 = arith.constant 0 : index
      %parallel_loop3A_541 = tpu.vector_load %arg15[%parallel_loop3A_539, %parallel_loop3A_540] {strides = array<i32>} : memref<64x128xf32, #tpu.memory_space<vmem>>, vector<1x16xf32>,
      %parallel_loop3A_542 = vector.shape_cast %parallel_loop3A_541 : vector<1x16xf32> to vector<16xf32>
      %parallel_loop3A_543 = arith.mulf %parallel_loop3A_542, %broadcast_in_dim3A_10 : vector<16xf32>
      %parallel_loop3A_544 = arith.addf %parallel_loop3A_543, %parallel_loop3A_527 : vector<16xf32>
      %parallel_loop3A_545 = arith.index_cast %parallel_loop3A_521 : i32 to index
      %parallel_loop3A_546 = arith.constant 0 : index
      %parallel_loop3A_547 = tpu.vector_load %arg15[%parallel_loop3A_545, %parallel_loop3A_546] {strides = array<i32>} : memref<64x128xf32, #tpu.memory_space<vmem>>, vector<1x16xf32>,
      %parallel_loop3A_548 = vector.shape_cast %parallel_loop3A_547 : vector<1x16xf32> to vector<16xf32>
      %parallel_loop3A_549 = vector.shape_cast %parallel_loop3A_544 : vector<16xf32> to vector<1x16xf32>
      tpu.vector_store %arg15[%parallel_loop3A_545, %parallel_loop3A_546], %parallel_loop3A_549 {strides = array<i32>} : memref<64x128xf32, #tpu.memory_space<vmem>>, vector<1x16xf32>,
      %parallel_loop3A_550 = arith.constant 192 : i32
      %parallel_loop3A_551 = arith.addi %parallel_loop3A_550, %parallel_loop3A_521 : i32
      %parallel_loop3A_552 = arith.index_cast %parallel_loop3A_551 : i32 to index
      %parallel_loop3A_553 = arith.constant 16 : index
      %parallel_loop3A_554 = tpu.vector_load %arg7[%parallel_loop3A_552, %parallel_loop3A_553] {strides = array<i32>} : memref<256x128xf32, #tpu.memory_space<vmem>>, vector<1x16xf32>,
      %parallel_loop3A_555 = vector.shape_cast %parallel_loop3A_554 : vector<1x16xf32> to vector<16xf32>
      %parallel_loop3A_556 = arith.index_cast %parallel_loop3A_521 : i32 to index
      %parallel_loop3A_557 = arith.constant 16 : index
      %parallel_loop3A_558 = tpu.vector_load %arg14[%parallel_loop3A_556, %parallel_loop3A_557] {strides = array<i32>} : memref<64x128xf32, #tpu.memory_space<vmem>>, vector<1x16xf32>,
      %parallel_loop3A_559 = vector.shape_cast %parallel_loop3A_558 : vector<1x16xf32> to vector<16xf32>
      %parallel_loop3A_560 = arith.mulf %parallel_loop3A_559, %broadcast_in_dim3A_10 : vector<16xf32>
      %parallel_loop3A_561 = arith.addf %parallel_loop3A_560, %parallel_loop3A_555 : vector<16xf32>
      %parallel_loop3A_562 = arith.index_cast %parallel_loop3A_521 : i32 to index
      %parallel_loop3A_563 = arith.constant 16 : index
      %parallel_loop3A_564 = tpu.vector_load %arg14[%parallel_loop3A_562, %parallel_loop3A_563] {strides = array<i32>} : memref<64x128xf32, #tpu.memory_space<vmem>>, vector<1x16xf32>,
      %parallel_loop3A_565 = vector.shape_cast %parallel_loop3A_564 : vector<1x16xf32> to vector<16xf32>
      %parallel_loop3A_566 = vector.shape_cast %parallel_loop3A_561 : vector<16xf32> to vector<1x16xf32>
      tpu.vector_store %arg14[%parallel_loop3A_562, %parallel_loop3A_563], %parallel_loop3A_566 {strides = array<i32>} : memref<64x128xf32, #tpu.memory_space<vmem>>, vector<1x16xf32>,
      %parallel_loop3A_567 = arith.index_cast %parallel_loop3A_521 : i32 to index
      %parallel_loop3A_568 = arith.constant 16 : index
      %parallel_loop3A_569 = tpu.vector_load %arg15[%parallel_loop3A_567, %parallel_loop3A_568] {strides = array<i32>} : memref<64x128xf32, #tpu.memory_space<vmem>>, vector<1x16xf32>,
      %parallel_loop3A_570 = vector.shape_cast %parallel_loop3A_569 : vector<1x16xf32> to vector<16xf32>
      %parallel_loop3A_571 = arith.mulf %parallel_loop3A_570, %broadcast_in_dim3A_10 : vector<16xf32>
      %parallel_loop3A_572 = arith.addf %parallel_loop3A_571, %parallel_loop3A_555 : vector<16xf32>
      %parallel_loop3A_573 = arith.index_cast %parallel_loop3A_521 : i32 to index
      %parallel_loop3A_574 = arith.constant 16 : index
      %parallel_loop3A_575 = tpu.vector_load %arg15[%parallel_loop3A_573, %parallel_loop3A_574] {strides = array<i32>} : memref<64x128xf32, #tpu.memory_space<vmem>>, vector<1x16xf32>,
      %parallel_loop3A_576 = vector.shape_cast %parallel_loop3A_575 : vector<1x16xf32> to vector<16xf32>
      %parallel_loop3A_577 = vector.shape_cast %parallel_loop3A_572 : vector<16xf32> to vector<1x16xf32>
      tpu.vector_store %arg15[%parallel_loop3A_573, %parallel_loop3A_574], %parallel_loop3A_577 {strides = array<i32>} : memref<64x128xf32, #tpu.memory_space<vmem>>, vector<1x16xf32>,
      %parallel_loop3A_578 = arith.constant 192 : i32
      %parallel_loop3A_579 = arith.addi %parallel_loop3A_578, %parallel_loop3A_521 : i32
      %parallel_loop3A_580 = arith.index_cast %parallel_loop3A_579 : i32 to index
      %parallel_loop3A_581 = arith.constant 32 : index
      %parallel_loop3A_582 = tpu.vector_load %arg7[%parallel_loop3A_580, %parallel_loop3A_581] {strides = array<i32>} : memref<256x128xf32, #tpu.memory_space<vmem>>, vector<1x16xf32>,
      %parallel_loop3A_583 = vector.shape_cast %parallel_loop3A_582 : vector<1x16xf32> to vector<16xf32>
      %parallel_loop3A_584 = arith.index_cast %parallel_loop3A_521 : i32 to index
      %parallel_loop3A_585 = arith.constant 32 : index
      %parallel_loop3A_586 = tpu.vector_load %arg14[%parallel_loop3A_584, %parallel_loop3A_585] {strides = array<i32>} : memref<64x128xf32, #tpu.memory_space<vmem>>, vector<1x16xf32>,
      %parallel_loop3A_587 = vector.shape_cast %parallel_loop3A_586 : vector<1x16xf32> to vector<16xf32>
      %parallel_loop3A_588 = arith.mulf %parallel_loop3A_587, %broadcast_in_dim3A_10 : vector<16xf32>
      %parallel_loop3A_589 = arith.addf %parallel_loop3A_588, %parallel_loop3A_583 : vector<16xf32>
      %parallel_loop3A_590 = arith.index_cast %parallel_loop3A_521 : i32 to index
      %parallel_loop3A_591 = arith.constant 32 : index
      %parallel_loop3A_592 = tpu.vector_load %arg14[%parallel_loop3A_590, %parallel_loop3A_591] {strides = array<i32>} : memref<64x128xf32, #tpu.memory_space<vmem>>, vector<1x16xf32>,
      %parallel_loop3A_593 = vector.shape_cast %parallel_loop3A_592 : vector<1x16xf32> to vector<16xf32>
      %parallel_loop3A_594 = vector.shape_cast %parallel_loop3A_589 : vector<16xf32> to vector<1x16xf32>
      tpu.vector_store %arg14[%parallel_loop3A_590, %parallel_loop3A_591], %parallel_loop3A_594 {strides = array<i32>} : memref<64x128xf32, #tpu.memory_space<vmem>>, vector<1x16xf32>,
      %parallel_loop3A_595 = arith.index_cast %parallel_loop3A_521 : i32 to index
      %parallel_loop3A_596 = arith.constant 32 : index
      %parallel_loop3A_597 = tpu.vector_load %arg15[%parallel_loop3A_595, %parallel_loop3A_596] {strides = array<i32>} : memref<64x128xf32, #tpu.memory_space<vmem>>, vector<1x16xf32>,
      %parallel_loop3A_598 = vector.shape_cast %parallel_loop3A_597 : vector<1x16xf32> to vector<16xf32>
      %parallel_loop3A_599 = arith.mulf %parallel_loop3A_598, %broadcast_in_dim3A_10 : vector<16xf32>
      %parallel_loop3A_600 = arith.addf %parallel_loop3A_599, %parallel_loop3A_583 : vector<16xf32>
      %parallel_loop3A_601 = arith.index_cast %parallel_loop3A_521 : i32 to index
      %parallel_loop3A_602 = arith.constant 32 : index
      %parallel_loop3A_603 = tpu.vector_load %arg15[%parallel_loop3A_601, %parallel_loop3A_602] {strides = array<i32>} : memref<64x128xf32, #tpu.memory_space<vmem>>, vector<1x16xf32>,
      %parallel_loop3A_604 = vector.shape_cast %parallel_loop3A_603 : vector<1x16xf32> to vector<16xf32>
      %parallel_loop3A_605 = vector.shape_cast %parallel_loop3A_600 : vector<16xf32> to vector<1x16xf32>
      tpu.vector_store %arg15[%parallel_loop3A_601, %parallel_loop3A_602], %parallel_loop3A_605 {strides = array<i32>} : memref<64x128xf32, #tpu.memory_space<vmem>>, vector<1x16xf32>,
      %parallel_loop3A_606 = arith.constant 192 : i32
      %parallel_loop3A_607 = arith.addi %parallel_loop3A_606, %parallel_loop3A_521 : i32
      %parallel_loop3A_608 = arith.index_cast %parallel_loop3A_607 : i32 to index
      %parallel_loop3A_609 = arith.constant 48 : index
      %parallel_loop3A_610 = tpu.vector_load %arg7[%parallel_loop3A_608, %parallel_loop3A_609] {strides = array<i32>} : memref<256x128xf32, #tpu.memory_space<vmem>>, vector<1x16xf32>,
      %parallel_loop3A_611 = vector.shape_cast %parallel_loop3A_610 : vector<1x16xf32> to vector<16xf32>
      %parallel_loop3A_612 = arith.index_cast %parallel_loop3A_521 : i32 to index
      %parallel_loop3A_613 = arith.constant 48 : index
      %parallel_loop3A_614 = tpu.vector_load %arg14[%parallel_loop3A_612, %parallel_loop3A_613] {strides = array<i32>} : memref<64x128xf32, #tpu.memory_space<vmem>>, vector<1x16xf32>,
      %parallel_loop3A_615 = vector.shape_cast %parallel_loop3A_614 : vector<1x16xf32> to vector<16xf32>
      %parallel_loop3A_616 = arith.mulf %parallel_loop3A_615, %broadcast_in_dim3A_10 : vector<16xf32>
      %parallel_loop3A_617 = arith.addf %parallel_loop3A_616, %parallel_loop3A_611 : vector<16xf32>
      %parallel_loop3A_618 = arith.index_cast %parallel_loop3A_521 : i32 to index
      %parallel_loop3A_619 = arith.constant 48 : index
      %parallel_loop3A_620 = tpu.vector_load %arg14[%parallel_loop3A_618, %parallel_loop3A_619] {strides = array<i32>} : memref<64x128xf32, #tpu.memory_space<vmem>>, vector<1x16xf32>,
      %parallel_loop3A_621 = vector.shape_cast %parallel_loop3A_620 : vector<1x16xf32> to vector<16xf32>
      %parallel_loop3A_622 = vector.shape_cast %parallel_loop3A_617 : vector<16xf32> to vector<1x16xf32>
      tpu.vector_store %arg14[%parallel_loop3A_618, %parallel_loop3A_619], %parallel_loop3A_622 {strides = array<i32>} : memref<64x128xf32, #tpu.memory_space<vmem>>, vector<1x16xf32>,
      %parallel_loop3A_623 = arith.index_cast %parallel_loop3A_521 : i32 to index
      %parallel_loop3A_624 = arith.constant 48 : index
      %parallel_loop3A_625 = tpu.vector_load %arg15[%parallel_loop3A_623, %parallel_loop3A_624] {strides = array<i32>} : memref<64x128xf32, #tpu.memory_space<vmem>>, vector<1x16xf32>,
      %parallel_loop3A_626 = vector.shape_cast %parallel_loop3A_625 : vector<1x16xf32> to vector<16xf32>
      %parallel_loop3A_627 = arith.mulf %parallel_loop3A_626, %broadcast_in_dim3A_10 : vector<16xf32>
      %parallel_loop3A_628 = arith.addf %parallel_loop3A_627, %parallel_loop3A_611 : vector<16xf32>
      %parallel_loop3A_629 = arith.index_cast %parallel_loop3A_521 : i32 to index
      %parallel_loop3A_630 = arith.constant 48 : index
      %parallel_loop3A_631 = tpu.vector_load %arg15[%parallel_loop3A_629, %parallel_loop3A_630] {strides = array<i32>} : memref<64x128xf32, #tpu.memory_space<vmem>>, vector<1x16xf32>,
      %parallel_loop3A_632 = vector.shape_cast %parallel_loop3A_631 : vector<1x16xf32> to vector<16xf32>
      %parallel_loop3A_633 = vector.shape_cast %parallel_loop3A_628 : vector<16xf32> to vector<1x16xf32>
      tpu.vector_store %arg15[%parallel_loop3A_629, %parallel_loop3A_630], %parallel_loop3A_633 {strides = array<i32>} : memref<64x128xf32, #tpu.memory_space<vmem>>, vector<1x16xf32>,
      %parallel_loop3A_634 = arith.constant 192 : i32
      %parallel_loop3A_635 = arith.addi %parallel_loop3A_634, %parallel_loop3A_521 : i32
      %parallel_loop3A_636 = arith.index_cast %parallel_loop3A_635 : i32 to index
      %parallel_loop3A_637 = arith.constant 64 : index
      %parallel_loop3A_638 = tpu.vector_load %arg7[%parallel_loop3A_636, %parallel_loop3A_637] {strides = array<i32>} : memref<256x128xf32, #tpu.memory_space<vmem>>, vector<1x16xf32>,
      %parallel_loop3A_639 = vector.shape_cast %parallel_loop3A_638 : vector<1x16xf32> to vector<16xf32>
      %parallel_loop3A_640 = arith.index_cast %parallel_loop3A_521 : i32 to index
      %parallel_loop3A_641 = arith.constant 64 : index
      %parallel_loop3A_642 = tpu.vector_load %arg14[%parallel_loop3A_640, %parallel_loop3A_641] {strides = array<i32>} : memref<64x128xf32, #tpu.memory_space<vmem>>, vector<1x16xf32>,
      %parallel_loop3A_643 = vector.shape_cast %parallel_loop3A_642 : vector<1x16xf32> to vector<16xf32>
      %parallel_loop3A_644 = arith.mulf %parallel_loop3A_643, %broadcast_in_dim3A_10 : vector<16xf32>
      %parallel_loop3A_645 = arith.addf %parallel_loop3A_644, %parallel_loop3A_639 : vector<16xf32>
      %parallel_loop3A_646 = arith.index_cast %parallel_loop3A_521 : i32 to index
      %parallel_loop3A_647 = arith.constant 64 : index
      %parallel_loop3A_648 = tpu.vector_load %arg14[%parallel_loop3A_646, %parallel_loop3A_647] {strides = array<i32>} : memref<64x128xf32, #tpu.memory_space<vmem>>, vector<1x16xf32>,
      %parallel_loop3A_649 = vector.shape_cast %parallel_loop3A_648 : vector<1x16xf32> to vector<16xf32>
      %parallel_loop3A_650 = vector.shape_cast %parallel_loop3A_645 : vector<16xf32> to vector<1x16xf32>
      tpu.vector_store %arg14[%parallel_loop3A_646, %parallel_loop3A_647], %parallel_loop3A_650 {strides = array<i32>} : memref<64x128xf32, #tpu.memory_space<vmem>>, vector<1x16xf32>,
      %parallel_loop3A_651 = arith.index_cast %parallel_loop3A_521 : i32 to index
      %parallel_loop3A_652 = arith.constant 64 : index
      %parallel_loop3A_653 = tpu.vector_load %arg15[%parallel_loop3A_651, %parallel_loop3A_652] {strides = array<i32>} : memref<64x128xf32, #tpu.memory_space<vmem>>, vector<1x16xf32>,
      %parallel_loop3A_654 = vector.shape_cast %parallel_loop3A_653 : vector<1x16xf32> to vector<16xf32>
      %parallel_loop3A_655 = arith.mulf %parallel_loop3A_654, %broadcast_in_dim3A_10 : vector<16xf32>
      %parallel_loop3A_656 = arith.addf %parallel_loop3A_655, %parallel_loop3A_639 : vector<16xf32>
      %parallel_loop3A_657 = arith.index_cast %parallel_loop3A_521 : i32 to index
      %parallel_loop3A_658 = arith.constant 64 : index
      %parallel_loop3A_659 = tpu.vector_load %arg15[%parallel_loop3A_657, %parallel_loop3A_658] {strides = array<i32>} : memref<64x128xf32, #tpu.memory_space<vmem>>, vector<1x16xf32>,
      %parallel_loop3A_660 = vector.shape_cast %parallel_loop3A_659 : vector<1x16xf32> to vector<16xf32>
      %parallel_loop3A_661 = vector.shape_cast %parallel_loop3A_656 : vector<16xf32> to vector<1x16xf32>
      tpu.vector_store %arg15[%parallel_loop3A_657, %parallel_loop3A_658], %parallel_loop3A_661 {strides = array<i32>} : memref<64x128xf32, #tpu.memory_space<vmem>>, vector<1x16xf32>,
      %parallel_loop3A_662 = arith.constant 192 : i32
      %parallel_loop3A_663 = arith.addi %parallel_loop3A_662, %parallel_loop3A_521 : i32
      %parallel_loop3A_664 = arith.index_cast %parallel_loop3A_663 : i32 to index
      %parallel_loop3A_665 = arith.constant 80 : index
      %parallel_loop3A_666 = tpu.vector_load %arg7[%parallel_loop3A_664, %parallel_loop3A_665] {strides = array<i32>} : memref<256x128xf32, #tpu.memory_space<vmem>>, vector<1x16xf32>,
      %parallel_loop3A_667 = vector.shape_cast %parallel_loop3A_666 : vector<1x16xf32> to vector<16xf32>
      %parallel_loop3A_668 = arith.index_cast %parallel_loop3A_521 : i32 to index
      %parallel_loop3A_669 = arith.constant 80 : index
      %parallel_loop3A_670 = tpu.vector_load %arg14[%parallel_loop3A_668, %parallel_loop3A_669] {strides = array<i32>} : memref<64x128xf32, #tpu.memory_space<vmem>>, vector<1x16xf32>,
      %parallel_loop3A_671 = vector.shape_cast %parallel_loop3A_670 : vector<1x16xf32> to vector<16xf32>
      %parallel_loop3A_672 = arith.mulf %parallel_loop3A_671, %broadcast_in_dim3A_10 : vector<16xf32>
      %parallel_loop3A_673 = arith.addf %parallel_loop3A_672, %parallel_loop3A_667 : vector<16xf32>
      %parallel_loop3A_674 = arith.index_cast %parallel_loop3A_521 : i32 to index
      %parallel_loop3A_675 = arith.constant 80 : index
      %parallel_loop3A_676 = tpu.vector_load %arg14[%parallel_loop3A_674, %parallel_loop3A_675] {strides = array<i32>} : memref<64x128xf32, #tpu.memory_space<vmem>>, vector<1x16xf32>,
      %parallel_loop3A_677 = vector.shape_cast %parallel_loop3A_676 : vector<1x16xf32> to vector<16xf32>
      %parallel_loop3A_678 = vector.shape_cast %parallel_loop3A_673 : vector<16xf32> to vector<1x16xf32>
      tpu.vector_store %arg14[%parallel_loop3A_674, %parallel_loop3A_675], %parallel_loop3A_678 {strides = array<i32>} : memref<64x128xf32, #tpu.memory_space<vmem>>, vector<1x16xf32>,
      %parallel_loop3A_679 = arith.index_cast %parallel_loop3A_521 : i32 to index
      %parallel_loop3A_680 = arith.constant 80 : index
      %parallel_loop3A_681 = tpu.vector_load %arg15[%parallel_loop3A_679, %parallel_loop3A_680] {strides = array<i32>} : memref<64x128xf32, #tpu.memory_space<vmem>>, vector<1x16xf32>,
      %parallel_loop3A_682 = vector.shape_cast %parallel_loop3A_681 : vector<1x16xf32> to vector<16xf32>
      %parallel_loop3A_683 = arith.mulf %parallel_loop3A_682, %broadcast_in_dim3A_10 : vector<16xf32>
      %parallel_loop3A_684 = arith.addf %parallel_loop3A_683, %parallel_loop3A_667 : vector<16xf32>
      %parallel_loop3A_685 = arith.index_cast %parallel_loop3A_521 : i32 to index
      %parallel_loop3A_686 = arith.constant 80 : index
      %parallel_loop3A_687 = tpu.vector_load %arg15[%parallel_loop3A_685, %parallel_loop3A_686] {strides = array<i32>} : memref<64x128xf32, #tpu.memory_space<vmem>>, vector<1x16xf32>,
      %parallel_loop3A_688 = vector.shape_cast %parallel_loop3A_687 : vector<1x16xf32> to vector<16xf32>
      %parallel_loop3A_689 = vector.shape_cast %parallel_loop3A_684 : vector<16xf32> to vector<1x16xf32>
      tpu.vector_store %arg15[%parallel_loop3A_685, %parallel_loop3A_686], %parallel_loop3A_689 {strides = array<i32>} : memref<64x128xf32, #tpu.memory_space<vmem>>, vector<1x16xf32>,
      %parallel_loop3A_690 = arith.constant 192 : i32
      %parallel_loop3A_691 = arith.addi %parallel_loop3A_690, %parallel_loop3A_521 : i32
      %parallel_loop3A_692 = arith.index_cast %parallel_loop3A_691 : i32 to index
      %parallel_loop3A_693 = arith.constant 96 : index
      %parallel_loop3A_694 = tpu.vector_load %arg7[%parallel_loop3A_692, %parallel_loop3A_693] {strides = array<i32>} : memref<256x128xf32, #tpu.memory_space<vmem>>, vector<1x16xf32>,
      %parallel_loop3A_695 = vector.shape_cast %parallel_loop3A_694 : vector<1x16xf32> to vector<16xf32>
      %parallel_loop3A_696 = arith.index_cast %parallel_loop3A_521 : i32 to index
      %parallel_loop3A_697 = arith.constant 96 : index
      %parallel_loop3A_698 = tpu.vector_load %arg14[%parallel_loop3A_696, %parallel_loop3A_697] {strides = array<i32>} : memref<64x128xf32, #tpu.memory_space<vmem>>, vector<1x16xf32>,
      %parallel_loop3A_699 = vector.shape_cast %parallel_loop3A_698 : vector<1x16xf32> to vector<16xf32>
      %parallel_loop3A_700 = arith.mulf %parallel_loop3A_699, %broadcast_in_dim3A_10 : vector<16xf32>
      %parallel_loop3A_701 = arith.addf %parallel_loop3A_700, %parallel_loop3A_695 : vector<16xf32>
      %parallel_loop3A_702 = arith.index_cast %parallel_loop3A_521 : i32 to index
      %parallel_loop3A_703 = arith.constant 96 : index
      %parallel_loop3A_704 = tpu.vector_load %arg14[%parallel_loop3A_702, %parallel_loop3A_703] {strides = array<i32>} : memref<64x128xf32, #tpu.memory_space<vmem>>, vector<1x16xf32>,
      %parallel_loop3A_705 = vector.shape_cast %parallel_loop3A_704 : vector<1x16xf32> to vector<16xf32>
      %parallel_loop3A_706 = vector.shape_cast %parallel_loop3A_701 : vector<16xf32> to vector<1x16xf32>
      tpu.vector_store %arg14[%parallel_loop3A_702, %parallel_loop3A_703], %parallel_loop3A_706 {strides = array<i32>} : memref<64x128xf32, #tpu.memory_space<vmem>>, vector<1x16xf32>,
      %parallel_loop3A_707 = arith.index_cast %parallel_loop3A_521 : i32 to index
      %parallel_loop3A_708 = arith.constant 96 : index
      %parallel_loop3A_709 = tpu.vector_load %arg15[%parallel_loop3A_707, %parallel_loop3A_708] {strides = array<i32>} : memref<64x128xf32, #tpu.memory_space<vmem>>, vector<1x16xf32>,
      %parallel_loop3A_710 = vector.shape_cast %parallel_loop3A_709 : vector<1x16xf32> to vector<16xf32>
      %parallel_loop3A_711 = arith.mulf %parallel_loop3A_710, %broadcast_in_dim3A_10 : vector<16xf32>
      %parallel_loop3A_712 = arith.addf %parallel_loop3A_711, %parallel_loop3A_695 : vector<16xf32>
      %parallel_loop3A_713 = arith.index_cast %parallel_loop3A_521 : i32 to index
      %parallel_loop3A_714 = arith.constant 96 : index
      %parallel_loop3A_715 = tpu.vector_load %arg15[%parallel_loop3A_713, %parallel_loop3A_714] {strides = array<i32>} : memref<64x128xf32, #tpu.memory_space<vmem>>, vector<1x16xf32>,
      %parallel_loop3A_716 = vector.shape_cast %parallel_loop3A_715 : vector<1x16xf32> to vector<16xf32>
      %parallel_loop3A_717 = vector.shape_cast %parallel_loop3A_712 : vector<16xf32> to vector<1x16xf32>
      tpu.vector_store %arg15[%parallel_loop3A_713, %parallel_loop3A_714], %parallel_loop3A_717 {strides = array<i32>} : memref<64x128xf32, #tpu.memory_space<vmem>>, vector<1x16xf32>,
      %parallel_loop3A_718 = arith.constant 192 : i32
      %parallel_loop3A_719 = arith.addi %parallel_loop3A_718, %parallel_loop3A_521 : i32
      %parallel_loop3A_720 = arith.index_cast %parallel_loop3A_719 : i32 to index
      %parallel_loop3A_721 = arith.constant 112 : index
      %parallel_loop3A_722 = tpu.vector_load %arg7[%parallel_loop3A_720, %parallel_loop3A_721] {strides = array<i32>} : memref<256x128xf32, #tpu.memory_space<vmem>>, vector<1x16xf32>,
      %parallel_loop3A_723 = vector.shape_cast %parallel_loop3A_722 : vector<1x16xf32> to vector<16xf32>
      %parallel_loop3A_724 = arith.index_cast %parallel_loop3A_521 : i32 to index
      %parallel_loop3A_725 = arith.constant 112 : index
      %parallel_loop3A_726 = tpu.vector_load %arg14[%parallel_loop3A_724, %parallel_loop3A_725] {strides = array<i32>} : memref<64x128xf32, #tpu.memory_space<vmem>>, vector<1x16xf32>,
      %parallel_loop3A_727 = vector.shape_cast %parallel_loop3A_726 : vector<1x16xf32> to vector<16xf32>
      %parallel_loop3A_728 = arith.mulf %parallel_loop3A_727, %broadcast_in_dim3A_10 : vector<16xf32>
      %parallel_loop3A_729 = arith.addf %parallel_loop3A_728, %parallel_loop3A_723 : vector<16xf32>
      %parallel_loop3A_730 = arith.index_cast %parallel_loop3A_521 : i32 to index
      %parallel_loop3A_731 = arith.constant 112 : index
      %parallel_loop3A_732 = tpu.vector_load %arg14[%parallel_loop3A_730, %parallel_loop3A_731] {strides = array<i32>} : memref<64x128xf32, #tpu.memory_space<vmem>>, vector<1x16xf32>,
      %parallel_loop3A_733 = vector.shape_cast %parallel_loop3A_732 : vector<1x16xf32> to vector<16xf32>
      %parallel_loop3A_734 = vector.shape_cast %parallel_loop3A_729 : vector<16xf32> to vector<1x16xf32>
      tpu.vector_store %arg14[%parallel_loop3A_730, %parallel_loop3A_731], %parallel_loop3A_734 {strides = array<i32>} : memref<64x128xf32, #tpu.memory_space<vmem>>, vector<1x16xf32>,
      %parallel_loop3A_735 = arith.index_cast %parallel_loop3A_521 : i32 to index
      %parallel_loop3A_736 = arith.constant 112 : index
      %parallel_loop3A_737 = tpu.vector_load %arg15[%parallel_loop3A_735, %parallel_loop3A_736] {strides = array<i32>} : memref<64x128xf32, #tpu.memory_space<vmem>>, vector<1x16xf32>,
      %parallel_loop3A_738 = vector.shape_cast %parallel_loop3A_737 : vector<1x16xf32> to vector<16xf32>
      %parallel_loop3A_739 = arith.mulf %parallel_loop3A_738, %broadcast_in_dim3A_10 : vector<16xf32>
      %parallel_loop3A_740 = arith.addf %parallel_loop3A_739, %parallel_loop3A_723 : vector<16xf32>
      %parallel_loop3A_741 = arith.index_cast %parallel_loop3A_521 : i32 to index
      %parallel_loop3A_742 = arith.constant 112 : index
      %parallel_loop3A_743 = tpu.vector_load %arg15[%parallel_loop3A_741, %parallel_loop3A_742] {strides = array<i32>} : memref<64x128xf32, #tpu.memory_space<vmem>>, vector<1x16xf32>,
      %parallel_loop3A_744 = vector.shape_cast %parallel_loop3A_743 : vector<1x16xf32> to vector<16xf32>
      %parallel_loop3A_745 = vector.shape_cast %parallel_loop3A_740 : vector<16xf32> to vector<1x16xf32>
      tpu.vector_store %arg15[%parallel_loop3A_741, %parallel_loop3A_742], %parallel_loop3A_745 {strides = array<i32>} : memref<64x128xf32, #tpu.memory_space<vmem>>, vector<1x16xf32>,
    } {sc.loop_unroll_factor = 1 : i64, sc.parallel_access}
    %add3A_447 = arith.constant 192 : i32
    %add3A_448 = arith.addi %mul3A_2, %add3A_447 : i32
    %dma_start3A_449 = arith.constant 2 : i32
    %dma_start3A_450 = arith.constant 0 : i32
    %dma_start3A_451 = tpu.memref_slice %arg5[%dma_start3A_449, %add3A_448, %dma_start3A_450] : memref<4x8192x128xf32, #tpu.memory_space<hbm>> -> memref<1x64x128xf32, #tpu.memory_space<hbm>>
    %dma_start3A_452 = tpu.memref_squeeze %dma_start3A_451 : memref<1x64x128xf32, #tpu.memory_space<hbm>> -> memref<64x128xf32, #tpu.memory_space<hbm>>
    %dma_start3A_453 = arith.constant 0 : i32
    %dma_start3A_454 = tpu.memref_slice %arg5[%dma_start3A_449, %add3A_448, %dma_start3A_453] : memref<4x8192x128xf32, #tpu.memory_space<hbm>> -> memref<1x64x128xf32, #tpu.memory_space<hbm>>
    %dma_start3A_455 = tpu.memref_squeeze %dma_start3A_454 : memref<1x64x128xf32, #tpu.memory_space<hbm>> -> memref<64x128xf32, #tpu.memory_space<hbm>>
    tpu.enqueue_dma source(%arg14 : memref<64x128xf32, #tpu.memory_space<vmem>>) target(%dma_start3A_455 : memref<64x128xf32, #tpu.memory_space<hbm>>) target_semaphore(%arg30 : memref<!tpu.dma_semaphore, #tpu.memory_space<semaphore_mem>>)
    %add3A_456 = arith.constant 192 : i32
    %add3A_457 = arith.addi %mul3A_2, %add3A_456 : i32
    %dma_start3A_458 = arith.constant 3 : i32
    %dma_start3A_459 = arith.constant 0 : i32
    %dma_start3A_460 = tpu.memref_slice %arg5[%dma_start3A_458, %add3A_457, %dma_start3A_459] : memref<4x8192x128xf32, #tpu.memory_space<hbm>> -> memref<1x64x128xf32, #tpu.memory_space<hbm>>
    %dma_start3A_461 = tpu.memref_squeeze %dma_start3A_460 : memref<1x64x128xf32, #tpu.memory_space<hbm>> -> memref<64x128xf32, #tpu.memory_space<hbm>>
    %dma_start3A_462 = arith.constant 0 : i32
    %dma_start3A_463 = tpu.memref_slice %arg5[%dma_start3A_458, %add3A_457, %dma_start3A_462] : memref<4x8192x128xf32, #tpu.memory_space<hbm>> -> memref<1x64x128xf32, #tpu.memory_space<hbm>>
    %dma_start3A_464 = tpu.memref_squeeze %dma_start3A_463 : memref<1x64x128xf32, #tpu.memory_space<hbm>> -> memref<64x128xf32, #tpu.memory_space<hbm>>
    tpu.enqueue_dma source(%arg15 : memref<64x128xf32, #tpu.memory_space<vmem>>) target(%dma_start3A_464 : memref<64x128xf32, #tpu.memory_space<hbm>>) target_semaphore(%arg31 : memref<!tpu.dma_semaphore, #tpu.memory_space<semaphore_mem>>)
    %dma_wait3A_465 = arith.constant 2 : i32
    %dma_wait3A_466 = arith.constant 0 : i32
    %dma_wait3A_467 = tpu.memref_slice %arg5[%dma_wait3A_465, %add3A_343, %dma_wait3A_466] : memref<4x8192x128xf32, #tpu.memory_space<hbm>> -> memref<1x64x128xf32, #tpu.memory_space<hbm>>
    %dma_wait3A_468 = tpu.memref_squeeze %dma_wait3A_467 : memref<1x64x128xf32, #tpu.memory_space<hbm>> -> memref<64x128xf32, #tpu.memory_space<hbm>>
    %dma_wait3A_469 = arith.constant 0 : i32
    %dma_wait3A_470 = tpu.memref_slice %arg5[%dma_wait3A_465, %add3A_343, %dma_wait3A_469] : memref<4x8192x128xf32, #tpu.memory_space<hbm>> -> memref<1x64x128xf32, #tpu.memory_space<hbm>>
    %dma_wait3A_471 = tpu.memref_squeeze %dma_wait3A_470 : memref<1x64x128xf32, #tpu.memory_space<hbm>> -> memref<64x128xf32, #tpu.memory_space<hbm>>
    tpu.wait_dma2 semaphore(%arg24 : memref<!tpu.dma_semaphore, #tpu.memory_space<semaphore_mem>>) src(%arg8 : memref<64x128xf32, #tpu.memory_space<vmem>>) dst(%dma_wait3A_471 : memref<64x128xf32, #tpu.memory_space<hbm>>)
    %dma_wait3A_472 = arith.constant 3 : i32
    %dma_wait3A_473 = arith.constant 0 : i32
    %dma_wait3A_474 = tpu.memref_slice %arg5[%dma_wait3A_472, %add3A_352, %dma_wait3A_473] : memref<4x8192x128xf32, #tpu.memory_space<hbm>> -> memref<1x64x128xf32, #tpu.memory_space<hbm>>
    %dma_wait3A_475 = tpu.memref_squeeze %dma_wait3A_474 : memref<1x64x128xf32, #tpu.memory_space<hbm>> -> memref<64x128xf32, #tpu.memory_space<hbm>>
    %dma_wait3A_476 = arith.constant 0 : i32
    %dma_wait3A_477 = tpu.memref_slice %arg5[%dma_wait3A_472, %add3A_352, %dma_wait3A_476] : memref<4x8192x128xf32, #tpu.memory_space<hbm>> -> memref<1x64x128xf32, #tpu.memory_space<hbm>>
    %dma_wait3A_478 = tpu.memref_squeeze %dma_wait3A_477 : memref<1x64x128xf32, #tpu.memory_space<hbm>> -> memref<64x128xf32, #tpu.memory_space<hbm>>
    tpu.wait_dma2 semaphore(%arg25 : memref<!tpu.dma_semaphore, #tpu.memory_space<semaphore_mem>>) src(%arg9 : memref<64x128xf32, #tpu.memory_space<vmem>>) dst(%dma_wait3A_478 : memref<64x128xf32, #tpu.memory_space<hbm>>)
    %dma_wait3A_479 = arith.constant 2 : i32
    %dma_wait3A_480 = arith.constant 0 : i32
    %dma_wait3A_481 = tpu.memref_slice %arg5[%dma_wait3A_479, %add3A_378, %dma_wait3A_480] : memref<4x8192x128xf32, #tpu.memory_space<hbm>> -> memref<1x64x128xf32, #tpu.memory_space<hbm>>
    %dma_wait3A_482 = tpu.memref_squeeze %dma_wait3A_481 : memref<1x64x128xf32, #tpu.memory_space<hbm>> -> memref<64x128xf32, #tpu.memory_space<hbm>>
    %dma_wait3A_483 = arith.constant 0 : i32
    %dma_wait3A_484 = tpu.memref_slice %arg5[%dma_wait3A_479, %add3A_378, %dma_wait3A_483] : memref<4x8192x128xf32, #tpu.memory_space<hbm>> -> memref<1x64x128xf32, #tpu.memory_space<hbm>>
    %dma_wait3A_485 = tpu.memref_squeeze %dma_wait3A_484 : memref<1x64x128xf32, #tpu.memory_space<hbm>> -> memref<64x128xf32, #tpu.memory_space<hbm>>
    tpu.wait_dma2 semaphore(%arg26 : memref<!tpu.dma_semaphore, #tpu.memory_space<semaphore_mem>>) src(%arg10 : memref<64x128xf32, #tpu.memory_space<vmem>>) dst(%dma_wait3A_485 : memref<64x128xf32, #tpu.memory_space<hbm>>)
    %dma_wait3A_486 = arith.constant 3 : i32
    %dma_wait3A_487 = arith.constant 0 : i32
    %dma_wait3A_488 = tpu.memref_slice %arg5[%dma_wait3A_486, %add3A_387, %dma_wait3A_487] : memref<4x8192x128xf32, #tpu.memory_space<hbm>> -> memref<1x64x128xf32, #tpu.memory_space<hbm>>
    %dma_wait3A_489 = tpu.memref_squeeze %dma_wait3A_488 : memref<1x64x128xf32, #tpu.memory_space<hbm>> -> memref<64x128xf32, #tpu.memory_space<hbm>>
    %dma_wait3A_490 = arith.constant 0 : i32
    %dma_wait3A_491 = tpu.memref_slice %arg5[%dma_wait3A_486, %add3A_387, %dma_wait3A_490] : memref<4x8192x128xf32, #tpu.memory_space<hbm>> -> memref<1x64x128xf32, #tpu.memory_space<hbm>>
    %dma_wait3A_492 = tpu.memref_squeeze %dma_wait3A_491 : memref<1x64x128xf32, #tpu.memory_space<hbm>> -> memref<64x128xf32, #tpu.memory_space<hbm>>
    tpu.wait_dma2 semaphore(%arg27 : memref<!tpu.dma_semaphore, #tpu.memory_space<semaphore_mem>>) src(%arg11 : memref<64x128xf32, #tpu.memory_space<vmem>>) dst(%dma_wait3A_492 : memref<64x128xf32, #tpu.memory_space<hbm>>)
    %dma_wait3A_493 = arith.constant 2 : i32
    %dma_wait3A_494 = arith.constant 0 : i32
    %dma_wait3A_495 = tpu.memref_slice %arg5[%dma_wait3A_493, %add3A_413, %dma_wait3A_494] : memref<4x8192x128xf32, #tpu.memory_space<hbm>> -> memref<1x64x128xf32, #tpu.memory_space<hbm>>
    %dma_wait3A_496 = tpu.memref_squeeze %dma_wait3A_495 : memref<1x64x128xf32, #tpu.memory_space<hbm>> -> memref<64x128xf32, #tpu.memory_space<hbm>>
    %dma_wait3A_497 = arith.constant 0 : i32
    %dma_wait3A_498 = tpu.memref_slice %arg5[%dma_wait3A_493, %add3A_413, %dma_wait3A_497] : memref<4x8192x128xf32, #tpu.memory_space<hbm>> -> memref<1x64x128xf32, #tpu.memory_space<hbm>>
    %dma_wait3A_499 = tpu.memref_squeeze %dma_wait3A_498 : memref<1x64x128xf32, #tpu.memory_space<hbm>> -> memref<64x128xf32, #tpu.memory_space<hbm>>
    tpu.wait_dma2 semaphore(%arg28 : memref<!tpu.dma_semaphore, #tpu.memory_space<semaphore_mem>>) src(%arg12 : memref<64x128xf32, #tpu.memory_space<vmem>>) dst(%dma_wait3A_499 : memref<64x128xf32, #tpu.memory_space<hbm>>)
    %dma_wait3A_500 = arith.constant 3 : i32
    %dma_wait3A_501 = arith.constant 0 : i32
    %dma_wait3A_502 = tpu.memref_slice %arg5[%dma_wait3A_500, %add3A_422, %dma_wait3A_501] : memref<4x8192x128xf32, #tpu.memory_space<hbm>> -> memref<1x64x128xf32, #tpu.memory_space<hbm>>
    %dma_wait3A_503 = tpu.memref_squeeze %dma_wait3A_502 : memref<1x64x128xf32, #tpu.memory_space<hbm>> -> memref<64x128xf32, #tpu.memory_space<hbm>>
    %dma_wait3A_504 = arith.constant 0 : i32
    %dma_wait3A_505 = tpu.memref_slice %arg5[%dma_wait3A_500, %add3A_422, %dma_wait3A_504] : memref<4x8192x128xf32, #tpu.memory_space<hbm>> -> memref<1x64x128xf32, #tpu.memory_space<hbm>>
    %dma_wait3A_506 = tpu.memref_squeeze %dma_wait3A_505 : memref<1x64x128xf32, #tpu.memory_space<hbm>> -> memref<64x128xf32, #tpu.memory_space<hbm>>
    tpu.wait_dma2 semaphore(%arg29 : memref<!tpu.dma_semaphore, #tpu.memory_space<semaphore_mem>>) src(%arg13 : memref<64x128xf32, #tpu.memory_space<vmem>>) dst(%dma_wait3A_506 : memref<64x128xf32, #tpu.memory_space<hbm>>)
    %dma_wait3A_507 = arith.constant 2 : i32
    %dma_wait3A_508 = arith.constant 0 : i32
    %dma_wait3A_509 = tpu.memref_slice %arg5[%dma_wait3A_507, %add3A_448, %dma_wait3A_508] : memref<4x8192x128xf32, #tpu.memory_space<hbm>> -> memref<1x64x128xf32, #tpu.memory_space<hbm>>
    %dma_wait3A_510 = tpu.memref_squeeze %dma_wait3A_509 : memref<1x64x128xf32, #tpu.memory_space<hbm>> -> memref<64x128xf32, #tpu.memory_space<hbm>>
    %dma_wait3A_511 = arith.constant 0 : i32
    %dma_wait3A_512 = tpu.memref_slice %arg5[%dma_wait3A_507, %add3A_448, %dma_wait3A_511] : memref<4x8192x128xf32, #tpu.memory_space<hbm>> -> memref<1x64x128xf32, #tpu.memory_space<hbm>>
    %dma_wait3A_513 = tpu.memref_squeeze %dma_wait3A_512 : memref<1x64x128xf32, #tpu.memory_space<hbm>> -> memref<64x128xf32, #tpu.memory_space<hbm>>
    tpu.wait_dma2 semaphore(%arg30 : memref<!tpu.dma_semaphore, #tpu.memory_space<semaphore_mem>>) src(%arg14 : memref<64x128xf32, #tpu.memory_space<vmem>>) dst(%dma_wait3A_513 : memref<64x128xf32, #tpu.memory_space<hbm>>)
    %dma_wait3A_514 = arith.constant 3 : i32
    %dma_wait3A_515 = arith.constant 0 : i32
    %dma_wait3A_516 = tpu.memref_slice %arg5[%dma_wait3A_514, %add3A_457, %dma_wait3A_515] : memref<4x8192x128xf32, #tpu.memory_space<hbm>> -> memref<1x64x128xf32, #tpu.memory_space<hbm>>
    %dma_wait3A_517 = tpu.memref_squeeze %dma_wait3A_516 : memref<1x64x128xf32, #tpu.memory_space<hbm>> -> memref<64x128xf32, #tpu.memory_space<hbm>>
    %dma_wait3A_518 = arith.constant 0 : i32
    %dma_wait3A_519 = tpu.memref_slice %arg5[%dma_wait3A_514, %add3A_457, %dma_wait3A_518] : memref<4x8192x128xf32, #tpu.memory_space<hbm>> -> memref<1x64x128xf32, #tpu.memory_space<hbm>>
    %dma_wait3A_520 = tpu.memref_squeeze %dma_wait3A_519 : memref<1x64x128xf32, #tpu.memory_space<hbm>> -> memref<64x128xf32, #tpu.memory_space<hbm>>
    tpu.wait_dma2 semaphore(%arg31 : memref<!tpu.dma_semaphore, #tpu.memory_space<semaphore_mem>>) src(%arg15 : memref<64x128xf32, #tpu.memory_space<vmem>>) dst(%dma_wait3A_520 : memref<64x128xf32, #tpu.memory_space<hbm>>)
    return
  }
}

</mosaic_0001>

<sc_bundles>
// kernel: kernel.3.cloned.1.call-start
scs
__scs_entry_jumppad:
0x0: {  	(pc) =	sbr.rel $0x88, $3  }
0x1: {  	(tag) =	ssettag $0x0;
	lr =	simm.s32 $0x1  }
0x2: {  	[smem:$0x3F9E] =	sst lr;
	_ =	strace $0xD0000000  }
0x3: {  	_ = 	snop  }
0x4: {  	_ = 	snop  }
0x5: {  	_ = 	snop  }
0x6: {  	_ = 	snop  }
0x7: {  	_ = 	snop  }
__scs_overlays_trampoline_lowered:
0x8: {  	[smem:$0x3FAD] =	sst s0  }
0x9: {  	[smem:$0x3FAE] =	sst s1  }
0xa: {  	[smem:$0x3FAF] =	sst s2  }
0xb: {  	[smem:$0x3FB0] =	sst s3  }
0xc: {  	[smem:$0x3FB1] =	sst s4  }
0xd: {  	[smem:$0x3FB2] =	sst s5  }
0xe: {  	[smem:$0x3FB3] =	sst s6  }
0xf: {  	[smem:$0x3FB4] =	sst s7  }
0x10: {  	[smem:$0x3FB5] =	sst s8  }
0x11: {  	[smem:$0x3FB6] =	sst s9;
	s0 =	simm.s32 @!p0 $0x0  }
0x12: {  	s1 =	sld [smem:$0x3F9C];
	s0 =	simm.s32 @p0 $0x1  }
0x13: {  	[smem:$0x3FB7] =	sst s0;
	s0 =	simm.s32 @!p1 $0x0  }
0x14: {  	s2 =	sld [smem:$0x3F9B];
	s0 =	simm.s32 @p1 $0x1  }
0x15: {  	[smem:$0x3FB8] =	sst s0;
	s0 =	simm.s32 @!p2 $0x0  }
0x16: {  	s3 =	sld [smem:$0x3FDB];
	s0 =	simm.s32 @p2 $0x1  }
0x17: {  	s4 =	simm.s32 $0x1BF5;
	[smem:$0x3FBA] =	sst s0  }
0x18: {  	s0 =	sld [smem:$0x3F9D];
	_ =	swait.ge [sflag:s4], $0x0  }
0x19: {  	s7 =	sld [smem:$0x3F9E]  }
0x1a: {  	s8 =	sadd.s32 $0xFFFFE003, lr  }
0x1b: {  	s9 =	sadd.s32 $0xFFFFFEF7, lr;
	s5 =	simm.s32 $0xFFFFFFFF;
	p2 =	slt.u32 s8, $0xFFFFF086  }
0x1c: {  	p1 =	slt.u32 s9, $0xF7A;
	s5 =	simm.s32 @!p2 $0x0  }
0x1d: {  	s5 =	simm.s32 @p1 $0x1;
	p0 =	seq.s32 s7, s2  }
0x1e: {  	s7 =	smul.u32 @!p0 $0xF7A, s2;
	p2 =	seq.s32 @!p0 s5, $0x0  }
0x1f: {  	s9 =	smul.u32 $0xF7A, s1;
	s8 =	simm.s32 @!p0 $0x1BF5;
	p2 =	por !p2, p0  }
0x20: {  	[sflag:s8] =	ssyncset.s32 @!p0 $0xFFFFF086;
	s6 =	sadd.s32 @!p0 s3, s7;
	s7 =	simm.s32 @!p0 $0x108  }
0x21: {  	s3 =	sadd.s32 s3, s9;
	s6 =	sadd.s32 @!p0 $0x88, s6;
	s7 =	simm.s32 @p2 $0x1082  }
0x22: {  	[simem:s7], [sflag:s8] =	dma.local @!p0 [hbm:s6], $0xF7A  }
0x23: {  	s9 =	sor.u32 $0xD0000000, s2;
	s6 =	simm.s32 $0x108;
	_ =	swait.ge @!p0 [sflag:s8], $0x0  }
0x24: {  	s3 =	sadd.s32 $0x88, s3;
	s6 =	simm.s32 @!p1 $0x1082;
	[sflag:s4] =	ssyncset.s32 $0xFFFFF086  }
0x25: {  	[simem:s6], [sflag:s4] =	dma.local [hbm:s3], $0xF7A  }
0x26: {  	[smem:$0x3F9E] =	sst s1;
	(tag) =	ssettag s2;
	_ =	strace s9  }
0x27: {  	s1 =	sld [smem:$0x3FAE]  }
0x28: {  	s2 =	sld [smem:$0x3FAF]  }
0x29: {  	s4 =	sld [smem:$0x3FB1]  }
0x2a: {  	p0 =	seq.s32 s5, $0x0;
	s5 =	sld [smem:$0x3FB2]  }
0x2b: {  	s6 =	sld [smem:$0x3FB3]  }
0x2c: {  	s7 =	sld [smem:$0x3FB4]  }
0x2d: {  	s3 =	simm.s32 $0x108;
	s8 =	sld [smem:$0x3FB5]  }
0x2e: {  	s3 =	simm.s32 @!p0 $0x1082;
	s9 =	sld [smem:$0x3FB6]  }
0x2f: {  	lr =	sadd.s32 s0, s3;
	s0 =	sld [smem:$0x3FAD]  }
0x30: {  	s3 =	sld [smem:$0x3FB0]  }
0x31: {  	[smem:$0x3FB9] =	sst s10  }
0x32: {  	s10 =	sld [smem:$0x3FB7];
	_ =	sdelay $0x3  }
0x33: {  	p0 =	seq.s32 s10, $0x1;
	s10 =	sld [smem:$0x3FB9];
	_ =	sdelay $0x3  }
0x34: {  	[smem:$0x3FB9] =	sst s10  }
0x35: {  	s10 =	sld [smem:$0x3FB8];
	_ =	sdelay $0x3  }
0x36: {  	p1 =	seq.s32 s10, $0x1;
	s10 =	sld [smem:$0x3FB9];
	_ =	sdelay $0x3  }
0x37: {  	[smem:$0x3FB9] =	sst s10  }
0x38: {  	s10 =	sld [smem:$0x3FBA]  }
0x39: {  	_ = 	snop;
	(pc) =	sbr.ind lr, $3  }
0x3a: {  	_ = 	snop  }
0x3b: {  	_ = 	snop  }
0x3c: {  	p2 =	seq.s32 s10, $0x1;
	s10 =	sld [smem:$0x3FB9]  }
0x3d: {  	_ =	shalt  }
0x3e: {  	_ =	shalt  }
0x3f: {  	_ =	shalt  }
0x40: {  	_ =	shalt  }
0x41: {  	_ =	shalt  }
0x42: {  	_ =	shalt  }
0x43: {  	_ =	shalt  }
0x44: {  	_ =	shalt  }
0x45: {  	_ =	shalt  }
0x46: {  	_ =	shalt  }
0x47: {  	_ =	shalt  }
0x48: {  	_ =	shalt  }
0x49: {  	_ =	shalt  }
0x4a: {  	_ =	shalt  }
0x4b: {  	_ =	shalt  }
0x4c: {  	_ =	shalt  }
0x4d: {  	_ =	shalt  }
0x4e: {  	_ =	shalt  }
0x4f: {  	_ =	shalt  }
0x50: {  	_ =	shalt  }
0x51: {  	_ =	shalt  }
0x52: {  	_ =	shalt  }
0x53: {  	_ =	shalt  }
0x54: {  	_ =	shalt  }
0x55: {  	_ =	shalt  }
0x56: {  	_ =	shalt  }
0x57: {  	_ =	shalt  }
0x58: {  	_ =	shalt  }
0x59: {  	_ =	shalt  }
0x5a: {  	_ =	shalt  }
0x5b: {  	_ =	shalt  }
0x5c: {  	_ =	shalt  }
0x5d: {  	_ =	shalt  }
0x5e: {  	_ =	shalt  }
0x5f: {  	_ =	shalt  }
0x60: {  	_ =	shalt  }
0x61: {  	_ =	shalt  }
0x62: {  	_ =	shalt  }
0x63: {  	_ =	shalt  }
0x64: {  	_ =	shalt  }
0x65: {  	_ =	shalt  }
0x66: {  	_ =	shalt  }
0x67: {  	_ =	shalt  }
0x68: {  	_ =	shalt  }
0x69: {  	_ =	shalt  }
0x6a: {  	_ =	shalt  }
0x6b: {  	_ =	shalt  }
0x6c: {  	_ =	shalt  }
0x6d: {  	_ =	shalt  }
0x6e: {  	_ =	shalt  }
0x6f: {  	_ =	shalt  }
0x70: {  	_ =	shalt  }
0x71: {  	_ =	shalt  }
0x72: {  	_ =	shalt  }
0x73: {  	_ =	shalt  }
0x74: {  	_ =	shalt  }
0x75: {  	_ =	shalt  }
0x76: {  	_ =	shalt  }
0x77: {  	_ =	shalt  }
0x78: {  	_ =	shalt  }
0x79: {  	_ =	shalt  }
0x7a: {  	_ =	shalt  }
0x7b: {  	_ =	shalt  }
0x7c: {  	_ =	shalt  }
0x7d: {  	_ =	shalt  }
0x7e: {  	_ =	shalt  }
0x7f: {  	_ =	shalt  }
0x80: {  	_ =	shalt  }
0x81: {  	_ =	shalt  }
0x82: {  	_ =	shalt  }
0x83: {  	_ =	shalt  }
0x84: {  	_ =	shalt  }
0x85: {  	_ =	shalt  }
0x86: {  	_ =	shalt  }
0x87: {  	_ =	shalt  }
.Lfunc_end0:
.L_simem_size_0:
called_computation_lowered:
.L_overlay_start_0:
0x88: {  	s2 =	sld [smem:$0x3FD9]  }
0x89: {  	s3 =	sld [smem:$0x3FFE];
	_ =	sdelay $0x1  }
0x8a: {  	s1 =	srdreg.scid  }
0x8b: {  	s0 =	sand.u32 $0x1, s1  }
0x8c: {  	s18 =	sshll.u32 s0, $0xA;
	s2 =	sadd.s32 s3, s2  }
0x8d: {  	s2 =	sadd.s32 s2, s18  }
0x8e: {  	[smem:$0x3FC5] =	sst s2  }
0x8f: {  	_ = 	snop  }
0x90: {  	s2 =	sld [smem:$0x3FC9]  }
0x91: {  	s19 =	sld [smem:$0x3FC8]  }
0x92: {  	s4 =	sld [smem:$0x3FC7]  }
0x93: {  	s5 =	sld [smem:$0x3FD0];
	(tm) =	ssettm $0x1  }
0x94: {  	s6 =	sld [smem:$0x3FFB];
	_ =	sdelay $0x3  }
0x95: {  	_ =	strace s6  }
0x96: {  	s6 =	sld [smem:$0x3FFC];
	_ =	sdelay $0x3  }
0x97: {  	_ =	strace s6  }
0x98: {  	s6 =	sld [smem:$0x3FFD];
	_ =	sdelay $0x3  }
0x99: {  	_ =	strace s6  }
0x9a: {  	_ =	strace $0x8FFFFFFF  }
0x9b: {  	s20 =	sld [smem:$0x3FDB];
	_ =	sdelay $0x1  }
0x9c: {  	s7 =	simm.s32 $_scs_section_size  }
0x9d: {  	s8 =	simm.s32 $_size__tile_overlayer_lowered;
	s9 =	simm.s32 $_tile_overlayer_lowered  }
0x9e: {  	s23 =	simm.s32 $0x1BFF;
	s22 =	sshll.u32 s9, $0x1;
	s6 =	sadd.s32 s7, s20  }
0x9f: {  	s10 =	simm.s32 $0x0;
	s21 =	sshll.u32 s8, $0x1;
	s8 =	sadd.s32 s22, s6  }
0xa0: {  	[timem:s10], [sflag:s23] =	dma.local [hbm:s8], s21  }
0xa1: {  	_ =	swait.ge [sflag:s23], s21  }
0xa2: {  	s7 =	ssub.s32 $0x0, s21;
	[sflag:s23] =	ssyncset.done $0x0  }
0xa3: {  	[sflag:s23] =	ssyncadd.s32 s7;
	_ =	sdelay $0x1  }
0xa4: {  	s24 =	simm.s32 $0x1B8B  }
0xa5: {  	_ =	swait.ge [sflag:s24], $0x1  }
0xa6: {  	[sflag:s24] =	ssyncset.done $0x0  }
0xa7: {  	s25 =	simm.s32 $0x1B8E;
	[sflag:s24] =	ssyncadd.s32 $0xFFFFFFFF  }
0xa8: {  	s26 =	simm.s32 $execute0_lowered;
	[smem:$0x3FD2] =	sst s25  }
0xa9: {  	s7 =	sshll.u32 s26, $0x1;
	_ =	strace $0x80000046;
	[dreg:$0x1] =	wrdreg $0xFFFFFFFF  }
0xaa: {  	s28 =	simm.s32 $_size_execute0_lowered;
	s6 =	sadd.s32 s6, s7;
	[dreg:$0x0] =	wrdreg $0x0  }
0xab: {  	s7 =	sshll.u32 s28, $0x1;
	[dreg:$0x2] =	wrdreg s6  }
0xac: {  	[dreg:$0x3] =	wrdreg s7  }
0xad: {  	[dreg:$0x4] =	wrdreg $0xC0  }
0xae: {  	_ =	task [dreg:s10], $0x5FFFF  }
0xaf: {  	[dreg:$0x1] =	wrdreg $0xFFFFFFFF  }
0xb0: {  	[dreg:$0x0] =	wrdreg $0x60  }
0xb1: {  	[dreg:$0x2] =	wrdreg s19  }
0xb2: {  	[dreg:$0x3] =	wrdreg s2  }
0xb3: {  	[dreg:$0x4] =	wrdreg s4  }
0xb4: {  	[dreg:$0x5] =	wrdreg s5  }
0xb5: {  	[dreg:$0x6] =	wrdreg $0x9  }
0xb6: {  	_ =	task.clear_ibuf [dreg:s10], $0x7FFFF;
	_ =	strace $0x90000046  }
0xb7: {  	s29 =	simm.s32 $0x9;
	_ =	strace $0x80000048  }
0xb8: {  	_ =	swait.ge [sflag:s29], $0x1  }
0xb9: {  	[sflag:s29] =	ssyncadd.s32 $0xFFFFFFFF  }
0xba: {  	_ =	strace $0x90000048  }
0xbb: {  	_ =	sfence  }
0xbc: {  	s30 =	sld [smem:$0x0];
	_ =	sdelay $0x2  }
0xbd: {  	s31 =	sshll.u32 s1, $0xD;
	s1 =	sshrl.u32 s1, $0x2  }
0xbe: {  	s3 =	sand.u32 $0x4000, s31;
	s1 =	sadd.s32 s1, s30  }
0xbf: {  	s0 =	sor.u32 s3, s0;
	s1 =	sshll.u32 s1, $0x11  }
0xc0: {  	s0 =	sor.u32 s1, s0  }
0xc1: {  	s0 =	sadd.s32 $0x8F2B, s0  }
0xc2: {  	[sflag:s0] =	ssyncadd.remote.s32 $0x1  }
0xc3: {  	_ =	sfence.sel $0xFFFF  }
0xc4: {  	[dreg:$0x0] =	wrdreg $0xFFFFFFFF;
	(pc) =	sbr.abs _section_cstart, $3  }
0xc5: {  	[dreg:$0x1] =	wrdreg $0xFFFFFFFF  }
0xc6: {  	_ =	task.clear_ibuf [dreg:s10], $0x2FFFF;
	_ =	strace $0x9FFFFFFF  }
0xc7: {  	(tm) =	ssettm $0x7FFFFFFF  }
tec
execute0_lowered:
.L_overlay_start_1:
0x0: {  	(tag) =	ssettag $0x1  }
0x1: {  	s1 =	rddreg [dreg:$0x0]  }
0x2: {  	s0 =	rddreg [dreg:$0x1];
	s5 =	srdreg.scid  }
0x3: {  	s2 =	rddreg [dreg:$0x2];
	s6 =	stileid.u32;
	s5 =	sand.u32 $0x1, s5  }
0x4: {  	s3 =	simm.s32 $0x0;
	s6 =	sshll.u32 s6, $0x9;
	s7 =	sshll.u32 s5, $0x8  }
0x5: {  	[smem:$0x7FF] =	sst s3;
	s6 =	sor.u32 s7, s6  }
0x6: {  	s4 =	rddreg [dreg:$0x3];
	_ =	strace $0x80000047;
	s8 =	sshrl.u32 s6, $0x1  }
0x7: {  	s5 =	ssub.s32 $0x2, s5;
	s6 =	sshll.u32 s6, $0x4;
	s0 =	sadd.s32 s0, s8  }
0x8: {  	s10 =	sshrl.u32 s5, $0x1;
	s2 =	sadd.s32 s2, s6;
	[dreg:$0x5] =	wrdreg s0  }
0x9: {  	s5 =	ssub.s32 s5, s10;
	s11 =	sadd.s32 s4, s6;
	[dreg:$0x7] =	wrdreg s2  }
0xa: {  	s26 =	smax.u32 s5, $0x1;
	[dreg:$0x6] =	wrdreg s11  }
0xb: {  	s12 =	sadd.s32 $0x20000, s11;
	[dreg:$0x17] =	wrdreg s26  }
0xc: {  	s13 =	sadd.s32 $0x400, s11;
	[dreg:$0x8] =	wrdreg s12  }
0xd: {  	s14 =	sadd.s32 $0x20400, s11;
	[dreg:$0x9] =	wrdreg s13  }
0xe: {  	s29 =	simm.s32 $0xA400;
	s15 =	sadd.s32 $0x800, s11;
	[dreg:$0xa] =	wrdreg s14  }
0xf: {  	s30 =	simm.s32 $0xC400;
	s16 =	sadd.s32 $0x20800, s11;
	[dreg:$0xb] =	wrdreg s15  }
0x10: {  	s31 =	simm.s32 $0x12400;
	s17 =	sadd.s32 $0xC00, s11;
	[dreg:$0xc] =	wrdreg s16  }
0x11: {  	s28 =	simm.s32 $0x14400;
	s18 =	sadd.s32 $0x20C00, s11;
	[dreg:$0xd] =	wrdreg s17  }
0x12: {  	s9 =	simm.s32 $0xA;
	s19 =	sadd.s32 $0x40000, s11;
	[dreg:$0xe] =	wrdreg s18  }
0x13: {  	s7 =	simm.s32 $0x2;
	s20 =	sadd.s32 $0x60000, s11;
	[dreg:$0xf] =	wrdreg s19  }
0x14: {  	s10 =	simm.s32 $0x3;
	s21 =	sadd.s32 $0x40400, s11;
	[dreg:$0x10] =	wrdreg s20  }
0x15: {  	s4 =	simm.s32 $0x16400;
	s22 =	sadd.s32 $0x60400, s11;
	[dreg:$0x11] =	wrdreg s21  }
0x16: {  	s6 =	simm.s32 $0x1;
	s23 =	sadd.s32 $0x40800, s11;
	[dreg:$0x12] =	wrdreg s22  }
0x17: {  	s8 =	simm.s32 $0x9;
	s24 =	sadd.s32 $0x60800, s11;
	[dreg:$0x13] =	wrdreg s23  }
0x18: {  	s25 =	sadd.s32 $0x40C00, s11;
	s0 =	sadd.s32 $0x60C00, s11;
	[dreg:$0x14] =	wrdreg s24  }
0x19: {  	s26 =	simm.s32 $0x8400;
	s11 =	simm.s32 $0x4;
	[dreg:$0x15] =	wrdreg s25  }
0x1a: {  	[dreg:$0x16] =	wrdreg s0;
	s25 =	simm.s32 $0x40;
	s0 =	simm.s32 $0xE400  }
0x1b: {  	s23 =	simm.s32 $0x10400;
	s12 =	simm.s32 $0xB;
	s13 =	simm.s32 $0xC  }
0x1c: {  	s14 =	simm.s32 $0x5;
	s15 =	simm.s32 $0x6;
	s16 =	simm.s32 $0xD  }
0x1d: {  	s17 =	simm.s32 $0xE;
	s18 =	simm.s32 $0x7;
	s19 =	simm.s32 $0x8  }
0x1e: {  	s20 =	simm.s32 $0xF;
	s21 =	simm.s32 $0x10;
	s22 =	simm.s32 $0x0  }
.LBB2_1:
0x1f: {  	s2 =	rddreg [dreg:$0x5]  }
0x20: {  	[tilespmem:s3], [sflag:$0x11] =	stream.linear.gather [hbm4b:s2+s3], $0x400, $0x38;
	[tilespmem:$0x18400] =	vst v63  }
0x21: {  	s24 =	rddreg [dreg:$0x7];
	s5 =	simm.s32 $0x400  }
0x22: {  	[tilespmem:s5], [sflag:$0x12] =	stream.linear.gather [hbm4b:s24+s3], $0x8000, $0x38;
	[tilespmem:$0x18400] =	vst v63  }
0x23: {  	s5 =	simm.s32 $0x11  }
0x24: {  	_ =	swait.ge [sflag:s5], $0x400  }
0x25: {  	[sflag:s5] =	ssyncset.done $0x0  }
0x26: {  	[sflag:s5] =	ssyncadd.s32 $0xFFFFFC00  }
0x27: {  	[tilespmem:s26], [sflag:$0x1] =	stream.indirect.gather [hbm4b:s1+s25], $0x80, s3, s25, $0xb8;
	[tilespmem:$0x18400] =	vst v63  }
0x28: {  	s24 =	simm.s32 $0x80  }
0x29: {  	[tilespmem:s29], [sflag:$0x2] =	stream.indirect.gather [hbm4b:s1+s25], $0x80, s24, s25, $0xb8;
	[tilespmem:$0x18400] =	vst v63  }
0x2a: {  	_ = 	snop  }
0x2b: {  	[tilespmem:s30], [sflag:$0x3] =	stream.indirect.gather [hbm4b:s1+s25], $0x80, s25, s25, $0xb8;
	[tilespmem:$0x18400] =	vst v63  }
0x2c: {  	s5 =	simm.s32 $0xC0  }
0x2d: {  	[tilespmem:s0], [sflag:$0x4] =	stream.indirect.gather [hbm4b:s1+s25], $0x80, s5, s25, $0xb8;
	[tilespmem:$0x18400] =	vst v63  }
0x2e: {  	s24 =	simm.s32 $0x200  }
0x2f: {  	[tilespmem:s23], [sflag:$0x5] =	stream.indirect.gather [hbm4b:s1+s25], $0x80, s24, s25, $0xb8;
	[tilespmem:$0x18400] =	vst v63  }
0x30: {  	s5 =	simm.s32 $0x280;
	s24 =	simm.s32 $0x12  }
0x31: {  	[tilespmem:s31], [sflag:$0x6] =	stream.indirect.gather [hbm4b:s1+s25], $0x80, s5, s25, $0xb8;
	[tilespmem:$0x18400] =	vst v63  }
0x32: {  	_ =	swait.ge [sflag:s24], $0x8000  }
0x33: {  	[sflag:s24] =	ssyncset.done $0x0  }
0x34: {  	s5 =	simm.s32 $0x240;
	[sflag:s24] =	ssyncadd.s32 $0xFFFF8000  }
0x35: {  	[tilespmem:s28], [sflag:$0x7] =	stream.indirect.gather [hbm4b:s1+s25], $0x80, s5, s25, $0xb8;
	[tilespmem:$0x18400] =	vst v63  }
0x36: {  	s24 =	simm.s32 $0x2C0  }
0x37: {  	[tilespmem:s4], [sflag:$0x8] =	stream.indirect.gather [hbm4b:s1+s25], $0x80, s24, s25, $0xb8;
	[tilespmem:$0x18400] =	vst v63  }
0x38: {  	_ =	swait.ge [sflag:s6], $0x2000  }
0x39: {  	[sflag:s6] =	ssyncset.done $0x0  }
0x3a: {  	[sflag:s6] =	ssyncadd.s32 $0xFFFFE000  }
0x3b: {  	_ =	swait.ge [sflag:s7], $0x2000  }
0x3c: {  	[sflag:s7] =	ssyncset.done $0x0  }
0x3d: {  	s5 =	simm.s32 $0x0;
	[sflag:s7] =	ssyncadd.s32 $0xFFFFE000  }
0x3e: {  	v1 =	vld [tilespmem:s5+$0xA470]  }
0x3f: {  	v2 =	vld [tilespmem:s5+$0x8400]  }
0x40: {  	v0 =	vld [tilespmem:s5+$0x470]  }
0x41: {  	v3 =	vld [tilespmem:s5+$0xA400]  }
0x42: {  	v4 =	vld [tilespmem:s5+$0x8410]  }
0x43: {  	v5 =	vld [tilespmem:s5+$0xA410]  }
0x44: {  	v6 =	vld [tilespmem:s5+$0x8420]  }
0x45: {  	v7 =	vld [tilespmem:s5+$0xA420]  }
0x46: {  	v9 =	vld [tilespmem:s5+$0x8430]  }
0x47: {  	v10 =	vld [tilespmem:s5+$0xA430]  }
0x48: {  	v11 =	vld [tilespmem:s5+$0xA440]  }
0x49: {  	v12 =	vld [tilespmem:s5+$0x8450]  }
0x4a: {  	v13 =	vld [tilespmem:s5+$0xA450]  }
0x4b: {  	v14 =	vld [tilespmem:s5+$0x8460]  }
0x4c: {  	v18 =	vld [tilespmem:s5+$0xA460];
	v1 =	vmul.f32 $1.131370830e+01, v1  }
0x4d: {  	v22 =	vld [tilespmem:s5+$0x8470]  }
0x4e: {  	v24 =	vld [tilespmem:s5+$0x400];
	v17 =	vmul.f32 $1.131370830e+01, v2;
	v19 =	vmul.f32 $1.131370830e+01, v3;
	v1 =	vadd.f32 v1, v0  }
0x4f: {  	v25 =	vld [tilespmem:s5+$0x410];
	v21 =	vmul.f32 $1.131370830e+01, v4;
	v23 =	vmul.f32 $1.131370830e+01, v5  }
0x50: {  	v3 =	vmul.f32 $1.131370830e+01, v6;
	v8 =	vmul.f32 $1.131370830e+01, v7;
	[tilespmem:s5+$0xA470] =	vst v1;
	v1 =	vld [tilespmem:s5+$0x8440]  }
0x51: {  	v16 =	vld [tilespmem:s5+$0x420];
	v4 =	vmul.f32 $1.131370830e+01, v9;
	v9 =	vmul.f32 $1.131370830e+01, v10  }
0x52: {  	v15 =	vld [tilespmem:s5+$0x430];
	v11 =	vmul.f32 $1.131370830e+01, v11;
	v7 =	vmul.f32 $1.131370830e+01, v12  }
0x53: {  	v10 =	vmul.f32 $1.131370830e+01, v13;
	v2 =	vmul.f32 $1.131370830e+01, v14;
	v14 =	vld [tilespmem:s5+$0x440];
	v20 =	vadd.f32 v17, v24  }
0x54: {  	v6 =	vmul.f32 $1.131370830e+01, v18;
	v12 =	vld [tilespmem:s5+$0x450];
	v18 =	vadd.f32 v19, v24;
	v19 =	vadd.f32 v21, v25  }
0x55: {  	s2 =	simm.s32 $0x400;
	s24 =	simm.s32 $0x80;
	v13 =	vld [tilespmem:s5+$0x460];
	v17 =	vadd.f32 v23, v25;
	v5 =	vmul.f32 $1.131370830e+01, v1;
	v1 =	vmul.f32 $1.131370830e+01, v22  }
.LBB2_2:
0x56: {  	p0 =	sne.s32 s2, $0x7E00;
	v21 =	vld [tilespmem:s24+$0xA470];
	[tilespmem:s5+$0x8400] =	vst v20;
	v3 =	vadd.f32 v3, v16;
	v8 =	vadd.f32 v8, v16  }
0x57: {  	v16 =	vld [tilespmem:s24+$0x8400];
	[tilespmem:s5+$0xA400] =	vst v18;
	v4 =	vadd.f32 v4, v15;
	v9 =	vadd.f32 v9, v15  }
0x58: {  	v15 =	vld [tilespmem:s24+$0x470];
	[tilespmem:s5+$0x8410] =	vst v19;
	v5 =	vadd.f32 v5, v14;
	v11 =	vadd.f32 v11, v14  }
0x59: {  	v14 =	vld [tilespmem:s24+$0xA400];
	[tilespmem:s5+$0xA410] =	vst v17;
	v7 =	vadd.f32 v7, v12;
	v10 =	vadd.f32 v10, v12  }
0x5a: {  	v12 =	vld [tilespmem:s24+$0x8410];
	[tilespmem:s5+$0x8420] =	vst v3;
	v2 =	vadd.f32 v2, v13;
	v6 =	vadd.f32 v6, v13  }
0x5b: {  	v1 =	vadd.f32 v1, v0;
	v3 =	vld [tilespmem:s24+$0xA410];
	v13 =	vmul.f32 $1.131370830e+01, v21;
	[tilespmem:s5+$0xA420] =	vst v8  }
0x5c: {  	v17 =	vmul.f32 $1.131370830e+01, v16;
	v8 =	vld [tilespmem:s24+$0x8420];
	[tilespmem:s5+$0x8430] =	vst v4  }
0x5d: {  	v4 =	vld [tilespmem:s24+$0xA420];
	v13 =	vadd.f32 v13, v15;
	[tilespmem:s5+$0xA430] =	vst v9;
	v0 =	vmov v15  }
0x5e: {  	v18 =	vmul.f32 $1.131370830e+01, v14;
	v9 =	vld [tilespmem:s24+$0x8430];
	[tilespmem:s5+$0x8440] =	vst v5  }
0x5f: {  	v19 =	vmul.f32 $1.131370830e+01, v12;
	v5 =	vld [tilespmem:s24+$0xA430];
	[tilespmem:s24+$0xA470] =	vst v13  }
0x60: {  	v13 =	vmul.f32 $1.131370830e+01, v3;
	v12 =	vld [tilespmem:s24+$0x8440];
	[tilespmem:s5+$0xA440] =	vst v11  }
0x61: {  	v3 =	vmul.f32 $1.131370830e+01, v8;
	v11 =	vld [tilespmem:s24+$0xA440];
	[tilespmem:s5+$0x8450] =	vst v7  }
0x62: {  	v8 =	vmul.f32 $1.131370830e+01, v4;
	v7 =	vld [tilespmem:s24+$0x8450];
	[tilespmem:s5+$0xA450] =	vst v10  }
0x63: {  	v4 =	vmul.f32 $1.131370830e+01, v9;
	v10 =	vld [tilespmem:s24+$0xA450];
	[tilespmem:s5+$0x8460] =	vst v2  }
0x64: {  	v9 =	vmul.f32 $1.131370830e+01, v5;
	v2 =	vld [tilespmem:s24+$0x8460];
	[tilespmem:s5+$0xA460] =	vst v6  }
0x65: {  	v5 =	vmul.f32 $1.131370830e+01, v12;
	v6 =	vld [tilespmem:s24+$0xA460];
	[tilespmem:s5+$0x8470] =	vst v1;
	s5 =	smov.u32 s24  }
0x66: {  	v11 =	vmul.f32 $1.131370830e+01, v11;
	v1 =	vld [tilespmem:s5+$0x8470]  }
0x67: {  	v12 =	vld [tilespmem:s5+$0x400];
	v7 =	vmul.f32 $1.131370830e+01, v7  }
0x68: {  	v21 =	vld [tilespmem:s5+$0x410];
	v10 =	vmul.f32 $1.131370830e+01, v10  }
.Ltmp0:
0x69: {  	v16 =	vld [tilespmem:s5+$0x420];
	v2 =	vmul.f32 $1.131370830e+01, v2;
	(pc) =	sbr.rel @p0 .LBB2_2-.Ltmp0, $4  }
0x6a: {  	v15 =	vld [tilespmem:s5+$0x430];
	v6 =	vmul.f32 $1.131370830e+01, v6  }
0x6b: {  	v14 =	vld [tilespmem:s5+$0x440];
	v1 =	vmul.f32 $1.131370830e+01, v1  }
0x6c: {  	v20 =	vadd.f32 v17, v12;
	v18 =	vadd.f32 v18, v12;
	v12 =	vld [tilespmem:s5+$0x450]  }
0x6d: {  	s24 =	sshra.s32 s2, $0x2;
	s2 =	sadd.s32 $0x200, s2;
	v19 =	vadd.f32 v19, v21;
	v17 =	vadd.f32 v13, v21;
	v13 =	vld [tilespmem:s5+$0x460]  }
0x6e: {  	v21 =	vld [tilespmem:s24+$0xA470]  }
0x6f: {  	v22 =	vld [tilespmem:s24+$0x8400]  }
0x70: {  	v23 =	vld [tilespmem:s24+$0x470];
	[tilespmem:s5+$0x8400] =	vst v20  }
0x71: {  	v24 =	vld [tilespmem:s24+$0xA400];
	[tilespmem:s5+$0xA400] =	vst v18  }
0x72: {  	v25 =	vld [tilespmem:s24+$0x8410];
	v3 =	vadd.f32 v3, v16;
	[tilespmem:s5+$0x8410] =	vst v19  }
0x73: {  	v26 =	vld [tilespmem:s24+$0xA410];
	v8 =	vadd.f32 v8, v16;
	[tilespmem:s5+$0xA410] =	vst v17  }
0x74: {  	v27 =	vld [tilespmem:s24+$0x8420];
	v0 =	vadd.f32 v1, v0;
	[tilespmem:s5+$0x8420] =	vst v3  }
0x75: {  	v28 =	vld [tilespmem:s24+$0xA420];
	v4 =	vadd.f32 v4, v15;
	[tilespmem:s5+$0xA420] =	vst v8  }
0x76: {  	v29 =	vld [tilespmem:s24+$0x8430];
	v9 =	vadd.f32 v9, v15;
	[tilespmem:s5+$0x8470] =	vst v0  }
0x77: {  	v20 =	vld [tilespmem:s24+$0xA430];
	v5 =	vadd.f32 v5, v14;
	[tilespmem:s5+$0x8430] =	vst v4  }
0x78: {  	v18 =	vld [tilespmem:s24+$0x8440];
	v11 =	vadd.f32 v11, v14;
	[tilespmem:s5+$0xA430] =	vst v9  }
0x79: {  	v7 =	vadd.f32 v7, v12;
	[tilespmem:s5+$0x8440] =	vst v5;
	v5 =	vld [tilespmem:s24+$0x400]  }
0x7a: {  	v16 =	vld [tilespmem:s24+$0x8450];
	v10 =	vadd.f32 v10, v12;
	[tilespmem:s5+$0xA440] =	vst v11  }
0x7b: {  	v11 =	vld [tilespmem:s24+$0x410];
	v2 =	vadd.f32 v2, v13;
	v21 =	vmul.f32 $1.131370830e+01, v21;
	[tilespmem:s5+$0x8450] =	vst v7  }
0x7c: {  	v19 =	vld [tilespmem:s24+$0xA440];
	v6 =	vadd.f32 v6, v13;
	v12 =	vmul.f32 $1.131370830e+01, v22;
	[tilespmem:s5+$0xA450] =	vst v10  }
0x7d: {  	v7 =	vld [tilespmem:s24+$0x420];
	v1 =	vmul.f32 $1.131370830e+01, v24;
	[tilespmem:s5+$0x8460] =	vst v2;
	v21 =	vadd.f32 v21, v23  }
0x7e: {  	v3 =	vld [tilespmem:s24+$0xA450];
	v13 =	vmul.f32 $1.131370830e+01, v25;
	[tilespmem:s5+$0xA460] =	vst v6;
	v6 =	vadd.f32 v12, v5  }
0x7f: {  	v10 =	vld [tilespmem:s24+$0x430];
	v0 =	vmul.f32 $1.131370830e+01, v26;
	[tilespmem:s24+$0xA470] =	vst v21;
	v1 =	vadd.f32 v1, v5  }
0x80: {  	v8 =	vld [tilespmem:s24+$0x8460];
	v14 =	vmul.f32 $1.131370830e+01, v27;
	v13 =	vadd.f32 v13, v11;
	[tilespmem:s24+$0x8400] =	vst v6  }
0x81: {  	v2 =	vld [tilespmem:s24+$0x440];
	v0 =	vadd.f32 v0, v11;
	v6 =	vmul.f32 $1.131370830e+01, v28;
	[tilespmem:s24+$0xA400] =	vst v1  }
0x82: {  	v4 =	vld [tilespmem:s24+$0xA460];
	v11 =	vadd.f32 v14, v7;
	v1 =	vmul.f32 $1.131370830e+01, v29;
	[tilespmem:s24+$0x8410] =	vst v13  }
0x83: {  	v12 =	vld [tilespmem:s24+$0x450];
	v13 =	vmul.f32 $1.131370830e+01, v20;
	[tilespmem:s24+$0xA410] =	vst v0;
	v6 =	vadd.f32 v6, v7  }
0x84: {  	v9 =	vld [tilespmem:s24+$0x8470];
	v0 =	vmul.f32 $1.131370830e+01, v18;
	[tilespmem:s24+$0x8420] =	vst v11;
	v1 =	vadd.f32 v1, v10  }
0x85: {  	v5 =	vld [tilespmem:s24+$0x460];
	v7 =	vmul.f32 $1.131370830e+01, v19;
	v10 =	vadd.f32 v13, v10;
	[tilespmem:s24+$0xA420] =	vst v6  }
0x86: {  	v0 =	vadd.f32 v0, v2;
	v6 =	vmul.f32 $1.131370830e+01, v16;
	[tilespmem:s24+$0x8430] =	vst v1  }
0x87: {  	v1 =	vmul.f32 $1.131370830e+01, v3;
	v2 =	vadd.f32 v7, v2;
	[tilespmem:s24+$0xA430] =	vst v10  }
0x88: {  	v3 =	vmul.f32 $1.131370830e+01, v8;
	[tilespmem:s24+$0x8440] =	vst v0;
	v6 =	vadd.f32 v6, v12  }
0x89: {  	v0 =	vmul.f32 $1.131370830e+01, v4;
	v1 =	vadd.f32 v1, v12;
	[tilespmem:s24+$0xA440] =	vst v2  }
0x8a: {  	v2 =	vmul.f32 $1.131370830e+01, v9;
	v3 =	vadd.f32 v3, v5;
	[tilespmem:s24+$0x8450] =	vst v6  }
0x8b: {  	v0 =	vadd.f32 v0, v5;
	[tilespmem:s24+$0xA450] =	vst v1  }
0x8c: {  	v1 =	vadd.f32 v2, v23;
	[tilespmem:s24+$0x8460] =	vst v3  }
0x8d: {  	[tilespmem:s24+$0xA460] =	vst v0  }
0x8e: {  	[tilespmem:s24+$0x8470] =	vst v1  }
0x8f: {  	s2 =	simm.s32 $0x0;
	s5 =	rddreg [dreg:$0x6]  }
0x90: {  	[hbm4b:s5+s2] =	stream.linear.scatter [tilespmem:s26], [sflag:$0x9], $0x2000, $0x38;
	[tilespmem:$0x18400] =	vst v63  }
0x91: {  	s24 =	rddreg [dreg:$0x8]  }
0x92: {  	[hbm4b:s24+s2] =	stream.linear.scatter [tilespmem:s29], [sflag:$0xA], $0x2000, $0x38;
	[tilespmem:$0x18400] =	vst v63  }
0x93: {  	_ =	swait.ge [sflag:s8], $0x2000  }
0x94: {  	[sflag:s8] =	ssyncset.done $0x0  }
0x95: {  	[sflag:s8] =	ssyncadd.s32 $0xFFFFE000  }
0x96: {  	_ =	swait.ge [sflag:s9], $0x2000  }
0x97: {  	[sflag:s9] =	ssyncset.done $0x0  }
0x98: {  	s5 =	simm.s32 $0x100;
	[sflag:s9] =	ssyncadd.s32 $0xFFFFE000  }
0x99: {  	[tilespmem:s26], [sflag:$0x1] =	stream.indirect.gather [hbm4b:s1+s25], $0x80, s5, s25, $0xb8;
	[tilespmem:$0x18400] =	vst v63  }
0x9a: {  	s24 =	simm.s32 $0x180  }
0x9b: {  	[tilespmem:s29], [sflag:$0x2] =	stream.indirect.gather [hbm4b:s1+s25], $0x80, s24, s25, $0xb8;
	[tilespmem:$0x18400] =	vst v63  }
0x9c: {  	_ =	swait.ge [sflag:s10], $0x2000  }
0x9d: {  	[sflag:s10] =	ssyncset.done $0x0  }
0x9e: {  	[sflag:s10] =	ssyncadd.s32 $0xFFFFE000  }
0x9f: {  	_ =	swait.ge [sflag:s11], $0x2000  }
0xa0: {  	[sflag:s11] =	ssyncset.done $0x0  }
0xa1: {  	s5 =	simm.s32 $0x0;
	[sflag:s11] =	ssyncadd.s32 $0xFFFFE000  }
0xa2: {  	v1 =	vld [tilespmem:s5+$0xE470]  }
0xa3: {  	v2 =	vld [tilespmem:s5+$0xC400]  }
0xa4: {  	v0 =	vld [tilespmem:s5+$0x2470]  }
0xa5: {  	v3 =	vld [tilespmem:s5+$0xE400]  }
0xa6: {  	v4 =	vld [tilespmem:s5+$0xC410]  }
0xa7: {  	v5 =	vld [tilespmem:s5+$0xE410]  }
0xa8: {  	v6 =	vld [tilespmem:s5+$0xC420]  }
0xa9: {  	v7 =	vld [tilespmem:s5+$0xE420]  }
0xaa: {  	v9 =	vld [tilespmem:s5+$0xC430]  }
0xab: {  	v10 =	vld [tilespmem:s5+$0xE430]  }
0xac: {  	v11 =	vld [tilespmem:s5+$0xE440]  }
0xad: {  	v12 =	vld [tilespmem:s5+$0xC450]  }
0xae: {  	v13 =	vld [tilespmem:s5+$0xE450]  }
0xaf: {  	v14 =	vld [tilespmem:s5+$0xC460]  }
0xb0: {  	v18 =	vld [tilespmem:s5+$0xE460];
	v1 =	vmul.f32 $1.131370830e+01, v1  }
0xb1: {  	v22 =	vld [tilespmem:s5+$0xC470]  }
0xb2: {  	v62 =	vld [tilespmem:s5+$0x2400];
	v17 =	vmul.f32 $1.131370830e+01, v2;
	v19 =	vmul.f32 $1.131370830e+01, v3;
	v1 =	vadd.f32 v1, v0  }
0xb3: {  	v63 =	vld [tilespmem:s5+$0x2410];
	v21 =	vmul.f32 $1.131370830e+01, v4;
	v23 =	vmul.f32 $1.131370830e+01, v5  }
0xb4: {  	v3 =	vmul.f32 $1.131370830e+01, v6;
	v8 =	vmul.f32 $1.131370830e+01, v7;
	[tilespmem:s5+$0xE470] =	vst v1;
	v1 =	vld [tilespmem:s5+$0xC440]  }
0xb5: {  	v16 =	vld [tilespmem:s5+$0x2420];
	v4 =	vmul.f32 $1.131370830e+01, v9;
	v9 =	vmul.f32 $1.131370830e+01, v10  }
0xb6: {  	v15 =	vld [tilespmem:s5+$0x2430];
	v11 =	vmul.f32 $1.131370830e+01, v11;
	v7 =	vmul.f32 $1.131370830e+01, v12  }
0xb7: {  	v10 =	vmul.f32 $1.131370830e+01, v13;
	v2 =	vmul.f32 $1.131370830e+01, v14;
	v14 =	vld [tilespmem:s5+$0x2440];
	v20 =	vadd.f32 v17, v62  }
0xb8: {  	v6 =	vmul.f32 $1.131370830e+01, v18;
	v12 =	vld [tilespmem:s5+$0x2450];
	v18 =	vadd.f32 v19, v62;
	v19 =	vadd.f32 v21, v63  }
0xb9: {  	s2 =	simm.s32 $0x400;
	s24 =	simm.s32 $0x80;
	v13 =	vld [tilespmem:s5+$0x2460];
	v17 =	vadd.f32 v23, v63;
	v5 =	vmul.f32 $1.131370830e+01, v1;
	v1 =	vmul.f32 $1.131370830e+01, v22  }
.LBB2_4:
0xba: {  	p0 =	sne.s32 s2, $0x7E00;
	v21 =	vld [tilespmem:s24+$0xE470];
	[tilespmem:s5+$0xC400] =	vst v20;
	v3 =	vadd.f32 v3, v16;
	v8 =	vadd.f32 v8, v16  }
0xbb: {  	v16 =	vld [tilespmem:s24+$0xC400];
	[tilespmem:s5+$0xE400] =	vst v18;
	v4 =	vadd.f32 v4, v15;
	v9 =	vadd.f32 v9, v15  }
0xbc: {  	v15 =	vld [tilespmem:s24+$0x2470];
	[tilespmem:s5+$0xC410] =	vst v19;
	v5 =	vadd.f32 v5, v14;
	v11 =	vadd.f32 v11, v14  }
0xbd: {  	v14 =	vld [tilespmem:s24+$0xE400];
	[tilespmem:s5+$0xE410] =	vst v17;
	v7 =	vadd.f32 v7, v12;
	v10 =	vadd.f32 v10, v12  }
0xbe: {  	v12 =	vld [tilespmem:s24+$0xC410];
	[tilespmem:s5+$0xC420] =	vst v3;
	v2 =	vadd.f32 v2, v13;
	v6 =	vadd.f32 v6, v13  }
0xbf: {  	v1 =	vadd.f32 v1, v0;
	v3 =	vld [tilespmem:s24+$0xE410];
	v13 =	vmul.f32 $1.131370830e+01, v21;
	[tilespmem:s5+$0xE420] =	vst v8  }
0xc0: {  	v17 =	vmul.f32 $1.131370830e+01, v16;
	v8 =	vld [tilespmem:s24+$0xC420];
	[tilespmem:s5+$0xC430] =	vst v4  }
0xc1: {  	v4 =	vld [tilespmem:s24+$0xE420];
	v13 =	vadd.f32 v13, v15;
	[tilespmem:s5+$0xE430] =	vst v9;
	v0 =	vmov v15  }
0xc2: {  	v18 =	vmul.f32 $1.131370830e+01, v14;
	v9 =	vld [tilespmem:s24+$0xC430];
	[tilespmem:s5+$0xC440] =	vst v5  }
0xc3: {  	v19 =	vmul.f32 $1.131370830e+01, v12;
	v5 =	vld [tilespmem:s24+$0xE430];
	[tilespmem:s24+$0xE470] =	vst v13  }
0xc4: {  	v13 =	vmul.f32 $1.131370830e+01, v3;
	v12 =	vld [tilespmem:s24+$0xC440];
	[tilespmem:s5+$0xE440] =	vst v11  }
0xc5: {  	v3 =	vmul.f32 $1.131370830e+01, v8;
	v11 =	vld [tilespmem:s24+$0xE440];
	[tilespmem:s5+$0xC450] =	vst v7  }
0xc6: {  	v8 =	vmul.f32 $1.131370830e+01, v4;
	v7 =	vld [tilespmem:s24+$0xC450];
	[tilespmem:s5+$0xE450] =	vst v10  }
0xc7: {  	v4 =	vmul.f32 $1.131370830e+01, v9;
	v10 =	vld [tilespmem:s24+$0xE450];
	[tilespmem:s5+$0xC460] =	vst v2  }
0xc8: {  	v9 =	vmul.f32 $1.131370830e+01, v5;
	v2 =	vld [tilespmem:s24+$0xC460];
	[tilespmem:s5+$0xE460] =	vst v6  }
0xc9: {  	v5 =	vmul.f32 $1.131370830e+01, v12;
	v6 =	vld [tilespmem:s24+$0xE460];
	[tilespmem:s5+$0xC470] =	vst v1;
	s5 =	smov.u32 s24  }
0xca: {  	v11 =	vmul.f32 $1.131370830e+01, v11;
	v1 =	vld [tilespmem:s5+$0xC470]  }
0xcb: {  	v12 =	vld [tilespmem:s5+$0x2400];
	v7 =	vmul.f32 $1.131370830e+01, v7  }
0xcc: {  	v21 =	vld [tilespmem:s5+$0x2410];
	v10 =	vmul.f32 $1.131370830e+01, v10  }
.Ltmp1:
0xcd: {  	v16 =	vld [tilespmem:s5+$0x2420];
	v2 =	vmul.f32 $1.131370830e+01, v2;
	(pc) =	sbr.rel @p0 .LBB2_4-.Ltmp1, $4  }
0xce: {  	v15 =	vld [tilespmem:s5+$0x2430];
	v6 =	vmul.f32 $1.131370830e+01, v6  }
0xcf: {  	v14 =	vld [tilespmem:s5+$0x2440];
	v1 =	vmul.f32 $1.131370830e+01, v1  }
0xd0: {  	v20 =	vadd.f32 v17, v12;
	v18 =	vadd.f32 v18, v12;
	v12 =	vld [tilespmem:s5+$0x2450]  }
0xd1: {  	s24 =	sshra.s32 s2, $0x2;
	s2 =	sadd.s32 $0x200, s2;
	v19 =	vadd.f32 v19, v21;
	v17 =	vadd.f32 v13, v21;
	v13 =	vld [tilespmem:s5+$0x2460]  }
0xd2: {  	v21 =	vld [tilespmem:s24+$0xE470]  }
0xd3: {  	v22 =	vld [tilespmem:s24+$0xC400]  }
0xd4: {  	v23 =	vld [tilespmem:s24+$0x2470];
	[tilespmem:s5+$0xC400] =	vst v20  }
0xd5: {  	v24 =	vld [tilespmem:s24+$0xE400];
	[tilespmem:s5+$0xE400] =	vst v18  }
0xd6: {  	v25 =	vld [tilespmem:s24+$0xC410];
	v3 =	vadd.f32 v3, v16;
	[tilespmem:s5+$0xC410] =	vst v19  }
0xd7: {  	v26 =	vld [tilespmem:s24+$0xE410];
	v8 =	vadd.f32 v8, v16;
	[tilespmem:s5+$0xE410] =	vst v17  }
0xd8: {  	v27 =	vld [tilespmem:s24+$0xC420];
	v0 =	vadd.f32 v1, v0;
	[tilespmem:s5+$0xC420] =	vst v3  }
0xd9: {  	v28 =	vld [tilespmem:s24+$0xE420];
	v4 =	vadd.f32 v4, v15;
	[tilespmem:s5+$0xE420] =	vst v8  }
0xda: {  	v29 =	vld [tilespmem:s24+$0xC430];
	v9 =	vadd.f32 v9, v15;
	[tilespmem:s5+$0xC470] =	vst v0  }
0xdb: {  	v20 =	vld [tilespmem:s24+$0xE430];
	v5 =	vadd.f32 v5, v14;
	[tilespmem:s5+$0xC430] =	vst v4  }
0xdc: {  	v18 =	vld [tilespmem:s24+$0xC440];
	v11 =	vadd.f32 v11, v14;
	[tilespmem:s5+$0xE430] =	vst v9  }
0xdd: {  	v7 =	vadd.f32 v7, v12;
	[tilespmem:s5+$0xC440] =	vst v5;
	v5 =	vld [tilespmem:s24+$0x2400]  }
0xde: {  	v16 =	vld [tilespmem:s24+$0xC450];
	v10 =	vadd.f32 v10, v12;
	[tilespmem:s5+$0xE440] =	vst v11  }
0xdf: {  	v11 =	vld [tilespmem:s24+$0x2410];
	v2 =	vadd.f32 v2, v13;
	v21 =	vmul.f32 $1.131370830e+01, v21;
	[tilespmem:s5+$0xC450] =	vst v7  }
0xe0: {  	v19 =	vld [tilespmem:s24+$0xE440];
	v6 =	vadd.f32 v6, v13;
	v12 =	vmul.f32 $1.131370830e+01, v22;
	[tilespmem:s5+$0xE450] =	vst v10  }
0xe1: {  	v7 =	vld [tilespmem:s24+$0x2420];
	v1 =	vmul.f32 $1.131370830e+01, v24;
	[tilespmem:s5+$0xC460] =	vst v2;
	v21 =	vadd.f32 v21, v23  }
0xe2: {  	v3 =	vld [tilespmem:s24+$0xE450];
	v13 =	vmul.f32 $1.131370830e+01, v25;
	[tilespmem:s5+$0xE460] =	vst v6;
	v6 =	vadd.f32 v12, v5  }
0xe3: {  	v10 =	vld [tilespmem:s24+$0x2430];
	v0 =	vmul.f32 $1.131370830e+01, v26;
	[tilespmem:s24+$0xE470] =	vst v21;
	v1 =	vadd.f32 v1, v5  }
0xe4: {  	v8 =	vld [tilespmem:s24+$0xC460];
	v14 =	vmul.f32 $1.131370830e+01, v27;
	v13 =	vadd.f32 v13, v11;
	[tilespmem:s24+$0xC400] =	vst v6  }
0xe5: {  	v2 =	vld [tilespmem:s24+$0x2440];
	v0 =	vadd.f32 v0, v11;
	v6 =	vmul.f32 $1.131370830e+01, v28;
	[tilespmem:s24+$0xE400] =	vst v1  }
0xe6: {  	v4 =	vld [tilespmem:s24+$0xE460];
	v11 =	vadd.f32 v14, v7;
	v1 =	vmul.f32 $1.131370830e+01, v29;
	[tilespmem:s24+$0xC410] =	vst v13  }
0xe7: {  	v12 =	vld [tilespmem:s24+$0x2450];
	v13 =	vmul.f32 $1.131370830e+01, v20;
	[tilespmem:s24+$0xE410] =	vst v0;
	v6 =	vadd.f32 v6, v7  }
0xe8: {  	v9 =	vld [tilespmem:s24+$0xC470];
	v0 =	vmul.f32 $1.131370830e+01, v18;
	[tilespmem:s24+$0xC420] =	vst v11;
	v1 =	vadd.f32 v1, v10  }
0xe9: {  	v5 =	vld [tilespmem:s24+$0x2460];
	v7 =	vmul.f32 $1.131370830e+01, v19;
	v10 =	vadd.f32 v13, v10;
	[tilespmem:s24+$0xE420] =	vst v6  }
0xea: {  	v0 =	vadd.f32 v0, v2;
	v6 =	vmul.f32 $1.131370830e+01, v16;
	[tilespmem:s24+$0xC430] =	vst v1  }
0xeb: {  	v1 =	vmul.f32 $1.131370830e+01, v3;
	v2 =	vadd.f32 v7, v2;
	[tilespmem:s24+$0xE430] =	vst v10  }
0xec: {  	v3 =	vmul.f32 $1.131370830e+01, v8;
	[tilespmem:s24+$0xC440] =	vst v0;
	v6 =	vadd.f32 v6, v12  }
0xed: {  	v0 =	vmul.f32 $1.131370830e+01, v4;
	v1 =	vadd.f32 v1, v12;
	[tilespmem:s24+$0xE440] =	vst v2  }
0xee: {  	v2 =	vmul.f32 $1.131370830e+01, v9;
	v3 =	vadd.f32 v3, v5;
	[tilespmem:s24+$0xC450] =	vst v6  }
0xef: {  	v0 =	vadd.f32 v0, v5;
	[tilespmem:s24+$0xE450] =	vst v1  }
0xf0: {  	v1 =	vadd.f32 v2, v23;
	[tilespmem:s24+$0xC460] =	vst v3  }
0xf1: {  	[tilespmem:s24+$0xE460] =	vst v0  }
0xf2: {  	[tilespmem:s24+$0xC470] =	vst v1  }
0xf3: {  	s2 =	simm.s32 $0x0;
	s5 =	rddreg [dreg:$0x9]  }
0xf4: {  	[hbm4b:s5+s2] =	stream.linear.scatter [tilespmem:s30], [sflag:$0xB], $0x2000, $0x38;
	[tilespmem:$0x18400] =	vst v63  }
0xf5: {  	s24 =	rddreg [dreg:$0xa]  }
0xf6: {  	[hbm4b:s24+s2] =	stream.linear.scatter [tilespmem:s0], [sflag:$0xC], $0x2000, $0x38;
	[tilespmem:$0x18400] =	vst v63  }
0xf7: {  	_ =	swait.ge [sflag:s12], $0x2000  }
0xf8: {  	[sflag:s12] =	ssyncset.done $0x0  }
0xf9: {  	[sflag:s12] =	ssyncadd.s32 $0xFFFFE000  }
0xfa: {  	_ =	swait.ge [sflag:s13], $0x2000  }
0xfb: {  	[sflag:s13] =	ssyncset.done $0x0  }
0xfc: {  	s5 =	simm.s32 $0x140;
	[sflag:s13] =	ssyncadd.s32 $0xFFFFE000  }
0xfd: {  	[tilespmem:s30], [sflag:$0x3] =	stream.indirect.gather [hbm4b:s1+s25], $0x80, s5, s25, $0xb8;
	[tilespmem:$0x18400] =	vst v63  }
0xfe: {  	s24 =	simm.s32 $0x1C0  }
0xff: {  	[tilespmem:s0], [sflag:$0x4] =	stream.indirect.gather [hbm4b:s1+s25], $0x80, s24, s25, $0xb8;
	[tilespmem:$0x18400] =	vst v63  }
0x100: {  	_ =	swait.ge [sflag:s14], $0x2000  }
0x101: {  	[sflag:s14] =	ssyncset.done $0x0  }
0x102: {  	[sflag:s14] =	ssyncadd.s32 $0xFFFFE000  }
0x103: {  	_ =	swait.ge [sflag:s15], $0x2000  }
0x104: {  	[sflag:s15] =	ssyncset.done $0x0  }
0x105: {  	s5 =	simm.s32 $0x0;
	[sflag:s15] =	ssyncadd.s32 $0xFFFFE000  }
0x106: {  	v1 =	vld [tilespmem:s5+$0x12470]  }
0x107: {  	v2 =	vld [tilespmem:s5+$0x10400]  }
0x108: {  	v0 =	vld [tilespmem:s5+$0x4470]  }
0x109: {  	v3 =	vld [tilespmem:s5+$0x12400]  }
0x10a: {  	v4 =	vld [tilespmem:s5+$0x10410]  }
0x10b: {  	v5 =	vld [tilespmem:s5+$0x12410]  }
0x10c: {  	v6 =	vld [tilespmem:s5+$0x10420]  }
0x10d: {  	v7 =	vld [tilespmem:s5+$0x12420]  }
0x10e: {  	v9 =	vld [tilespmem:s5+$0x10430]  }
0x10f: {  	v10 =	vld [tilespmem:s5+$0x12430]  }
0x110: {  	v11 =	vld [tilespmem:s5+$0x12440]  }
0x111: {  	v12 =	vld [tilespmem:s5+$0x10450]  }
0x112: {  	v13 =	vld [tilespmem:s5+$0x12450]  }
0x113: {  	v14 =	vld [tilespmem:s5+$0x10460]  }
0x114: {  	v18 =	vld [tilespmem:s5+$0x12460];
	v1 =	vmul.f32 $1.131370830e+01, v1  }
0x115: {  	v22 =	vld [tilespmem:s5+$0x10470]  }
0x116: {  	v62 =	vld [tilespmem:s5+$0x4400];
	v17 =	vmul.f32 $1.131370830e+01, v2;
	v19 =	vmul.f32 $1.131370830e+01, v3;
	v1 =	vadd.f32 v1, v0  }
0x117: {  	v63 =	vld [tilespmem:s5+$0x4410];
	v21 =	vmul.f32 $1.131370830e+01, v4;
	v23 =	vmul.f32 $1.131370830e+01, v5  }
0x118: {  	v3 =	vmul.f32 $1.131370830e+01, v6;
	v8 =	vmul.f32 $1.131370830e+01, v7;
	[tilespmem:s5+$0x12470] =	vst v1;
	v1 =	vld [tilespmem:s5+$0x10440]  }
0x119: {  	v16 =	vld [tilespmem:s5+$0x4420];
	v4 =	vmul.f32 $1.131370830e+01, v9;
	v9 =	vmul.f32 $1.131370830e+01, v10  }
0x11a: {  	v15 =	vld [tilespmem:s5+$0x4430];
	v11 =	vmul.f32 $1.131370830e+01, v11;
	v7 =	vmul.f32 $1.131370830e+01, v12  }
0x11b: {  	v10 =	vmul.f32 $1.131370830e+01, v13;
	v2 =	vmul.f32 $1.131370830e+01, v14;
	v14 =	vld [tilespmem:s5+$0x4440];
	v20 =	vadd.f32 v17, v62  }
0x11c: {  	v6 =	vmul.f32 $1.131370830e+01, v18;
	v12 =	vld [tilespmem:s5+$0x4450];
	v18 =	vadd.f32 v19, v62;
	v19 =	vadd.f32 v21, v63  }
0x11d: {  	s2 =	simm.s32 $0x400;
	s24 =	simm.s32 $0x80;
	v13 =	vld [tilespmem:s5+$0x4460];
	v17 =	vadd.f32 v23, v63;
	v5 =	vmul.f32 $1.131370830e+01, v1;
	v1 =	vmul.f32 $1.131370830e+01, v22  }
.LBB2_6:
0x11e: {  	p0 =	sne.s32 s2, $0x7E00;
	v21 =	vld [tilespmem:s24+$0x12470];
	[tilespmem:s5+$0x10400] =	vst v20;
	v3 =	vadd.f32 v3, v16;
	v8 =	vadd.f32 v8, v16  }
0x11f: {  	v16 =	vld [tilespmem:s24+$0x10400];
	[tilespmem:s5+$0x12400] =	vst v18;
	v4 =	vadd.f32 v4, v15;
	v9 =	vadd.f32 v9, v15  }
0x120: {  	v15 =	vld [tilespmem:s24+$0x4470];
	[tilespmem:s5+$0x10410] =	vst v19;
	v5 =	vadd.f32 v5, v14;
	v11 =	vadd.f32 v11, v14  }
0x121: {  	v14 =	vld [tilespmem:s24+$0x12400];
	[tilespmem:s5+$0x12410] =	vst v17;
	v7 =	vadd.f32 v7, v12;
	v10 =	vadd.f32 v10, v12  }
0x122: {  	v12 =	vld [tilespmem:s24+$0x10410];
	[tilespmem:s5+$0x10420] =	vst v3;
	v2 =	vadd.f32 v2, v13;
	v6 =	vadd.f32 v6, v13  }
0x123: {  	v1 =	vadd.f32 v1, v0;
	v3 =	vld [tilespmem:s24+$0x12410];
	v13 =	vmul.f32 $1.131370830e+01, v21;
	[tilespmem:s5+$0x12420] =	vst v8  }
0x124: {  	v17 =	vmul.f32 $1.131370830e+01, v16;
	v8 =	vld [tilespmem:s24+$0x10420];
	[tilespmem:s5+$0x10430] =	vst v4  }
0x125: {  	v4 =	vld [tilespmem:s24+$0x12420];
	v13 =	vadd.f32 v13, v15;
	[tilespmem:s5+$0x12430] =	vst v9;
	v0 =	vmov v15  }
0x126: {  	v18 =	vmul.f32 $1.131370830e+01, v14;
	v9 =	vld [tilespmem:s24+$0x10430];
	[tilespmem:s5+$0x10440] =	vst v5  }
0x127: {  	v19 =	vmul.f32 $1.131370830e+01, v12;
	v5 =	vld [tilespmem:s24+$0x12430];
	[tilespmem:s24+$0x12470] =	vst v13  }
0x128: {  	v13 =	vmul.f32 $1.131370830e+01, v3;
	v12 =	vld [tilespmem:s24+$0x10440];
	[tilespmem:s5+$0x12440] =	vst v11  }
0x129: {  	v3 =	vmul.f32 $1.131370830e+01, v8;
	v11 =	vld [tilespmem:s24+$0x12440];
	[tilespmem:s5+$0x10450] =	vst v7  }
0x12a: {  	v8 =	vmul.f32 $1.131370830e+01, v4;
	v7 =	vld [tilespmem:s24+$0x10450];
	[tilespmem:s5+$0x12450] =	vst v10  }
0x12b: {  	v4 =	vmul.f32 $1.131370830e+01, v9;
	v10 =	vld [tilespmem:s24+$0x12450];
	[tilespmem:s5+$0x10460] =	vst v2  }
0x12c: {  	v9 =	vmul.f32 $1.131370830e+01, v5;
	v2 =	vld [tilespmem:s24+$0x10460];
	[tilespmem:s5+$0x12460] =	vst v6  }
0x12d: {  	v5 =	vmul.f32 $1.131370830e+01, v12;
	v6 =	vld [tilespmem:s24+$0x12460];
	[tilespmem:s5+$0x10470] =	vst v1;
	s5 =	smov.u32 s24  }
0x12e: {  	v11 =	vmul.f32 $1.131370830e+01, v11;
	v1 =	vld [tilespmem:s5+$0x10470]  }
0x12f: {  	v12 =	vld [tilespmem:s5+$0x4400];
	v7 =	vmul.f32 $1.131370830e+01, v7  }
0x130: {  	v21 =	vld [tilespmem:s5+$0x4410];
	v10 =	vmul.f32 $1.131370830e+01, v10  }
.Ltmp2:
0x131: {  	v16 =	vld [tilespmem:s5+$0x4420];
	v2 =	vmul.f32 $1.131370830e+01, v2;
	(pc) =	sbr.rel @p0 .LBB2_6-.Ltmp2, $4  }
0x132: {  	v15 =	vld [tilespmem:s5+$0x4430];
	v6 =	vmul.f32 $1.131370830e+01, v6  }
0x133: {  	v14 =	vld [tilespmem:s5+$0x4440];
	v1 =	vmul.f32 $1.131370830e+01, v1  }
0x134: {  	v20 =	vadd.f32 v17, v12;
	v18 =	vadd.f32 v18, v12;
	v12 =	vld [tilespmem:s5+$0x4450]  }
0x135: {  	s24 =	sshra.s32 s2, $0x2;
	s2 =	sadd.s32 $0x200, s2;
	v19 =	vadd.f32 v19, v21;
	v17 =	vadd.f32 v13, v21;
	v13 =	vld [tilespmem:s5+$0x4460]  }
0x136: {  	v21 =	vld [tilespmem:s24+$0x12470]  }
0x137: {  	v22 =	vld [tilespmem:s24+$0x10400]  }
0x138: {  	v23 =	vld [tilespmem:s24+$0x4470];
	[tilespmem:s5+$0x10400] =	vst v20  }
0x139: {  	v24 =	vld [tilespmem:s24+$0x12400];
	[tilespmem:s5+$0x12400] =	vst v18  }
0x13a: {  	v25 =	vld [tilespmem:s24+$0x10410];
	v3 =	vadd.f32 v3, v16;
	[tilespmem:s5+$0x10410] =	vst v19  }
0x13b: {  	v26 =	vld [tilespmem:s24+$0x12410];
	v8 =	vadd.f32 v8, v16;
	[tilespmem:s5+$0x12410] =	vst v17  }
0x13c: {  	v27 =	vld [tilespmem:s24+$0x10420];
	v0 =	vadd.f32 v1, v0;
	[tilespmem:s5+$0x10420] =	vst v3  }
0x13d: {  	v28 =	vld [tilespmem:s24+$0x12420];
	v4 =	vadd.f32 v4, v15;
	[tilespmem:s5+$0x12420] =	vst v8  }
0x13e: {  	v29 =	vld [tilespmem:s24+$0x10430];
	v9 =	vadd.f32 v9, v15;
	[tilespmem:s5+$0x10470] =	vst v0  }
0x13f: {  	v20 =	vld [tilespmem:s24+$0x12430];
	v5 =	vadd.f32 v5, v14;
	[tilespmem:s5+$0x10430] =	vst v4  }
0x140: {  	v18 =	vld [tilespmem:s24+$0x10440];
	v11 =	vadd.f32 v11, v14;
	[tilespmem:s5+$0x12430] =	vst v9  }
0x141: {  	v7 =	vadd.f32 v7, v12;
	[tilespmem:s5+$0x10440] =	vst v5;
	v5 =	vld [tilespmem:s24+$0x4400]  }
0x142: {  	v16 =	vld [tilespmem:s24+$0x10450];
	v10 =	vadd.f32 v10, v12;
	[tilespmem:s5+$0x12440] =	vst v11  }
0x143: {  	v11 =	vld [tilespmem:s24+$0x4410];
	v2 =	vadd.f32 v2, v13;
	v21 =	vmul.f32 $1.131370830e+01, v21;
	[tilespmem:s5+$0x10450] =	vst v7  }
0x144: {  	v19 =	vld [tilespmem:s24+$0x12440];
	v6 =	vadd.f32 v6, v13;
	v12 =	vmul.f32 $1.131370830e+01, v22;
	[tilespmem:s5+$0x12450] =	vst v10  }
0x145: {  	v7 =	vld [tilespmem:s24+$0x4420];
	v1 =	vmul.f32 $1.131370830e+01, v24;
	[tilespmem:s5+$0x10460] =	vst v2;
	v21 =	vadd.f32 v21, v23  }
0x146: {  	v3 =	vld [tilespmem:s24+$0x12450];
	v13 =	vmul.f32 $1.131370830e+01, v25;
	[tilespmem:s5+$0x12460] =	vst v6;
	v6 =	vadd.f32 v12, v5  }
0x147: {  	v10 =	vld [tilespmem:s24+$0x4430];
	v0 =	vmul.f32 $1.131370830e+01, v26;
	[tilespmem:s24+$0x12470] =	vst v21;
	v1 =	vadd.f32 v1, v5  }
0x148: {  	v8 =	vld [tilespmem:s24+$0x10460];
	v14 =	vmul.f32 $1.131370830e+01, v27;
	v13 =	vadd.f32 v13, v11;
	[tilespmem:s24+$0x10400] =	vst v6  }
0x149: {  	v2 =	vld [tilespmem:s24+$0x4440];
	v0 =	vadd.f32 v0, v11;
	v6 =	vmul.f32 $1.131370830e+01, v28;
	[tilespmem:s24+$0x12400] =	vst v1  }
0x14a: {  	v4 =	vld [tilespmem:s24+$0x12460];
	v11 =	vadd.f32 v14, v7;
	v1 =	vmul.f32 $1.131370830e+01, v29;
	[tilespmem:s24+$0x10410] =	vst v13  }
0x14b: {  	v12 =	vld [tilespmem:s24+$0x4450];
	v13 =	vmul.f32 $1.131370830e+01, v20;
	[tilespmem:s24+$0x12410] =	vst v0;
	v6 =	vadd.f32 v6, v7  }
0x14c: {  	v9 =	vld [tilespmem:s24+$0x10470];
	v0 =	vmul.f32 $1.131370830e+01, v18;
	[tilespmem:s24+$0x10420] =	vst v11;
	v1 =	vadd.f32 v1, v10  }
0x14d: {  	v5 =	vld [tilespmem:s24+$0x4460];
	v7 =	vmul.f32 $1.131370830e+01, v19;
	v10 =	vadd.f32 v13, v10;
	[tilespmem:s24+$0x12420] =	vst v6  }
0x14e: {  	v0 =	vadd.f32 v0, v2;
	v6 =	vmul.f32 $1.131370830e+01, v16;
	[tilespmem:s24+$0x10430] =	vst v1  }
0x14f: {  	v1 =	vmul.f32 $1.131370830e+01, v3;
	v2 =	vadd.f32 v7, v2;
	[tilespmem:s24+$0x12430] =	vst v10  }
0x150: {  	v3 =	vmul.f32 $1.131370830e+01, v8;
	[tilespmem:s24+$0x10440] =	vst v0;
	v6 =	vadd.f32 v6, v12  }
0x151: {  	v0 =	vmul.f32 $1.131370830e+01, v4;
	v1 =	vadd.f32 v1, v12;
	[tilespmem:s24+$0x12440] =	vst v2  }
0x152: {  	v2 =	vmul.f32 $1.131370830e+01, v9;
	v3 =	vadd.f32 v3, v5;
	[tilespmem:s24+$0x10450] =	vst v6  }
0x153: {  	v0 =	vadd.f32 v0, v5;
	[tilespmem:s24+$0x12450] =	vst v1  }
0x154: {  	v1 =	vadd.f32 v2, v23;
	[tilespmem:s24+$0x10460] =	vst v3  }
0x155: {  	[tilespmem:s24+$0x12460] =	vst v0  }
0x156: {  	[tilespmem:s24+$0x10470] =	vst v1  }
0x157: {  	s2 =	simm.s32 $0x0;
	s5 =	rddreg [dreg:$0xb]  }
0x158: {  	[hbm4b:s5+s2] =	stream.linear.scatter [tilespmem:s23], [sflag:$0xD], $0x2000, $0x38;
	[tilespmem:$0x18400] =	vst v63  }
0x159: {  	s24 =	rddreg [dreg:$0xc]  }
0x15a: {  	[hbm4b:s24+s2] =	stream.linear.scatter [tilespmem:s31], [sflag:$0xE], $0x2000, $0x38;
	[tilespmem:$0x18400] =	vst v63  }
0x15b: {  	_ =	swait.ge [sflag:s16], $0x2000  }
0x15c: {  	[sflag:s16] =	ssyncset.done $0x0  }
0x15d: {  	[sflag:s16] =	ssyncadd.s32 $0xFFFFE000  }
0x15e: {  	_ =	swait.ge [sflag:s17], $0x2000  }
0x15f: {  	[sflag:s17] =	ssyncset.done $0x0  }
0x160: {  	s5 =	simm.s32 $0x300;
	[sflag:s17] =	ssyncadd.s32 $0xFFFFE000  }
0x161: {  	[tilespmem:s23], [sflag:$0x5] =	stream.indirect.gather [hbm4b:s1+s25], $0x80, s5, s25, $0xb8;
	[tilespmem:$0x18400] =	vst v63  }
0x162: {  	s24 =	simm.s32 $0x380  }
0x163: {  	[tilespmem:s31], [sflag:$0x6] =	stream.indirect.gather [hbm4b:s1+s25], $0x80, s24, s25, $0xb8;
	[tilespmem:$0x18400] =	vst v63  }
0x164: {  	_ =	swait.ge [sflag:s18], $0x2000  }
0x165: {  	[sflag:s18] =	ssyncset.done $0x0  }
0x166: {  	[sflag:s18] =	ssyncadd.s32 $0xFFFFE000  }
0x167: {  	_ =	swait.ge [sflag:s19], $0x2000  }
0x168: {  	[sflag:s19] =	ssyncset.done $0x0  }
0x169: {  	s5 =	simm.s32 $0x0;
	[sflag:s19] =	ssyncadd.s32 $0xFFFFE000  }
0x16a: {  	v1 =	vld [tilespmem:s5+$0x16470]  }
0x16b: {  	v2 =	vld [tilespmem:s5+$0x14400]  }
0x16c: {  	v0 =	vld [tilespmem:s5+$0x6470]  }
0x16d: {  	v3 =	vld [tilespmem:s5+$0x16400]  }
0x16e: {  	v4 =	vld [tilespmem:s5+$0x14410]  }
0x16f: {  	v5 =	vld [tilespmem:s5+$0x16410]  }
0x170: {  	v6 =	vld [tilespmem:s5+$0x14420]  }
0x171: {  	v7 =	vld [tilespmem:s5+$0x16420]  }
0x172: {  	v9 =	vld [tilespmem:s5+$0x14430]  }
0x173: {  	v10 =	vld [tilespmem:s5+$0x16430]  }
0x174: {  	v11 =	vld [tilespmem:s5+$0x16440]  }
0x175: {  	v12 =	vld [tilespmem:s5+$0x14450]  }
0x176: {  	v13 =	vld [tilespmem:s5+$0x16450]  }
0x177: {  	v14 =	vld [tilespmem:s5+$0x14460]  }
0x178: {  	v18 =	vld [tilespmem:s5+$0x16460];
	v1 =	vmul.f32 $1.131370830e+01, v1  }
0x179: {  	v22 =	vld [tilespmem:s5+$0x14470]  }
0x17a: {  	v62 =	vld [tilespmem:s5+$0x6400];
	v17 =	vmul.f32 $1.131370830e+01, v2;
	v19 =	vmul.f32 $1.131370830e+01, v3;
	v1 =	vadd.f32 v1, v0  }
0x17b: {  	v63 =	vld [tilespmem:s5+$0x6410];
	v21 =	vmul.f32 $1.131370830e+01, v4;
	v23 =	vmul.f32 $1.131370830e+01, v5  }
0x17c: {  	v3 =	vmul.f32 $1.131370830e+01, v6;
	v8 =	vmul.f32 $1.131370830e+01, v7;
	[tilespmem:s5+$0x16470] =	vst v1;
	v1 =	vld [tilespmem:s5+$0x14440]  }
0x17d: {  	v16 =	vld [tilespmem:s5+$0x6420];
	v4 =	vmul.f32 $1.131370830e+01, v9;
	v9 =	vmul.f32 $1.131370830e+01, v10  }
0x17e: {  	v15 =	vld [tilespmem:s5+$0x6430];
	v11 =	vmul.f32 $1.131370830e+01, v11;
	v7 =	vmul.f32 $1.131370830e+01, v12  }
0x17f: {  	v10 =	vmul.f32 $1.131370830e+01, v13;
	v2 =	vmul.f32 $1.131370830e+01, v14;
	v14 =	vld [tilespmem:s5+$0x6440];
	v20 =	vadd.f32 v17, v62  }
0x180: {  	v6 =	vmul.f32 $1.131370830e+01, v18;
	v12 =	vld [tilespmem:s5+$0x6450];
	v18 =	vadd.f32 v19, v62;
	v19 =	vadd.f32 v21, v63  }
0x181: {  	s2 =	simm.s32 $0x400;
	s24 =	simm.s32 $0x80;
	v13 =	vld [tilespmem:s5+$0x6460];
	v17 =	vadd.f32 v23, v63;
	v5 =	vmul.f32 $1.131370830e+01, v1;
	v1 =	vmul.f32 $1.131370830e+01, v22  }
.LBB2_8:
0x182: {  	p0 =	sne.s32 s2, $0x7E00;
	v21 =	vld [tilespmem:s24+$0x16470];
	[tilespmem:s5+$0x14400] =	vst v20;
	v3 =	vadd.f32 v3, v16;
	v8 =	vadd.f32 v8, v16  }
0x183: {  	v16 =	vld [tilespmem:s24+$0x14400];
	[tilespmem:s5+$0x16400] =	vst v18;
	v4 =	vadd.f32 v4, v15;
	v9 =	vadd.f32 v9, v15  }
0x184: {  	v15 =	vld [tilespmem:s24+$0x6470];
	[tilespmem:s5+$0x14410] =	vst v19;
	v5 =	vadd.f32 v5, v14;
	v11 =	vadd.f32 v11, v14  }
0x185: {  	v14 =	vld [tilespmem:s24+$0x16400];
	[tilespmem:s5+$0x16410] =	vst v17;
	v7 =	vadd.f32 v7, v12;
	v10 =	vadd.f32 v10, v12  }
0x186: {  	v12 =	vld [tilespmem:s24+$0x14410];
	[tilespmem:s5+$0x14420] =	vst v3;
	v2 =	vadd.f32 v2, v13;
	v6 =	vadd.f32 v6, v13  }
0x187: {  	v1 =	vadd.f32 v1, v0;
	v3 =	vld [tilespmem:s24+$0x16410];
	v13 =	vmul.f32 $1.131370830e+01, v21;
	[tilespmem:s5+$0x16420] =	vst v8  }
0x188: {  	v17 =	vmul.f32 $1.131370830e+01, v16;
	v8 =	vld [tilespmem:s24+$0x14420];
	[tilespmem:s5+$0x14430] =	vst v4  }
0x189: {  	v4 =	vld [tilespmem:s24+$0x16420];
	v13 =	vadd.f32 v13, v15;
	[tilespmem:s5+$0x16430] =	vst v9;
	v0 =	vmov v15  }
0x18a: {  	v18 =	vmul.f32 $1.131370830e+01, v14;
	v9 =	vld [tilespmem:s24+$0x14430];
	[tilespmem:s5+$0x14440] =	vst v5  }
0x18b: {  	v19 =	vmul.f32 $1.131370830e+01, v12;
	v5 =	vld [tilespmem:s24+$0x16430];
	[tilespmem:s24+$0x16470] =	vst v13  }
0x18c: {  	v13 =	vmul.f32 $1.131370830e+01, v3;
	v12 =	vld [tilespmem:s24+$0x14440];
	[tilespmem:s5+$0x16440] =	vst v11  }
0x18d: {  	v3 =	vmul.f32 $1.131370830e+01, v8;
	v11 =	vld [tilespmem:s24+$0x16440];
	[tilespmem:s5+$0x14450] =	vst v7  }
0x18e: {  	v8 =	vmul.f32 $1.131370830e+01, v4;
	v7 =	vld [tilespmem:s24+$0x14450];
	[tilespmem:s5+$0x16450] =	vst v10  }
0x18f: {  	v4 =	vmul.f32 $1.131370830e+01, v9;
	v10 =	vld [tilespmem:s24+$0x16450];
	[tilespmem:s5+$0x14460] =	vst v2  }
0x190: {  	v9 =	vmul.f32 $1.131370830e+01, v5;
	v2 =	vld [tilespmem:s24+$0x14460];
	[tilespmem:s5+$0x16460] =	vst v6  }
0x191: {  	v5 =	vmul.f32 $1.131370830e+01, v12;
	v6 =	vld [tilespmem:s24+$0x16460];
	[tilespmem:s5+$0x14470] =	vst v1;
	s5 =	smov.u32 s24  }
0x192: {  	v11 =	vmul.f32 $1.131370830e+01, v11;
	v1 =	vld [tilespmem:s5+$0x14470]  }
0x193: {  	v12 =	vld [tilespmem:s5+$0x6400];
	v7 =	vmul.f32 $1.131370830e+01, v7  }
0x194: {  	v21 =	vld [tilespmem:s5+$0x6410];
	v10 =	vmul.f32 $1.131370830e+01, v10  }
.Ltmp3:
0x195: {  	v16 =	vld [tilespmem:s5+$0x6420];
	v2 =	vmul.f32 $1.131370830e+01, v2;
	(pc) =	sbr.rel @p0 .LBB2_8-.Ltmp3, $4  }
0x196: {  	v15 =	vld [tilespmem:s5+$0x6430];
	v6 =	vmul.f32 $1.131370830e+01, v6  }
0x197: {  	v14 =	vld [tilespmem:s5+$0x6440];
	v1 =	vmul.f32 $1.131370830e+01, v1  }
0x198: {  	v20 =	vadd.f32 v17, v12;
	v18 =	vadd.f32 v18, v12;
	v12 =	vld [tilespmem:s5+$0x6450]  }
0x199: {  	s24 =	sshra.s32 s2, $0x2;
	s2 =	sadd.s32 $0x200, s2;
	v19 =	vadd.f32 v19, v21;
	v17 =	vadd.f32 v13, v21;
	v13 =	vld [tilespmem:s5+$0x6460]  }
0x19a: {  	v21 =	vld [tilespmem:s24+$0x16470]  }
0x19b: {  	v22 =	vld [tilespmem:s24+$0x14400]  }
0x19c: {  	v23 =	vld [tilespmem:s24+$0x6470];
	[tilespmem:s5+$0x14400] =	vst v20  }
0x19d: {  	v24 =	vld [tilespmem:s24+$0x16400];
	[tilespmem:s5+$0x16400] =	vst v18  }
0x19e: {  	v25 =	vld [tilespmem:s24+$0x14410];
	v3 =	vadd.f32 v3, v16;
	[tilespmem:s5+$0x14410] =	vst v19  }
0x19f: {  	v26 =	vld [tilespmem:s24+$0x16410];
	v8 =	vadd.f32 v8, v16;
	[tilespmem:s5+$0x16410] =	vst v17  }
0x1a0: {  	v27 =	vld [tilespmem:s24+$0x14420];
	v0 =	vadd.f32 v1, v0;
	[tilespmem:s5+$0x14420] =	vst v3  }
0x1a1: {  	v28 =	vld [tilespmem:s24+$0x16420];
	v4 =	vadd.f32 v4, v15;
	[tilespmem:s5+$0x16420] =	vst v8  }
0x1a2: {  	v29 =	vld [tilespmem:s24+$0x14430];
	v9 =	vadd.f32 v9, v15;
	[tilespmem:s5+$0x14470] =	vst v0  }
0x1a3: {  	v20 =	vld [tilespmem:s24+$0x16430];
	v5 =	vadd.f32 v5, v14;
	[tilespmem:s5+$0x14430] =	vst v4  }
0x1a4: {  	v18 =	vld [tilespmem:s24+$0x14440];
	v11 =	vadd.f32 v11, v14;
	[tilespmem:s5+$0x16430] =	vst v9  }
0x1a5: {  	v7 =	vadd.f32 v7, v12;
	[tilespmem:s5+$0x14440] =	vst v5;
	v5 =	vld [tilespmem:s24+$0x6400]  }
0x1a6: {  	v16 =	vld [tilespmem:s24+$0x14450];
	v10 =	vadd.f32 v10, v12;
	[tilespmem:s5+$0x16440] =	vst v11  }
0x1a7: {  	v11 =	vld [tilespmem:s24+$0x6410];
	v2 =	vadd.f32 v2, v13;
	v21 =	vmul.f32 $1.131370830e+01, v21;
	[tilespmem:s5+$0x14450] =	vst v7  }
0x1a8: {  	v19 =	vld [tilespmem:s24+$0x16440];
	v6 =	vadd.f32 v6, v13;
	v12 =	vmul.f32 $1.131370830e+01, v22;
	[tilespmem:s5+$0x16450] =	vst v10  }
0x1a9: {  	v7 =	vld [tilespmem:s24+$0x6420];
	v1 =	vmul.f32 $1.131370830e+01, v24;
	[tilespmem:s5+$0x14460] =	vst v2;
	v21 =	vadd.f32 v21, v23  }
0x1aa: {  	v3 =	vld [tilespmem:s24+$0x16450];
	v13 =	vmul.f32 $1.131370830e+01, v25;
	[tilespmem:s5+$0x16460] =	vst v6;
	v6 =	vadd.f32 v12, v5  }
0x1ab: {  	v10 =	vld [tilespmem:s24+$0x6430];
	v0 =	vmul.f32 $1.131370830e+01, v26;
	[tilespmem:s24+$0x16470] =	vst v21;
	v1 =	vadd.f32 v1, v5  }
0x1ac: {  	v8 =	vld [tilespmem:s24+$0x14460];
	v14 =	vmul.f32 $1.131370830e+01, v27;
	v13 =	vadd.f32 v13, v11;
	[tilespmem:s24+$0x14400] =	vst v6  }
0x1ad: {  	v2 =	vld [tilespmem:s24+$0x6440];
	v0 =	vadd.f32 v0, v11;
	v6 =	vmul.f32 $1.131370830e+01, v28;
	[tilespmem:s24+$0x16400] =	vst v1  }
0x1ae: {  	v4 =	vld [tilespmem:s24+$0x16460];
	v11 =	vadd.f32 v14, v7;
	v1 =	vmul.f32 $1.131370830e+01, v29;
	[tilespmem:s24+$0x14410] =	vst v13  }
0x1af: {  	v12 =	vld [tilespmem:s24+$0x6450];
	v13 =	vmul.f32 $1.131370830e+01, v20;
	[tilespmem:s24+$0x16410] =	vst v0;
	v6 =	vadd.f32 v6, v7  }
0x1b0: {  	v9 =	vld [tilespmem:s24+$0x14470];
	v0 =	vmul.f32 $1.131370830e+01, v18;
	[tilespmem:s24+$0x14420] =	vst v11;
	v1 =	vadd.f32 v1, v10  }
0x1b1: {  	v5 =	vld [tilespmem:s24+$0x6460];
	v7 =	vmul.f32 $1.131370830e+01, v19;
	v10 =	vadd.f32 v13, v10;
	[tilespmem:s24+$0x16420] =	vst v6  }
0x1b2: {  	v0 =	vadd.f32 v0, v2;
	v6 =	vmul.f32 $1.131370830e+01, v16;
	[tilespmem:s24+$0x14430] =	vst v1  }
0x1b3: {  	v1 =	vmul.f32 $1.131370830e+01, v3;
	v2 =	vadd.f32 v7, v2;
	[tilespmem:s24+$0x16430] =	vst v10  }
0x1b4: {  	v3 =	vmul.f32 $1.131370830e+01, v8;
	[tilespmem:s24+$0x14440] =	vst v0;
	v6 =	vadd.f32 v6, v12  }
0x1b5: {  	v0 =	vmul.f32 $1.131370830e+01, v4;
	v1 =	vadd.f32 v1, v12;
	[tilespmem:s24+$0x16440] =	vst v2  }
0x1b6: {  	v2 =	vmul.f32 $1.131370830e+01, v9;
	v3 =	vadd.f32 v3, v5;
	[tilespmem:s24+$0x14450] =	vst v6  }
0x1b7: {  	v0 =	vadd.f32 v0, v5;
	[tilespmem:s24+$0x16450] =	vst v1  }
0x1b8: {  	v1 =	vadd.f32 v2, v23;
	[tilespmem:s24+$0x14460] =	vst v3  }
0x1b9: {  	[tilespmem:s24+$0x16460] =	vst v0  }
0x1ba: {  	[tilespmem:s24+$0x14470] =	vst v1  }
0x1bb: {  	s2 =	simm.s32 $0x0;
	s5 =	rddreg [dreg:$0xd]  }
0x1bc: {  	[hbm4b:s5+s2] =	stream.linear.scatter [tilespmem:s28], [sflag:$0xF], $0x2000, $0x38;
	[tilespmem:$0x18400] =	vst v63  }
0x1bd: {  	s24 =	rddreg [dreg:$0xe]  }
0x1be: {  	[hbm4b:s24+s2] =	stream.linear.scatter [tilespmem:s4], [sflag:$0x10], $0x2000, $0x38;
	[tilespmem:$0x18400] =	vst v63  }
0x1bf: {  	_ =	swait.ge [sflag:s20], $0x2000  }
0x1c0: {  	[sflag:s20] =	ssyncset.done $0x0  }
0x1c1: {  	[sflag:s20] =	ssyncadd.s32 $0xFFFFE000  }
0x1c2: {  	_ =	swait.ge [sflag:s21], $0x2000  }
0x1c3: {  	[sflag:s21] =	ssyncset.done $0x0  }
0x1c4: {  	s5 =	simm.s32 $0x340;
	[sflag:s21] =	ssyncadd.s32 $0xFFFFE000  }
0x1c5: {  	[tilespmem:s28], [sflag:$0x7] =	stream.indirect.gather [hbm4b:s1+s25], $0x80, s5, s25, $0xb8;
	[tilespmem:$0x18400] =	vst v63  }
0x1c6: {  	s24 =	simm.s32 $0x3C0  }
0x1c7: {  	[tilespmem:s4], [sflag:$0x8] =	stream.indirect.gather [hbm4b:s1+s25], $0x80, s24, s25, $0xb8;
	[tilespmem:$0x18400] =	vst v63  }
0x1c8: {  	_ =	swait.ge [sflag:s6], $0x2000  }
0x1c9: {  	[sflag:s6] =	ssyncset.done $0x0  }
0x1ca: {  	[sflag:s6] =	ssyncadd.s32 $0xFFFFE000  }
0x1cb: {  	_ =	swait.ge [sflag:s7], $0x2000  }
0x1cc: {  	[sflag:s7] =	ssyncset.done $0x0  }
0x1cd: {  	s5 =	simm.s32 $0x0;
	[sflag:s7] =	ssyncadd.s32 $0xFFFFE000  }
0x1ce: {  	v1 =	vld [tilespmem:s5+$0xA470]  }
0x1cf: {  	v2 =	vld [tilespmem:s5+$0x8400]  }
0x1d0: {  	v0 =	vld [tilespmem:s5+$0x470]  }
0x1d1: {  	v3 =	vld [tilespmem:s5+$0xA400]  }
0x1d2: {  	v4 =	vld [tilespmem:s5+$0x8410]  }
0x1d3: {  	v5 =	vld [tilespmem:s5+$0xA410]  }
0x1d4: {  	v6 =	vld [tilespmem:s5+$0x8420]  }
0x1d5: {  	v7 =	vld [tilespmem:s5+$0xA420]  }
0x1d6: {  	v9 =	vld [tilespmem:s5+$0x8430]  }
0x1d7: {  	v10 =	vld [tilespmem:s5+$0xA430]  }
0x1d8: {  	v11 =	vld [tilespmem:s5+$0xA440]  }
0x1d9: {  	v12 =	vld [tilespmem:s5+$0x8450]  }
0x1da: {  	v13 =	vld [tilespmem:s5+$0xA450]  }
0x1db: {  	v14 =	vld [tilespmem:s5+$0x8460]  }
0x1dc: {  	v18 =	vld [tilespmem:s5+$0xA460];
	v1 =	vmul.f32 $1.131370830e+01, v1  }
0x1dd: {  	v22 =	vld [tilespmem:s5+$0x8470]  }
0x1de: {  	v62 =	vld [tilespmem:s5+$0x400];
	v17 =	vmul.f32 $1.131370830e+01, v2;
	v19 =	vmul.f32 $1.131370830e+01, v3;
	v1 =	vadd.f32 v1, v0  }
0x1df: {  	v63 =	vld [tilespmem:s5+$0x410];
	v21 =	vmul.f32 $1.131370830e+01, v4;
	v23 =	vmul.f32 $1.131370830e+01, v5  }
0x1e0: {  	v3 =	vmul.f32 $1.131370830e+01, v6;
	v8 =	vmul.f32 $1.131370830e+01, v7;
	[tilespmem:s5+$0xA470] =	vst v1;
	v1 =	vld [tilespmem:s5+$0x8440]  }
0x1e1: {  	v16 =	vld [tilespmem:s5+$0x420];
	v4 =	vmul.f32 $1.131370830e+01, v9;
	v9 =	vmul.f32 $1.131370830e+01, v10  }
0x1e2: {  	v15 =	vld [tilespmem:s5+$0x430];
	v11 =	vmul.f32 $1.131370830e+01, v11;
	v7 =	vmul.f32 $1.131370830e+01, v12  }
0x1e3: {  	v10 =	vmul.f32 $1.131370830e+01, v13;
	v2 =	vmul.f32 $1.131370830e+01, v14;
	v14 =	vld [tilespmem:s5+$0x440];
	v20 =	vadd.f32 v17, v62  }
0x1e4: {  	v6 =	vmul.f32 $1.131370830e+01, v18;
	v12 =	vld [tilespmem:s5+$0x450];
	v18 =	vadd.f32 v19, v62;
	v19 =	vadd.f32 v21, v63  }
0x1e5: {  	s2 =	simm.s32 $0x400;
	s24 =	simm.s32 $0x80;
	v13 =	vld [tilespmem:s5+$0x460];
	v17 =	vadd.f32 v23, v63;
	v5 =	vmul.f32 $1.131370830e+01, v1;
	v1 =	vmul.f32 $1.131370830e+01, v22  }
.LBB2_10:
0x1e6: {  	p0 =	sne.s32 s2, $0x7E00;
	v21 =	vld [tilespmem:s24+$0xA470];
	[tilespmem:s5+$0x8400] =	vst v20;
	v3 =	vadd.f32 v3, v16;
	v8 =	vadd.f32 v8, v16  }
0x1e7: {  	v16 =	vld [tilespmem:s24+$0x8400];
	[tilespmem:s5+$0xA400] =	vst v18;
	v4 =	vadd.f32 v4, v15;
	v9 =	vadd.f32 v9, v15  }
0x1e8: {  	v15 =	vld [tilespmem:s24+$0x470];
	[tilespmem:s5+$0x8410] =	vst v19;
	v5 =	vadd.f32 v5, v14;
	v11 =	vadd.f32 v11, v14  }
0x1e9: {  	v14 =	vld [tilespmem:s24+$0xA400];
	[tilespmem:s5+$0xA410] =	vst v17;
	v7 =	vadd.f32 v7, v12;
	v10 =	vadd.f32 v10, v12  }
0x1ea: {  	v12 =	vld [tilespmem:s24+$0x8410];
	[tilespmem:s5+$0x8420] =	vst v3;
	v2 =	vadd.f32 v2, v13;
	v6 =	vadd.f32 v6, v13  }
0x1eb: {  	v1 =	vadd.f32 v1, v0;
	v3 =	vld [tilespmem:s24+$0xA410];
	v13 =	vmul.f32 $1.131370830e+01, v21;
	[tilespmem:s5+$0xA420] =	vst v8  }
0x1ec: {  	v17 =	vmul.f32 $1.131370830e+01, v16;
	v8 =	vld [tilespmem:s24+$0x8420];
	[tilespmem:s5+$0x8430] =	vst v4  }
0x1ed: {  	v4 =	vld [tilespmem:s24+$0xA420];
	v13 =	vadd.f32 v13, v15;
	[tilespmem:s5+$0xA430] =	vst v9;
	v0 =	vmov v15  }
0x1ee: {  	v18 =	vmul.f32 $1.131370830e+01, v14;
	v9 =	vld [tilespmem:s24+$0x8430];
	[tilespmem:s5+$0x8440] =	vst v5  }
0x1ef: {  	v19 =	vmul.f32 $1.131370830e+01, v12;
	v5 =	vld [tilespmem:s24+$0xA430];
	[tilespmem:s24+$0xA470] =	vst v13  }
0x1f0: {  	v13 =	vmul.f32 $1.131370830e+01, v3;
	v12 =	vld [tilespmem:s24+$0x8440];
	[tilespmem:s5+$0xA440] =	vst v11  }
0x1f1: {  	v3 =	vmul.f32 $1.131370830e+01, v8;
	v11 =	vld [tilespmem:s24+$0xA440];
	[tilespmem:s5+$0x8450] =	vst v7  }
0x1f2: {  	v8 =	vmul.f32 $1.131370830e+01, v4;
	v7 =	vld [tilespmem:s24+$0x8450];
	[tilespmem:s5+$0xA450] =	vst v10  }
0x1f3: {  	v4 =	vmul.f32 $1.131370830e+01, v9;
	v10 =	vld [tilespmem:s24+$0xA450];
	[tilespmem:s5+$0x8460] =	vst v2  }
0x1f4: {  	v9 =	vmul.f32 $1.131370830e+01, v5;
	v2 =	vld [tilespmem:s24+$0x8460];
	[tilespmem:s5+$0xA460] =	vst v6  }
0x1f5: {  	v5 =	vmul.f32 $1.131370830e+01, v12;
	v6 =	vld [tilespmem:s24+$0xA460];
	[tilespmem:s5+$0x8470] =	vst v1;
	s5 =	smov.u32 s24  }
0x1f6: {  	v11 =	vmul.f32 $1.131370830e+01, v11;
	v1 =	vld [tilespmem:s5+$0x8470]  }
0x1f7: {  	v12 =	vld [tilespmem:s5+$0x400];
	v7 =	vmul.f32 $1.131370830e+01, v7  }
0x1f8: {  	v21 =	vld [tilespmem:s5+$0x410];
	v10 =	vmul.f32 $1.131370830e+01, v10  }
.Ltmp4:
0x1f9: {  	v16 =	vld [tilespmem:s5+$0x420];
	v2 =	vmul.f32 $1.131370830e+01, v2;
	(pc) =	sbr.rel @p0 .LBB2_10-.Ltmp4, $4  }
0x1fa: {  	v15 =	vld [tilespmem:s5+$0x430];
	v6 =	vmul.f32 $1.131370830e+01, v6  }
0x1fb: {  	v14 =	vld [tilespmem:s5+$0x440];
	v1 =	vmul.f32 $1.131370830e+01, v1  }
0x1fc: {  	v20 =	vadd.f32 v17, v12;
	v18 =	vadd.f32 v18, v12;
	v12 =	vld [tilespmem:s5+$0x450]  }
0x1fd: {  	s24 =	sshra.s32 s2, $0x2;
	s2 =	sadd.s32 $0x200, s2;
	v19 =	vadd.f32 v19, v21;
	v17 =	vadd.f32 v13, v21;
	v13 =	vld [tilespmem:s5+$0x460]  }
0x1fe: {  	v21 =	vld [tilespmem:s24+$0xA470]  }
0x1ff: {  	v22 =	vld [tilespmem:s24+$0x8400]  }
0x200: {  	v23 =	vld [tilespmem:s24+$0x470];
	[tilespmem:s5+$0x8400] =	vst v20  }
0x201: {  	v24 =	vld [tilespmem:s24+$0xA400];
	[tilespmem:s5+$0xA400] =	vst v18  }
0x202: {  	v25 =	vld [tilespmem:s24+$0x8410];
	v3 =	vadd.f32 v3, v16;
	[tilespmem:s5+$0x8410] =	vst v19  }
0x203: {  	v26 =	vld [tilespmem:s24+$0xA410];
	v8 =	vadd.f32 v8, v16;
	[tilespmem:s5+$0xA410] =	vst v17  }
0x204: {  	v27 =	vld [tilespmem:s24+$0x8420];
	v0 =	vadd.f32 v1, v0;
	[tilespmem:s5+$0x8420] =	vst v3  }
0x205: {  	v28 =	vld [tilespmem:s24+$0xA420];
	v4 =	vadd.f32 v4, v15;
	[tilespmem:s5+$0xA420] =	vst v8  }
0x206: {  	v29 =	vld [tilespmem:s24+$0x8430];
	v9 =	vadd.f32 v9, v15;
	[tilespmem:s5+$0x8470] =	vst v0  }
0x207: {  	v20 =	vld [tilespmem:s24+$0xA430];
	v5 =	vadd.f32 v5, v14;
	[tilespmem:s5+$0x8430] =	vst v4  }
0x208: {  	v18 =	vld [tilespmem:s24+$0x8440];
	v11 =	vadd.f32 v11, v14;
	[tilespmem:s5+$0xA430] =	vst v9  }
0x209: {  	v7 =	vadd.f32 v7, v12;
	[tilespmem:s5+$0x8440] =	vst v5;
	v5 =	vld [tilespmem:s24+$0x400]  }
0x20a: {  	v16 =	vld [tilespmem:s24+$0x8450];
	v10 =	vadd.f32 v10, v12;
	[tilespmem:s5+$0xA440] =	vst v11  }
0x20b: {  	v11 =	vld [tilespmem:s24+$0x410];
	v2 =	vadd.f32 v2, v13;
	v21 =	vmul.f32 $1.131370830e+01, v21;
	[tilespmem:s5+$0x8450] =	vst v7  }
0x20c: {  	v19 =	vld [tilespmem:s24+$0xA440];
	v6 =	vadd.f32 v6, v13;
	v12 =	vmul.f32 $1.131370830e+01, v22;
	[tilespmem:s5+$0xA450] =	vst v10  }
0x20d: {  	v7 =	vld [tilespmem:s24+$0x420];
	v1 =	vmul.f32 $1.131370830e+01, v24;
	[tilespmem:s5+$0x8460] =	vst v2;
	v21 =	vadd.f32 v21, v23  }
0x20e: {  	v3 =	vld [tilespmem:s24+$0xA450];
	v13 =	vmul.f32 $1.131370830e+01, v25;
	[tilespmem:s5+$0xA460] =	vst v6;
	v6 =	vadd.f32 v12, v5  }
0x20f: {  	v10 =	vld [tilespmem:s24+$0x430];
	v0 =	vmul.f32 $1.131370830e+01, v26;
	[tilespmem:s24+$0xA470] =	vst v21;
	v1 =	vadd.f32 v1, v5  }
0x210: {  	v8 =	vld [tilespmem:s24+$0x8460];
	v14 =	vmul.f32 $1.131370830e+01, v27;
	v13 =	vadd.f32 v13, v11;
	[tilespmem:s24+$0x8400] =	vst v6  }
0x211: {  	v2 =	vld [tilespmem:s24+$0x440];
	v0 =	vadd.f32 v0, v11;
	v6 =	vmul.f32 $1.131370830e+01, v28;
	[tilespmem:s24+$0xA400] =	vst v1  }
0x212: {  	v4 =	vld [tilespmem:s24+$0xA460];
	v11 =	vadd.f32 v14, v7;
	v1 =	vmul.f32 $1.131370830e+01, v29;
	[tilespmem:s24+$0x8410] =	vst v13  }
0x213: {  	v12 =	vld [tilespmem:s24+$0x450];
	v13 =	vmul.f32 $1.131370830e+01, v20;
	[tilespmem:s24+$0xA410] =	vst v0;
	v6 =	vadd.f32 v6, v7  }
0x214: {  	v9 =	vld [tilespmem:s24+$0x8470];
	v0 =	vmul.f32 $1.131370830e+01, v18;
	[tilespmem:s24+$0x8420] =	vst v11;
	v1 =	vadd.f32 v1, v10  }
0x215: {  	v5 =	vld [tilespmem:s24+$0x460];
	v7 =	vmul.f32 $1.131370830e+01, v19;
	v10 =	vadd.f32 v13, v10;
	[tilespmem:s24+$0xA420] =	vst v6  }
0x216: {  	v0 =	vadd.f32 v0, v2;
	v6 =	vmul.f32 $1.131370830e+01, v16;
	[tilespmem:s24+$0x8430] =	vst v1  }
0x217: {  	v1 =	vmul.f32 $1.131370830e+01, v3;
	v2 =	vadd.f32 v7, v2;
	[tilespmem:s24+$0xA430] =	vst v10  }
0x218: {  	v3 =	vmul.f32 $1.131370830e+01, v8;
	[tilespmem:s24+$0x8440] =	vst v0;
	v6 =	vadd.f32 v6, v12  }
0x219: {  	v0 =	vmul.f32 $1.131370830e+01, v4;
	v1 =	vadd.f32 v1, v12;
	[tilespmem:s24+$0xA440] =	vst v2  }
0x21a: {  	v2 =	vmul.f32 $1.131370830e+01, v9;
	v3 =	vadd.f32 v3, v5;
	[tilespmem:s24+$0x8450] =	vst v6  }
0x21b: {  	v0 =	vadd.f32 v0, v5;
	[tilespmem:s24+$0xA450] =	vst v1  }
0x21c: {  	v1 =	vadd.f32 v2, v23;
	[tilespmem:s24+$0x8460] =	vst v3  }
0x21d: {  	[tilespmem:s24+$0xA460] =	vst v0  }
0x21e: {  	[tilespmem:s24+$0x8470] =	vst v1  }
0x21f: {  	s2 =	simm.s32 $0x0;
	s5 =	rddreg [dreg:$0xf]  }
0x220: {  	[hbm4b:s5+s2] =	stream.linear.scatter [tilespmem:s26], [sflag:$0x9], $0x2000, $0x38;
	[tilespmem:$0x18400] =	vst v63  }
0x221: {  	s24 =	rddreg [dreg:$0x10]  }
0x222: {  	[hbm4b:s24+s2] =	stream.linear.scatter [tilespmem:s29], [sflag:$0xA], $0x2000, $0x38;
	[tilespmem:$0x18400] =	vst v63  }
0x223: {  	_ =	swait.ge [sflag:s10], $0x2000  }
0x224: {  	[sflag:s10] =	ssyncset.done $0x0  }
0x225: {  	[sflag:s10] =	ssyncadd.s32 $0xFFFFE000  }
0x226: {  	_ =	swait.ge [sflag:s11], $0x2000  }
0x227: {  	[sflag:s11] =	ssyncset.done $0x0  }
0x228: {  	s5 =	simm.s32 $0x0;
	[sflag:s11] =	ssyncadd.s32 $0xFFFFE000  }
0x229: {  	v1 =	vld [tilespmem:s5+$0xE470]  }
0x22a: {  	v2 =	vld [tilespmem:s5+$0xC400]  }
0x22b: {  	v0 =	vld [tilespmem:s5+$0x2470]  }
0x22c: {  	v3 =	vld [tilespmem:s5+$0xE400]  }
0x22d: {  	v4 =	vld [tilespmem:s5+$0xC410]  }
0x22e: {  	v5 =	vld [tilespmem:s5+$0xE410]  }
0x22f: {  	v6 =	vld [tilespmem:s5+$0xC420]  }
0x230: {  	v7 =	vld [tilespmem:s5+$0xE420]  }
0x231: {  	v9 =	vld [tilespmem:s5+$0xC430]  }
0x232: {  	v10 =	vld [tilespmem:s5+$0xE430]  }
0x233: {  	v11 =	vld [tilespmem:s5+$0xE440]  }
0x234: {  	v12 =	vld [tilespmem:s5+$0xC450]  }
0x235: {  	v13 =	vld [tilespmem:s5+$0xE450]  }
0x236: {  	v14 =	vld [tilespmem:s5+$0xC460]  }
0x237: {  	v18 =	vld [tilespmem:s5+$0xE460];
	v1 =	vmul.f32 $1.131370830e+01, v1  }
0x238: {  	v22 =	vld [tilespmem:s5+$0xC470]  }
0x239: {  	v62 =	vld [tilespmem:s5+$0x2400];
	v17 =	vmul.f32 $1.131370830e+01, v2;
	v19 =	vmul.f32 $1.131370830e+01, v3;
	v1 =	vadd.f32 v1, v0  }
0x23a: {  	v63 =	vld [tilespmem:s5+$0x2410];
	v21 =	vmul.f32 $1.131370830e+01, v4;
	v23 =	vmul.f32 $1.131370830e+01, v5  }
0x23b: {  	v3 =	vmul.f32 $1.131370830e+01, v6;
	v8 =	vmul.f32 $1.131370830e+01, v7;
	[tilespmem:s5+$0xE470] =	vst v1;
	v1 =	vld [tilespmem:s5+$0xC440]  }
0x23c: {  	v16 =	vld [tilespmem:s5+$0x2420];
	v4 =	vmul.f32 $1.131370830e+01, v9;
	v9 =	vmul.f32 $1.131370830e+01, v10  }
0x23d: {  	v15 =	vld [tilespmem:s5+$0x2430];
	v11 =	vmul.f32 $1.131370830e+01, v11;
	v7 =	vmul.f32 $1.131370830e+01, v12  }
0x23e: {  	v10 =	vmul.f32 $1.131370830e+01, v13;
	v2 =	vmul.f32 $1.131370830e+01, v14;
	v14 =	vld [tilespmem:s5+$0x2440];
	v20 =	vadd.f32 v17, v62  }
0x23f: {  	v6 =	vmul.f32 $1.131370830e+01, v18;
	v12 =	vld [tilespmem:s5+$0x2450];
	v18 =	vadd.f32 v19, v62;
	v19 =	vadd.f32 v21, v63  }
0x240: {  	s24 =	simm.s32 $0x80;
	s2 =	simm.s32 $0x400;
	v13 =	vld [tilespmem:s5+$0x2460];
	v17 =	vadd.f32 v23, v63;
	v5 =	vmul.f32 $1.131370830e+01, v1;
	v1 =	vmul.f32 $1.131370830e+01, v22  }
.LBB2_12:
0x241: {  	p0 =	sne.s32 s2, $0x7E00;
	v21 =	vld [tilespmem:s24+$0xE470];
	[tilespmem:s5+$0xC400] =	vst v20;
	v3 =	vadd.f32 v3, v16;
	v8 =	vadd.f32 v8, v16  }
0x242: {  	v16 =	vld [tilespmem:s24+$0xC400];
	[tilespmem:s5+$0xE400] =	vst v18;
	v4 =	vadd.f32 v4, v15;
	v9 =	vadd.f32 v9, v15  }
0x243: {  	v15 =	vld [tilespmem:s24+$0x2470];
	[tilespmem:s5+$0xC410] =	vst v19;
	v5 =	vadd.f32 v5, v14;
	v11 =	vadd.f32 v11, v14  }
0x244: {  	v14 =	vld [tilespmem:s24+$0xE400];
	[tilespmem:s5+$0xE410] =	vst v17;
	v7 =	vadd.f32 v7, v12;
	v10 =	vadd.f32 v10, v12  }
0x245: {  	v12 =	vld [tilespmem:s24+$0xC410];
	[tilespmem:s5+$0xC420] =	vst v3;
	v2 =	vadd.f32 v2, v13;
	v6 =	vadd.f32 v6, v13  }
0x246: {  	v1 =	vadd.f32 v1, v0;
	v3 =	vld [tilespmem:s24+$0xE410];
	v13 =	vmul.f32 $1.131370830e+01, v21;
	[tilespmem:s5+$0xE420] =	vst v8  }
0x247: {  	v17 =	vmul.f32 $1.131370830e+01, v16;
	v8 =	vld [tilespmem:s24+$0xC420];
	[tilespmem:s5+$0xC430] =	vst v4  }
0x248: {  	v4 =	vld [tilespmem:s24+$0xE420];
	v13 =	vadd.f32 v13, v15;
	[tilespmem:s5+$0xE430] =	vst v9;
	v0 =	vmov v15  }
0x249: {  	v18 =	vmul.f32 $1.131370830e+01, v14;
	v9 =	vld [tilespmem:s24+$0xC430];
	[tilespmem:s5+$0xC440] =	vst v5  }
0x24a: {  	v19 =	vmul.f32 $1.131370830e+01, v12;
	v5 =	vld [tilespmem:s24+$0xE430];
	[tilespmem:s24+$0xE470] =	vst v13  }
0x24b: {  	v13 =	vmul.f32 $1.131370830e+01, v3;
	v12 =	vld [tilespmem:s24+$0xC440];
	[tilespmem:s5+$0xE440] =	vst v11  }
0x24c: {  	v3 =	vmul.f32 $1.131370830e+01, v8;
	v11 =	vld [tilespmem:s24+$0xE440];
	[tilespmem:s5+$0xC450] =	vst v7  }
0x24d: {  	v8 =	vmul.f32 $1.131370830e+01, v4;
	v7 =	vld [tilespmem:s24+$0xC450];
	[tilespmem:s5+$0xE450] =	vst v10  }
0x24e: {  	v4 =	vmul.f32 $1.131370830e+01, v9;
	v10 =	vld [tilespmem:s24+$0xE450];
	[tilespmem:s5+$0xC460] =	vst v2  }
0x24f: {  	v9 =	vmul.f32 $1.131370830e+01, v5;
	v2 =	vld [tilespmem:s24+$0xC460];
	[tilespmem:s5+$0xE460] =	vst v6  }
0x250: {  	v5 =	vmul.f32 $1.131370830e+01, v12;
	v6 =	vld [tilespmem:s24+$0xE460];
	[tilespmem:s5+$0xC470] =	vst v1;
	s5 =	smov.u32 s24  }
0x251: {  	v11 =	vmul.f32 $1.131370830e+01, v11;
	v1 =	vld [tilespmem:s5+$0xC470]  }
0x252: {  	v12 =	vld [tilespmem:s5+$0x2400];
	v7 =	vmul.f32 $1.131370830e+01, v7  }
0x253: {  	v21 =	vld [tilespmem:s5+$0x2410];
	v10 =	vmul.f32 $1.131370830e+01, v10  }
.Ltmp5:
0x254: {  	v16 =	vld [tilespmem:s5+$0x2420];
	v2 =	vmul.f32 $1.131370830e+01, v2;
	(pc) =	sbr.rel @p0 .LBB2_12-.Ltmp5, $4  }
0x255: {  	v15 =	vld [tilespmem:s5+$0x2430];
	v6 =	vmul.f32 $1.131370830e+01, v6  }
0x256: {  	v14 =	vld [tilespmem:s5+$0x2440];
	v1 =	vmul.f32 $1.131370830e+01, v1  }
0x257: {  	v20 =	vadd.f32 v17, v12;
	v18 =	vadd.f32 v18, v12;
	v12 =	vld [tilespmem:s5+$0x2450]  }
0x258: {  	s24 =	sshra.s32 s2, $0x2;
	s2 =	sadd.s32 $0x200, s2;
	v19 =	vadd.f32 v19, v21;
	v17 =	vadd.f32 v13, v21;
	v13 =	vld [tilespmem:s5+$0x2460]  }
0x259: {  	v21 =	vld [tilespmem:s24+$0xE470]  }
0x25a: {  	v22 =	vld [tilespmem:s24+$0xC400]  }
0x25b: {  	v23 =	vld [tilespmem:s24+$0x2470];
	[tilespmem:s5+$0xC400] =	vst v20  }
0x25c: {  	v24 =	vld [tilespmem:s24+$0xE400];
	[tilespmem:s5+$0xE400] =	vst v18  }
0x25d: {  	v25 =	vld [tilespmem:s24+$0xC410];
	v3 =	vadd.f32 v3, v16;
	[tilespmem:s5+$0xC410] =	vst v19  }
0x25e: {  	v26 =	vld [tilespmem:s24+$0xE410];
	v8 =	vadd.f32 v8, v16;
	[tilespmem:s5+$0xE410] =	vst v17  }
0x25f: {  	v27 =	vld [tilespmem:s24+$0xC420];
	v0 =	vadd.f32 v1, v0;
	[tilespmem:s5+$0xC420] =	vst v3  }
0x260: {  	v28 =	vld [tilespmem:s24+$0xE420];
	v4 =	vadd.f32 v4, v15;
	[tilespmem:s5+$0xE420] =	vst v8  }
0x261: {  	v29 =	vld [tilespmem:s24+$0xC430];
	v9 =	vadd.f32 v9, v15;
	[tilespmem:s5+$0xC470] =	vst v0  }
0x262: {  	v20 =	vld [tilespmem:s24+$0xE430];
	v5 =	vadd.f32 v5, v14;
	[tilespmem:s5+$0xC430] =	vst v4  }
0x263: {  	v18 =	vld [tilespmem:s24+$0xC440];
	v11 =	vadd.f32 v11, v14;
	[tilespmem:s5+$0xE430] =	vst v9  }
0x264: {  	v7 =	vadd.f32 v7, v12;
	[tilespmem:s5+$0xC440] =	vst v5;
	v5 =	vld [tilespmem:s24+$0x2400]  }
0x265: {  	v16 =	vld [tilespmem:s24+$0xC450];
	v10 =	vadd.f32 v10, v12;
	[tilespmem:s5+$0xE440] =	vst v11  }
0x266: {  	v11 =	vld [tilespmem:s24+$0x2410];
	v2 =	vadd.f32 v2, v13;
	v21 =	vmul.f32 $1.131370830e+01, v21;
	[tilespmem:s5+$0xC450] =	vst v7  }
0x267: {  	v19 =	vld [tilespmem:s24+$0xE440];
	v6 =	vadd.f32 v6, v13;
	v12 =	vmul.f32 $1.131370830e+01, v22;
	[tilespmem:s5+$0xE450] =	vst v10  }
0x268: {  	v7 =	vld [tilespmem:s24+$0x2420];
	v1 =	vmul.f32 $1.131370830e+01, v24;
	[tilespmem:s5+$0xC460] =	vst v2;
	v21 =	vadd.f32 v21, v23  }
0x269: {  	v3 =	vld [tilespmem:s24+$0xE450];
	v13 =	vmul.f32 $1.131370830e+01, v25;
	[tilespmem:s5+$0xE460] =	vst v6;
	v6 =	vadd.f32 v12, v5  }
0x26a: {  	v10 =	vld [tilespmem:s24+$0x2430];
	v0 =	vmul.f32 $1.131370830e+01, v26;
	[tilespmem:s24+$0xE470] =	vst v21;
	v1 =	vadd.f32 v1, v5  }
0x26b: {  	v8 =	vld [tilespmem:s24+$0xC460];
	v14 =	vmul.f32 $1.131370830e+01, v27;
	v13 =	vadd.f32 v13, v11;
	[tilespmem:s24+$0xC400] =	vst v6  }
0x26c: {  	v2 =	vld [tilespmem:s24+$0x2440];
	v0 =	vadd.f32 v0, v11;
	v6 =	vmul.f32 $1.131370830e+01, v28;
	[tilespmem:s24+$0xE400] =	vst v1  }
0x26d: {  	v4 =	vld [tilespmem:s24+$0xE460];
	v11 =	vadd.f32 v14, v7;
	v1 =	vmul.f32 $1.131370830e+01, v29;
	[tilespmem:s24+$0xC410] =	vst v13  }
0x26e: {  	v12 =	vld [tilespmem:s24+$0x2450];
	v13 =	vmul.f32 $1.131370830e+01, v20;
	[tilespmem:s24+$0xE410] =	vst v0;
	v6 =	vadd.f32 v6, v7  }
0x26f: {  	v9 =	vld [tilespmem:s24+$0xC470];
	v0 =	vmul.f32 $1.131370830e+01, v18;
	[tilespmem:s24+$0xC420] =	vst v11;
	v1 =	vadd.f32 v1, v10  }
0x270: {  	v5 =	vld [tilespmem:s24+$0x2460];
	v7 =	vmul.f32 $1.131370830e+01, v19;
	v10 =	vadd.f32 v13, v10;
	[tilespmem:s24+$0xE420] =	vst v6  }
0x271: {  	v0 =	vadd.f32 v0, v2;
	v6 =	vmul.f32 $1.131370830e+01, v16;
	[tilespmem:s24+$0xC430] =	vst v1  }
0x272: {  	v1 =	vmul.f32 $1.131370830e+01, v3;
	v2 =	vadd.f32 v7, v2;
	[tilespmem:s24+$0xE430] =	vst v10  }
0x273: {  	v3 =	vmul.f32 $1.131370830e+01, v8;
	[tilespmem:s24+$0xC440] =	vst v0;
	v6 =	vadd.f32 v6, v12  }
0x274: {  	v0 =	vmul.f32 $1.131370830e+01, v4;
	v1 =	vadd.f32 v1, v12;
	[tilespmem:s24+$0xE440] =	vst v2  }
0x275: {  	v2 =	vmul.f32 $1.131370830e+01, v9;
	v3 =	vadd.f32 v3, v5;
	[tilespmem:s24+$0xC450] =	vst v6  }
0x276: {  	v0 =	vadd.f32 v0, v5;
	[tilespmem:s24+$0xE450] =	vst v1  }
0x277: {  	v1 =	vadd.f32 v2, v23;
	[tilespmem:s24+$0xC460] =	vst v3  }
0x278: {  	[tilespmem:s24+$0xE460] =	vst v0  }
0x279: {  	[tilespmem:s24+$0xC470] =	vst v1  }
0x27a: {  	s2 =	simm.s32 $0x0;
	s5 =	rddreg [dreg:$0x11]  }
0x27b: {  	[hbm4b:s5+s2] =	stream.linear.scatter [tilespmem:s30], [sflag:$0xB], $0x2000, $0x38;
	[tilespmem:$0x18400] =	vst v63  }
0x27c: {  	s24 =	rddreg [dreg:$0x12]  }
0x27d: {  	[hbm4b:s24+s2] =	stream.linear.scatter [tilespmem:s0], [sflag:$0xC], $0x2000, $0x38;
	[tilespmem:$0x18400] =	vst v63  }
0x27e: {  	_ =	swait.ge [sflag:s14], $0x2000  }
0x27f: {  	[sflag:s14] =	ssyncset.done $0x0  }
0x280: {  	[sflag:s14] =	ssyncadd.s32 $0xFFFFE000  }
0x281: {  	_ =	swait.ge [sflag:s15], $0x2000  }
0x282: {  	[sflag:s15] =	ssyncset.done $0x0  }
0x283: {  	s5 =	simm.s32 $0x0;
	[sflag:s15] =	ssyncadd.s32 $0xFFFFE000  }
0x284: {  	v1 =	vld [tilespmem:s5+$0x12470]  }
0x285: {  	v2 =	vld [tilespmem:s5+$0x10400]  }
0x286: {  	v0 =	vld [tilespmem:s5+$0x4470]  }
0x287: {  	v3 =	vld [tilespmem:s5+$0x12400]  }
0x288: {  	v4 =	vld [tilespmem:s5+$0x10410]  }
0x289: {  	v5 =	vld [tilespmem:s5+$0x12410]  }
0x28a: {  	v6 =	vld [tilespmem:s5+$0x10420]  }
0x28b: {  	v7 =	vld [tilespmem:s5+$0x12420]  }
0x28c: {  	v9 =	vld [tilespmem:s5+$0x10430]  }
0x28d: {  	v10 =	vld [tilespmem:s5+$0x12430]  }
0x28e: {  	v11 =	vld [tilespmem:s5+$0x12440]  }
0x28f: {  	v12 =	vld [tilespmem:s5+$0x10450]  }
0x290: {  	v13 =	vld [tilespmem:s5+$0x12450]  }
0x291: {  	v14 =	vld [tilespmem:s5+$0x10460]  }
0x292: {  	v18 =	vld [tilespmem:s5+$0x12460];
	v1 =	vmul.f32 $1.131370830e+01, v1  }
0x293: {  	v22 =	vld [tilespmem:s5+$0x10470]  }
0x294: {  	v62 =	vld [tilespmem:s5+$0x4400];
	v17 =	vmul.f32 $1.131370830e+01, v2;
	v19 =	vmul.f32 $1.131370830e+01, v3;
	v1 =	vadd.f32 v1, v0  }
0x295: {  	v63 =	vld [tilespmem:s5+$0x4410];
	v21 =	vmul.f32 $1.131370830e+01, v4;
	v23 =	vmul.f32 $1.131370830e+01, v5  }
0x296: {  	v3 =	vmul.f32 $1.131370830e+01, v6;
	v8 =	vmul.f32 $1.131370830e+01, v7;
	[tilespmem:s5+$0x12470] =	vst v1;
	v1 =	vld [tilespmem:s5+$0x10440]  }
0x297: {  	v16 =	vld [tilespmem:s5+$0x4420];
	v4 =	vmul.f32 $1.131370830e+01, v9;
	v9 =	vmul.f32 $1.131370830e+01, v10  }
0x298: {  	v15 =	vld [tilespmem:s5+$0x4430];
	v11 =	vmul.f32 $1.131370830e+01, v11;
	v7 =	vmul.f32 $1.131370830e+01, v12  }
0x299: {  	v10 =	vmul.f32 $1.131370830e+01, v13;
	v2 =	vmul.f32 $1.131370830e+01, v14;
	v14 =	vld [tilespmem:s5+$0x4440];
	v20 =	vadd.f32 v17, v62  }
0x29a: {  	v6 =	vmul.f32 $1.131370830e+01, v18;
	v12 =	vld [tilespmem:s5+$0x4450];
	v18 =	vadd.f32 v19, v62;
	v19 =	vadd.f32 v21, v63  }
0x29b: {  	s24 =	simm.s32 $0x80;
	s2 =	simm.s32 $0x400;
	v13 =	vld [tilespmem:s5+$0x4460];
	v17 =	vadd.f32 v23, v63;
	v5 =	vmul.f32 $1.131370830e+01, v1;
	v1 =	vmul.f32 $1.131370830e+01, v22  }
.LBB2_14:
0x29c: {  	p0 =	sne.s32 s2, $0x7E00;
	v21 =	vld [tilespmem:s24+$0x12470];
	[tilespmem:s5+$0x10400] =	vst v20;
	v3 =	vadd.f32 v3, v16;
	v8 =	vadd.f32 v8, v16  }
0x29d: {  	v16 =	vld [tilespmem:s24+$0x10400];
	[tilespmem:s5+$0x12400] =	vst v18;
	v4 =	vadd.f32 v4, v15;
	v9 =	vadd.f32 v9, v15  }
0x29e: {  	v15 =	vld [tilespmem:s24+$0x4470];
	[tilespmem:s5+$0x10410] =	vst v19;
	v5 =	vadd.f32 v5, v14;
	v11 =	vadd.f32 v11, v14  }
0x29f: {  	v14 =	vld [tilespmem:s24+$0x12400];
	[tilespmem:s5+$0x12410] =	vst v17;
	v7 =	vadd.f32 v7, v12;
	v10 =	vadd.f32 v10, v12  }
0x2a0: {  	v12 =	vld [tilespmem:s24+$0x10410];
	[tilespmem:s5+$0x10420] =	vst v3;
	v2 =	vadd.f32 v2, v13;
	v6 =	vadd.f32 v6, v13  }
0x2a1: {  	v1 =	vadd.f32 v1, v0;
	v3 =	vld [tilespmem:s24+$0x12410];
	v13 =	vmul.f32 $1.131370830e+01, v21;
	[tilespmem:s5+$0x12420] =	vst v8  }
0x2a2: {  	v17 =	vmul.f32 $1.131370830e+01, v16;
	v8 =	vld [tilespmem:s24+$0x10420];
	[tilespmem:s5+$0x10430] =	vst v4  }
0x2a3: {  	v4 =	vld [tilespmem:s24+$0x12420];
	v13 =	vadd.f32 v13, v15;
	[tilespmem:s5+$0x12430] =	vst v9;
	v0 =	vmov v15  }
0x2a4: {  	v18 =	vmul.f32 $1.131370830e+01, v14;
	v9 =	vld [tilespmem:s24+$0x10430];
	[tilespmem:s5+$0x10440] =	vst v5  }
0x2a5: {  	v19 =	vmul.f32 $1.131370830e+01, v12;
	v5 =	vld [tilespmem:s24+$0x12430];
	[tilespmem:s24+$0x12470] =	vst v13  }
0x2a6: {  	v13 =	vmul.f32 $1.131370830e+01, v3;
	v12 =	vld [tilespmem:s24+$0x10440];
	[tilespmem:s5+$0x12440] =	vst v11  }
0x2a7: {  	v3 =	vmul.f32 $1.131370830e+01, v8;
	v11 =	vld [tilespmem:s24+$0x12440];
	[tilespmem:s5+$0x10450] =	vst v7  }
0x2a8: {  	v8 =	vmul.f32 $1.131370830e+01, v4;
	v7 =	vld [tilespmem:s24+$0x10450];
	[tilespmem:s5+$0x12450] =	vst v10  }
0x2a9: {  	v4 =	vmul.f32 $1.131370830e+01, v9;
	v10 =	vld [tilespmem:s24+$0x12450];
	[tilespmem:s5+$0x10460] =	vst v2  }
0x2aa: {  	v9 =	vmul.f32 $1.131370830e+01, v5;
	v2 =	vld [tilespmem:s24+$0x10460];
	[tilespmem:s5+$0x12460] =	vst v6  }
0x2ab: {  	v5 =	vmul.f32 $1.131370830e+01, v12;
	v6 =	vld [tilespmem:s24+$0x12460];
	[tilespmem:s5+$0x10470] =	vst v1;
	s5 =	smov.u32 s24  }
0x2ac: {  	v11 =	vmul.f32 $1.131370830e+01, v11;
	v1 =	vld [tilespmem:s5+$0x10470]  }
0x2ad: {  	v12 =	vld [tilespmem:s5+$0x4400];
	v7 =	vmul.f32 $1.131370830e+01, v7  }
0x2ae: {  	v21 =	vld [tilespmem:s5+$0x4410];
	v10 =	vmul.f32 $1.131370830e+01, v10  }
.Ltmp6:
0x2af: {  	v16 =	vld [tilespmem:s5+$0x4420];
	v2 =	vmul.f32 $1.131370830e+01, v2;
	(pc) =	sbr.rel @p0 .LBB2_14-.Ltmp6, $4  }
0x2b0: {  	v15 =	vld [tilespmem:s5+$0x4430];
	v6 =	vmul.f32 $1.131370830e+01, v6  }
0x2b1: {  	v14 =	vld [tilespmem:s5+$0x4440];
	v1 =	vmul.f32 $1.131370830e+01, v1  }
0x2b2: {  	v20 =	vadd.f32 v17, v12;
	v18 =	vadd.f32 v18, v12;
	v12 =	vld [tilespmem:s5+$0x4450]  }
0x2b3: {  	s24 =	sshra.s32 s2, $0x2;
	s2 =	sadd.s32 $0x200, s2;
	v19 =	vadd.f32 v19, v21;
	v17 =	vadd.f32 v13, v21;
	v13 =	vld [tilespmem:s5+$0x4460]  }
0x2b4: {  	v21 =	vld [tilespmem:s24+$0x12470]  }
0x2b5: {  	v22 =	vld [tilespmem:s24+$0x10400]  }
0x2b6: {  	v23 =	vld [tilespmem:s24+$0x4470];
	[tilespmem:s5+$0x10400] =	vst v20  }
0x2b7: {  	v24 =	vld [tilespmem:s24+$0x12400];
	[tilespmem:s5+$0x12400] =	vst v18  }
0x2b8: {  	v25 =	vld [tilespmem:s24+$0x10410];
	v3 =	vadd.f32 v3, v16;
	[tilespmem:s5+$0x10410] =	vst v19  }
0x2b9: {  	v26 =	vld [tilespmem:s24+$0x12410];
	v8 =	vadd.f32 v8, v16;
	[tilespmem:s5+$0x12410] =	vst v17  }
0x2ba: {  	v27 =	vld [tilespmem:s24+$0x10420];
	v0 =	vadd.f32 v1, v0;
	[tilespmem:s5+$0x10420] =	vst v3  }
0x2bb: {  	v28 =	vld [tilespmem:s24+$0x12420];
	v4 =	vadd.f32 v4, v15;
	[tilespmem:s5+$0x12420] =	vst v8  }
0x2bc: {  	v29 =	vld [tilespmem:s24+$0x10430];
	v9 =	vadd.f32 v9, v15;
	[tilespmem:s5+$0x10470] =	vst v0  }
0x2bd: {  	v20 =	vld [tilespmem:s24+$0x12430];
	v5 =	vadd.f32 v5, v14;
	[tilespmem:s5+$0x10430] =	vst v4  }
0x2be: {  	v18 =	vld [tilespmem:s24+$0x10440];
	v11 =	vadd.f32 v11, v14;
	[tilespmem:s5+$0x12430] =	vst v9  }
0x2bf: {  	v7 =	vadd.f32 v7, v12;
	[tilespmem:s5+$0x10440] =	vst v5;
	v5 =	vld [tilespmem:s24+$0x4400]  }
0x2c0: {  	v16 =	vld [tilespmem:s24+$0x10450];
	v10 =	vadd.f32 v10, v12;
	[tilespmem:s5+$0x12440] =	vst v11  }
0x2c1: {  	v11 =	vld [tilespmem:s24+$0x4410];
	v2 =	vadd.f32 v2, v13;
	v21 =	vmul.f32 $1.131370830e+01, v21;
	[tilespmem:s5+$0x10450] =	vst v7  }
0x2c2: {  	v19 =	vld [tilespmem:s24+$0x12440];
	v6 =	vadd.f32 v6, v13;
	v12 =	vmul.f32 $1.131370830e+01, v22;
	[tilespmem:s5+$0x12450] =	vst v10  }
0x2c3: {  	v7 =	vld [tilespmem:s24+$0x4420];
	v1 =	vmul.f32 $1.131370830e+01, v24;
	[tilespmem:s5+$0x10460] =	vst v2;
	v21 =	vadd.f32 v21, v23  }
0x2c4: {  	v3 =	vld [tilespmem:s24+$0x12450];
	v13 =	vmul.f32 $1.131370830e+01, v25;
	[tilespmem:s5+$0x12460] =	vst v6;
	v6 =	vadd.f32 v12, v5  }
0x2c5: {  	v10 =	vld [tilespmem:s24+$0x4430];
	v0 =	vmul.f32 $1.131370830e+01, v26;
	[tilespmem:s24+$0x12470] =	vst v21;
	v1 =	vadd.f32 v1, v5  }
0x2c6: {  	v8 =	vld [tilespmem:s24+$0x10460];
	v14 =	vmul.f32 $1.131370830e+01, v27;
	v13 =	vadd.f32 v13, v11;
	[tilespmem:s24+$0x10400] =	vst v6  }
0x2c7: {  	v2 =	vld [tilespmem:s24+$0x4440];
	v0 =	vadd.f32 v0, v11;
	v6 =	vmul.f32 $1.131370830e+01, v28;
	[tilespmem:s24+$0x12400] =	vst v1  }
0x2c8: {  	v4 =	vld [tilespmem:s24+$0x12460];
	v11 =	vadd.f32 v14, v7;
	v1 =	vmul.f32 $1.131370830e+01, v29;
	[tilespmem:s24+$0x10410] =	vst v13  }
0x2c9: {  	v12 =	vld [tilespmem:s24+$0x4450];
	v13 =	vmul.f32 $1.131370830e+01, v20;
	[tilespmem:s24+$0x12410] =	vst v0;
	v6 =	vadd.f32 v6, v7  }
0x2ca: {  	v9 =	vld [tilespmem:s24+$0x10470];
	v0 =	vmul.f32 $1.131370830e+01, v18;
	[tilespmem:s24+$0x10420] =	vst v11;
	v1 =	vadd.f32 v1, v10  }
0x2cb: {  	v5 =	vld [tilespmem:s24+$0x4460];
	v7 =	vmul.f32 $1.131370830e+01, v19;
	v10 =	vadd.f32 v13, v10;
	[tilespmem:s24+$0x12420] =	vst v6  }
0x2cc: {  	v0 =	vadd.f32 v0, v2;
	v6 =	vmul.f32 $1.131370830e+01, v16;
	[tilespmem:s24+$0x10430] =	vst v1  }
0x2cd: {  	v1 =	vmul.f32 $1.131370830e+01, v3;
	v2 =	vadd.f32 v7, v2;
	[tilespmem:s24+$0x12430] =	vst v10  }
0x2ce: {  	v3 =	vmul.f32 $1.131370830e+01, v8;
	[tilespmem:s24+$0x10440] =	vst v0;
	v6 =	vadd.f32 v6, v12  }
0x2cf: {  	v0 =	vmul.f32 $1.131370830e+01, v4;
	v1 =	vadd.f32 v1, v12;
	[tilespmem:s24+$0x12440] =	vst v2  }
0x2d0: {  	v2 =	vmul.f32 $1.131370830e+01, v9;
	v3 =	vadd.f32 v3, v5;
	[tilespmem:s24+$0x10450] =	vst v6  }
0x2d1: {  	v0 =	vadd.f32 v0, v5;
	[tilespmem:s24+$0x12450] =	vst v1  }
0x2d2: {  	v1 =	vadd.f32 v2, v23;
	[tilespmem:s24+$0x10460] =	vst v3  }
0x2d3: {  	[tilespmem:s24+$0x12460] =	vst v0  }
0x2d4: {  	[tilespmem:s24+$0x10470] =	vst v1  }
0x2d5: {  	s2 =	simm.s32 $0x0;
	s5 =	rddreg [dreg:$0x13]  }
0x2d6: {  	[hbm4b:s5+s2] =	stream.linear.scatter [tilespmem:s23], [sflag:$0xD], $0x2000, $0x38;
	[tilespmem:$0x18400] =	vst v63  }
0x2d7: {  	s24 =	rddreg [dreg:$0x14]  }
0x2d8: {  	[hbm4b:s24+s2] =	stream.linear.scatter [tilespmem:s31], [sflag:$0xE], $0x2000, $0x38;
	[tilespmem:$0x18400] =	vst v63  }
0x2d9: {  	_ =	swait.ge [sflag:s18], $0x2000  }
0x2da: {  	[sflag:s18] =	ssyncset.done $0x0  }
0x2db: {  	[sflag:s18] =	ssyncadd.s32 $0xFFFFE000  }
0x2dc: {  	_ =	swait.ge [sflag:s19], $0x2000  }
0x2dd: {  	[sflag:s19] =	ssyncset.done $0x0  }
0x2de: {  	s5 =	simm.s32 $0x0;
	[sflag:s19] =	ssyncadd.s32 $0xFFFFE000  }
0x2df: {  	v1 =	vld [tilespmem:s5+$0x16470]  }
0x2e0: {  	v2 =	vld [tilespmem:s5+$0x14400]  }
0x2e1: {  	v0 =	vld [tilespmem:s5+$0x6470]  }
0x2e2: {  	v3 =	vld [tilespmem:s5+$0x16400]  }
0x2e3: {  	v4 =	vld [tilespmem:s5+$0x14410]  }
0x2e4: {  	v5 =	vld [tilespmem:s5+$0x16410]  }
0x2e5: {  	v6 =	vld [tilespmem:s5+$0x14420]  }
0x2e6: {  	v7 =	vld [tilespmem:s5+$0x16420]  }
0x2e7: {  	v9 =	vld [tilespmem:s5+$0x14430]  }
0x2e8: {  	v10 =	vld [tilespmem:s5+$0x16430]  }
0x2e9: {  	v11 =	vld [tilespmem:s5+$0x16440]  }
0x2ea: {  	v12 =	vld [tilespmem:s5+$0x14450]  }
0x2eb: {  	v13 =	vld [tilespmem:s5+$0x16450]  }
0x2ec: {  	v14 =	vld [tilespmem:s5+$0x14460]  }
0x2ed: {  	v18 =	vld [tilespmem:s5+$0x16460];
	v1 =	vmul.f32 $1.131370830e+01, v1  }
0x2ee: {  	v22 =	vld [tilespmem:s5+$0x14470]  }
0x2ef: {  	v62 =	vld [tilespmem:s5+$0x6400];
	v17 =	vmul.f32 $1.131370830e+01, v2;
	v19 =	vmul.f32 $1.131370830e+01, v3;
	v1 =	vadd.f32 v1, v0  }
0x2f0: {  	v63 =	vld [tilespmem:s5+$0x6410];
	v21 =	vmul.f32 $1.131370830e+01, v4;
	v23 =	vmul.f32 $1.131370830e+01, v5  }
0x2f1: {  	v3 =	vmul.f32 $1.131370830e+01, v6;
	v8 =	vmul.f32 $1.131370830e+01, v7;
	[tilespmem:s5+$0x16470] =	vst v1;
	v1 =	vld [tilespmem:s5+$0x14440]  }
0x2f2: {  	v16 =	vld [tilespmem:s5+$0x6420];
	v4 =	vmul.f32 $1.131370830e+01, v9;
	v9 =	vmul.f32 $1.131370830e+01, v10  }
0x2f3: {  	v15 =	vld [tilespmem:s5+$0x6430];
	v11 =	vmul.f32 $1.131370830e+01, v11;
	v7 =	vmul.f32 $1.131370830e+01, v12  }
0x2f4: {  	v10 =	vmul.f32 $1.131370830e+01, v13;
	v2 =	vmul.f32 $1.131370830e+01, v14;
	v14 =	vld [tilespmem:s5+$0x6440];
	v20 =	vadd.f32 v17, v62  }
0x2f5: {  	v6 =	vmul.f32 $1.131370830e+01, v18;
	v12 =	vld [tilespmem:s5+$0x6450];
	v18 =	vadd.f32 v19, v62;
	v19 =	vadd.f32 v21, v63  }
0x2f6: {  	s24 =	simm.s32 $0x80;
	s2 =	simm.s32 $0x400;
	v13 =	vld [tilespmem:s5+$0x6460];
	v17 =	vadd.f32 v23, v63;
	v5 =	vmul.f32 $1.131370830e+01, v1;
	v1 =	vmul.f32 $1.131370830e+01, v22  }
.LBB2_16:
0x2f7: {  	p0 =	sne.s32 s2, $0x7E00;
	v21 =	vld [tilespmem:s24+$0x16470];
	[tilespmem:s5+$0x14400] =	vst v20;
	v3 =	vadd.f32 v3, v16;
	v8 =	vadd.f32 v8, v16  }
0x2f8: {  	v16 =	vld [tilespmem:s24+$0x14400];
	[tilespmem:s5+$0x16400] =	vst v18;
	v4 =	vadd.f32 v4, v15;
	v9 =	vadd.f32 v9, v15  }
0x2f9: {  	v15 =	vld [tilespmem:s24+$0x6470];
	[tilespmem:s5+$0x14410] =	vst v19;
	v5 =	vadd.f32 v5, v14;
	v11 =	vadd.f32 v11, v14  }
0x2fa: {  	v14 =	vld [tilespmem:s24+$0x16400];
	[tilespmem:s5+$0x16410] =	vst v17;
	v7 =	vadd.f32 v7, v12;
	v10 =	vadd.f32 v10, v12  }
0x2fb: {  	v12 =	vld [tilespmem:s24+$0x14410];
	[tilespmem:s5+$0x14420] =	vst v3;
	v2 =	vadd.f32 v2, v13;
	v6 =	vadd.f32 v6, v13  }
0x2fc: {  	v1 =	vadd.f32 v1, v0;
	v3 =	vld [tilespmem:s24+$0x16410];
	v13 =	vmul.f32 $1.131370830e+01, v21;
	[tilespmem:s5+$0x16420] =	vst v8  }
0x2fd: {  	v17 =	vmul.f32 $1.131370830e+01, v16;
	v8 =	vld [tilespmem:s24+$0x14420];
	[tilespmem:s5+$0x14430] =	vst v4  }
0x2fe: {  	v4 =	vld [tilespmem:s24+$0x16420];
	v13 =	vadd.f32 v13, v15;
	[tilespmem:s5+$0x16430] =	vst v9;
	v0 =	vmov v15  }
0x2ff: {  	v18 =	vmul.f32 $1.131370830e+01, v14;
	v9 =	vld [tilespmem:s24+$0x14430];
	[tilespmem:s5+$0x14440] =	vst v5  }
0x300: {  	v19 =	vmul.f32 $1.131370830e+01, v12;
	v5 =	vld [tilespmem:s24+$0x16430];
	[tilespmem:s24+$0x16470] =	vst v13  }
0x301: {  	v13 =	vmul.f32 $1.131370830e+01, v3;
	v12 =	vld [tilespmem:s24+$0x14440];
	[tilespmem:s5+$0x16440] =	vst v11  }
0x302: {  	v3 =	vmul.f32 $1.131370830e+01, v8;
	v11 =	vld [tilespmem:s24+$0x16440];
	[tilespmem:s5+$0x14450] =	vst v7  }
0x303: {  	v8 =	vmul.f32 $1.131370830e+01, v4;
	v7 =	vld [tilespmem:s24+$0x14450];
	[tilespmem:s5+$0x16450] =	vst v10  }
0x304: {  	v4 =	vmul.f32 $1.131370830e+01, v9;
	v10 =	vld [tilespmem:s24+$0x16450];
	[tilespmem:s5+$0x14460] =	vst v2  }
0x305: {  	v9 =	vmul.f32 $1.131370830e+01, v5;
	v2 =	vld [tilespmem:s24+$0x14460];
	[tilespmem:s5+$0x16460] =	vst v6  }
0x306: {  	v5 =	vmul.f32 $1.131370830e+01, v12;
	v6 =	vld [tilespmem:s24+$0x16460];
	[tilespmem:s5+$0x14470] =	vst v1;
	s5 =	smov.u32 s24  }
0x307: {  	v11 =	vmul.f32 $1.131370830e+01, v11;
	v1 =	vld [tilespmem:s5+$0x14470]  }
0x308: {  	v12 =	vld [tilespmem:s5+$0x6400];
	v7 =	vmul.f32 $1.131370830e+01, v7  }
0x309: {  	v21 =	vld [tilespmem:s5+$0x6410];
	v10 =	vmul.f32 $1.131370830e+01, v10  }
.Ltmp7:
0x30a: {  	v16 =	vld [tilespmem:s5+$0x6420];
	v2 =	vmul.f32 $1.131370830e+01, v2;
	(pc) =	sbr.rel @p0 .LBB2_16-.Ltmp7, $4  }
0x30b: {  	v15 =	vld [tilespmem:s5+$0x6430];
	v6 =	vmul.f32 $1.131370830e+01, v6  }
0x30c: {  	v14 =	vld [tilespmem:s5+$0x6440];
	v1 =	vmul.f32 $1.131370830e+01, v1  }
0x30d: {  	v20 =	vadd.f32 v17, v12;
	v18 =	vadd.f32 v18, v12;
	v12 =	vld [tilespmem:s5+$0x6450]  }
0x30e: {  	s24 =	sshra.s32 s2, $0x2;
	s2 =	sadd.s32 $0x200, s2;
	v19 =	vadd.f32 v19, v21;
	v17 =	vadd.f32 v13, v21;
	v13 =	vld [tilespmem:s5+$0x6460]  }
0x30f: {  	v21 =	vld [tilespmem:s24+$0x16470]  }
0x310: {  	v22 =	vld [tilespmem:s24+$0x14400]  }
0x311: {  	v23 =	vld [tilespmem:s24+$0x6470];
	[tilespmem:s5+$0x14400] =	vst v20  }
0x312: {  	v24 =	vld [tilespmem:s24+$0x16400];
	[tilespmem:s5+$0x16400] =	vst v18  }
0x313: {  	v25 =	vld [tilespmem:s24+$0x14410];
	v3 =	vadd.f32 v3, v16;
	[tilespmem:s5+$0x14410] =	vst v19  }
0x314: {  	v26 =	vld [tilespmem:s24+$0x16410];
	v8 =	vadd.f32 v8, v16;
	[tilespmem:s5+$0x16410] =	vst v17  }
0x315: {  	v27 =	vld [tilespmem:s24+$0x14420];
	v0 =	vadd.f32 v1, v0;
	[tilespmem:s5+$0x14420] =	vst v3  }
0x316: {  	v28 =	vld [tilespmem:s24+$0x16420];
	v4 =	vadd.f32 v4, v15;
	[tilespmem:s5+$0x16420] =	vst v8  }
0x317: {  	v29 =	vld [tilespmem:s24+$0x14430];
	v9 =	vadd.f32 v9, v15;
	[tilespmem:s5+$0x14470] =	vst v0  }
0x318: {  	v31 =	vld [tilespmem:s24+$0x16430];
	v5 =	vadd.f32 v5, v14;
	[tilespmem:s5+$0x14430] =	vst v4  }
0x319: {  	v32 =	vld [tilespmem:s24+$0x14440];
	v11 =	vadd.f32 v11, v14;
	[tilespmem:s5+$0x16430] =	vst v9  }
0x31a: {  	v39 =	vld [tilespmem:s24+$0x6400];
	v7 =	vadd.f32 v7, v12;
	[tilespmem:s5+$0x14440] =	vst v5  }
0x31b: {  	v33 =	vld [tilespmem:s24+$0x16440];
	v10 =	vadd.f32 v10, v12;
	[tilespmem:s5+$0x16440] =	vst v11  }
0x31c: {  	v40 =	vld [tilespmem:s24+$0x6410];
	v2 =	vadd.f32 v2, v13;
	v21 =	vmul.f32 $1.131370830e+01, v21;
	[tilespmem:s5+$0x14450] =	vst v7  }
0x31d: {  	v36 =	vld [tilespmem:s24+$0x14460];
	v6 =	vadd.f32 v6, v13;
	v42 =	vmul.f32 $1.131370830e+01, v22;
	[tilespmem:s5+$0x16450] =	vst v10  }
0x31e: {  	v41 =	vld [tilespmem:s24+$0x6420];
	v44 =	vmul.f32 $1.131370830e+01, v24;
	[tilespmem:s5+$0x14460] =	vst v2;
	v21 =	vadd.f32 v21, v23  }
0x31f: {  	v38 =	vld [tilespmem:s24+$0x14470];
	v46 =	vmul.f32 $1.131370830e+01, v25;
	[tilespmem:s5+$0x16460] =	vst v6;
	v47 =	vadd.f32 v42, v39  }
0x320: {  	v43 =	vld [tilespmem:s24+$0x6430];
	v49 =	vmul.f32 $1.131370830e+01, v26;
	v1 =	vadd.f32 v44, v39;
	[tilespmem:s24+$0x16470] =	vst v21  }
0x321: {  	v45 =	vld [tilespmem:s24+$0x6440];
	v51 =	vmul.f32 $1.131370830e+01, v27;
	v13 =	vadd.f32 v46, v40;
	[tilespmem:s24+$0x14400] =	vst v47  }
0x322: {  	v50 =	vld [tilespmem:s24+$0x6460];
	v52 =	vmul.f32 $1.131370830e+01, v28;
	v0 =	vadd.f32 v49, v40;
	[tilespmem:s24+$0x16400] =	vst v1  }
0x323: {  	v34 =	vld [tilespmem:s24+$0x14450];
	v55 =	vmul.f32 $1.131370830e+01, v31;
	v54 =	vadd.f32 v51, v41;
	[tilespmem:s24+$0x14410] =	vst v13  }
0x324: {  	v35 =	vld [tilespmem:s24+$0x16450];
	v57 =	vmul.f32 $1.131370830e+01, v33;
	v6 =	vadd.f32 v52, v41;
	[tilespmem:s24+$0x16410] =	vst v0  }
0x325: {  	v37 =	vld [tilespmem:s24+$0x16460];
	v60 =	vmul.f32 $1.131370830e+01, v36;
	v10 =	vadd.f32 v55, v43;
	[tilespmem:s24+$0x14420] =	vst v54  }
0x326: {  	v48 =	vld [tilespmem:s24+$0x6450];
	v62 =	vmul.f32 $1.131370830e+01, v38;
	v2 =	vadd.f32 v57, v45;
	[tilespmem:s24+$0x16420] =	vst v6  }
0x327: {  	v53 =	vmul.f32 $1.131370830e+01, v29;
	v3 =	vadd.f32 v60, v50;
	[tilespmem:s24+$0x16430] =	vst v10  }
0x328: {  	v56 =	vmul.f32 $1.131370830e+01, v32;
	v63 =	vadd.f32 v62, v23;
	[tilespmem:s24+$0x16440] =	vst v2  }
0x329: {  	v58 =	vmul.f32 $1.131370830e+01, v34;
	v1 =	vadd.f32 v53, v43;
	[tilespmem:s24+$0x14460] =	vst v3  }
0x32a: {  	v59 =	vmul.f32 $1.131370830e+01, v35;
	v0 =	vadd.f32 v56, v45;
	[tilespmem:s24+$0x14470] =	vst v63  }
0x32b: {  	v61 =	vmul.f32 $1.131370830e+01, v37;
	v6 =	vadd.f32 v58, v48;
	[tilespmem:s24+$0x14430] =	vst v1  }
0x32c: {  	[tilespmem:s24+$0x14440] =	vst v0;
	v1 =	vadd.f32 v59, v48  }
0x32d: {  	[tilespmem:s24+$0x14450] =	vst v6;
	v0 =	vadd.f32 v61, v50  }
0x32e: {  	[tilespmem:s24+$0x16450] =	vst v1  }
0x32f: {  	[tilespmem:s24+$0x16460] =	vst v0  }
0x330: {  	s2 =	rddreg [dreg:$0x15]  }
0x331: {  	[hbm4b:s2+s3] =	stream.linear.scatter [tilespmem:s28], [sflag:$0xF], $0x2000, $0x38;
	[tilespmem:$0x18400] =	vst v63  }
0x332: {  	s5 =	rddreg [dreg:$0x16]  }
0x333: {  	[hbm4b:s5+s3] =	stream.linear.scatter [tilespmem:s4], [sflag:$0x10], $0x2000, $0x38;
	[tilespmem:$0x18400] =	vst v63  }
0x334: {  	_ =	swait.ge [sflag:s8], $0x2000  }
0x335: {  	[sflag:s8] =	ssyncset.done $0x0  }
0x336: {  	[sflag:s8] =	ssyncadd.s32 $0xFFFFE000  }
0x337: {  	_ =	swait.ge [sflag:s9], $0x2000  }
0x338: {  	[sflag:s9] =	ssyncset.done $0x0  }
0x339: {  	[sflag:s9] =	ssyncadd.s32 $0xFFFFE000  }
0x33a: {  	_ =	swait.ge [sflag:s12], $0x2000  }
0x33b: {  	[sflag:s12] =	ssyncset.done $0x0  }
0x33c: {  	[sflag:s12] =	ssyncadd.s32 $0xFFFFE000  }
0x33d: {  	_ =	swait.ge [sflag:s13], $0x2000  }
0x33e: {  	[sflag:s13] =	ssyncset.done $0x0  }
0x33f: {  	[sflag:s13] =	ssyncadd.s32 $0xFFFFE000  }
0x340: {  	_ =	swait.ge [sflag:s16], $0x2000  }
0x341: {  	[sflag:s16] =	ssyncset.done $0x0  }
0x342: {  	[sflag:s16] =	ssyncadd.s32 $0xFFFFE000  }
0x343: {  	_ =	swait.ge [sflag:s17], $0x2000  }
0x344: {  	[sflag:s17] =	ssyncset.done $0x0  }
0x345: {  	[sflag:s17] =	ssyncadd.s32 $0xFFFFE000  }
0x346: {  	_ =	swait.ge [sflag:s20], $0x2000  }
0x347: {  	[sflag:s20] =	ssyncset.done $0x0  }
0x348: {  	[sflag:s20] =	ssyncadd.s32 $0xFFFFE000  }
0x349: {  	_ =	swait.ge [sflag:s21], $0x2000  }
0x34a: {  	s22 =	sadd.s32 $0x1, s22;
	s24 =	rddreg [dreg:$0x17]  }
0x34b: {  	p0 =	sne.s32 s22, s24  }
.Ltmp8:
0x34c: {  	_ = 	snop;
	(pc) =	sbr.rel @p0 .LBB2_1-.Ltmp8, $3  }
0x34d: {  	_ =	sdelay $0x1  }
0x34e: {  	[sflag:s21] =	ssyncset.done $0x0  }
0x34f: {  	[sflag:s21] =	ssyncadd.s32 $0xFFFFE000  }
0x350: {  	_ =	sfence.sel $0x180000  }
0x351: {  	[bflag:$0x0] =	sbarrier.arrive $0xFFFF  }
0x352: {  	_ =	strace $0x90000047  }
0x353: {  	s0 =	stileid.u32;
	[bflag:$0x2] =	sbarrier.arrive $0xFFFF  }
0x354: {  	p0 =	sne.s32 s0, $0x0;
	s0 =	rddreg [dreg:$0x4]  }
0x355: {  	s0 =	sadd.s32 @!p0 $0x100000, s0  }
0x356: {  	[sflag:s0] =	ssyncadd.tile.s32 @!p0 $0x1;
	_ =	shalt  }
.Lfunc_end2:
_tile_overlayer_lowered:
.L_overlay_start_2:
0x357: {  	(tag) =	ssettag $0x2  }
0x358: {  	s0 =	rddreg [dreg:$0x0];
	s2 =	stileid.u32  }
0x359: {  	s1 =	rddreg [dreg:$0x1];
	p0 =	sne.s32 s2, $0x0  }
0x35a: {  	s3 =	rddreg [dreg:$0x2];
	[bflag:$0x3] =	sbarrier.arrive $0xFFFF;
	s2 =	simm.s32 @!p0 $0x1C13  }
0x35b: {  	[timem:s3], [sflag:s2] =	dma.local @!p0 [hbm:s0], s1  }
0x35c: {  	s0 =	simm.s32 @!p0 $0x13  }
0x35d: {  	_ =	swait.ge @!p0 [sflag:s0], s1  }
0x35e: {  	s1 =	ssub.s32 @!p0 $0x0, s1;
	[sflag:s0] =	ssyncset.done @!p0 $0x0  }
0x35f: {  	[sflag:s0] =	ssyncadd.s32 @!p0 s1  }
0x360: {  	[bflag:$0x3] =	sbarrier.arrive $0xFFFF  }
0x361: {  	_ =	shalt  }

</sc_bundles>
